<compile_context>
chip_gen: v7x
topology: tpu7x:2x2x1
jax: 0.10.2.dev20260603
libtpu: 0.0.44.dev20260713+nightly
codegen_flags: <defaults>
</compile_context>

<pallas_src>
import dataclasses

import jax
import jax.numpy as jnp
from jax import lax
from jax.experimental import pallas as pl
from jax.experimental.pallas import tpu as pltpu
from jax.experimental.pallas import tpu_sc as plsc

B, K, F = 64, 100, 25
N = B * F
E_TOT = 40000
NSUB = 16
NCORE = 2
HALF = N // NCORE
CH = 2512
E_PAD = NSUB * CH
LANES = 16


BB = 4


def _tc_body(x_ref, wt1_ref, wt2_ref, blin_ref, avec_ref, bias_ref,
             wg_ref, w3_ref, bg_ref, wfv_ref, bf_ref,
             s_ref, d_ref, z_ref, c_ref):
    bfc = lambda v: v.astype(jnp.bfloat16)
    wt1_16 = bfc(wt1_ref[...])
    wt2_16 = bfc(wt2_ref[...])
    wg_16 = bfc(wg_ref[...])
    w3_16 = bfc(w3_ref[...])
    for bb in range(BB):
        X = x_ref[bb]
        X16 = bfc(X)
        P = lax.dot_general(X16, wt1_16, (((1,), (1,)), ((), ())),
                            preferred_element_type=jnp.float32) + blin_ref[...]
        QT = lax.dot_general(wt2_16, X16, (((1,), (1,)), ((), ())),
                             preferred_element_type=jnp.float32)
        e = bias_ref[...]
        for c in range(2 * F):
            t = P[:, c:c + 1] + QT[c:c + 1, :]
            l = jnp.maximum(t, 0.2 * t)
            l16 = bfc(l).astype(jnp.float32)
            e = e + avec_ref[c] * l16
        m = jnp.max(e, axis=1, keepdims=True)
        w = jnp.exp(e - m)
        A = w / jnp.sum(w, axis=1, keepdims=True)
        h = jnp.tanh(lax.dot_general(bfc(A), X16, (((1,), (0,)), ((), ())),
                                     preferred_element_type=jnp.float32))
        hh = lax.dot_general(bfc(h), wg_16, (((0,), (0,)), ((), ())),
                             preferred_element_type=jnp.float32)
        sd = lax.dot_general(bfc(hh), w3_16[:, 0:2], (((1,), (0,)), ((), ())),
                             preferred_element_type=jnp.float32)
        zz = lax.dot_general(hh, w3_ref[...][:, 2:3], (((1,), (0,)), ((), ())),
                             preferred_element_type=jnp.float32,
                             precision=jax.lax.Precision.HIGHEST)
        s_ref[bb] = sd[:, 0].reshape(1, F)
        d_ref[bb] = sd[:, 1].reshape(1, F)
        z_ref[bb] = zz[:, 0].reshape(1, F)
    c = jnp.sum(bg_ref[...] * wfv_ref[...]) + bf_ref[0]
    c_ref[...] = jnp.full((LANES,), c, jnp.float32)


def _run_tc(x, wt1, wt2, b_lin, a_vec, bias_t, Wg, W3, bg, wf_vec, bf):
    full = lambda shape: pl.BlockSpec(shape, lambda b: (0,) * len(shape))
    out_sdz = jax.ShapeDtypeStruct((B, 1, F), jnp.float32)
    return pl.pallas_call(
        _tc_body,
        grid=(B // BB,),
        in_specs=[
            pl.BlockSpec((BB, K, F), lambda b: (b, 0, 0)),
            full((2 * F, F)), full((2 * F, F)), full((2 * F,)),
            pl.BlockSpec(memory_space=pltpu.SMEM),
            full((K, K)), full((K, K)), full((K, 3)), full((K,)), full((K,)),
            pl.BlockSpec(memory_space=pltpu.SMEM),
        ],
        out_specs=[
            pl.BlockSpec((BB, 1, F), lambda b: (b, 0, 0)),
            pl.BlockSpec((BB, 1, F), lambda b: (b, 0, 0)),
            pl.BlockSpec((BB, 1, F), lambda b: (b, 0, 0)),
            pl.BlockSpec((LANES,), lambda b: (0,)),
        ],
        out_shape=[out_sdz, out_sdz, out_sdz,
                   jax.ShapeDtypeStruct((LANES,), jnp.float32)],
        compiler_params=pltpu.CompilerParams(
            dimension_semantics=("parallel",)),
    )(x, wt1, wt2, b_lin, a_vec, bias_t, Wg, W3, bg, wf_vec, bf)



def _sc_body(src_hbm, dst_hbm, s_hbm, d_hbm, z_hbm, c_hbm, y_hbm,
             src_v, dst_v, sv, dv, zv, acc_a, acc_b,
             half_a, half_b, stage, tmpv, cv,
             shared_a, shared_b):
    cid = lax.axis_index("c")
    sid = lax.axis_index("s")
    lo = cid * HALF
    base = sid * CH

    pltpu.sync_copy(src_hbm.at[pl.ds(base, CH)], src_v)
    pltpu.sync_copy(dst_hbm.at[pl.ds(base, CH)], dst_v)
    pltpu.sync_copy(s_hbm, sv)
    pltpu.sync_copy(d_hbm, dv)
    pltpu.sync_copy(z_hbm, zv)
    pltpu.sync_copy(c_hbm, cv)

    @pl.loop(0, HALF, step=LANES, unroll=8)
    def _init_sum(i):
        zro = jnp.zeros((LANES,), jnp.float32)
        acc_a[pl.ds(i, LANES)] = zro
        acc_b[pl.ds(i, LANES)] = zro

    def _smax_body(j, r):
        return jnp.maximum(r, sv[pl.ds(j * LANES, LANES)])

    smax_vec = lax.fori_loop(1, N // LANES, _smax_body, sv[pl.ds(0, LANES)])
    smax = lax.reduce_max(smax_vec, axes=(0,))

    @pl.loop(0, CH, step=LANES)
    def _p1(k):
        srcs = src_v[pl.ds(k, LANES)]
        dsts = dst_v[pl.ds(k, LANES)]
        svv = plsc.load_gather(sv, [srcs])
        dvv = plsc.load_gather(dv, [jnp.minimum(dsts, N - 1)])
        t = svv + dvv
        ee = jnp.maximum(t, 0.2 * t)
        tb = smax + dvv
        em = jnp.maximum(tb, 0.2 * tb)
        ex = jnp.exp(ee - em)
        zvv = plsc.load_gather(zv, [srcs])
        rel = dsts - lo
        mask = (rel >= 0) & (rel < HALF)
        addr = jnp.where(mask, rel, 0)
        plsc.addupdate_scatter(acc_a, [addr], ex, mask=mask)
        plsc.addupdate_scatter(acc_b, [addr], ex * zvv, mask=mask)

    pltpu.sync_copy(acc_a, shared_a.at[pl.ds(sid * HALF, HALF)])
    pltpu.sync_copy(acc_b, shared_b.at[pl.ds(sid * HALF, HALF)])
    plsc.subcore_barrier()

    pltpu.sync_copy(shared_a, stage)

    @pl.loop(0, HALF, step=LANES)
    def _cs2a(j):
        r = stage[pl.ds(j, LANES)]
        for l in range(1, NSUB):
            r = r + stage[pl.ds(l * HALF + j, LANES)]
        half_a[pl.ds(j, LANES)] = r

    pltpu.sync_copy(shared_b, stage)

    @pl.loop(0, HALF, step=LANES)
    def _cs2b(j):
        r = stage[pl.ds(j, LANES)]
        for l in range(1, NSUB):
            r = r + stage[pl.ds(l * HALF + j, LANES)]
        half_b[pl.ds(j, LANES)] = r

    @pl.loop(0, HALF, step=LANES)
    def _fin(o):
        @pl.when((o // LANES) % NSUB == sid)
        def _():
            den = half_a[pl.ds(o, LANES)]
            num = half_b[pl.ds(o, LANES)]
            u = num / (den + 1e-16) + cv[...]
            yv = 1.0 - 2.0 / (jnp.exp(2.0 * u) + 1.0)
            tmpv[...] = yv
            pltpu.sync_copy(tmpv, y_hbm.at[pl.ds(lo + o, LANES)])


def _run_sc(src_p, dst_p, s, d, z, cvec):
    mesh = plsc.VectorSubcoreMesh(core_axis_name="c", subcore_axis_name="s")
    f32 = jnp.float32
    cp = pltpu.CompilerParams()
    if "needs_layout_passes" in pltpu.CompilerParams.__dataclass_fields__:
        cp = dataclasses.replace(cp, needs_layout_passes=False)
    kern = pl.kernel(
        _sc_body,
        out_type=jax.ShapeDtypeStruct((N,), f32),
        mesh=mesh,
        scratch_types=[
            pltpu.VMEM((CH,), jnp.int32),
            pltpu.VMEM((CH,), jnp.int32),
            pltpu.VMEM((N,), f32),
            pltpu.VMEM((N,), f32),
            pltpu.VMEM((N,), f32),
            pltpu.VMEM((HALF,), f32),
            pltpu.VMEM((HALF,), f32),
            pltpu.VMEM((HALF,), f32),
            pltpu.VMEM((HALF,), f32),
            pltpu.VMEM((NSUB * HALF,), f32),
            pltpu.VMEM((LANES,), f32),
            pltpu.VMEM((LANES,), f32),
            pltpu.VMEM_SHARED((NSUB * HALF,), f32),
            pltpu.VMEM_SHARED((NSUB * HALF,), f32),
        ],
        compiler_params=cp,
    )
    return kern(src_p, dst_p, s, d, z, cvec)



def kernel(x, edges, W_lin, b_lin, a_t, bias_t, Wg, a_src, a_dst, bg, Wf, bf):
    wt1 = W_lin[:, :F]
    wt2 = W_lin[:, F:]
    a_vec = a_t[:, 0].astype(jnp.bfloat16).astype(jnp.float32)
    W3 = jnp.concatenate([a_src[:, None], a_dst[:, None], Wf], axis=1)
    wf_vec = Wf[:, 0]
    s3, d3, z3, cvec = _run_tc(x, wt1, wt2, b_lin, a_vec, bias_t, Wg, W3,
                               bg, wf_vec, bf)
    s = s3.reshape(N)
    d = d3.reshape(N)
    z = z3.reshape(N)

    e32 = edges.astype(jnp.int32)
    src_p = jnp.pad(e32[0], (0, E_PAD - E_TOT))
    dst_p = jnp.pad(e32[1], (0, E_PAD - E_TOT), constant_values=N)
    y = _run_sc(src_p, dst_p, s, d, z, cvec)
    return y.reshape(N, 1)

# --- scband reference (transcript-rebuilt; emitter-appended) ---
"""Pipeline reference for scband-mtad-model3-85607288143887 (READ-ONLY COPY).

The authoritative reference and input builder live on the scoring server;
editing this copy changes nothing except your own understanding.
"""

import jax, jax.numpy as jnp
import numpy as np

B, K, F = 64, 100, 25  # batch, window_size, n_features
EMBED = 2 * F          # gatv2 doubles embed_dim (default embed_dim = n_features)
E_TOT = 40000
N_NODES = B * F


def setup_inputs(seed: int = 0) -> dict:
    key = jax.random.key(seed)
    ks = jax.random.split(key, 12)
    x = jax.random.normal(ks[0], (B, K, F), dtype=jnp.float32)
    edges = jax.random.randint(ks[1], (2, E_TOT), 0, N_NODES, dtype=jnp.int64)
    # Temporal attention layer params (GATv2 path): lin: [2F -> 2F], a: [2F,1], bias: [K,K]
    W_lin = jax.random.normal(ks[2], (EMBED, 2 * F), dtype=jnp.float32) * (1.0 / np.sqrt(2 * F))
    b_lin = jnp.zeros((EMBED,), dtype=jnp.float32)
    a_t = jax.random.normal(ks[3], (EMBED, 1), dtype=jnp.float32) * (1.414 / np.sqrt(EMBED))
    bias_t = jnp.zeros((K, K), dtype=jnp.float32)
    # Feature GAT params: W: [K,K], a_src/a_dst: [K], bias: [K]
    Wg = jax.random.normal(ks[4], (K, K), dtype=jnp.float32) * (1.0 / np.sqrt(K))
    a_src = jax.random.normal(ks[5], (K,), dtype=jnp.float32) * (1.0 / np.sqrt(K))
    a_dst = jax.random.normal(ks[6], (K,), dtype=jnp.float32) * (1.0 / np.sqrt(K))
    bg = jnp.zeros((K,), dtype=jnp.float32)
    # Forecasting head: Linear(K, 1) + tanh
    Wf = jax.random.normal(ks[7], (K, 1), dtype=jnp.float32) * (1.0 / np.sqrt(K))
    bf = jnp.zeros((1,), dtype=jnp.float32)
    return {"x": x, "edges": edges, "W_lin": W_lin, "b_lin": b_lin, "a_t": a_t,
            "bias_t": bias_t, "Wg": Wg, "a_src": a_src, "a_dst": a_dst, "bg": bg,
            "Wf": Wf, "bf": bf}


def _leaky_relu(v, alpha=0.2):
    return jnp.where(v >= 0, v, alpha * v)


def reference(x, edges, W_lin, b_lin, a_t, bias_t, Wg, a_src, a_dst, bg, Wf, bf):
    Bv, Kv, Fv = x.shape
    # ---- TemporalAttentionLayer (GATv2 variant, eval mode -> dropout is no-op) ----
    blocks_repeating = jnp.repeat(x, Kv, axis=1)          # [B, K*K, F]
    blocks_alternating = jnp.tile(x, (1, Kv, 1))          # [B, K*K, F]
    combined = jnp.concatenate([blocks_repeating, blocks_alternating], axis=2)
    a_input = combined.reshape(Bv, Kv, Kv, 2 * Fv)        # [B, K, K, 2F]
    a_input = _leaky_relu(a_input @ W_lin.T + b_lin, 0.2)  # [B, K, K, 2F]
    e = jnp.squeeze(a_input @ a_t, axis=3)                # [B, K, K]
    e = e + bias_t
    attention = jax.nn.softmax(e, axis=2)
    h = jnp.tanh(attention @ x)                           # [B, K, F]
    # ---- reshape to per-feature node rows: [B*F, K] ----
    x2 = jnp.transpose(h, (0, 2, 1)).reshape(-1, Kv)
    N = x2.shape[0]
    # ---- GATConv(window_size, window_size), single head, static graph ----
    hh = x2 @ Wg                                          # [N, K]
    src = edges[0]
    dst = edges[1]
    ee = _leaky_relu(hh[src] @ a_src + hh[dst] @ a_dst, 0.2)  # [E]
    emax = jax.ops.segment_max(ee, dst, num_segments=N)
    emax = jnp.where(jnp.isfinite(emax), emax, 0.0)
    ex = jnp.exp(ee - emax[dst])
    denom = jax.ops.segment_sum(ex, dst, num_segments=N)
    alpha = ex / (denom[dst] + 1e-16)
    out_g = jax.ops.segment_sum(alpha[:, None] * hh[src], dst, num_segments=N) + bg
    # ---- forecasting head: Linear(K, 1) + Tanh ----
    y = jnp.tanh(out_g @ Wf + bf)                         # [N, 1]
    return y


if False:  # reference __main__ guard neutralized (emitter)
    out = reference(**setup_inputs())
    print(out.shape, out.dtype)

if __name__ == "__main__":
    import jax
    _d = setup_inputs()
    print(jax.jit(kernel)(*tuple(_d.values())))

</pallas_src>

<mosaic_0001>
#map = affine_map<(d0, d1) -> (0)>
module attributes {stable_mosaic.version = 14 : i64} {
  func.func @_sc_body(%arg0: i32, %arg1: i32, %arg2: memref<40192xi32, #tpu.memory_space<hbm>>, %arg3: memref<40192xi32, #tpu.memory_space<hbm>>, %arg4: memref<1600xf32, #tpu.memory_space<hbm>>, %arg5: memref<1600xf32, #tpu.memory_space<hbm>>, %arg6: memref<1600xf32, #tpu.memory_space<hbm>>, %arg7: memref<16xf32, #tpu.memory_space<hbm>>, %arg8: memref<1600xf32, #tpu.memory_space<hbm>>, %arg9: memref<2512xi32, #tpu.memory_space<vmem>>, %arg10: memref<2512xi32, #tpu.memory_space<vmem>>, %arg11: memref<1600xf32, #tpu.memory_space<vmem>>, %arg12: memref<1600xf32, #tpu.memory_space<vmem>>, %arg13: memref<1600xf32, #tpu.memory_space<vmem>>, %arg14: memref<800xf32, #tpu.memory_space<vmem>>, %arg15: memref<800xf32, #tpu.memory_space<vmem>>, %arg16: memref<800xf32, #tpu.memory_space<vmem>>, %arg17: memref<800xf32, #tpu.memory_space<vmem>>, %arg18: memref<12800xf32, #tpu.memory_space<vmem>>, %arg19: memref<16xf32, #tpu.memory_space<vmem>>, %arg20: memref<16xf32, #tpu.memory_space<vmem>>, %arg21: memref<12800xf32, #tpu.memory_space<vmem_shared>>, %arg22: memref<12800xf32, #tpu.memory_space<vmem_shared>>) attributes {dimension_semantics = [#tpu.dimension_semantics<core_parallel>, #tpu.dimension_semantics<subcore_parallel>], iteration_bounds = array<i64: 2, 16>, scalar_prefetch = 0 : i64, scratch_operands = 14 : i64, tpu.core_type = #tpu.core_type<sc_vector_subcore>, window_params = [{transform_indices = #map}, {transform_indices = #map}, {transform_indices = #map}, {transform_indices = #map}, {transform_indices = #map}, {transform_indices = #map}, {transform_indices = #map}]} {
    %mul3A = arith.constant 800 : i32
    %mul3A_0 = arith.muli %arg0, %mul3A : i32
    %mul3A_1 = arith.constant 2512 : i32
    %mul3A_2 = arith.muli %arg1, %mul3A_1 : i32
    "tpu.region"() ({
      %run_scoped3A = tpu.sem_alloc : memref<!tpu.dma_semaphore, #tpu.memory_space<semaphore_mem>>
      %dma_start3A = tpu.memref_slice %arg2[%mul3A_2] : memref<40192xi32, #tpu.memory_space<hbm>> -> memref<2512xi32, #tpu.memory_space<hbm>>
      %dma_start3A_62 = tpu.memref_slice %arg2[%mul3A_2] : memref<40192xi32, #tpu.memory_space<hbm>> -> memref<2512xi32, #tpu.memory_space<hbm>>
      tpu.enqueue_dma source(%dma_start3A_62 : memref<2512xi32, #tpu.memory_space<hbm>>) target(%arg9 : memref<2512xi32, #tpu.memory_space<vmem>>) target_semaphore(%run_scoped3A : memref<!tpu.dma_semaphore, #tpu.memory_space<semaphore_mem>>)
      %dma_wait3A = tpu.memref_slice %arg2[%mul3A_2] : memref<40192xi32, #tpu.memory_space<hbm>> -> memref<2512xi32, #tpu.memory_space<hbm>>
      %dma_wait3A_63 = tpu.memref_slice %arg2[%mul3A_2] : memref<40192xi32, #tpu.memory_space<hbm>> -> memref<2512xi32, #tpu.memory_space<hbm>>
      tpu.wait_dma2 semaphore(%run_scoped3A : memref<!tpu.dma_semaphore, #tpu.memory_space<semaphore_mem>>) src(%dma_wait3A_63 : memref<2512xi32, #tpu.memory_space<hbm>>) dst(%arg9 : memref<2512xi32, #tpu.memory_space<vmem>>)
      tpu.yield
    }) : () -> ()
    "tpu.region"() ({
      %run_scoped3A = tpu.sem_alloc : memref<!tpu.dma_semaphore, #tpu.memory_space<semaphore_mem>>
      %dma_start3A = tpu.memref_slice %arg3[%mul3A_2] : memref<40192xi32, #tpu.memory_space<hbm>> -> memref<2512xi32, #tpu.memory_space<hbm>>
      %dma_start3A_62 = tpu.memref_slice %arg3[%mul3A_2] : memref<40192xi32, #tpu.memory_space<hbm>> -> memref<2512xi32, #tpu.memory_space<hbm>>
      tpu.enqueue_dma source(%dma_start3A_62 : memref<2512xi32, #tpu.memory_space<hbm>>) target(%arg10 : memref<2512xi32, #tpu.memory_space<vmem>>) target_semaphore(%run_scoped3A : memref<!tpu.dma_semaphore, #tpu.memory_space<semaphore_mem>>)
      %dma_wait3A = tpu.memref_slice %arg3[%mul3A_2] : memref<40192xi32, #tpu.memory_space<hbm>> -> memref<2512xi32, #tpu.memory_space<hbm>>
      %dma_wait3A_63 = tpu.memref_slice %arg3[%mul3A_2] : memref<40192xi32, #tpu.memory_space<hbm>> -> memref<2512xi32, #tpu.memory_space<hbm>>
      tpu.wait_dma2 semaphore(%run_scoped3A : memref<!tpu.dma_semaphore, #tpu.memory_space<semaphore_mem>>) src(%dma_wait3A_63 : memref<2512xi32, #tpu.memory_space<hbm>>) dst(%arg10 : memref<2512xi32, #tpu.memory_space<vmem>>)
      tpu.yield
    }) : () -> ()
    "tpu.region"() ({
      %run_scoped3A = tpu.sem_alloc : memref<!tpu.dma_semaphore, #tpu.memory_space<semaphore_mem>>
      tpu.enqueue_dma source(%arg4 : memref<1600xf32, #tpu.memory_space<hbm>>) target(%arg11 : memref<1600xf32, #tpu.memory_space<vmem>>) target_semaphore(%run_scoped3A : memref<!tpu.dma_semaphore, #tpu.memory_space<semaphore_mem>>)
      tpu.wait_dma2 semaphore(%run_scoped3A : memref<!tpu.dma_semaphore, #tpu.memory_space<semaphore_mem>>) src(%arg4 : memref<1600xf32, #tpu.memory_space<hbm>>) dst(%arg11 : memref<1600xf32, #tpu.memory_space<vmem>>)
      tpu.yield
    }) : () -> ()
    "tpu.region"() ({
      %run_scoped3A = tpu.sem_alloc : memref<!tpu.dma_semaphore, #tpu.memory_space<semaphore_mem>>
      tpu.enqueue_dma source(%arg5 : memref<1600xf32, #tpu.memory_space<hbm>>) target(%arg12 : memref<1600xf32, #tpu.memory_space<vmem>>) target_semaphore(%run_scoped3A : memref<!tpu.dma_semaphore, #tpu.memory_space<semaphore_mem>>)
      tpu.wait_dma2 semaphore(%run_scoped3A : memref<!tpu.dma_semaphore, #tpu.memory_space<semaphore_mem>>) src(%arg5 : memref<1600xf32, #tpu.memory_space<hbm>>) dst(%arg12 : memref<1600xf32, #tpu.memory_space<vmem>>)
      tpu.yield
    }) : () -> ()
    "tpu.region"() ({
      %run_scoped3A = tpu.sem_alloc : memref<!tpu.dma_semaphore, #tpu.memory_space<semaphore_mem>>
      tpu.enqueue_dma source(%arg6 : memref<1600xf32, #tpu.memory_space<hbm>>) target(%arg13 : memref<1600xf32, #tpu.memory_space<vmem>>) target_semaphore(%run_scoped3A : memref<!tpu.dma_semaphore, #tpu.memory_space<semaphore_mem>>)
      tpu.wait_dma2 semaphore(%run_scoped3A : memref<!tpu.dma_semaphore, #tpu.memory_space<semaphore_mem>>) src(%arg6 : memref<1600xf32, #tpu.memory_space<hbm>>) dst(%arg13 : memref<1600xf32, #tpu.memory_space<vmem>>)
      tpu.yield
    }) : () -> ()
    "tpu.region"() ({
      %run_scoped3A = tpu.sem_alloc : memref<!tpu.dma_semaphore, #tpu.memory_space<semaphore_mem>>
      tpu.enqueue_dma source(%arg7 : memref<16xf32, #tpu.memory_space<hbm>>) target(%arg20 : memref<16xf32, #tpu.memory_space<vmem>>) target_semaphore(%run_scoped3A : memref<!tpu.dma_semaphore, #tpu.memory_space<semaphore_mem>>)
      tpu.wait_dma2 semaphore(%run_scoped3A : memref<!tpu.dma_semaphore, #tpu.memory_space<semaphore_mem>>) src(%arg7 : memref<16xf32, #tpu.memory_space<hbm>>) dst(%arg20 : memref<16xf32, #tpu.memory_space<vmem>>)
      tpu.yield
    }) : () -> ()
    %scan3A = arith.constant 0 : i32
    %scan3A_3 = arith.constant 48 : i32
    %scan3A_4 = arith.addi %scan3A, %scan3A_3 : i32
    %scan3A_5 = arith.constant 8 : i32
    scf.for %scan3A_62 = %scan3A to %scan3A_4 step %scan3A_5  : i32 {
      %mul3A_63 = arith.constant 16 : i32
      %mul3A_64 = arith.muli %scan3A_62, %mul3A_63 : i32
      %add3A_65 = arith.constant 0 : i32
      %add3A_66 = arith.addi %add3A_65, %mul3A_64 : i32
      %broadcast_in_dim3A_67 = arith.constant 0.000000e+00 : f32
      %broadcast_in_dim3A_68 = vector.broadcast %broadcast_in_dim3A_67 : f32 to vector<16xf32>
      %swap3A_69 = arith.index_cast %add3A_66 : i32 to index
      %swap3A_70 = tpu.vector_load %arg14[%swap3A_69] {strides = array<i32>} : memref<800xf32, #tpu.memory_space<vmem>>, vector<16xf32>,
      tpu.vector_store %arg14[%swap3A_69], %broadcast_in_dim3A_68 {strides = array<i32>} : memref<800xf32, #tpu.memory_space<vmem>>, vector<16xf32>,
      %swap3A_71 = arith.index_cast %add3A_66 : i32 to index
      %swap3A_72 = tpu.vector_load %arg15[%swap3A_71] {strides = array<i32>} : memref<800xf32, #tpu.memory_space<vmem>>, vector<16xf32>,
      tpu.vector_store %arg15[%swap3A_71], %broadcast_in_dim3A_68 {strides = array<i32>} : memref<800xf32, #tpu.memory_space<vmem>>, vector<16xf32>,
      %scan3A_73 = arith.constant 1 : i32
      %scan3A_74 = arith.addi %scan3A_62, %scan3A_73 : i32
      %mul3A_75 = arith.constant 16 : i32
      %mul3A_76 = arith.muli %scan3A_74, %mul3A_75 : i32
      %add3A_77 = arith.constant 0 : i32
      %add3A_78 = arith.addi %add3A_77, %mul3A_76 : i32
      %broadcast_in_dim3A_79 = arith.constant 0.000000e+00 : f32
      %broadcast_in_dim3A_80 = vector.broadcast %broadcast_in_dim3A_79 : f32 to vector<16xf32>
      %swap3A_81 = arith.index_cast %add3A_78 : i32 to index
      %swap3A_82 = tpu.vector_load %arg14[%swap3A_81] {strides = array<i32>} : memref<800xf32, #tpu.memory_space<vmem>>, vector<16xf32>,
      tpu.vector_store %arg14[%swap3A_81], %broadcast_in_dim3A_80 {strides = array<i32>} : memref<800xf32, #tpu.memory_space<vmem>>, vector<16xf32>,
      %swap3A_83 = arith.index_cast %add3A_78 : i32 to index
      %swap3A_84 = tpu.vector_load %arg15[%swap3A_83] {strides = array<i32>} : memref<800xf32, #tpu.memory_space<vmem>>, vector<16xf32>,
      tpu.vector_store %arg15[%swap3A_83], %broadcast_in_dim3A_80 {strides = array<i32>} : memref<800xf32, #tpu.memory_space<vmem>>, vector<16xf32>,
      %scan3A_85 = arith.constant 2 : i32
      %scan3A_86 = arith.addi %scan3A_62, %scan3A_85 : i32
      %mul3A_87 = arith.constant 16 : i32
      %mul3A_88 = arith.muli %scan3A_86, %mul3A_87 : i32
      %add3A_89 = arith.constant 0 : i32
      %add3A_90 = arith.addi %add3A_89, %mul3A_88 : i32
      %broadcast_in_dim3A_91 = arith.constant 0.000000e+00 : f32
      %broadcast_in_dim3A_92 = vector.broadcast %broadcast_in_dim3A_91 : f32 to vector<16xf32>
      %swap3A_93 = arith.index_cast %add3A_90 : i32 to index
      %swap3A_94 = tpu.vector_load %arg14[%swap3A_93] {strides = array<i32>} : memref<800xf32, #tpu.memory_space<vmem>>, vector<16xf32>,
      tpu.vector_store %arg14[%swap3A_93], %broadcast_in_dim3A_92 {strides = array<i32>} : memref<800xf32, #tpu.memory_space<vmem>>, vector<16xf32>,
      %swap3A_95 = arith.index_cast %add3A_90 : i32 to index
      %swap3A_96 = tpu.vector_load %arg15[%swap3A_95] {strides = array<i32>} : memref<800xf32, #tpu.memory_space<vmem>>, vector<16xf32>,
      tpu.vector_store %arg15[%swap3A_95], %broadcast_in_dim3A_92 {strides = array<i32>} : memref<800xf32, #tpu.memory_space<vmem>>, vector<16xf32>,
      %scan3A_97 = arith.constant 3 : i32
      %scan3A_98 = arith.addi %scan3A_62, %scan3A_97 : i32
      %mul3A_99 = arith.constant 16 : i32
      %mul3A_100 = arith.muli %scan3A_98, %mul3A_99 : i32
      %add3A_101 = arith.constant 0 : i32
      %add3A_102 = arith.addi %add3A_101, %mul3A_100 : i32
      %broadcast_in_dim3A_103 = arith.constant 0.000000e+00 : f32
      %broadcast_in_dim3A_104 = vector.broadcast %broadcast_in_dim3A_103 : f32 to vector<16xf32>
      %swap3A_105 = arith.index_cast %add3A_102 : i32 to index
      %swap3A_106 = tpu.vector_load %arg14[%swap3A_105] {strides = array<i32>} : memref<800xf32, #tpu.memory_space<vmem>>, vector<16xf32>,
      tpu.vector_store %arg14[%swap3A_105], %broadcast_in_dim3A_104 {strides = array<i32>} : memref<800xf32, #tpu.memory_space<vmem>>, vector<16xf32>,
      %swap3A_107 = arith.index_cast %add3A_102 : i32 to index
      %swap3A_108 = tpu.vector_load %arg15[%swap3A_107] {strides = array<i32>} : memref<800xf32, #tpu.memory_space<vmem>>, vector<16xf32>,
      tpu.vector_store %arg15[%swap3A_107], %broadcast_in_dim3A_104 {strides = array<i32>} : memref<800xf32, #tpu.memory_space<vmem>>, vector<16xf32>,
      %scan3A_109 = arith.constant 4 : i32
      %scan3A_110 = arith.addi %scan3A_62, %scan3A_109 : i32
      %mul3A_111 = arith.constant 16 : i32
      %mul3A_112 = arith.muli %scan3A_110, %mul3A_111 : i32
      %add3A_113 = arith.constant 0 : i32
      %add3A_114 = arith.addi %add3A_113, %mul3A_112 : i32
      %broadcast_in_dim3A_115 = arith.constant 0.000000e+00 : f32
      %broadcast_in_dim3A_116 = vector.broadcast %broadcast_in_dim3A_115 : f32 to vector<16xf32>
      %swap3A_117 = arith.index_cast %add3A_114 : i32 to index
      %swap3A_118 = tpu.vector_load %arg14[%swap3A_117] {strides = array<i32>} : memref<800xf32, #tpu.memory_space<vmem>>, vector<16xf32>,
      tpu.vector_store %arg14[%swap3A_117], %broadcast_in_dim3A_116 {strides = array<i32>} : memref<800xf32, #tpu.memory_space<vmem>>, vector<16xf32>,
      %swap3A_119 = arith.index_cast %add3A_114 : i32 to index
      %swap3A_120 = tpu.vector_load %arg15[%swap3A_119] {strides = array<i32>} : memref<800xf32, #tpu.memory_space<vmem>>, vector<16xf32>,
      tpu.vector_store %arg15[%swap3A_119], %broadcast_in_dim3A_116 {strides = array<i32>} : memref<800xf32, #tpu.memory_space<vmem>>, vector<16xf32>,
      %scan3A_121 = arith.constant 5 : i32
      %scan3A_122 = arith.addi %scan3A_62, %scan3A_121 : i32
      %mul3A_123 = arith.constant 16 : i32
      %mul3A_124 = arith.muli %scan3A_122, %mul3A_123 : i32
      %add3A_125 = arith.constant 0 : i32
      %add3A_126 = arith.addi %add3A_125, %mul3A_124 : i32
      %broadcast_in_dim3A_127 = arith.constant 0.000000e+00 : f32
      %broadcast_in_dim3A_128 = vector.broadcast %broadcast_in_dim3A_127 : f32 to vector<16xf32>
      %swap3A_129 = arith.index_cast %add3A_126 : i32 to index
      %swap3A_130 = tpu.vector_load %arg14[%swap3A_129] {strides = array<i32>} : memref<800xf32, #tpu.memory_space<vmem>>, vector<16xf32>,
      tpu.vector_store %arg14[%swap3A_129], %broadcast_in_dim3A_128 {strides = array<i32>} : memref<800xf32, #tpu.memory_space<vmem>>, vector<16xf32>,
      %swap3A_131 = arith.index_cast %add3A_126 : i32 to index
      %swap3A_132 = tpu.vector_load %arg15[%swap3A_131] {strides = array<i32>} : memref<800xf32, #tpu.memory_space<vmem>>, vector<16xf32>,
      tpu.vector_store %arg15[%swap3A_131], %broadcast_in_dim3A_128 {strides = array<i32>} : memref<800xf32, #tpu.memory_space<vmem>>, vector<16xf32>,
      %scan3A_133 = arith.constant 6 : i32
      %scan3A_134 = arith.addi %scan3A_62, %scan3A_133 : i32
      %mul3A_135 = arith.constant 16 : i32
      %mul3A_136 = arith.muli %scan3A_134, %mul3A_135 : i32
      %add3A_137 = arith.constant 0 : i32
      %add3A_138 = arith.addi %add3A_137, %mul3A_136 : i32
      %broadcast_in_dim3A_139 = arith.constant 0.000000e+00 : f32
      %broadcast_in_dim3A_140 = vector.broadcast %broadcast_in_dim3A_139 : f32 to vector<16xf32>
      %swap3A_141 = arith.index_cast %add3A_138 : i32 to index
      %swap3A_142 = tpu.vector_load %arg14[%swap3A_141] {strides = array<i32>} : memref<800xf32, #tpu.memory_space<vmem>>, vector<16xf32>,
      tpu.vector_store %arg14[%swap3A_141], %broadcast_in_dim3A_140 {strides = array<i32>} : memref<800xf32, #tpu.memory_space<vmem>>, vector<16xf32>,
      %swap3A_143 = arith.index_cast %add3A_138 : i32 to index
      %swap3A_144 = tpu.vector_load %arg15[%swap3A_143] {strides = array<i32>} : memref<800xf32, #tpu.memory_space<vmem>>, vector<16xf32>,
      tpu.vector_store %arg15[%swap3A_143], %broadcast_in_dim3A_140 {strides = array<i32>} : memref<800xf32, #tpu.memory_space<vmem>>, vector<16xf32>,
      %scan3A_145 = arith.constant 7 : i32
      %scan3A_146 = arith.addi %scan3A_62, %scan3A_145 : i32
      %mul3A_147 = arith.constant 16 : i32
      %mul3A_148 = arith.muli %scan3A_146, %mul3A_147 : i32
      %add3A_149 = arith.constant 0 : i32
      %add3A_150 = arith.addi %add3A_149, %mul3A_148 : i32
      %broadcast_in_dim3A_151 = arith.constant 0.000000e+00 : f32
      %broadcast_in_dim3A_152 = vector.broadcast %broadcast_in_dim3A_151 : f32 to vector<16xf32>
      %swap3A_153 = arith.index_cast %add3A_150 : i32 to index
      %swap3A_154 = tpu.vector_load %arg14[%swap3A_153] {strides = array<i32>} : memref<800xf32, #tpu.memory_space<vmem>>, vector<16xf32>,
      tpu.vector_store %arg14[%swap3A_153], %broadcast_in_dim3A_152 {strides = array<i32>} : memref<800xf32, #tpu.memory_space<vmem>>, vector<16xf32>,
      %swap3A_155 = arith.index_cast %add3A_150 : i32 to index
      %swap3A_156 = tpu.vector_load %arg15[%swap3A_155] {strides = array<i32>} : memref<800xf32, #tpu.memory_space<vmem>>, vector<16xf32>,
      tpu.vector_store %arg15[%swap3A_155], %broadcast_in_dim3A_152 {strides = array<i32>} : memref<800xf32, #tpu.memory_space<vmem>>, vector<16xf32>,
    }
    %scan3A_6 = arith.constant 48 : i32
    %scan3A_7 = arith.addi %scan3A, %scan3A_6 : i32
    %mul3A_8 = arith.constant 16 : i32
    %mul3A_9 = arith.muli %scan3A_7, %mul3A_8 : i32
    %add3A = arith.constant 0 : i32
    %add3A_10 = arith.addi %add3A, %mul3A_9 : i32
    %broadcast_in_dim3A = arith.constant 0.000000e+00 : f32
    %broadcast_in_dim3A_11 = vector.broadcast %broadcast_in_dim3A : f32 to vector<16xf32>
    %swap3A = arith.index_cast %add3A_10 : i32 to index
    %swap3A_12 = tpu.vector_load %arg14[%swap3A] {strides = array<i32>} : memref<800xf32, #tpu.memory_space<vmem>>, vector<16xf32>,
    tpu.vector_store %arg14[%swap3A], %broadcast_in_dim3A_11 {strides = array<i32>} : memref<800xf32, #tpu.memory_space<vmem>>, vector<16xf32>,
    %swap3A_13 = arith.index_cast %add3A_10 : i32 to index
    %swap3A_14 = tpu.vector_load %arg15[%swap3A_13] {strides = array<i32>} : memref<800xf32, #tpu.memory_space<vmem>>, vector<16xf32>,
    tpu.vector_store %arg15[%swap3A_13], %broadcast_in_dim3A_11 {strides = array<i32>} : memref<800xf32, #tpu.memory_space<vmem>>, vector<16xf32>,
    %scan3A_15 = arith.constant 49 : i32
    %scan3A_16 = arith.addi %scan3A, %scan3A_15 : i32
    %mul3A_17 = arith.constant 16 : i32
    %mul3A_18 = arith.muli %scan3A_16, %mul3A_17 : i32
    %add3A_19 = arith.constant 0 : i32
    %add3A_20 = arith.addi %add3A_19, %mul3A_18 : i32
    %broadcast_in_dim3A_21 = arith.constant 0.000000e+00 : f32
    %broadcast_in_dim3A_22 = vector.broadcast %broadcast_in_dim3A_21 : f32 to vector<16xf32>
    %swap3A_23 = arith.index_cast %add3A_20 : i32 to index
    %swap3A_24 = tpu.vector_load %arg14[%swap3A_23] {strides = array<i32>} : memref<800xf32, #tpu.memory_space<vmem>>, vector<16xf32>,
    tpu.vector_store %arg14[%swap3A_23], %broadcast_in_dim3A_22 {strides = array<i32>} : memref<800xf32, #tpu.memory_space<vmem>>, vector<16xf32>,
    %swap3A_25 = arith.index_cast %add3A_20 : i32 to index
    %swap3A_26 = tpu.vector_load %arg15[%swap3A_25] {strides = array<i32>} : memref<800xf32, #tpu.memory_space<vmem>>, vector<16xf32>,
    tpu.vector_store %arg15[%swap3A_25], %broadcast_in_dim3A_22 {strides = array<i32>} : memref<800xf32, #tpu.memory_space<vmem>>, vector<16xf32>,
    %scan3A_27 = arith.constant 50 : i32
    %get3A = arith.constant 0 : index
    %get3A_28 = tpu.vector_load %arg11[%get3A] {strides = array<i32>} : memref<1600xf32, #tpu.memory_space<vmem>>, vector<16xf32>,
    %scan3A_29 = arith.constant 1 : i32
    %scan3A_30 = arith.constant 99 : i32
    %scan3A_31 = arith.addi %scan3A_29, %scan3A_30 : i32
    %scan3A_32 = arith.constant 1 : i32
    %scan3A_33 = scf.for %scan3A_62 = %scan3A_29 to %scan3A_31 step %scan3A_32 iter_args(%scan3A_63 = %get3A_28) -> (vector<16xf32>)  : i32 {
      %mul3A_64 = arith.constant 16 : i32
      %mul3A_65 = arith.muli %scan3A_62, %mul3A_64 : i32
      %get3A_66 = arith.index_cast %mul3A_65 : i32 to index
      %get3A_67 = tpu.vector_load %arg11[%get3A_66] {strides = array<i32>} : memref<1600xf32, #tpu.memory_space<vmem>>, vector<16xf32>,
      %max3A = arith.maximumf %scan3A_63, %get3A_67 : vector<16xf32>
      scf.yield %max3A : vector<16xf32>
    }
    %scan3A_34 = arith.constant 99 : i32
    %reduce_max3A = arith.constant true
    %reduce_max3A_35 = vector.broadcast %reduce_max3A : i1 to vector<16xi1>
    %reduce_max3A_36 = tpu.scan <max>, %scan3A_33 masked %reduce_max3A_35 : vector<16xf32>, vector<16xi1> -> vector<16xf32>
    %reduce_max3A_37 = vector.extract %reduce_max3A_36[15] : f32 from vector<16xf32>
    %scan3A_38 = arith.constant 0 : i32
    %scan3A_39 = arith.constant 157 : i32
    %scan3A_40 = arith.addi %scan3A_38, %scan3A_39 : i32
    %scan3A_41 = arith.constant 1 : i32
    scf.for %scan3A_62 = %scan3A_38 to %scan3A_40 step %scan3A_41  : i32 {
      %mul3A_63 = arith.constant 16 : i32
      %mul3A_64 = arith.muli %scan3A_62, %mul3A_63 : i32
      %add3A_65 = arith.constant 0 : i32
      %add3A_66 = arith.addi %add3A_65, %mul3A_64 : i32
      %get3A_67 = arith.index_cast %add3A_66 : i32 to index
      %get3A_68 = tpu.vector_load %arg9[%get3A_67] {strides = array<i32>} : memref<2512xi32, #tpu.memory_space<vmem>>, vector<16xi32>,
      %get3A_69 = arith.index_cast %add3A_66 : i32 to index
      %get3A_70 = tpu.vector_load %arg10[%get3A_69] {strides = array<i32>} : memref<2512xi32, #tpu.memory_space<vmem>>, vector<16xi32>,
      %gather3A = tpu.vector_load_idx %arg11[%get3A_68] : memref<1600xf32, #tpu.memory_space<vmem>>[vector<16xi32>], vector<16xf32>,
      %min3A = arith.constant 1599 : i32
      %min3A_71 = vector.broadcast %min3A : i32 to vector<16xi32>
      %min3A_72 = arith.minsi %get3A_70, %min3A_71 : vector<16xi32>
      %gather3A_73 = tpu.vector_load_idx %arg12[%min3A_72] : memref<1600xf32, #tpu.memory_space<vmem>>[vector<16xi32>], vector<16xf32>,
      %add3A_74 = arith.addf %gather3A, %gather3A_73 : vector<16xf32>
      %mul3A_75 = arith.constant 2.000000e-01 : f32
      %mul3A_76 = vector.broadcast %mul3A_75 : f32 to vector<16xf32>
      %mul3A_77 = arith.mulf %mul3A_76, %add3A_74 : vector<16xf32>
      %max3A = arith.maximumf %add3A_74, %mul3A_77 : vector<16xf32>
      %add3A_78 = vector.broadcast %reduce_max3A_37 : f32 to vector<16xf32>
      %add3A_79 = arith.addf %add3A_78, %gather3A_73 : vector<16xf32>
      %mul3A_80 = arith.constant 2.000000e-01 : f32
      %mul3A_81 = vector.broadcast %mul3A_80 : f32 to vector<16xf32>
      %mul3A_82 = arith.mulf %mul3A_81, %add3A_79 : vector<16xf32>
      %max3A_83 = arith.maximumf %add3A_79, %mul3A_82 : vector<16xf32>
      %sub3A = arith.subf %max3A, %max3A_83 : vector<16xf32>
      %exp3A = math.exp %sub3A : vector<16xf32>
      %gather3A_84 = tpu.vector_load_idx %arg13[%get3A_68] : memref<1600xf32, #tpu.memory_space<vmem>>[vector<16xi32>], vector<16xf32>,
      %sub3A_85 = vector.broadcast %mul3A_0 : i32 to vector<16xi32>
      %sub3A_86 = arith.subi %get3A_70, %sub3A_85 : vector<16xi32>
      %ge3A = arith.constant 0 : i32
      %ge3A_87 = vector.broadcast %ge3A : i32 to vector<16xi32>
      %ge3A_88 = arith.cmpi sge, %sub3A_86, %ge3A_87 : vector<16xi32>
      %lt3A = arith.constant 800 : i32
      %lt3A_89 = vector.broadcast %lt3A : i32 to vector<16xi32>
      %lt3A_90 = arith.cmpi slt, %sub3A_86, %lt3A_89 : vector<16xi32>
      %and3A = arith.andi %ge3A_88, %lt3A_90 : vector<16xi1>
      %jit3A = arith.constant 0 : i32
      %broadcast_in_dim3A_91 = vector.broadcast %jit3A : i32 to vector<16xi32>
      %select_n3A = arith.select %and3A, %sub3A_86, %broadcast_in_dim3A_91 : vector<16xi1>, vector<16xi32>
      tpu.vector_store_idx %arg14[%select_n3A], %exp3A masked %and3A {add = true} : memref<800xf32, #tpu.memory_space<vmem>>[vector<16xi32>], vector<16xf32>, vector<16xi1>
      %mul3A_92 = arith.mulf %exp3A, %gather3A_84 : vector<16xf32>
      tpu.vector_store_idx %arg15[%select_n3A], %mul3A_92 masked %and3A {add = true} : memref<800xf32, #tpu.memory_space<vmem>>[vector<16xi32>], vector<16xf32>, vector<16xi1>
    }
    %scan3A_42 = arith.constant 157 : i32
    %mul3A_43 = arith.constant 800 : i32
    %mul3A_44 = arith.muli %arg1, %mul3A_43 : i32
    "tpu.region"() ({
      %run_scoped3A = tpu.sem_alloc : memref<!tpu.dma_semaphore, #tpu.memory_space<semaphore_mem>>
      %dma_start3A = tpu.memref_slice %arg21[%mul3A_44] : memref<12800xf32, #tpu.memory_space<vmem_shared>> -> memref<800xf32, #tpu.memory_space<vmem_shared>>
      %dma_start3A_62 = tpu.memref_slice %arg21[%mul3A_44] : memref<12800xf32, #tpu.memory_space<vmem_shared>> -> memref<800xf32, #tpu.memory_space<vmem_shared>>
      tpu.enqueue_dma source(%arg14 : memref<800xf32, #tpu.memory_space<vmem>>) target(%dma_start3A_62 : memref<800xf32, #tpu.memory_space<vmem_shared>>) target_semaphore(%run_scoped3A : memref<!tpu.dma_semaphore, #tpu.memory_space<semaphore_mem>>)
      %dma_wait3A = tpu.memref_slice %arg21[%mul3A_44] : memref<12800xf32, #tpu.memory_space<vmem_shared>> -> memref<800xf32, #tpu.memory_space<vmem_shared>>
      %dma_wait3A_63 = tpu.memref_slice %arg21[%mul3A_44] : memref<12800xf32, #tpu.memory_space<vmem_shared>> -> memref<800xf32, #tpu.memory_space<vmem_shared>>
      tpu.wait_dma2 semaphore(%run_scoped3A : memref<!tpu.dma_semaphore, #tpu.memory_space<semaphore_mem>>) src(%arg14 : memref<800xf32, #tpu.memory_space<vmem>>) dst(%dma_wait3A_63 : memref<800xf32, #tpu.memory_space<vmem_shared>>)
      tpu.yield
    }) : () -> ()
    %mul3A_45 = arith.constant 800 : i32
    %mul3A_46 = arith.muli %arg1, %mul3A_45 : i32
    "tpu.region"() ({
      %run_scoped3A = tpu.sem_alloc : memref<!tpu.dma_semaphore, #tpu.memory_space<semaphore_mem>>
      %dma_start3A = tpu.memref_slice %arg22[%mul3A_46] : memref<12800xf32, #tpu.memory_space<vmem_shared>> -> memref<800xf32, #tpu.memory_space<vmem_shared>>
      %dma_start3A_62 = tpu.memref_slice %arg22[%mul3A_46] : memref<12800xf32, #tpu.memory_space<vmem_shared>> -> memref<800xf32, #tpu.memory_space<vmem_shared>>
      tpu.enqueue_dma source(%arg15 : memref<800xf32, #tpu.memory_space<vmem>>) target(%dma_start3A_62 : memref<800xf32, #tpu.memory_space<vmem_shared>>) target_semaphore(%run_scoped3A : memref<!tpu.dma_semaphore, #tpu.memory_space<semaphore_mem>>)
      %dma_wait3A = tpu.memref_slice %arg22[%mul3A_46] : memref<12800xf32, #tpu.memory_space<vmem_shared>> -> memref<800xf32, #tpu.memory_space<vmem_shared>>
      %dma_wait3A_63 = tpu.memref_slice %arg22[%mul3A_46] : memref<12800xf32, #tpu.memory_space<vmem_shared>> -> memref<800xf32, #tpu.memory_space<vmem_shared>>
      tpu.wait_dma2 semaphore(%run_scoped3A : memref<!tpu.dma_semaphore, #tpu.memory_space<semaphore_mem>>) src(%arg15 : memref<800xf32, #tpu.memory_space<vmem>>) dst(%dma_wait3A_63 : memref<800xf32, #tpu.memory_space<vmem_shared>>)
      tpu.yield
    }) : () -> ()
    %barrier3A = arith.constant 0 : index
    tpu.barrier barrier_id(%barrier3A)
    "tpu.region"() ({
      %run_scoped3A = tpu.sem_alloc : memref<!tpu.dma_semaphore, #tpu.memory_space<semaphore_mem>>
      tpu.enqueue_dma source(%arg21 : memref<12800xf32, #tpu.memory_space<vmem_shared>>) target(%arg18 : memref<12800xf32, #tpu.memory_space<vmem>>) target_semaphore(%run_scoped3A : memref<!tpu.dma_semaphore, #tpu.memory_space<semaphore_mem>>)
      tpu.wait_dma2 semaphore(%run_scoped3A : memref<!tpu.dma_semaphore, #tpu.memory_space<semaphore_mem>>) src(%arg21 : memref<12800xf32, #tpu.memory_space<vmem_shared>>) dst(%arg18 : memref<12800xf32, #tpu.memory_space<vmem>>)
      tpu.yield
    }) : () -> ()
    %scan3A_47 = arith.constant 0 : i32
    %scan3A_48 = arith.constant 50 : i32
    %scan3A_49 = arith.addi %scan3A_47, %scan3A_48 : i32
    %scan3A_50 = arith.constant 1 : i32
    scf.for %scan3A_62 = %scan3A_47 to %scan3A_49 step %scan3A_50  : i32 {
      %mul3A_63 = arith.constant 16 : i32
      %mul3A_64 = arith.muli %scan3A_62, %mul3A_63 : i32
      %add3A_65 = arith.constant 0 : i32
      %add3A_66 = arith.addi %add3A_65, %mul3A_64 : i32
      %get3A_67 = arith.index_cast %add3A_66 : i32 to index
      %get3A_68 = tpu.vector_load %arg18[%get3A_67] {strides = array<i32>} : memref<12800xf32, #tpu.memory_space<vmem>>, vector<16xf32>,
      %add3A_69 = arith.constant 800 : i32
      %add3A_70 = arith.addi %add3A_69, %add3A_66 : i32
      %get3A_71 = arith.index_cast %add3A_70 : i32 to index
      %get3A_72 = tpu.vector_load %arg18[%get3A_71] {strides = array<i32>} : memref<12800xf32, #tpu.memory_space<vmem>>, vector<16xf32>,
      %add3A_73 = arith.addf %get3A_68, %get3A_72 : vector<16xf32>
      %add3A_74 = arith.constant 1600 : i32
      %add3A_75 = arith.addi %add3A_74, %add3A_66 : i32
      %get3A_76 = arith.index_cast %add3A_75 : i32 to index
      %get3A_77 = tpu.vector_load %arg18[%get3A_76] {strides = array<i32>} : memref<12800xf32, #tpu.memory_space<vmem>>, vector<16xf32>,
      %add3A_78 = arith.addf %add3A_73, %get3A_77 : vector<16xf32>
      %add3A_79 = arith.constant 2400 : i32
      %add3A_80 = arith.addi %add3A_79, %add3A_66 : i32
      %get3A_81 = arith.index_cast %add3A_80 : i32 to index
      %get3A_82 = tpu.vector_load %arg18[%get3A_81] {strides = array<i32>} : memref<12800xf32, #tpu.memory_space<vmem>>, vector<16xf32>,
      %add3A_83 = arith.addf %add3A_78, %get3A_82 : vector<16xf32>
      %add3A_84 = arith.constant 3200 : i32
      %add3A_85 = arith.addi %add3A_84, %add3A_66 : i32
      %get3A_86 = arith.index_cast %add3A_85 : i32 to index
      %get3A_87 = tpu.vector_load %arg18[%get3A_86] {strides = array<i32>} : memref<12800xf32, #tpu.memory_space<vmem>>, vector<16xf32>,
      %add3A_88 = arith.addf %add3A_83, %get3A_87 : vector<16xf32>
      %add3A_89 = arith.constant 4000 : i32
      %add3A_90 = arith.addi %add3A_89, %add3A_66 : i32
      %get3A_91 = arith.index_cast %add3A_90 : i32 to index
      %get3A_92 = tpu.vector_load %arg18[%get3A_91] {strides = array<i32>} : memref<12800xf32, #tpu.memory_space<vmem>>, vector<16xf32>,
      %add3A_93 = arith.addf %add3A_88, %get3A_92 : vector<16xf32>
      %add3A_94 = arith.constant 4800 : i32
      %add3A_95 = arith.addi %add3A_94, %add3A_66 : i32
      %get3A_96 = arith.index_cast %add3A_95 : i32 to index
      %get3A_97 = tpu.vector_load %arg18[%get3A_96] {strides = array<i32>} : memref<12800xf32, #tpu.memory_space<vmem>>, vector<16xf32>,
      %add3A_98 = arith.addf %add3A_93, %get3A_97 : vector<16xf32>
      %add3A_99 = arith.constant 5600 : i32
      %add3A_100 = arith.addi %add3A_99, %add3A_66 : i32
      %get3A_101 = arith.index_cast %add3A_100 : i32 to index
      %get3A_102 = tpu.vector_load %arg18[%get3A_101] {strides = array<i32>} : memref<12800xf32, #tpu.memory_space<vmem>>, vector<16xf32>,
      %add3A_103 = arith.addf %add3A_98, %get3A_102 : vector<16xf32>
      %add3A_104 = arith.constant 6400 : i32
      %add3A_105 = arith.addi %add3A_104, %add3A_66 : i32
      %get3A_106 = arith.index_cast %add3A_105 : i32 to index
      %get3A_107 = tpu.vector_load %arg18[%get3A_106] {strides = array<i32>} : memref<12800xf32, #tpu.memory_space<vmem>>, vector<16xf32>,
      %add3A_108 = arith.addf %add3A_103, %get3A_107 : vector<16xf32>
      %add3A_109 = arith.constant 7200 : i32
      %add3A_110 = arith.addi %add3A_109, %add3A_66 : i32
      %get3A_111 = arith.index_cast %add3A_110 : i32 to index
      %get3A_112 = tpu.vector_load %arg18[%get3A_111] {strides = array<i32>} : memref<12800xf32, #tpu.memory_space<vmem>>, vector<16xf32>,
      %add3A_113 = arith.addf %add3A_108, %get3A_112 : vector<16xf32>
      %add3A_114 = arith.constant 8000 : i32
      %add3A_115 = arith.addi %add3A_114, %add3A_66 : i32
      %get3A_116 = arith.index_cast %add3A_115 : i32 to index
      %get3A_117 = tpu.vector_load %arg18[%get3A_116] {strides = array<i32>} : memref<12800xf32, #tpu.memory_space<vmem>>, vector<16xf32>,
      %add3A_118 = arith.addf %add3A_113, %get3A_117 : vector<16xf32>
      %add3A_119 = arith.constant 8800 : i32
      %add3A_120 = arith.addi %add3A_119, %add3A_66 : i32
      %get3A_121 = arith.index_cast %add3A_120 : i32 to index
      %get3A_122 = tpu.vector_load %arg18[%get3A_121] {strides = array<i32>} : memref<12800xf32, #tpu.memory_space<vmem>>, vector<16xf32>,
      %add3A_123 = arith.addf %add3A_118, %get3A_122 : vector<16xf32>
      %add3A_124 = arith.constant 9600 : i32
      %add3A_125 = arith.addi %add3A_124, %add3A_66 : i32
      %get3A_126 = arith.index_cast %add3A_125 : i32 to index
      %get3A_127 = tpu.vector_load %arg18[%get3A_126] {strides = array<i32>} : memref<12800xf32, #tpu.memory_space<vmem>>, vector<16xf32>,
      %add3A_128 = arith.addf %add3A_123, %get3A_127 : vector<16xf32>
      %add3A_129 = arith.constant 10400 : i32
      %add3A_130 = arith.addi %add3A_129, %add3A_66 : i32
      %get3A_131 = arith.index_cast %add3A_130 : i32 to index
      %get3A_132 = tpu.vector_load %arg18[%get3A_131] {strides = array<i32>} : memref<12800xf32, #tpu.memory_space<vmem>>, vector<16xf32>,
      %add3A_133 = arith.addf %add3A_128, %get3A_132 : vector<16xf32>
      %add3A_134 = arith.constant 11200 : i32
      %add3A_135 = arith.addi %add3A_134, %add3A_66 : i32
      %get3A_136 = arith.index_cast %add3A_135 : i32 to index
      %get3A_137 = tpu.vector_load %arg18[%get3A_136] {strides = array<i32>} : memref<12800xf32, #tpu.memory_space<vmem>>, vector<16xf32>,
      %add3A_138 = arith.addf %add3A_133, %get3A_137 : vector<16xf32>
      %add3A_139 = arith.constant 12000 : i32
      %add3A_140 = arith.addi %add3A_139, %add3A_66 : i32
      %get3A_141 = arith.index_cast %add3A_140 : i32 to index
      %get3A_142 = tpu.vector_load %arg18[%get3A_141] {strides = array<i32>} : memref<12800xf32, #tpu.memory_space<vmem>>, vector<16xf32>,
      %add3A_143 = arith.addf %add3A_138, %get3A_142 : vector<16xf32>
      %swap3A_144 = arith.index_cast %add3A_66 : i32 to index
      %swap3A_145 = tpu.vector_load %arg16[%swap3A_144] {strides = array<i32>} : memref<800xf32, #tpu.memory_space<vmem>>, vector<16xf32>,
      tpu.vector_store %arg16[%swap3A_144], %add3A_143 {strides = array<i32>} : memref<800xf32, #tpu.memory_space<vmem>>, vector<16xf32>,
    }
    %scan3A_51 = arith.constant 50 : i32
    "tpu.region"() ({
      %run_scoped3A = tpu.sem_alloc : memref<!tpu.dma_semaphore, #tpu.memory_space<semaphore_mem>>
      tpu.enqueue_dma source(%arg22 : memref<12800xf32, #tpu.memory_space<vmem_shared>>) target(%arg18 : memref<12800xf32, #tpu.memory_space<vmem>>) target_semaphore(%run_scoped3A : memref<!tpu.dma_semaphore, #tpu.memory_space<semaphore_mem>>)
      tpu.wait_dma2 semaphore(%run_scoped3A : memref<!tpu.dma_semaphore, #tpu.memory_space<semaphore_mem>>) src(%arg22 : memref<12800xf32, #tpu.memory_space<vmem_shared>>) dst(%arg18 : memref<12800xf32, #tpu.memory_space<vmem>>)
      tpu.yield
    }) : () -> ()
    %scan3A_52 = arith.constant 0 : i32
    %scan3A_53 = arith.constant 50 : i32
    %scan3A_54 = arith.addi %scan3A_52, %scan3A_53 : i32
    %scan3A_55 = arith.constant 1 : i32
    scf.for %scan3A_62 = %scan3A_52 to %scan3A_54 step %scan3A_55  : i32 {
      %mul3A_63 = arith.constant 16 : i32
      %mul3A_64 = arith.muli %scan3A_62, %mul3A_63 : i32
      %add3A_65 = arith.constant 0 : i32
      %add3A_66 = arith.addi %add3A_65, %mul3A_64 : i32
      %get3A_67 = arith.index_cast %add3A_66 : i32 to index
      %get3A_68 = tpu.vector_load %arg18[%get3A_67] {strides = array<i32>} : memref<12800xf32, #tpu.memory_space<vmem>>, vector<16xf32>,
      %add3A_69 = arith.constant 800 : i32
      %add3A_70 = arith.addi %add3A_69, %add3A_66 : i32
      %get3A_71 = arith.index_cast %add3A_70 : i32 to index
      %get3A_72 = tpu.vector_load %arg18[%get3A_71] {strides = array<i32>} : memref<12800xf32, #tpu.memory_space<vmem>>, vector<16xf32>,
      %add3A_73 = arith.addf %get3A_68, %get3A_72 : vector<16xf32>
      %add3A_74 = arith.constant 1600 : i32
      %add3A_75 = arith.addi %add3A_74, %add3A_66 : i32
      %get3A_76 = arith.index_cast %add3A_75 : i32 to index
      %get3A_77 = tpu.vector_load %arg18[%get3A_76] {strides = array<i32>} : memref<12800xf32, #tpu.memory_space<vmem>>, vector<16xf32>,
      %add3A_78 = arith.addf %add3A_73, %get3A_77 : vector<16xf32>
      %add3A_79 = arith.constant 2400 : i32
      %add3A_80 = arith.addi %add3A_79, %add3A_66 : i32
      %get3A_81 = arith.index_cast %add3A_80 : i32 to index
      %get3A_82 = tpu.vector_load %arg18[%get3A_81] {strides = array<i32>} : memref<12800xf32, #tpu.memory_space<vmem>>, vector<16xf32>,
      %add3A_83 = arith.addf %add3A_78, %get3A_82 : vector<16xf32>
      %add3A_84 = arith.constant 3200 : i32
      %add3A_85 = arith.addi %add3A_84, %add3A_66 : i32
      %get3A_86 = arith.index_cast %add3A_85 : i32 to index
      %get3A_87 = tpu.vector_load %arg18[%get3A_86] {strides = array<i32>} : memref<12800xf32, #tpu.memory_space<vmem>>, vector<16xf32>,
      %add3A_88 = arith.addf %add3A_83, %get3A_87 : vector<16xf32>
      %add3A_89 = arith.constant 4000 : i32
      %add3A_90 = arith.addi %add3A_89, %add3A_66 : i32
      %get3A_91 = arith.index_cast %add3A_90 : i32 to index
      %get3A_92 = tpu.vector_load %arg18[%get3A_91] {strides = array<i32>} : memref<12800xf32, #tpu.memory_space<vmem>>, vector<16xf32>,
      %add3A_93 = arith.addf %add3A_88, %get3A_92 : vector<16xf32>
      %add3A_94 = arith.constant 4800 : i32
      %add3A_95 = arith.addi %add3A_94, %add3A_66 : i32
      %get3A_96 = arith.index_cast %add3A_95 : i32 to index
      %get3A_97 = tpu.vector_load %arg18[%get3A_96] {strides = array<i32>} : memref<12800xf32, #tpu.memory_space<vmem>>, vector<16xf32>,
      %add3A_98 = arith.addf %add3A_93, %get3A_97 : vector<16xf32>
      %add3A_99 = arith.constant 5600 : i32
      %add3A_100 = arith.addi %add3A_99, %add3A_66 : i32
      %get3A_101 = arith.index_cast %add3A_100 : i32 to index
      %get3A_102 = tpu.vector_load %arg18[%get3A_101] {strides = array<i32>} : memref<12800xf32, #tpu.memory_space<vmem>>, vector<16xf32>,
      %add3A_103 = arith.addf %add3A_98, %get3A_102 : vector<16xf32>
      %add3A_104 = arith.constant 6400 : i32
      %add3A_105 = arith.addi %add3A_104, %add3A_66 : i32
      %get3A_106 = arith.index_cast %add3A_105 : i32 to index
      %get3A_107 = tpu.vector_load %arg18[%get3A_106] {strides = array<i32>} : memref<12800xf32, #tpu.memory_space<vmem>>, vector<16xf32>,
      %add3A_108 = arith.addf %add3A_103, %get3A_107 : vector<16xf32>
      %add3A_109 = arith.constant 7200 : i32
      %add3A_110 = arith.addi %add3A_109, %add3A_66 : i32
      %get3A_111 = arith.index_cast %add3A_110 : i32 to index
      %get3A_112 = tpu.vector_load %arg18[%get3A_111] {strides = array<i32>} : memref<12800xf32, #tpu.memory_space<vmem>>, vector<16xf32>,
      %add3A_113 = arith.addf %add3A_108, %get3A_112 : vector<16xf32>
      %add3A_114 = arith.constant 8000 : i32
      %add3A_115 = arith.addi %add3A_114, %add3A_66 : i32
      %get3A_116 = arith.index_cast %add3A_115 : i32 to index
      %get3A_117 = tpu.vector_load %arg18[%get3A_116] {strides = array<i32>} : memref<12800xf32, #tpu.memory_space<vmem>>, vector<16xf32>,
      %add3A_118 = arith.addf %add3A_113, %get3A_117 : vector<16xf32>
      %add3A_119 = arith.constant 8800 : i32
      %add3A_120 = arith.addi %add3A_119, %add3A_66 : i32
      %get3A_121 = arith.index_cast %add3A_120 : i32 to index
      %get3A_122 = tpu.vector_load %arg18[%get3A_121] {strides = array<i32>} : memref<12800xf32, #tpu.memory_space<vmem>>, vector<16xf32>,
      %add3A_123 = arith.addf %add3A_118, %get3A_122 : vector<16xf32>
      %add3A_124 = arith.constant 9600 : i32
      %add3A_125 = arith.addi %add3A_124, %add3A_66 : i32
      %get3A_126 = arith.index_cast %add3A_125 : i32 to index
      %get3A_127 = tpu.vector_load %arg18[%get3A_126] {strides = array<i32>} : memref<12800xf32, #tpu.memory_space<vmem>>, vector<16xf32>,
      %add3A_128 = arith.addf %add3A_123, %get3A_127 : vector<16xf32>
      %add3A_129 = arith.constant 10400 : i32
      %add3A_130 = arith.addi %add3A_129, %add3A_66 : i32
      %get3A_131 = arith.index_cast %add3A_130 : i32 to index
      %get3A_132 = tpu.vector_load %arg18[%get3A_131] {strides = array<i32>} : memref<12800xf32, #tpu.memory_space<vmem>>, vector<16xf32>,
      %add3A_133 = arith.addf %add3A_128, %get3A_132 : vector<16xf32>
      %add3A_134 = arith.constant 11200 : i32
      %add3A_135 = arith.addi %add3A_134, %add3A_66 : i32
      %get3A_136 = arith.index_cast %add3A_135 : i32 to index
      %get3A_137 = tpu.vector_load %arg18[%get3A_136] {strides = array<i32>} : memref<12800xf32, #tpu.memory_space<vmem>>, vector<16xf32>,
      %add3A_138 = arith.addf %add3A_133, %get3A_137 : vector<16xf32>
      %add3A_139 = arith.constant 12000 : i32
      %add3A_140 = arith.addi %add3A_139, %add3A_66 : i32
      %get3A_141 = arith.index_cast %add3A_140 : i32 to index
      %get3A_142 = tpu.vector_load %arg18[%get3A_141] {strides = array<i32>} : memref<12800xf32, #tpu.memory_space<vmem>>, vector<16xf32>,
      %add3A_143 = arith.addf %add3A_138, %get3A_142 : vector<16xf32>
      %swap3A_144 = arith.index_cast %add3A_66 : i32 to index
      %swap3A_145 = tpu.vector_load %arg17[%swap3A_144] {strides = array<i32>} : memref<800xf32, #tpu.memory_space<vmem>>, vector<16xf32>,
      tpu.vector_store %arg17[%swap3A_144], %add3A_143 {strides = array<i32>} : memref<800xf32, #tpu.memory_space<vmem>>, vector<16xf32>,
    }
    %scan3A_56 = arith.constant 50 : i32
    %scan3A_57 = arith.constant 0 : i32
    %scan3A_58 = arith.constant 50 : i32
    %scan3A_59 = arith.addi %scan3A_57, %scan3A_58 : i32
    %scan3A_60 = arith.constant 1 : i32
    scf.for %scan3A_62 = %scan3A_57 to %scan3A_59 step %scan3A_60  : i32 {
      %mul3A_63 = arith.constant 16 : i32
      %mul3A_64 = arith.muli %scan3A_62, %mul3A_63 : i32
      %add3A_65 = arith.constant 0 : i32
      %add3A_66 = arith.addi %add3A_65, %mul3A_64 : i32
      %jit3A = arith.constant 16 : i32
      %div3A = arith.divsi %add3A_66, %jit3A : i32
      %sign3A = arith.constant 0 : i32
      %sign3A_67 = arith.cmpi sgt, %add3A_66, %sign3A : i32
      %sign3A_68 = arith.extui %sign3A_67 : i1 to i32
      %sign3A_69 = arith.constant 0 : i32
      %sign3A_70 = arith.cmpi slt, %add3A_66, %sign3A_69 : i32
      %sign3A_71 = arith.extui %sign3A_70 : i1 to i32
      %sign3A_72 = arith.subi %sign3A_68, %sign3A_71 : i32
      %sign3A_73 = arith.constant 0 : i32
      %sign3A_74 = arith.cmpi sgt, %jit3A, %sign3A_73 : i32
      %sign3A_75 = arith.extui %sign3A_74 : i1 to i32
      %sign3A_76 = arith.constant 0 : i32
      %sign3A_77 = arith.cmpi slt, %jit3A, %sign3A_76 : i32
      %sign3A_78 = arith.extui %sign3A_77 : i1 to i32
      %sign3A_79 = arith.subi %sign3A_75, %sign3A_78 : i32
      %ne3A = arith.cmpi ne, %sign3A_72, %sign3A_79 : i32
      %rem3A = arith.remsi %add3A_66, %jit3A : i32
      %ne3A_80 = arith.constant 0 : i32
      %ne3A_81 = arith.cmpi ne, %rem3A, %ne3A_80 : i32
      %and3A = arith.andi %ne3A, %ne3A_81 : i1
      %sub3A = arith.constant 1 : i32
      %sub3A_82 = arith.subi %div3A, %sub3A : i32
      %select_n3A = arith.select %and3A, %sub3A_82, %div3A : i32
      %jit3A_83 = arith.constant 16 : i32
      %eq3A = arith.constant 0 : i32
      %eq3A_84 = arith.cmpi eq, %jit3A_83, %eq3A : i32
      %jit3A_85 = arith.constant 1 : i32
      %select_n3A_86 = arith.select %eq3A_84, %jit3A_85, %jit3A_83 : i32
      %rem3A_87 = arith.remsi %select_n3A, %select_n3A_86 : i32
      %ne3A_88 = arith.constant 0 : i32
      %ne3A_89 = arith.cmpi ne, %rem3A_87, %ne3A_88 : i32
      %lt3A = arith.constant 0 : i32
      %lt3A_90 = arith.cmpi slt, %rem3A_87, %lt3A : i32
      %lt3A_91 = arith.constant 0 : i32
      %lt3A_92 = arith.cmpi slt, %select_n3A_86, %lt3A_91 : i32
      %ne3A_93 = arith.xori %lt3A_90, %lt3A_92 : i1
      %and3A_94 = arith.andi %ne3A_93, %ne3A_89 : i1
      %add3A_95 = arith.addi %rem3A_87, %select_n3A_86 : i32
      %select_n3A_96 = arith.select %and3A_94, %add3A_95, %rem3A_87 : i32
      %eq3A_97 = arith.cmpi eq, %select_n3A_96, %arg1 : i32
      %convert_element_type3A = arith.extui %eq3A_97 : i1 to i32
      %cond3A = arith.constant 0 : i32
      %cond3A_98 = arith.cmpi ne, %convert_element_type3A, %cond3A : i32
      scf.if %cond3A_98 {
        %get3A_99 = arith.index_cast %add3A_66 : i32 to index
        %get3A_100 = tpu.vector_load %arg16[%get3A_99] {strides = array<i32>} : memref<800xf32, #tpu.memory_space<vmem>>, vector<16xf32>,
        %get3A_101 = arith.index_cast %add3A_66 : i32 to index
        %get3A_102 = tpu.vector_load %arg17[%get3A_101] {strides = array<i32>} : memref<800xf32, #tpu.memory_space<vmem>>, vector<16xf32>,
        %add3A_103 = arith.constant 1.000000e-16 : f32
        %add3A_104 = vector.broadcast %add3A_103 : f32 to vector<16xf32>
        %add3A_105 = arith.addf %get3A_100, %add3A_104 : vector<16xf32>
        %div3A_106 = arith.divf %get3A_102, %add3A_105 : vector<16xf32>
        %get3A_107 = arith.constant 0 : index
        %get3A_108 = tpu.vector_load %arg20[%get3A_107] {strides = array<i32>} : memref<16xf32, #tpu.memory_space<vmem>>, vector<16xf32>,
        %add3A_109 = arith.addf %div3A_106, %get3A_108 : vector<16xf32>
        %mul3A_110 = arith.constant 2.000000e+00 : f32
        %mul3A_111 = vector.broadcast %mul3A_110 : f32 to vector<16xf32>
        %mul3A_112 = arith.mulf %mul3A_111, %add3A_109 : vector<16xf32>
        %exp3A = math.exp %mul3A_112 : vector<16xf32>
        %add3A_113 = arith.constant 1.000000e+00 : f32
        %add3A_114 = vector.broadcast %add3A_113 : f32 to vector<16xf32>
        %add3A_115 = arith.addf %exp3A, %add3A_114 : vector<16xf32>
        %div3A_116 = arith.constant 2.000000e+00 : f32
        %div3A_117 = vector.broadcast %div3A_116 : f32 to vector<16xf32>
        %div3A_118 = arith.divf %div3A_117, %add3A_115 : vector<16xf32>
        %sub3A_119 = arith.constant 1.000000e+00 : f32
        %sub3A_120 = vector.broadcast %sub3A_119 : f32 to vector<16xf32>
        %sub3A_121 = arith.subf %sub3A_120, %div3A_118 : vector<16xf32>
        %swap3A_122 = arith.constant 0 : index
        %swap3A_123 = tpu.vector_load %arg19[%swap3A_122] {strides = array<i32>} : memref<16xf32, #tpu.memory_space<vmem>>, vector<16xf32>,
        tpu.vector_store %arg19[%swap3A_122], %sub3A_121 {strides = array<i32>} : memref<16xf32, #tpu.memory_space<vmem>>, vector<16xf32>,
        %add3A_124 = arith.addi %mul3A_0, %add3A_66 : i32
        "tpu.region"() ({
          %run_scoped3A = tpu.sem_alloc : memref<!tpu.dma_semaphore, #tpu.memory_space<semaphore_mem>>
          %dma_start3A = tpu.memref_slice %arg8[%add3A_124] : memref<1600xf32, #tpu.memory_space<hbm>> -> memref<16xf32, #tpu.memory_space<hbm>>
          %dma_start3A_125 = tpu.memref_slice %arg8[%add3A_124] : memref<1600xf32, #tpu.memory_space<hbm>> -> memref<16xf32, #tpu.memory_space<hbm>>
          tpu.enqueue_dma source(%arg19 : memref<16xf32, #tpu.memory_space<vmem>>) target(%dma_start3A_125 : memref<16xf32, #tpu.memory_space<hbm>>) target_semaphore(%run_scoped3A : memref<!tpu.dma_semaphore, #tpu.memory_space<semaphore_mem>>)
          %dma_wait3A = tpu.memref_slice %arg8[%add3A_124] : memref<1600xf32, #tpu.memory_space<hbm>> -> memref<16xf32, #tpu.memory_space<hbm>>
          %dma_wait3A_126 = tpu.memref_slice %arg8[%add3A_124] : memref<1600xf32, #tpu.memory_space<hbm>> -> memref<16xf32, #tpu.memory_space<hbm>>
          tpu.wait_dma2 semaphore(%run_scoped3A : memref<!tpu.dma_semaphore, #tpu.memory_space<semaphore_mem>>) src(%arg19 : memref<16xf32, #tpu.memory_space<vmem>>) dst(%dma_wait3A_126 : memref<16xf32, #tpu.memory_space<hbm>>)
          tpu.yield
        }) : () -> ()
      } else {
      }
    }
    %scan3A_61 = arith.constant 50 : i32
    return
  }
}

module attributes {stable_mosaic.version = 14 : i64} {
  func.func @_tc_body(%arg0: i32, %arg1: memref<4x100x25xf32, #tpu.memory_space<vmem>>, %arg2: memref<50x25xf32, #tpu.memory_space<vmem>>, %arg3: memref<50x25xf32, #tpu.memory_space<vmem>>, %arg4: memref<50xf32, #tpu.memory_space<vmem>>, %arg5: memref<50xf32, #tpu.memory_space<smem>>, %arg6: memref<100x100xf32, #tpu.memory_space<vmem>>, %arg7: memref<100x100xf32, #tpu.memory_space<vmem>>, %arg8: memref<100x3xf32, #tpu.memory_space<vmem>>, %arg9: memref<100xf32, #tpu.memory_space<vmem>>, %arg10: memref<100xf32, #tpu.memory_space<vmem>>, %arg11: memref<1xf32, #tpu.memory_space<smem>>, %arg12: memref<4x1x25xf32, #tpu.memory_space<vmem>>, %arg13: memref<4x1x25xf32, #tpu.memory_space<vmem>>, %arg14: memref<4x1x25xf32, #tpu.memory_space<vmem>>, %arg15: memref<16xf32, #tpu.memory_space<vmem>>) attributes {dimension_semantics = [#tpu.dimension_semantics<parallel>], iteration_bounds = array<i64: 16>, scalar_prefetch = 0 : i64, scratch_operands = 0 : i64, tpu.core_type = #tpu.core_type<tc>, window_params = [{transform_indices = @transform_0, window_bounds = array<i64: 4, 100, 25>}, {pipeline_mode = #tpu.pipeline_mode<synchronous>, transform_indices = @transform_1, window_bounds = array<i64: 50, 25>}, {pipeline_mode = #tpu.pipeline_mode<synchronous>, transform_indices = @transform_2, window_bounds = array<i64: 50, 25>}, {pipeline_mode = #tpu.pipeline_mode<synchronous>, transform_indices = @transform_3, window_bounds = array<i64: 50>}, {transform_indices = @transform_4, window_bounds = array<i64: 50>}, {pipeline_mode = #tpu.pipeline_mode<synchronous>, transform_indices = @transform_5, window_bounds = array<i64: 100, 100>}, {pipeline_mode = #tpu.pipeline_mode<synchronous>, transform_indices = @transform_6, window_bounds = array<i64: 100, 100>}, {pipeline_mode = #tpu.pipeline_mode<synchronous>, transform_indices = @transform_7, window_bounds = array<i64: 100, 3>}, {pipeline_mode = #tpu.pipeline_mode<synchronous>, transform_indices = @transform_8, window_bounds = array<i64: 100>}, {pipeline_mode = #tpu.pipeline_mode<synchronous>, transform_indices = @transform_9, window_bounds = array<i64: 100>}, {transform_indices = @transform_10, window_bounds = array<i64: 1>}, {transform_indices = @transform_11, window_bounds = array<i64: 4, 1, 25>}, {transform_indices = @transform_12, window_bounds = array<i64: 4, 1, 25>}, {transform_indices = @transform_13, window_bounds = array<i64: 4, 1, 25>}, {pipeline_mode = #tpu.pipeline_mode<synchronous>, transform_indices = @transform_14, window_bounds = array<i64: 16>}]} {
    %get3A = arith.constant 0 : index
    %get3A_0 = arith.constant 0 : index
    %get3A_1 = vector.load %arg2[%get3A, %get3A_0] : memref<50x25xf32, #tpu.memory_space<vmem>>, vector<50x25xf32>
    %convert_element_type3A = arith.truncf %get3A_1 : vector<50x25xf32> to vector<50x25xbf16>
    %get3A_2 = arith.constant 0 : index
    %get3A_3 = arith.constant 0 : index
    %get3A_4 = vector.load %arg3[%get3A_2, %get3A_3] : memref<50x25xf32, #tpu.memory_space<vmem>>, vector<50x25xf32>
    %convert_element_type3A_5 = arith.truncf %get3A_4 : vector<50x25xf32> to vector<50x25xbf16>
    %get3A_6 = arith.constant 0 : index
    %get3A_7 = arith.constant 0 : index
    %get3A_8 = vector.load %arg7[%get3A_6, %get3A_7] : memref<100x100xf32, #tpu.memory_space<vmem>>, vector<100x100xf32>
    %convert_element_type3A_9 = arith.truncf %get3A_8 : vector<100x100xf32> to vector<100x100xbf16>
    %get3A_10 = arith.constant 0 : index
    %get3A_11 = arith.constant 0 : index
    %get3A_12 = vector.load %arg8[%get3A_10, %get3A_11] : memref<100x3xf32, #tpu.memory_space<vmem>>, vector<100x3xf32>
    %convert_element_type3A_13 = arith.truncf %get3A_12 : vector<100x3xf32> to vector<100x3xbf16>
    %get3A_14 = arith.constant 0 : index
    %get3A_15 = arith.constant 0 : index
    %get3A_16 = arith.constant 0 : index
    %get3A_17 = vector.load %arg1[%get3A_14, %get3A_15, %get3A_16] : memref<4x100x25xf32, #tpu.memory_space<vmem>>, vector<1x100x25xf32>
    %get3A_18 = vector.shape_cast %get3A_17 : vector<1x100x25xf32> to vector<100x25xf32>
    %convert_element_type3A_19 = arith.truncf %get3A_18 : vector<100x25xf32> to vector<100x25xbf16>
    %dot_general3A = arith.constant dense<0.000000e+00> : vector<100x50xf32>
    %dot_general3A_20 = tpu.matmul %convert_element_type3A_19, %convert_element_type3A, %dot_general3A {dimension_numbers = #tpu.dot_dimension_numbers<[1], [1], [0], [0], [0, 0, 1, 0], [], []>, transpose_lhs_hint = false} : vector<100x25xbf16>, vector<50x25xbf16>, vector<100x50xf32> -> vector<100x50xf32>
    %get3A_21 = arith.constant 0 : index
    %get3A_22 = vector.load %arg4[%get3A_21] : memref<50xf32, #tpu.memory_space<vmem>>, vector<50xf32>
    %broadcast_in_dim3A = vector.shape_cast %get3A_22 : vector<50xf32> to vector<1x50xf32>
    %add3A = vector.broadcast %broadcast_in_dim3A : vector<1x50xf32> to vector<100x50xf32>
    %add3A_23 = arith.addf %dot_general3A_20, %add3A : vector<100x50xf32>
    %dot_general3A_24 = arith.constant dense<0.000000e+00> : vector<50x100xf32>
    %dot_general3A_25 = tpu.matmul %convert_element_type3A_5, %convert_element_type3A_19, %dot_general3A_24 {dimension_numbers = #tpu.dot_dimension_numbers<[1], [1], [0], [0], [0, 0, 1, 0], [], []>, transpose_lhs_hint = false} : vector<50x25xbf16>, vector<100x25xbf16>, vector<50x100xf32> -> vector<50x100xf32>
    %get3A_26 = arith.constant 0 : index
    %get3A_27 = arith.constant 0 : index
    %get3A_28 = vector.load %arg6[%get3A_26, %get3A_27] : memref<100x100xf32, #tpu.memory_space<vmem>>, vector<100x100xf32>
    %slice3A = vector.extract_strided_slice %add3A_23 {offsets = [0, 0], sizes = [100, 1], strides = [1, 1]} : vector<100x50xf32> to vector<100x1xf32>
    %slice3A_29 = vector.extract_strided_slice %dot_general3A_25 {offsets = [0, 0], sizes = [1, 100], strides = [1, 1]} : vector<50x100xf32> to vector<1x100xf32>
    %add3A_30 = vector.broadcast %slice3A : vector<100x1xf32> to vector<100x100xf32>
    %add3A_31 = vector.broadcast %slice3A_29 : vector<1x100xf32> to vector<100x100xf32>
    %add3A_32 = arith.addf %add3A_30, %add3A_31 : vector<100x100xf32>
    %mul3A = arith.constant 2.000000e-01 : f32
    %mul3A_33 = vector.broadcast %mul3A : f32 to vector<100x100xf32>
    %mul3A_34 = arith.mulf %mul3A_33, %add3A_32 : vector<100x100xf32>
    %max3A = arith.maximumf %add3A_32, %mul3A_34 : vector<100x100xf32>
    %convert_element_type3A_35 = arith.truncf %max3A : vector<100x100xf32> to vector<100x100xbf16>
    %convert_element_type3A_36 = arith.extf %convert_element_type3A_35 : vector<100x100xbf16> to vector<100x100xf32>
    %get3A_37 = arith.constant 0 : index
    %get3A_38 = memref.load %arg5[%get3A_37] : memref<50xf32, #tpu.memory_space<smem>>
    %mul3A_39 = vector.broadcast %get3A_38 : f32 to vector<100x100xf32>
    %mul3A_40 = arith.mulf %mul3A_39, %convert_element_type3A_36 : vector<100x100xf32>
    %add3A_41 = arith.addf %get3A_28, %mul3A_40 : vector<100x100xf32>
    %slice3A_42 = vector.extract_strided_slice %add3A_23 {offsets = [0, 1], sizes = [100, 1], strides = [1, 1]} : vector<100x50xf32> to vector<100x1xf32>
    %slice3A_43 = vector.extract_strided_slice %dot_general3A_25 {offsets = [1, 0], sizes = [1, 100], strides = [1, 1]} : vector<50x100xf32> to vector<1x100xf32>
    %add3A_44 = vector.broadcast %slice3A_42 : vector<100x1xf32> to vector<100x100xf32>
    %add3A_45 = vector.broadcast %slice3A_43 : vector<1x100xf32> to vector<100x100xf32>
    %add3A_46 = arith.addf %add3A_44, %add3A_45 : vector<100x100xf32>
    %mul3A_47 = arith.constant 2.000000e-01 : f32
    %mul3A_48 = vector.broadcast %mul3A_47 : f32 to vector<100x100xf32>
    %mul3A_49 = arith.mulf %mul3A_48, %add3A_46 : vector<100x100xf32>
    %max3A_50 = arith.maximumf %add3A_46, %mul3A_49 : vector<100x100xf32>
    %convert_element_type3A_51 = arith.truncf %max3A_50 : vector<100x100xf32> to vector<100x100xbf16>
    %convert_element_type3A_52 = arith.extf %convert_element_type3A_51 : vector<100x100xbf16> to vector<100x100xf32>
    %get3A_53 = arith.constant 1 : index
    %get3A_54 = memref.load %arg5[%get3A_53] : memref<50xf32, #tpu.memory_space<smem>>
    %mul3A_55 = vector.broadcast %get3A_54 : f32 to vector<100x100xf32>
    %mul3A_56 = arith.mulf %mul3A_55, %convert_element_type3A_52 : vector<100x100xf32>
    %add3A_57 = arith.addf %add3A_41, %mul3A_56 : vector<100x100xf32>
    %slice3A_58 = vector.extract_strided_slice %add3A_23 {offsets = [0, 2], sizes = [100, 1], strides = [1, 1]} : vector<100x50xf32> to vector<100x1xf32>
    %slice3A_59 = vector.extract_strided_slice %dot_general3A_25 {offsets = [2, 0], sizes = [1, 100], strides = [1, 1]} : vector<50x100xf32> to vector<1x100xf32>
    %add3A_60 = vector.broadcast %slice3A_58 : vector<100x1xf32> to vector<100x100xf32>
    %add3A_61 = vector.broadcast %slice3A_59 : vector<1x100xf32> to vector<100x100xf32>
    %add3A_62 = arith.addf %add3A_60, %add3A_61 : vector<100x100xf32>
    %mul3A_63 = arith.constant 2.000000e-01 : f32
    %mul3A_64 = vector.broadcast %mul3A_63 : f32 to vector<100x100xf32>
    %mul3A_65 = arith.mulf %mul3A_64, %add3A_62 : vector<100x100xf32>
    %max3A_66 = arith.maximumf %add3A_62, %mul3A_65 : vector<100x100xf32>
    %convert_element_type3A_67 = arith.truncf %max3A_66 : vector<100x100xf32> to vector<100x100xbf16>
    %convert_element_type3A_68 = arith.extf %convert_element_type3A_67 : vector<100x100xbf16> to vector<100x100xf32>
    %get3A_69 = arith.constant 2 : index
    %get3A_70 = memref.load %arg5[%get3A_69] : memref<50xf32, #tpu.memory_space<smem>>
    %mul3A_71 = vector.broadcast %get3A_70 : f32 to vector<100x100xf32>
    %mul3A_72 = arith.mulf %mul3A_71, %convert_element_type3A_68 : vector<100x100xf32>
    %add3A_73 = arith.addf %add3A_57, %mul3A_72 : vector<100x100xf32>
    %slice3A_74 = vector.extract_strided_slice %add3A_23 {offsets = [0, 3], sizes = [100, 1], strides = [1, 1]} : vector<100x50xf32> to vector<100x1xf32>
    %slice3A_75 = vector.extract_strided_slice %dot_general3A_25 {offsets = [3, 0], sizes = [1, 100], strides = [1, 1]} : vector<50x100xf32> to vector<1x100xf32>
    %add3A_76 = vector.broadcast %slice3A_74 : vector<100x1xf32> to vector<100x100xf32>
    %add3A_77 = vector.broadcast %slice3A_75 : vector<1x100xf32> to vector<100x100xf32>
    %add3A_78 = arith.addf %add3A_76, %add3A_77 : vector<100x100xf32>
    %mul3A_79 = arith.constant 2.000000e-01 : f32
    %mul3A_80 = vector.broadcast %mul3A_79 : f32 to vector<100x100xf32>
    %mul3A_81 = arith.mulf %mul3A_80, %add3A_78 : vector<100x100xf32>
    %max3A_82 = arith.maximumf %add3A_78, %mul3A_81 : vector<100x100xf32>
    %convert_element_type3A_83 = arith.truncf %max3A_82 : vector<100x100xf32> to vector<100x100xbf16>
    %convert_element_type3A_84 = arith.extf %convert_element_type3A_83 : vector<100x100xbf16> to vector<100x100xf32>
    %get3A_85 = arith.constant 3 : index
    %get3A_86 = memref.load %arg5[%get3A_85] : memref<50xf32, #tpu.memory_space<smem>>
    %mul3A_87 = vector.broadcast %get3A_86 : f32 to vector<100x100xf32>
    %mul3A_88 = arith.mulf %mul3A_87, %convert_element_type3A_84 : vector<100x100xf32>
    %add3A_89 = arith.addf %add3A_73, %mul3A_88 : vector<100x100xf32>
    %slice3A_90 = vector.extract_strided_slice %add3A_23 {offsets = [0, 4], sizes = [100, 1], strides = [1, 1]} : vector<100x50xf32> to vector<100x1xf32>
    %slice3A_91 = vector.extract_strided_slice %dot_general3A_25 {offsets = [4, 0], sizes = [1, 100], strides = [1, 1]} : vector<50x100xf32> to vector<1x100xf32>
    %add3A_92 = vector.broadcast %slice3A_90 : vector<100x1xf32> to vector<100x100xf32>
    %add3A_93 = vector.broadcast %slice3A_91 : vector<1x100xf32> to vector<100x100xf32>
    %add3A_94 = arith.addf %add3A_92, %add3A_93 : vector<100x100xf32>
    %mul3A_95 = arith.constant 2.000000e-01 : f32
    %mul3A_96 = vector.broadcast %mul3A_95 : f32 to vector<100x100xf32>
    %mul3A_97 = arith.mulf %mul3A_96, %add3A_94 : vector<100x100xf32>
    %max3A_98 = arith.maximumf %add3A_94, %mul3A_97 : vector<100x100xf32>
    %convert_element_type3A_99 = arith.truncf %max3A_98 : vector<100x100xf32> to vector<100x100xbf16>
    %convert_element_type3A_100 = arith.extf %convert_element_type3A_99 : vector<100x100xbf16> to vector<100x100xf32>
    %get3A_101 = arith.constant 4 : index
    %get3A_102 = memref.load %arg5[%get3A_101] : memref<50xf32, #tpu.memory_space<smem>>
    %mul3A_103 = vector.broadcast %get3A_102 : f32 to vector<100x100xf32>
    %mul3A_104 = arith.mulf %mul3A_103, %convert_element_type3A_100 : vector<100x100xf32>
    %add3A_105 = arith.addf %add3A_89, %mul3A_104 : vector<100x100xf32>
    %slice3A_106 = vector.extract_strided_slice %add3A_23 {offsets = [0, 5], sizes = [100, 1], strides = [1, 1]} : vector<100x50xf32> to vector<100x1xf32>
    %slice3A_107 = vector.extract_strided_slice %dot_general3A_25 {offsets = [5, 0], sizes = [1, 100], strides = [1, 1]} : vector<50x100xf32> to vector<1x100xf32>
    %add3A_108 = vector.broadcast %slice3A_106 : vector<100x1xf32> to vector<100x100xf32>
    %add3A_109 = vector.broadcast %slice3A_107 : vector<1x100xf32> to vector<100x100xf32>
    %add3A_110 = arith.addf %add3A_108, %add3A_109 : vector<100x100xf32>
    %mul3A_111 = arith.constant 2.000000e-01 : f32
    %mul3A_112 = vector.broadcast %mul3A_111 : f32 to vector<100x100xf32>
    %mul3A_113 = arith.mulf %mul3A_112, %add3A_110 : vector<100x100xf32>
    %max3A_114 = arith.maximumf %add3A_110, %mul3A_113 : vector<100x100xf32>
    %convert_element_type3A_115 = arith.truncf %max3A_114 : vector<100x100xf32> to vector<100x100xbf16>
    %convert_element_type3A_116 = arith.extf %convert_element_type3A_115 : vector<100x100xbf16> to vector<100x100xf32>
    %get3A_117 = arith.constant 5 : index
    %get3A_118 = memref.load %arg5[%get3A_117] : memref<50xf32, #tpu.memory_space<smem>>
    %mul3A_119 = vector.broadcast %get3A_118 : f32 to vector<100x100xf32>
    %mul3A_120 = arith.mulf %mul3A_119, %convert_element_type3A_116 : vector<100x100xf32>
    %add3A_121 = arith.addf %add3A_105, %mul3A_120 : vector<100x100xf32>
    %slice3A_122 = vector.extract_strided_slice %add3A_23 {offsets = [0, 6], sizes = [100, 1], strides = [1, 1]} : vector<100x50xf32> to vector<100x1xf32>
    %slice3A_123 = vector.extract_strided_slice %dot_general3A_25 {offsets = [6, 0], sizes = [1, 100], strides = [1, 1]} : vector<50x100xf32> to vector<1x100xf32>
    %add3A_124 = vector.broadcast %slice3A_122 : vector<100x1xf32> to vector<100x100xf32>
    %add3A_125 = vector.broadcast %slice3A_123 : vector<1x100xf32> to vector<100x100xf32>
    %add3A_126 = arith.addf %add3A_124, %add3A_125 : vector<100x100xf32>
    %mul3A_127 = arith.constant 2.000000e-01 : f32
    %mul3A_128 = vector.broadcast %mul3A_127 : f32 to vector<100x100xf32>
    %mul3A_129 = arith.mulf %mul3A_128, %add3A_126 : vector<100x100xf32>
    %max3A_130 = arith.maximumf %add3A_126, %mul3A_129 : vector<100x100xf32>
    %convert_element_type3A_131 = arith.truncf %max3A_130 : vector<100x100xf32> to vector<100x100xbf16>
    %convert_element_type3A_132 = arith.extf %convert_element_type3A_131 : vector<100x100xbf16> to vector<100x100xf32>
    %get3A_133 = arith.constant 6 : index
    %get3A_134 = memref.load %arg5[%get3A_133] : memref<50xf32, #tpu.memory_space<smem>>
    %mul3A_135 = vector.broadcast %get3A_134 : f32 to vector<100x100xf32>
    %mul3A_136 = arith.mulf %mul3A_135, %convert_element_type3A_132 : vector<100x100xf32>
    %add3A_137 = arith.addf %add3A_121, %mul3A_136 : vector<100x100xf32>
    %slice3A_138 = vector.extract_strided_slice %add3A_23 {offsets = [0, 7], sizes = [100, 1], strides = [1, 1]} : vector<100x50xf32> to vector<100x1xf32>
    %slice3A_139 = vector.extract_strided_slice %dot_general3A_25 {offsets = [7, 0], sizes = [1, 100], strides = [1, 1]} : vector<50x100xf32> to vector<1x100xf32>
    %add3A_140 = vector.broadcast %slice3A_138 : vector<100x1xf32> to vector<100x100xf32>
    %add3A_141 = vector.broadcast %slice3A_139 : vector<1x100xf32> to vector<100x100xf32>
    %add3A_142 = arith.addf %add3A_140, %add3A_141 : vector<100x100xf32>
    %mul3A_143 = arith.constant 2.000000e-01 : f32
    %mul3A_144 = vector.broadcast %mul3A_143 : f32 to vector<100x100xf32>
    %mul3A_145 = arith.mulf %mul3A_144, %add3A_142 : vector<100x100xf32>
    %max3A_146 = arith.maximumf %add3A_142, %mul3A_145 : vector<100x100xf32>
    %convert_element_type3A_147 = arith.truncf %max3A_146 : vector<100x100xf32> to vector<100x100xbf16>
    %convert_element_type3A_148 = arith.extf %convert_element_type3A_147 : vector<100x100xbf16> to vector<100x100xf32>
    %get3A_149 = arith.constant 7 : index
    %get3A_150 = memref.load %arg5[%get3A_149] : memref<50xf32, #tpu.memory_space<smem>>
    %mul3A_151 = vector.broadcast %get3A_150 : f32 to vector<100x100xf32>
    %mul3A_152 = arith.mulf %mul3A_151, %convert_element_type3A_148 : vector<100x100xf32>
    %add3A_153 = arith.addf %add3A_137, %mul3A_152 : vector<100x100xf32>
    %slice3A_154 = vector.extract_strided_slice %add3A_23 {offsets = [0, 8], sizes = [100, 1], strides = [1, 1]} : vector<100x50xf32> to vector<100x1xf32>
    %slice3A_155 = vector.extract_strided_slice %dot_general3A_25 {offsets = [8, 0], sizes = [1, 100], strides = [1, 1]} : vector<50x100xf32> to vector<1x100xf32>
    %add3A_156 = vector.broadcast %slice3A_154 : vector<100x1xf32> to vector<100x100xf32>
    %add3A_157 = vector.broadcast %slice3A_155 : vector<1x100xf32> to vector<100x100xf32>
    %add3A_158 = arith.addf %add3A_156, %add3A_157 : vector<100x100xf32>
    %mul3A_159 = arith.constant 2.000000e-01 : f32
    %mul3A_160 = vector.broadcast %mul3A_159 : f32 to vector<100x100xf32>
    %mul3A_161 = arith.mulf %mul3A_160, %add3A_158 : vector<100x100xf32>
    %max3A_162 = arith.maximumf %add3A_158, %mul3A_161 : vector<100x100xf32>
    %convert_element_type3A_163 = arith.truncf %max3A_162 : vector<100x100xf32> to vector<100x100xbf16>
    %convert_element_type3A_164 = arith.extf %convert_element_type3A_163 : vector<100x100xbf16> to vector<100x100xf32>
    %get3A_165 = arith.constant 8 : index
    %get3A_166 = memref.load %arg5[%get3A_165] : memref<50xf32, #tpu.memory_space<smem>>
    %mul3A_167 = vector.broadcast %get3A_166 : f32 to vector<100x100xf32>
    %mul3A_168 = arith.mulf %mul3A_167, %convert_element_type3A_164 : vector<100x100xf32>
    %add3A_169 = arith.addf %add3A_153, %mul3A_168 : vector<100x100xf32>
    %slice3A_170 = vector.extract_strided_slice %add3A_23 {offsets = [0, 9], sizes = [100, 1], strides = [1, 1]} : vector<100x50xf32> to vector<100x1xf32>
    %slice3A_171 = vector.extract_strided_slice %dot_general3A_25 {offsets = [9, 0], sizes = [1, 100], strides = [1, 1]} : vector<50x100xf32> to vector<1x100xf32>
    %add3A_172 = vector.broadcast %slice3A_170 : vector<100x1xf32> to vector<100x100xf32>
    %add3A_173 = vector.broadcast %slice3A_171 : vector<1x100xf32> to vector<100x100xf32>
    %add3A_174 = arith.addf %add3A_172, %add3A_173 : vector<100x100xf32>
    %mul3A_175 = arith.constant 2.000000e-01 : f32
    %mul3A_176 = vector.broadcast %mul3A_175 : f32 to vector<100x100xf32>
    %mul3A_177 = arith.mulf %mul3A_176, %add3A_174 : vector<100x100xf32>
    %max3A_178 = arith.maximumf %add3A_174, %mul3A_177 : vector<100x100xf32>
    %convert_element_type3A_179 = arith.truncf %max3A_178 : vector<100x100xf32> to vector<100x100xbf16>
    %convert_element_type3A_180 = arith.extf %convert_element_type3A_179 : vector<100x100xbf16> to vector<100x100xf32>
    %get3A_181 = arith.constant 9 : index
    %get3A_182 = memref.load %arg5[%get3A_181] : memref<50xf32, #tpu.memory_space<smem>>
    %mul3A_183 = vector.broadcast %get3A_182 : f32 to vector<100x100xf32>
    %mul3A_184 = arith.mulf %mul3A_183, %convert_element_type3A_180 : vector<100x100xf32>
    %add3A_185 = arith.addf %add3A_169, %mul3A_184 : vector<100x100xf32>
    %slice3A_186 = vector.extract_strided_slice %add3A_23 {offsets = [0, 10], sizes = [100, 1], strides = [1, 1]} : vector<100x50xf32> to vector<100x1xf32>
    %slice3A_187 = vector.extract_strided_slice %dot_general3A_25 {offsets = [10, 0], sizes = [1, 100], strides = [1, 1]} : vector<50x100xf32> to vector<1x100xf32>
    %add3A_188 = vector.broadcast %slice3A_186 : vector<100x1xf32> to vector<100x100xf32>
    %add3A_189 = vector.broadcast %slice3A_187 : vector<1x100xf32> to vector<100x100xf32>
    %add3A_190 = arith.addf %add3A_188, %add3A_189 : vector<100x100xf32>
    %mul3A_191 = arith.constant 2.000000e-01 : f32
    %mul3A_192 = vector.broadcast %mul3A_191 : f32 to vector<100x100xf32>
    %mul3A_193 = arith.mulf %mul3A_192, %add3A_190 : vector<100x100xf32>
    %max3A_194 = arith.maximumf %add3A_190, %mul3A_193 : vector<100x100xf32>
    %convert_element_type3A_195 = arith.truncf %max3A_194 : vector<100x100xf32> to vector<100x100xbf16>
    %convert_element_type3A_196 = arith.extf %convert_element_type3A_195 : vector<100x100xbf16> to vector<100x100xf32>
    %get3A_197 = arith.constant 10 : index
    %get3A_198 = memref.load %arg5[%get3A_197] : memref<50xf32, #tpu.memory_space<smem>>
    %mul3A_199 = vector.broadcast %get3A_198 : f32 to vector<100x100xf32>
    %mul3A_200 = arith.mulf %mul3A_199, %convert_element_type3A_196 : vector<100x100xf32>
    %add3A_201 = arith.addf %add3A_185, %mul3A_200 : vector<100x100xf32>
    %slice3A_202 = vector.extract_strided_slice %add3A_23 {offsets = [0, 11], sizes = [100, 1], strides = [1, 1]} : vector<100x50xf32> to vector<100x1xf32>
    %slice3A_203 = vector.extract_strided_slice %dot_general3A_25 {offsets = [11, 0], sizes = [1, 100], strides = [1, 1]} : vector<50x100xf32> to vector<1x100xf32>
    %add3A_204 = vector.broadcast %slice3A_202 : vector<100x1xf32> to vector<100x100xf32>
    %add3A_205 = vector.broadcast %slice3A_203 : vector<1x100xf32> to vector<100x100xf32>
    %add3A_206 = arith.addf %add3A_204, %add3A_205 : vector<100x100xf32>
    %mul3A_207 = arith.constant 2.000000e-01 : f32
    %mul3A_208 = vector.broadcast %mul3A_207 : f32 to vector<100x100xf32>
    %mul3A_209 = arith.mulf %mul3A_208, %add3A_206 : vector<100x100xf32>
    %max3A_210 = arith.maximumf %add3A_206, %mul3A_209 : vector<100x100xf32>
    %convert_element_type3A_211 = arith.truncf %max3A_210 : vector<100x100xf32> to vector<100x100xbf16>
    %convert_element_type3A_212 = arith.extf %convert_element_type3A_211 : vector<100x100xbf16> to vector<100x100xf32>
    %get3A_213 = arith.constant 11 : index
    %get3A_214 = memref.load %arg5[%get3A_213] : memref<50xf32, #tpu.memory_space<smem>>
    %mul3A_215 = vector.broadcast %get3A_214 : f32 to vector<100x100xf32>
    %mul3A_216 = arith.mulf %mul3A_215, %convert_element_type3A_212 : vector<100x100xf32>
    %add3A_217 = arith.addf %add3A_201, %mul3A_216 : vector<100x100xf32>
    %slice3A_218 = vector.extract_strided_slice %add3A_23 {offsets = [0, 12], sizes = [100, 1], strides = [1, 1]} : vector<100x50xf32> to vector<100x1xf32>
    %slice3A_219 = vector.extract_strided_slice %dot_general3A_25 {offsets = [12, 0], sizes = [1, 100], strides = [1, 1]} : vector<50x100xf32> to vector<1x100xf32>
    %add3A_220 = vector.broadcast %slice3A_218 : vector<100x1xf32> to vector<100x100xf32>
    %add3A_221 = vector.broadcast %slice3A_219 : vector<1x100xf32> to vector<100x100xf32>
    %add3A_222 = arith.addf %add3A_220, %add3A_221 : vector<100x100xf32>
    %mul3A_223 = arith.constant 2.000000e-01 : f32
    %mul3A_224 = vector.broadcast %mul3A_223 : f32 to vector<100x100xf32>
    %mul3A_225 = arith.mulf %mul3A_224, %add3A_222 : vector<100x100xf32>
    %max3A_226 = arith.maximumf %add3A_222, %mul3A_225 : vector<100x100xf32>
    %convert_element_type3A_227 = arith.truncf %max3A_226 : vector<100x100xf32> to vector<100x100xbf16>
    %convert_element_type3A_228 = arith.extf %convert_element_type3A_227 : vector<100x100xbf16> to vector<100x100xf32>
    %get3A_229 = arith.constant 12 : index
    %get3A_230 = memref.load %arg5[%get3A_229] : memref<50xf32, #tpu.memory_space<smem>>
    %mul3A_231 = vector.broadcast %get3A_230 : f32 to vector<100x100xf32>
    %mul3A_232 = arith.mulf %mul3A_231, %convert_element_type3A_228 : vector<100x100xf32>
    %add3A_233 = arith.addf %add3A_217, %mul3A_232 : vector<100x100xf32>
    %slice3A_234 = vector.extract_strided_slice %add3A_23 {offsets = [0, 13], sizes = [100, 1], strides = [1, 1]} : vector<100x50xf32> to vector<100x1xf32>
    %slice3A_235 = vector.extract_strided_slice %dot_general3A_25 {offsets = [13, 0], sizes = [1, 100], strides = [1, 1]} : vector<50x100xf32> to vector<1x100xf32>
    %add3A_236 = vector.broadcast %slice3A_234 : vector<100x1xf32> to vector<100x100xf32>
    %add3A_237 = vector.broadcast %slice3A_235 : vector<1x100xf32> to vector<100x100xf32>
    %add3A_238 = arith.addf %add3A_236, %add3A_237 : vector<100x100xf32>
    %mul3A_239 = arith.constant 2.000000e-01 : f32
    %mul3A_240 = vector.broadcast %mul3A_239 : f32 to vector<100x100xf32>
    %mul3A_241 = arith.mulf %mul3A_240, %add3A_238 : vector<100x100xf32>
    %max3A_242 = arith.maximumf %add3A_238, %mul3A_241 : vector<100x100xf32>
    %convert_element_type3A_243 = arith.truncf %max3A_242 : vector<100x100xf32> to vector<100x100xbf16>
    %convert_element_type3A_244 = arith.extf %convert_element_type3A_243 : vector<100x100xbf16> to vector<100x100xf32>
    %get3A_245 = arith.constant 13 : index
    %get3A_246 = memref.load %arg5[%get3A_245] : memref<50xf32, #tpu.memory_space<smem>>
    %mul3A_247 = vector.broadcast %get3A_246 : f32 to vector<100x100xf32>
    %mul3A_248 = arith.mulf %mul3A_247, %convert_element_type3A_244 : vector<100x100xf32>
    %add3A_249 = arith.addf %add3A_233, %mul3A_248 : vector<100x100xf32>
    %slice3A_250 = vector.extract_strided_slice %add3A_23 {offsets = [0, 14], sizes = [100, 1], strides = [1, 1]} : vector<100x50xf32> to vector<100x1xf32>
    %slice3A_251 = vector.extract_strided_slice %dot_general3A_25 {offsets = [14, 0], sizes = [1, 100], strides = [1, 1]} : vector<50x100xf32> to vector<1x100xf32>
    %add3A_252 = vector.broadcast %slice3A_250 : vector<100x1xf32> to vector<100x100xf32>
    %add3A_253 = vector.broadcast %slice3A_251 : vector<1x100xf32> to vector<100x100xf32>
    %add3A_254 = arith.addf %add3A_252, %add3A_253 : vector<100x100xf32>
    %mul3A_255 = arith.constant 2.000000e-01 : f32
    %mul3A_256 = vector.broadcast %mul3A_255 : f32 to vector<100x100xf32>
    %mul3A_257 = arith.mulf %mul3A_256, %add3A_254 : vector<100x100xf32>
    %max3A_258 = arith.maximumf %add3A_254, %mul3A_257 : vector<100x100xf32>
    %convert_element_type3A_259 = arith.truncf %max3A_258 : vector<100x100xf32> to vector<100x100xbf16>
    %convert_element_type3A_260 = arith.extf %convert_element_type3A_259 : vector<100x100xbf16> to vector<100x100xf32>
    %get3A_261 = arith.constant 14 : index
    %get3A_262 = memref.load %arg5[%get3A_261] : memref<50xf32, #tpu.memory_space<smem>>
    %mul3A_263 = vector.broadcast %get3A_262 : f32 to vector<100x100xf32>
    %mul3A_264 = arith.mulf %mul3A_263, %convert_element_type3A_260 : vector<100x100xf32>
    %add3A_265 = arith.addf %add3A_249, %mul3A_264 : vector<100x100xf32>
    %slice3A_266 = vector.extract_strided_slice %add3A_23 {offsets = [0, 15], sizes = [100, 1], strides = [1, 1]} : vector<100x50xf32> to vector<100x1xf32>
    %slice3A_267 = vector.extract_strided_slice %dot_general3A_25 {offsets = [15, 0], sizes = [1, 100], strides = [1, 1]} : vector<50x100xf32> to vector<1x100xf32>
    %add3A_268 = vector.broadcast %slice3A_266 : vector<100x1xf32> to vector<100x100xf32>
    %add3A_269 = vector.broadcast %slice3A_267 : vector<1x100xf32> to vector<100x100xf32>
    %add3A_270 = arith.addf %add3A_268, %add3A_269 : vector<100x100xf32>
    %mul3A_271 = arith.constant 2.000000e-01 : f32
    %mul3A_272 = vector.broadcast %mul3A_271 : f32 to vector<100x100xf32>
    %mul3A_273 = arith.mulf %mul3A_272, %add3A_270 : vector<100x100xf32>
    %max3A_274 = arith.maximumf %add3A_270, %mul3A_273 : vector<100x100xf32>
    %convert_element_type3A_275 = arith.truncf %max3A_274 : vector<100x100xf32> to vector<100x100xbf16>
    %convert_element_type3A_276 = arith.extf %convert_element_type3A_275 : vector<100x100xbf16> to vector<100x100xf32>
    %get3A_277 = arith.constant 15 : index
    %get3A_278 = memref.load %arg5[%get3A_277] : memref<50xf32, #tpu.memory_space<smem>>
    %mul3A_279 = vector.broadcast %get3A_278 : f32 to vector<100x100xf32>
    %mul3A_280 = arith.mulf %mul3A_279, %convert_element_type3A_276 : vector<100x100xf32>
    %add3A_281 = arith.addf %add3A_265, %mul3A_280 : vector<100x100xf32>
    %slice3A_282 = vector.extract_strided_slice %add3A_23 {offsets = [0, 16], sizes = [100, 1], strides = [1, 1]} : vector<100x50xf32> to vector<100x1xf32>
    %slice3A_283 = vector.extract_strided_slice %dot_general3A_25 {offsets = [16, 0], sizes = [1, 100], strides = [1, 1]} : vector<50x100xf32> to vector<1x100xf32>
    %add3A_284 = vector.broadcast %slice3A_282 : vector<100x1xf32> to vector<100x100xf32>
    %add3A_285 = vector.broadcast %slice3A_283 : vector<1x100xf32> to vector<100x100xf32>
    %add3A_286 = arith.addf %add3A_284, %add3A_285 : vector<100x100xf32>
    %mul3A_287 = arith.constant 2.000000e-01 : f32
    %mul3A_288 = vector.broadcast %mul3A_287 : f32 to vector<100x100xf32>
    %mul3A_289 = arith.mulf %mul3A_288, %add3A_286 : vector<100x100xf32>
    %max3A_290 = arith.maximumf %add3A_286, %mul3A_289 : vector<100x100xf32>
    %convert_element_type3A_291 = arith.truncf %max3A_290 : vector<100x100xf32> to vector<100x100xbf16>
    %convert_element_type3A_292 = arith.extf %convert_element_type3A_291 : vector<100x100xbf16> to vector<100x100xf32>
    %get3A_293 = arith.constant 16 : index
    %get3A_294 = memref.load %arg5[%get3A_293] : memref<50xf32, #tpu.memory_space<smem>>
    %mul3A_295 = vector.broadcast %get3A_294 : f32 to vector<100x100xf32>
    %mul3A_296 = arith.mulf %mul3A_295, %convert_element_type3A_292 : vector<100x100xf32>
    %add3A_297 = arith.addf %add3A_281, %mul3A_296 : vector<100x100xf32>
    %slice3A_298 = vector.extract_strided_slice %add3A_23 {offsets = [0, 17], sizes = [100, 1], strides = [1, 1]} : vector<100x50xf32> to vector<100x1xf32>
    %slice3A_299 = vector.extract_strided_slice %dot_general3A_25 {offsets = [17, 0], sizes = [1, 100], strides = [1, 1]} : vector<50x100xf32> to vector<1x100xf32>
    %add3A_300 = vector.broadcast %slice3A_298 : vector<100x1xf32> to vector<100x100xf32>
    %add3A_301 = vector.broadcast %slice3A_299 : vector<1x100xf32> to vector<100x100xf32>
    %add3A_302 = arith.addf %add3A_300, %add3A_301 : vector<100x100xf32>
    %mul3A_303 = arith.constant 2.000000e-01 : f32
    %mul3A_304 = vector.broadcast %mul3A_303 : f32 to vector<100x100xf32>
    %mul3A_305 = arith.mulf %mul3A_304, %add3A_302 : vector<100x100xf32>
    %max3A_306 = arith.maximumf %add3A_302, %mul3A_305 : vector<100x100xf32>
    %convert_element_type3A_307 = arith.truncf %max3A_306 : vector<100x100xf32> to vector<100x100xbf16>
    %convert_element_type3A_308 = arith.extf %convert_element_type3A_307 : vector<100x100xbf16> to vector<100x100xf32>
    %get3A_309 = arith.constant 17 : index
    %get3A_310 = memref.load %arg5[%get3A_309] : memref<50xf32, #tpu.memory_space<smem>>
    %mul3A_311 = vector.broadcast %get3A_310 : f32 to vector<100x100xf32>
    %mul3A_312 = arith.mulf %mul3A_311, %convert_element_type3A_308 : vector<100x100xf32>
    %add3A_313 = arith.addf %add3A_297, %mul3A_312 : vector<100x100xf32>
    %slice3A_314 = vector.extract_strided_slice %add3A_23 {offsets = [0, 18], sizes = [100, 1], strides = [1, 1]} : vector<100x50xf32> to vector<100x1xf32>
    %slice3A_315 = vector.extract_strided_slice %dot_general3A_25 {offsets = [18, 0], sizes = [1, 100], strides = [1, 1]} : vector<50x100xf32> to vector<1x100xf32>
    %add3A_316 = vector.broadcast %slice3A_314 : vector<100x1xf32> to vector<100x100xf32>
    %add3A_317 = vector.broadcast %slice3A_315 : vector<1x100xf32> to vector<100x100xf32>
    %add3A_318 = arith.addf %add3A_316, %add3A_317 : vector<100x100xf32>
    %mul3A_319 = arith.constant 2.000000e-01 : f32
    %mul3A_320 = vector.broadcast %mul3A_319 : f32 to vector<100x100xf32>
    %mul3A_321 = arith.mulf %mul3A_320, %add3A_318 : vector<100x100xf32>
    %max3A_322 = arith.maximumf %add3A_318, %mul3A_321 : vector<100x100xf32>
    %convert_element_type3A_323 = arith.truncf %max3A_322 : vector<100x100xf32> to vector<100x100xbf16>
    %convert_element_type3A_324 = arith.extf %convert_element_type3A_323 : vector<100x100xbf16> to vector<100x100xf32>
    %get3A_325 = arith.constant 18 : index
    %get3A_326 = memref.load %arg5[%get3A_325] : memref<50xf32, #tpu.memory_space<smem>>
    %mul3A_327 = vector.broadcast %get3A_326 : f32 to vector<100x100xf32>
    %mul3A_328 = arith.mulf %mul3A_327, %convert_element_type3A_324 : vector<100x100xf32>
    %add3A_329 = arith.addf %add3A_313, %mul3A_328 : vector<100x100xf32>
    %slice3A_330 = vector.extract_strided_slice %add3A_23 {offsets = [0, 19], sizes = [100, 1], strides = [1, 1]} : vector<100x50xf32> to vector<100x1xf32>
    %slice3A_331 = vector.extract_strided_slice %dot_general3A_25 {offsets = [19, 0], sizes = [1, 100], strides = [1, 1]} : vector<50x100xf32> to vector<1x100xf32>
    %add3A_332 = vector.broadcast %slice3A_330 : vector<100x1xf32> to vector<100x100xf32>
    %add3A_333 = vector.broadcast %slice3A_331 : vector<1x100xf32> to vector<100x100xf32>
    %add3A_334 = arith.addf %add3A_332, %add3A_333 : vector<100x100xf32>
    %mul3A_335 = arith.constant 2.000000e-01 : f32
    %mul3A_336 = vector.broadcast %mul3A_335 : f32 to vector<100x100xf32>
    %mul3A_337 = arith.mulf %mul3A_336, %add3A_334 : vector<100x100xf32>
    %max3A_338 = arith.maximumf %add3A_334, %mul3A_337 : vector<100x100xf32>
    %convert_element_type3A_339 = arith.truncf %max3A_338 : vector<100x100xf32> to vector<100x100xbf16>
    %convert_element_type3A_340 = arith.extf %convert_element_type3A_339 : vector<100x100xbf16> to vector<100x100xf32>
    %get3A_341 = arith.constant 19 : index
    %get3A_342 = memref.load %arg5[%get3A_341] : memref<50xf32, #tpu.memory_space<smem>>
    %mul3A_343 = vector.broadcast %get3A_342 : f32 to vector<100x100xf32>
    %mul3A_344 = arith.mulf %mul3A_343, %convert_element_type3A_340 : vector<100x100xf32>
    %add3A_345 = arith.addf %add3A_329, %mul3A_344 : vector<100x100xf32>
    %slice3A_346 = vector.extract_strided_slice %add3A_23 {offsets = [0, 20], sizes = [100, 1], strides = [1, 1]} : vector<100x50xf32> to vector<100x1xf32>
    %slice3A_347 = vector.extract_strided_slice %dot_general3A_25 {offsets = [20, 0], sizes = [1, 100], strides = [1, 1]} : vector<50x100xf32> to vector<1x100xf32>
    %add3A_348 = vector.broadcast %slice3A_346 : vector<100x1xf32> to vector<100x100xf32>
    %add3A_349 = vector.broadcast %slice3A_347 : vector<1x100xf32> to vector<100x100xf32>
    %add3A_350 = arith.addf %add3A_348, %add3A_349 : vector<100x100xf32>
    %mul3A_351 = arith.constant 2.000000e-01 : f32
    %mul3A_352 = vector.broadcast %mul3A_351 : f32 to vector<100x100xf32>
    %mul3A_353 = arith.mulf %mul3A_352, %add3A_350 : vector<100x100xf32>
    %max3A_354 = arith.maximumf %add3A_350, %mul3A_353 : vector<100x100xf32>
    %convert_element_type3A_355 = arith.truncf %max3A_354 : vector<100x100xf32> to vector<100x100xbf16>
    %convert_element_type3A_356 = arith.extf %convert_element_type3A_355 : vector<100x100xbf16> to vector<100x100xf32>
    %get3A_357 = arith.constant 20 : index
    %get3A_358 = memref.load %arg5[%get3A_357] : memref<50xf32, #tpu.memory_space<smem>>
    %mul3A_359 = vector.broadcast %get3A_358 : f32 to vector<100x100xf32>
    %mul3A_360 = arith.mulf %mul3A_359, %convert_element_type3A_356 : vector<100x100xf32>
    %add3A_361 = arith.addf %add3A_345, %mul3A_360 : vector<100x100xf32>
    %slice3A_362 = vector.extract_strided_slice %add3A_23 {offsets = [0, 21], sizes = [100, 1], strides = [1, 1]} : vector<100x50xf32> to vector<100x1xf32>
    %slice3A_363 = vector.extract_strided_slice %dot_general3A_25 {offsets = [21, 0], sizes = [1, 100], strides = [1, 1]} : vector<50x100xf32> to vector<1x100xf32>
    %add3A_364 = vector.broadcast %slice3A_362 : vector<100x1xf32> to vector<100x100xf32>
    %add3A_365 = vector.broadcast %slice3A_363 : vector<1x100xf32> to vector<100x100xf32>
    %add3A_366 = arith.addf %add3A_364, %add3A_365 : vector<100x100xf32>
    %mul3A_367 = arith.constant 2.000000e-01 : f32
    %mul3A_368 = vector.broadcast %mul3A_367 : f32 to vector<100x100xf32>
    %mul3A_369 = arith.mulf %mul3A_368, %add3A_366 : vector<100x100xf32>
    %max3A_370 = arith.maximumf %add3A_366, %mul3A_369 : vector<100x100xf32>
    %convert_element_type3A_371 = arith.truncf %max3A_370 : vector<100x100xf32> to vector<100x100xbf16>
    %convert_element_type3A_372 = arith.extf %convert_element_type3A_371 : vector<100x100xbf16> to vector<100x100xf32>
    %get3A_373 = arith.constant 21 : index
    %get3A_374 = memref.load %arg5[%get3A_373] : memref<50xf32, #tpu.memory_space<smem>>
    %mul3A_375 = vector.broadcast %get3A_374 : f32 to vector<100x100xf32>
    %mul3A_376 = arith.mulf %mul3A_375, %convert_element_type3A_372 : vector<100x100xf32>
    %add3A_377 = arith.addf %add3A_361, %mul3A_376 : vector<100x100xf32>
    %slice3A_378 = vector.extract_strided_slice %add3A_23 {offsets = [0, 22], sizes = [100, 1], strides = [1, 1]} : vector<100x50xf32> to vector<100x1xf32>
    %slice3A_379 = vector.extract_strided_slice %dot_general3A_25 {offsets = [22, 0], sizes = [1, 100], strides = [1, 1]} : vector<50x100xf32> to vector<1x100xf32>
    %add3A_380 = vector.broadcast %slice3A_378 : vector<100x1xf32> to vector<100x100xf32>
    %add3A_381 = vector.broadcast %slice3A_379 : vector<1x100xf32> to vector<100x100xf32>
    %add3A_382 = arith.addf %add3A_380, %add3A_381 : vector<100x100xf32>
    %mul3A_383 = arith.constant 2.000000e-01 : f32
    %mul3A_384 = vector.broadcast %mul3A_383 : f32 to vector<100x100xf32>
    %mul3A_385 = arith.mulf %mul3A_384, %add3A_382 : vector<100x100xf32>
    %max3A_386 = arith.maximumf %add3A_382, %mul3A_385 : vector<100x100xf32>
    %convert_element_type3A_387 = arith.truncf %max3A_386 : vector<100x100xf32> to vector<100x100xbf16>
    %convert_element_type3A_388 = arith.extf %convert_element_type3A_387 : vector<100x100xbf16> to vector<100x100xf32>
    %get3A_389 = arith.constant 22 : index
    %get3A_390 = memref.load %arg5[%get3A_389] : memref<50xf32, #tpu.memory_space<smem>>
    %mul3A_391 = vector.broadcast %get3A_390 : f32 to vector<100x100xf32>
    %mul3A_392 = arith.mulf %mul3A_391, %convert_element_type3A_388 : vector<100x100xf32>
    %add3A_393 = arith.addf %add3A_377, %mul3A_392 : vector<100x100xf32>
    %slice3A_394 = vector.extract_strided_slice %add3A_23 {offsets = [0, 23], sizes = [100, 1], strides = [1, 1]} : vector<100x50xf32> to vector<100x1xf32>
    %slice3A_395 = vector.extract_strided_slice %dot_general3A_25 {offsets = [23, 0], sizes = [1, 100], strides = [1, 1]} : vector<50x100xf32> to vector<1x100xf32>
    %add3A_396 = vector.broadcast %slice3A_394 : vector<100x1xf32> to vector<100x100xf32>
    %add3A_397 = vector.broadcast %slice3A_395 : vector<1x100xf32> to vector<100x100xf32>
    %add3A_398 = arith.addf %add3A_396, %add3A_397 : vector<100x100xf32>
    %mul3A_399 = arith.constant 2.000000e-01 : f32
    %mul3A_400 = vector.broadcast %mul3A_399 : f32 to vector<100x100xf32>
    %mul3A_401 = arith.mulf %mul3A_400, %add3A_398 : vector<100x100xf32>
    %max3A_402 = arith.maximumf %add3A_398, %mul3A_401 : vector<100x100xf32>
    %convert_element_type3A_403 = arith.truncf %max3A_402 : vector<100x100xf32> to vector<100x100xbf16>
    %convert_element_type3A_404 = arith.extf %convert_element_type3A_403 : vector<100x100xbf16> to vector<100x100xf32>
    %get3A_405 = arith.constant 23 : index
    %get3A_406 = memref.load %arg5[%get3A_405] : memref<50xf32, #tpu.memory_space<smem>>
    %mul3A_407 = vector.broadcast %get3A_406 : f32 to vector<100x100xf32>
    %mul3A_408 = arith.mulf %mul3A_407, %convert_element_type3A_404 : vector<100x100xf32>
    %add3A_409 = arith.addf %add3A_393, %mul3A_408 : vector<100x100xf32>
    %slice3A_410 = vector.extract_strided_slice %add3A_23 {offsets = [0, 24], sizes = [100, 1], strides = [1, 1]} : vector<100x50xf32> to vector<100x1xf32>
    %slice3A_411 = vector.extract_strided_slice %dot_general3A_25 {offsets = [24, 0], sizes = [1, 100], strides = [1, 1]} : vector<50x100xf32> to vector<1x100xf32>
    %add3A_412 = vector.broadcast %slice3A_410 : vector<100x1xf32> to vector<100x100xf32>
    %add3A_413 = vector.broadcast %slice3A_411 : vector<1x100xf32> to vector<100x100xf32>
    %add3A_414 = arith.addf %add3A_412, %add3A_413 : vector<100x100xf32>
    %mul3A_415 = arith.constant 2.000000e-01 : f32
    %mul3A_416 = vector.broadcast %mul3A_415 : f32 to vector<100x100xf32>
    %mul3A_417 = arith.mulf %mul3A_416, %add3A_414 : vector<100x100xf32>
    %max3A_418 = arith.maximumf %add3A_414, %mul3A_417 : vector<100x100xf32>
    %convert_element_type3A_419 = arith.truncf %max3A_418 : vector<100x100xf32> to vector<100x100xbf16>
    %convert_element_type3A_420 = arith.extf %convert_element_type3A_419 : vector<100x100xbf16> to vector<100x100xf32>
    %get3A_421 = arith.constant 24 : index
    %get3A_422 = memref.load %arg5[%get3A_421] : memref<50xf32, #tpu.memory_space<smem>>
    %mul3A_423 = vector.broadcast %get3A_422 : f32 to vector<100x100xf32>
    %mul3A_424 = arith.mulf %mul3A_423, %convert_element_type3A_420 : vector<100x100xf32>
    %add3A_425 = arith.addf %add3A_409, %mul3A_424 : vector<100x100xf32>
    %slice3A_426 = vector.extract_strided_slice %add3A_23 {offsets = [0, 25], sizes = [100, 1], strides = [1, 1]} : vector<100x50xf32> to vector<100x1xf32>
    %slice3A_427 = vector.extract_strided_slice %dot_general3A_25 {offsets = [25, 0], sizes = [1, 100], strides = [1, 1]} : vector<50x100xf32> to vector<1x100xf32>
    %add3A_428 = vector.broadcast %slice3A_426 : vector<100x1xf32> to vector<100x100xf32>
    %add3A_429 = vector.broadcast %slice3A_427 : vector<1x100xf32> to vector<100x100xf32>
    %add3A_430 = arith.addf %add3A_428, %add3A_429 : vector<100x100xf32>
    %mul3A_431 = arith.constant 2.000000e-01 : f32
    %mul3A_432 = vector.broadcast %mul3A_431 : f32 to vector<100x100xf32>
    %mul3A_433 = arith.mulf %mul3A_432, %add3A_430 : vector<100x100xf32>
    %max3A_434 = arith.maximumf %add3A_430, %mul3A_433 : vector<100x100xf32>
    %convert_element_type3A_435 = arith.truncf %max3A_434 : vector<100x100xf32> to vector<100x100xbf16>
    %convert_element_type3A_436 = arith.extf %convert_element_type3A_435 : vector<100x100xbf16> to vector<100x100xf32>
    %get3A_437 = arith.constant 25 : index
    %get3A_438 = memref.load %arg5[%get3A_437] : memref<50xf32, #tpu.memory_space<smem>>
    %mul3A_439 = vector.broadcast %get3A_438 : f32 to vector<100x100xf32>
    %mul3A_440 = arith.mulf %mul3A_439, %convert_element_type3A_436 : vector<100x100xf32>
    %add3A_441 = arith.addf %add3A_425, %mul3A_440 : vector<100x100xf32>
    %slice3A_442 = vector.extract_strided_slice %add3A_23 {offsets = [0, 26], sizes = [100, 1], strides = [1, 1]} : vector<100x50xf32> to vector<100x1xf32>
    %slice3A_443 = vector.extract_strided_slice %dot_general3A_25 {offsets = [26, 0], sizes = [1, 100], strides = [1, 1]} : vector<50x100xf32> to vector<1x100xf32>
    %add3A_444 = vector.broadcast %slice3A_442 : vector<100x1xf32> to vector<100x100xf32>
    %add3A_445 = vector.broadcast %slice3A_443 : vector<1x100xf32> to vector<100x100xf32>
    %add3A_446 = arith.addf %add3A_444, %add3A_445 : vector<100x100xf32>
    %mul3A_447 = arith.constant 2.000000e-01 : f32
    %mul3A_448 = vector.broadcast %mul3A_447 : f32 to vector<100x100xf32>
    %mul3A_449 = arith.mulf %mul3A_448, %add3A_446 : vector<100x100xf32>
    %max3A_450 = arith.maximumf %add3A_446, %mul3A_449 : vector<100x100xf32>
    %convert_element_type3A_451 = arith.truncf %max3A_450 : vector<100x100xf32> to vector<100x100xbf16>
    %convert_element_type3A_452 = arith.extf %convert_element_type3A_451 : vector<100x100xbf16> to vector<100x100xf32>
    %get3A_453 = arith.constant 26 : index
    %get3A_454 = memref.load %arg5[%get3A_453] : memref<50xf32, #tpu.memory_space<smem>>
    %mul3A_455 = vector.broadcast %get3A_454 : f32 to vector<100x100xf32>
    %mul3A_456 = arith.mulf %mul3A_455, %convert_element_type3A_452 : vector<100x100xf32>
    %add3A_457 = arith.addf %add3A_441, %mul3A_456 : vector<100x100xf32>
    %slice3A_458 = vector.extract_strided_slice %add3A_23 {offsets = [0, 27], sizes = [100, 1], strides = [1, 1]} : vector<100x50xf32> to vector<100x1xf32>
    %slice3A_459 = vector.extract_strided_slice %dot_general3A_25 {offsets = [27, 0], sizes = [1, 100], strides = [1, 1]} : vector<50x100xf32> to vector<1x100xf32>
    %add3A_460 = vector.broadcast %slice3A_458 : vector<100x1xf32> to vector<100x100xf32>
    %add3A_461 = vector.broadcast %slice3A_459 : vector<1x100xf32> to vector<100x100xf32>
    %add3A_462 = arith.addf %add3A_460, %add3A_461 : vector<100x100xf32>
    %mul3A_463 = arith.constant 2.000000e-01 : f32
    %mul3A_464 = vector.broadcast %mul3A_463 : f32 to vector<100x100xf32>
    %mul3A_465 = arith.mulf %mul3A_464, %add3A_462 : vector<100x100xf32>
    %max3A_466 = arith.maximumf %add3A_462, %mul3A_465 : vector<100x100xf32>
    %convert_element_type3A_467 = arith.truncf %max3A_466 : vector<100x100xf32> to vector<100x100xbf16>
    %convert_element_type3A_468 = arith.extf %convert_element_type3A_467 : vector<100x100xbf16> to vector<100x100xf32>
    %get3A_469 = arith.constant 27 : index
    %get3A_470 = memref.load %arg5[%get3A_469] : memref<50xf32, #tpu.memory_space<smem>>
    %mul3A_471 = vector.broadcast %get3A_470 : f32 to vector<100x100xf32>
    %mul3A_472 = arith.mulf %mul3A_471, %convert_element_type3A_468 : vector<100x100xf32>
    %add3A_473 = arith.addf %add3A_457, %mul3A_472 : vector<100x100xf32>
    %slice3A_474 = vector.extract_strided_slice %add3A_23 {offsets = [0, 28], sizes = [100, 1], strides = [1, 1]} : vector<100x50xf32> to vector<100x1xf32>
    %slice3A_475 = vector.extract_strided_slice %dot_general3A_25 {offsets = [28, 0], sizes = [1, 100], strides = [1, 1]} : vector<50x100xf32> to vector<1x100xf32>
    %add3A_476 = vector.broadcast %slice3A_474 : vector<100x1xf32> to vector<100x100xf32>
    %add3A_477 = vector.broadcast %slice3A_475 : vector<1x100xf32> to vector<100x100xf32>
    %add3A_478 = arith.addf %add3A_476, %add3A_477 : vector<100x100xf32>
    %mul3A_479 = arith.constant 2.000000e-01 : f32
    %mul3A_480 = vector.broadcast %mul3A_479 : f32 to vector<100x100xf32>
    %mul3A_481 = arith.mulf %mul3A_480, %add3A_478 : vector<100x100xf32>
    %max3A_482 = arith.maximumf %add3A_478, %mul3A_481 : vector<100x100xf32>
    %convert_element_type3A_483 = arith.truncf %max3A_482 : vector<100x100xf32> to vector<100x100xbf16>
    %convert_element_type3A_484 = arith.extf %convert_element_type3A_483 : vector<100x100xbf16> to vector<100x100xf32>
    %get3A_485 = arith.constant 28 : index
    %get3A_486 = memref.load %arg5[%get3A_485] : memref<50xf32, #tpu.memory_space<smem>>
    %mul3A_487 = vector.broadcast %get3A_486 : f32 to vector<100x100xf32>
    %mul3A_488 = arith.mulf %mul3A_487, %convert_element_type3A_484 : vector<100x100xf32>
    %add3A_489 = arith.addf %add3A_473, %mul3A_488 : vector<100x100xf32>
    %slice3A_490 = vector.extract_strided_slice %add3A_23 {offsets = [0, 29], sizes = [100, 1], strides = [1, 1]} : vector<100x50xf32> to vector<100x1xf32>
    %slice3A_491 = vector.extract_strided_slice %dot_general3A_25 {offsets = [29, 0], sizes = [1, 100], strides = [1, 1]} : vector<50x100xf32> to vector<1x100xf32>
    %add3A_492 = vector.broadcast %slice3A_490 : vector<100x1xf32> to vector<100x100xf32>
    %add3A_493 = vector.broadcast %slice3A_491 : vector<1x100xf32> to vector<100x100xf32>
    %add3A_494 = arith.addf %add3A_492, %add3A_493 : vector<100x100xf32>
    %mul3A_495 = arith.constant 2.000000e-01 : f32
    %mul3A_496 = vector.broadcast %mul3A_495 : f32 to vector<100x100xf32>
    %mul3A_497 = arith.mulf %mul3A_496, %add3A_494 : vector<100x100xf32>
    %max3A_498 = arith.maximumf %add3A_494, %mul3A_497 : vector<100x100xf32>
    %convert_element_type3A_499 = arith.truncf %max3A_498 : vector<100x100xf32> to vector<100x100xbf16>
    %convert_element_type3A_500 = arith.extf %convert_element_type3A_499 : vector<100x100xbf16> to vector<100x100xf32>
    %get3A_501 = arith.constant 29 : index
    %get3A_502 = memref.load %arg5[%get3A_501] : memref<50xf32, #tpu.memory_space<smem>>
    %mul3A_503 = vector.broadcast %get3A_502 : f32 to vector<100x100xf32>
    %mul3A_504 = arith.mulf %mul3A_503, %convert_element_type3A_500 : vector<100x100xf32>
    %add3A_505 = arith.addf %add3A_489, %mul3A_504 : vector<100x100xf32>
    %slice3A_506 = vector.extract_strided_slice %add3A_23 {offsets = [0, 30], sizes = [100, 1], strides = [1, 1]} : vector<100x50xf32> to vector<100x1xf32>
    %slice3A_507 = vector.extract_strided_slice %dot_general3A_25 {offsets = [30, 0], sizes = [1, 100], strides = [1, 1]} : vector<50x100xf32> to vector<1x100xf32>
    %add3A_508 = vector.broadcast %slice3A_506 : vector<100x1xf32> to vector<100x100xf32>
    %add3A_509 = vector.broadcast %slice3A_507 : vector<1x100xf32> to vector<100x100xf32>
    %add3A_510 = arith.addf %add3A_508, %add3A_509 : vector<100x100xf32>
    %mul3A_511 = arith.constant 2.000000e-01 : f32
    %mul3A_512 = vector.broadcast %mul3A_511 : f32 to vector<100x100xf32>
    %mul3A_513 = arith.mulf %mul3A_512, %add3A_510 : vector<100x100xf32>
    %max3A_514 = arith.maximumf %add3A_510, %mul3A_513 : vector<100x100xf32>
    %convert_element_type3A_515 = arith.truncf %max3A_514 : vector<100x100xf32> to vector<100x100xbf16>
    %convert_element_type3A_516 = arith.extf %convert_element_type3A_515 : vector<100x100xbf16> to vector<100x100xf32>
    %get3A_517 = arith.constant 30 : index
    %get3A_518 = memref.load %arg5[%get3A_517] : memref<50xf32, #tpu.memory_space<smem>>
    %mul3A_519 = vector.broadcast %get3A_518 : f32 to vector<100x100xf32>
    %mul3A_520 = arith.mulf %mul3A_519, %convert_element_type3A_516 : vector<100x100xf32>
    %add3A_521 = arith.addf %add3A_505, %mul3A_520 : vector<100x100xf32>
    %slice3A_522 = vector.extract_strided_slice %add3A_23 {offsets = [0, 31], sizes = [100, 1], strides = [1, 1]} : vector<100x50xf32> to vector<100x1xf32>
    %slice3A_523 = vector.extract_strided_slice %dot_general3A_25 {offsets = [31, 0], sizes = [1, 100], strides = [1, 1]} : vector<50x100xf32> to vector<1x100xf32>
    %add3A_524 = vector.broadcast %slice3A_522 : vector<100x1xf32> to vector<100x100xf32>
    %add3A_525 = vector.broadcast %slice3A_523 : vector<1x100xf32> to vector<100x100xf32>
    %add3A_526 = arith.addf %add3A_524, %add3A_525 : vector<100x100xf32>
    %mul3A_527 = arith.constant 2.000000e-01 : f32
    %mul3A_528 = vector.broadcast %mul3A_527 : f32 to vector<100x100xf32>
    %mul3A_529 = arith.mulf %mul3A_528, %add3A_526 : vector<100x100xf32>
    %max3A_530 = arith.maximumf %add3A_526, %mul3A_529 : vector<100x100xf32>
    %convert_element_type3A_531 = arith.truncf %max3A_530 : vector<100x100xf32> to vector<100x100xbf16>
    %convert_element_type3A_532 = arith.extf %convert_element_type3A_531 : vector<100x100xbf16> to vector<100x100xf32>
    %get3A_533 = arith.constant 31 : index
    %get3A_534 = memref.load %arg5[%get3A_533] : memref<50xf32, #tpu.memory_space<smem>>
    %mul3A_535 = vector.broadcast %get3A_534 : f32 to vector<100x100xf32>
    %mul3A_536 = arith.mulf %mul3A_535, %convert_element_type3A_532 : vector<100x100xf32>
    %add3A_537 = arith.addf %add3A_521, %mul3A_536 : vector<100x100xf32>
    %slice3A_538 = vector.extract_strided_slice %add3A_23 {offsets = [0, 32], sizes = [100, 1], strides = [1, 1]} : vector<100x50xf32> to vector<100x1xf32>
    %slice3A_539 = vector.extract_strided_slice %dot_general3A_25 {offsets = [32, 0], sizes = [1, 100], strides = [1, 1]} : vector<50x100xf32> to vector<1x100xf32>
    %add3A_540 = vector.broadcast %slice3A_538 : vector<100x1xf32> to vector<100x100xf32>
    %add3A_541 = vector.broadcast %slice3A_539 : vector<1x100xf32> to vector<100x100xf32>
    %add3A_542 = arith.addf %add3A_540, %add3A_541 : vector<100x100xf32>
    %mul3A_543 = arith.constant 2.000000e-01 : f32
    %mul3A_544 = vector.broadcast %mul3A_543 : f32 to vector<100x100xf32>
    %mul3A_545 = arith.mulf %mul3A_544, %add3A_542 : vector<100x100xf32>
    %max3A_546 = arith.maximumf %add3A_542, %mul3A_545 : vector<100x100xf32>
    %convert_element_type3A_547 = arith.truncf %max3A_546 : vector<100x100xf32> to vector<100x100xbf16>
    %convert_element_type3A_548 = arith.extf %convert_element_type3A_547 : vector<100x100xbf16> to vector<100x100xf32>
    %get3A_549 = arith.constant 32 : index
    %get3A_550 = memref.load %arg5[%get3A_549] : memref<50xf32, #tpu.memory_space<smem>>
    %mul3A_551 = vector.broadcast %get3A_550 : f32 to vector<100x100xf32>
    %mul3A_552 = arith.mulf %mul3A_551, %convert_element_type3A_548 : vector<100x100xf32>
    %add3A_553 = arith.addf %add3A_537, %mul3A_552 : vector<100x100xf32>
    %slice3A_554 = vector.extract_strided_slice %add3A_23 {offsets = [0, 33], sizes = [100, 1], strides = [1, 1]} : vector<100x50xf32> to vector<100x1xf32>
    %slice3A_555 = vector.extract_strided_slice %dot_general3A_25 {offsets = [33, 0], sizes = [1, 100], strides = [1, 1]} : vector<50x100xf32> to vector<1x100xf32>
    %add3A_556 = vector.broadcast %slice3A_554 : vector<100x1xf32> to vector<100x100xf32>
    %add3A_557 = vector.broadcast %slice3A_555 : vector<1x100xf32> to vector<100x100xf32>
    %add3A_558 = arith.addf %add3A_556, %add3A_557 : vector<100x100xf32>
    %mul3A_559 = arith.constant 2.000000e-01 : f32
    %mul3A_560 = vector.broadcast %mul3A_559 : f32 to vector<100x100xf32>
    %mul3A_561 = arith.mulf %mul3A_560, %add3A_558 : vector<100x100xf32>
    %max3A_562 = arith.maximumf %add3A_558, %mul3A_561 : vector<100x100xf32>
    %convert_element_type3A_563 = arith.truncf %max3A_562 : vector<100x100xf32> to vector<100x100xbf16>
    %convert_element_type3A_564 = arith.extf %convert_element_type3A_563 : vector<100x100xbf16> to vector<100x100xf32>
    %get3A_565 = arith.constant 33 : index
    %get3A_566 = memref.load %arg5[%get3A_565] : memref<50xf32, #tpu.memory_space<smem>>
    %mul3A_567 = vector.broadcast %get3A_566 : f32 to vector<100x100xf32>
    %mul3A_568 = arith.mulf %mul3A_567, %convert_element_type3A_564 : vector<100x100xf32>
    %add3A_569 = arith.addf %add3A_553, %mul3A_568 : vector<100x100xf32>
    %slice3A_570 = vector.extract_strided_slice %add3A_23 {offsets = [0, 34], sizes = [100, 1], strides = [1, 1]} : vector<100x50xf32> to vector<100x1xf32>
    %slice3A_571 = vector.extract_strided_slice %dot_general3A_25 {offsets = [34, 0], sizes = [1, 100], strides = [1, 1]} : vector<50x100xf32> to vector<1x100xf32>
    %add3A_572 = vector.broadcast %slice3A_570 : vector<100x1xf32> to vector<100x100xf32>
    %add3A_573 = vector.broadcast %slice3A_571 : vector<1x100xf32> to vector<100x100xf32>
    %add3A_574 = arith.addf %add3A_572, %add3A_573 : vector<100x100xf32>
    %mul3A_575 = arith.constant 2.000000e-01 : f32
    %mul3A_576 = vector.broadcast %mul3A_575 : f32 to vector<100x100xf32>
    %mul3A_577 = arith.mulf %mul3A_576, %add3A_574 : vector<100x100xf32>
    %max3A_578 = arith.maximumf %add3A_574, %mul3A_577 : vector<100x100xf32>
    %convert_element_type3A_579 = arith.truncf %max3A_578 : vector<100x100xf32> to vector<100x100xbf16>
    %convert_element_type3A_580 = arith.extf %convert_element_type3A_579 : vector<100x100xbf16> to vector<100x100xf32>
    %get3A_581 = arith.constant 34 : index
    %get3A_582 = memref.load %arg5[%get3A_581] : memref<50xf32, #tpu.memory_space<smem>>
    %mul3A_583 = vector.broadcast %get3A_582 : f32 to vector<100x100xf32>
    %mul3A_584 = arith.mulf %mul3A_583, %convert_element_type3A_580 : vector<100x100xf32>
    %add3A_585 = arith.addf %add3A_569, %mul3A_584 : vector<100x100xf32>
    %slice3A_586 = vector.extract_strided_slice %add3A_23 {offsets = [0, 35], sizes = [100, 1], strides = [1, 1]} : vector<100x50xf32> to vector<100x1xf32>
    %slice3A_587 = vector.extract_strided_slice %dot_general3A_25 {offsets = [35, 0], sizes = [1, 100], strides = [1, 1]} : vector<50x100xf32> to vector<1x100xf32>
    %add3A_588 = vector.broadcast %slice3A_586 : vector<100x1xf32> to vector<100x100xf32>
    %add3A_589 = vector.broadcast %slice3A_587 : vector<1x100xf32> to vector<100x100xf32>
    %add3A_590 = arith.addf %add3A_588, %add3A_589 : vector<100x100xf32>
    %mul3A_591 = arith.constant 2.000000e-01 : f32
    %mul3A_592 = vector.broadcast %mul3A_591 : f32 to vector<100x100xf32>
    %mul3A_593 = arith.mulf %mul3A_592, %add3A_590 : vector<100x100xf32>
    %max3A_594 = arith.maximumf %add3A_590, %mul3A_593 : vector<100x100xf32>
    %convert_element_type3A_595 = arith.truncf %max3A_594 : vector<100x100xf32> to vector<100x100xbf16>
    %convert_element_type3A_596 = arith.extf %convert_element_type3A_595 : vector<100x100xbf16> to vector<100x100xf32>
    %get3A_597 = arith.constant 35 : index
    %get3A_598 = memref.load %arg5[%get3A_597] : memref<50xf32, #tpu.memory_space<smem>>
    %mul3A_599 = vector.broadcast %get3A_598 : f32 to vector<100x100xf32>
    %mul3A_600 = arith.mulf %mul3A_599, %convert_element_type3A_596 : vector<100x100xf32>
    %add3A_601 = arith.addf %add3A_585, %mul3A_600 : vector<100x100xf32>
    %slice3A_602 = vector.extract_strided_slice %add3A_23 {offsets = [0, 36], sizes = [100, 1], strides = [1, 1]} : vector<100x50xf32> to vector<100x1xf32>
    %slice3A_603 = vector.extract_strided_slice %dot_general3A_25 {offsets = [36, 0], sizes = [1, 100], strides = [1, 1]} : vector<50x100xf32> to vector<1x100xf32>
    %add3A_604 = vector.broadcast %slice3A_602 : vector<100x1xf32> to vector<100x100xf32>
    %add3A_605 = vector.broadcast %slice3A_603 : vector<1x100xf32> to vector<100x100xf32>
    %add3A_606 = arith.addf %add3A_604, %add3A_605 : vector<100x100xf32>
    %mul3A_607 = arith.constant 2.000000e-01 : f32
    %mul3A_608 = vector.broadcast %mul3A_607 : f32 to vector<100x100xf32>
    %mul3A_609 = arith.mulf %mul3A_608, %add3A_606 : vector<100x100xf32>
    %max3A_610 = arith.maximumf %add3A_606, %mul3A_609 : vector<100x100xf32>
    %convert_element_type3A_611 = arith.truncf %max3A_610 : vector<100x100xf32> to vector<100x100xbf16>
    %convert_element_type3A_612 = arith.extf %convert_element_type3A_611 : vector<100x100xbf16> to vector<100x100xf32>
    %get3A_613 = arith.constant 36 : index
    %get3A_614 = memref.load %arg5[%get3A_613] : memref<50xf32, #tpu.memory_space<smem>>
    %mul3A_615 = vector.broadcast %get3A_614 : f32 to vector<100x100xf32>
    %mul3A_616 = arith.mulf %mul3A_615, %convert_element_type3A_612 : vector<100x100xf32>
    %add3A_617 = arith.addf %add3A_601, %mul3A_616 : vector<100x100xf32>
    %slice3A_618 = vector.extract_strided_slice %add3A_23 {offsets = [0, 37], sizes = [100, 1], strides = [1, 1]} : vector<100x50xf32> to vector<100x1xf32>
    %slice3A_619 = vector.extract_strided_slice %dot_general3A_25 {offsets = [37, 0], sizes = [1, 100], strides = [1, 1]} : vector<50x100xf32> to vector<1x100xf32>
    %add3A_620 = vector.broadcast %slice3A_618 : vector<100x1xf32> to vector<100x100xf32>
    %add3A_621 = vector.broadcast %slice3A_619 : vector<1x100xf32> to vector<100x100xf32>
    %add3A_622 = arith.addf %add3A_620, %add3A_621 : vector<100x100xf32>
    %mul3A_623 = arith.constant 2.000000e-01 : f32
    %mul3A_624 = vector.broadcast %mul3A_623 : f32 to vector<100x100xf32>
    %mul3A_625 = arith.mulf %mul3A_624, %add3A_622 : vector<100x100xf32>
    %max3A_626 = arith.maximumf %add3A_622, %mul3A_625 : vector<100x100xf32>
    %convert_element_type3A_627 = arith.truncf %max3A_626 : vector<100x100xf32> to vector<100x100xbf16>
    %convert_element_type3A_628 = arith.extf %convert_element_type3A_627 : vector<100x100xbf16> to vector<100x100xf32>
    %get3A_629 = arith.constant 37 : index
    %get3A_630 = memref.load %arg5[%get3A_629] : memref<50xf32, #tpu.memory_space<smem>>
    %mul3A_631 = vector.broadcast %get3A_630 : f32 to vector<100x100xf32>
    %mul3A_632 = arith.mulf %mul3A_631, %convert_element_type3A_628 : vector<100x100xf32>
    %add3A_633 = arith.addf %add3A_617, %mul3A_632 : vector<100x100xf32>
    %slice3A_634 = vector.extract_strided_slice %add3A_23 {offsets = [0, 38], sizes = [100, 1], strides = [1, 1]} : vector<100x50xf32> to vector<100x1xf32>
    %slice3A_635 = vector.extract_strided_slice %dot_general3A_25 {offsets = [38, 0], sizes = [1, 100], strides = [1, 1]} : vector<50x100xf32> to vector<1x100xf32>
    %add3A_636 = vector.broadcast %slice3A_634 : vector<100x1xf32> to vector<100x100xf32>
    %add3A_637 = vector.broadcast %slice3A_635 : vector<1x100xf32> to vector<100x100xf32>
    %add3A_638 = arith.addf %add3A_636, %add3A_637 : vector<100x100xf32>
    %mul3A_639 = arith.constant 2.000000e-01 : f32
    %mul3A_640 = vector.broadcast %mul3A_639 : f32 to vector<100x100xf32>
    %mul3A_641 = arith.mulf %mul3A_640, %add3A_638 : vector<100x100xf32>
    %max3A_642 = arith.maximumf %add3A_638, %mul3A_641 : vector<100x100xf32>
    %convert_element_type3A_643 = arith.truncf %max3A_642 : vector<100x100xf32> to vector<100x100xbf16>
    %convert_element_type3A_644 = arith.extf %convert_element_type3A_643 : vector<100x100xbf16> to vector<100x100xf32>
    %get3A_645 = arith.constant 38 : index
    %get3A_646 = memref.load %arg5[%get3A_645] : memref<50xf32, #tpu.memory_space<smem>>
    %mul3A_647 = vector.broadcast %get3A_646 : f32 to vector<100x100xf32>
    %mul3A_648 = arith.mulf %mul3A_647, %convert_element_type3A_644 : vector<100x100xf32>
    %add3A_649 = arith.addf %add3A_633, %mul3A_648 : vector<100x100xf32>
    %slice3A_650 = vector.extract_strided_slice %add3A_23 {offsets = [0, 39], sizes = [100, 1], strides = [1, 1]} : vector<100x50xf32> to vector<100x1xf32>
    %slice3A_651 = vector.extract_strided_slice %dot_general3A_25 {offsets = [39, 0], sizes = [1, 100], strides = [1, 1]} : vector<50x100xf32> to vector<1x100xf32>
    %add3A_652 = vector.broadcast %slice3A_650 : vector<100x1xf32> to vector<100x100xf32>
    %add3A_653 = vector.broadcast %slice3A_651 : vector<1x100xf32> to vector<100x100xf32>
    %add3A_654 = arith.addf %add3A_652, %add3A_653 : vector<100x100xf32>
    %mul3A_655 = arith.constant 2.000000e-01 : f32
    %mul3A_656 = vector.broadcast %mul3A_655 : f32 to vector<100x100xf32>
    %mul3A_657 = arith.mulf %mul3A_656, %add3A_654 : vector<100x100xf32>
    %max3A_658 = arith.maximumf %add3A_654, %mul3A_657 : vector<100x100xf32>
    %convert_element_type3A_659 = arith.truncf %max3A_658 : vector<100x100xf32> to vector<100x100xbf16>
    %convert_element_type3A_660 = arith.extf %convert_element_type3A_659 : vector<100x100xbf16> to vector<100x100xf32>
    %get3A_661 = arith.constant 39 : index
    %get3A_662 = memref.load %arg5[%get3A_661] : memref<50xf32, #tpu.memory_space<smem>>
    %mul3A_663 = vector.broadcast %get3A_662 : f32 to vector<100x100xf32>
    %mul3A_664 = arith.mulf %mul3A_663, %convert_element_type3A_660 : vector<100x100xf32>
    %add3A_665 = arith.addf %add3A_649, %mul3A_664 : vector<100x100xf32>
    %slice3A_666 = vector.extract_strided_slice %add3A_23 {offsets = [0, 40], sizes = [100, 1], strides = [1, 1]} : vector<100x50xf32> to vector<100x1xf32>
    %slice3A_667 = vector.extract_strided_slice %dot_general3A_25 {offsets = [40, 0], sizes = [1, 100], strides = [1, 1]} : vector<50x100xf32> to vector<1x100xf32>
    %add3A_668 = vector.broadcast %slice3A_666 : vector<100x1xf32> to vector<100x100xf32>
    %add3A_669 = vector.broadcast %slice3A_667 : vector<1x100xf32> to vector<100x100xf32>
    %add3A_670 = arith.addf %add3A_668, %add3A_669 : vector<100x100xf32>
    %mul3A_671 = arith.constant 2.000000e-01 : f32
    %mul3A_672 = vector.broadcast %mul3A_671 : f32 to vector<100x100xf32>
    %mul3A_673 = arith.mulf %mul3A_672, %add3A_670 : vector<100x100xf32>
    %max3A_674 = arith.maximumf %add3A_670, %mul3A_673 : vector<100x100xf32>
    %convert_element_type3A_675 = arith.truncf %max3A_674 : vector<100x100xf32> to vector<100x100xbf16>
    %convert_element_type3A_676 = arith.extf %convert_element_type3A_675 : vector<100x100xbf16> to vector<100x100xf32>
    %get3A_677 = arith.constant 40 : index
    %get3A_678 = memref.load %arg5[%get3A_677] : memref<50xf32, #tpu.memory_space<smem>>
    %mul3A_679 = vector.broadcast %get3A_678 : f32 to vector<100x100xf32>
    %mul3A_680 = arith.mulf %mul3A_679, %convert_element_type3A_676 : vector<100x100xf32>
    %add3A_681 = arith.addf %add3A_665, %mul3A_680 : vector<100x100xf32>
    %slice3A_682 = vector.extract_strided_slice %add3A_23 {offsets = [0, 41], sizes = [100, 1], strides = [1, 1]} : vector<100x50xf32> to vector<100x1xf32>
    %slice3A_683 = vector.extract_strided_slice %dot_general3A_25 {offsets = [41, 0], sizes = [1, 100], strides = [1, 1]} : vector<50x100xf32> to vector<1x100xf32>
    %add3A_684 = vector.broadcast %slice3A_682 : vector<100x1xf32> to vector<100x100xf32>
    %add3A_685 = vector.broadcast %slice3A_683 : vector<1x100xf32> to vector<100x100xf32>
    %add3A_686 = arith.addf %add3A_684, %add3A_685 : vector<100x100xf32>
    %mul3A_687 = arith.constant 2.000000e-01 : f32
    %mul3A_688 = vector.broadcast %mul3A_687 : f32 to vector<100x100xf32>
    %mul3A_689 = arith.mulf %mul3A_688, %add3A_686 : vector<100x100xf32>
    %max3A_690 = arith.maximumf %add3A_686, %mul3A_689 : vector<100x100xf32>
    %convert_element_type3A_691 = arith.truncf %max3A_690 : vector<100x100xf32> to vector<100x100xbf16>
    %convert_element_type3A_692 = arith.extf %convert_element_type3A_691 : vector<100x100xbf16> to vector<100x100xf32>
    %get3A_693 = arith.constant 41 : index
    %get3A_694 = memref.load %arg5[%get3A_693] : memref<50xf32, #tpu.memory_space<smem>>
    %mul3A_695 = vector.broadcast %get3A_694 : f32 to vector<100x100xf32>
    %mul3A_696 = arith.mulf %mul3A_695, %convert_element_type3A_692 : vector<100x100xf32>
    %add3A_697 = arith.addf %add3A_681, %mul3A_696 : vector<100x100xf32>
    %slice3A_698 = vector.extract_strided_slice %add3A_23 {offsets = [0, 42], sizes = [100, 1], strides = [1, 1]} : vector<100x50xf32> to vector<100x1xf32>
    %slice3A_699 = vector.extract_strided_slice %dot_general3A_25 {offsets = [42, 0], sizes = [1, 100], strides = [1, 1]} : vector<50x100xf32> to vector<1x100xf32>
    %add3A_700 = vector.broadcast %slice3A_698 : vector<100x1xf32> to vector<100x100xf32>
    %add3A_701 = vector.broadcast %slice3A_699 : vector<1x100xf32> to vector<100x100xf32>
    %add3A_702 = arith.addf %add3A_700, %add3A_701 : vector<100x100xf32>
    %mul3A_703 = arith.constant 2.000000e-01 : f32
    %mul3A_704 = vector.broadcast %mul3A_703 : f32 to vector<100x100xf32>
    %mul3A_705 = arith.mulf %mul3A_704, %add3A_702 : vector<100x100xf32>
    %max3A_706 = arith.maximumf %add3A_702, %mul3A_705 : vector<100x100xf32>
    %convert_element_type3A_707 = arith.truncf %max3A_706 : vector<100x100xf32> to vector<100x100xbf16>
    %convert_element_type3A_708 = arith.extf %convert_element_type3A_707 : vector<100x100xbf16> to vector<100x100xf32>
    %get3A_709 = arith.constant 42 : index
    %get3A_710 = memref.load %arg5[%get3A_709] : memref<50xf32, #tpu.memory_space<smem>>
    %mul3A_711 = vector.broadcast %get3A_710 : f32 to vector<100x100xf32>
    %mul3A_712 = arith.mulf %mul3A_711, %convert_element_type3A_708 : vector<100x100xf32>
    %add3A_713 = arith.addf %add3A_697, %mul3A_712 : vector<100x100xf32>
    %slice3A_714 = vector.extract_strided_slice %add3A_23 {offsets = [0, 43], sizes = [100, 1], strides = [1, 1]} : vector<100x50xf32> to vector<100x1xf32>
    %slice3A_715 = vector.extract_strided_slice %dot_general3A_25 {offsets = [43, 0], sizes = [1, 100], strides = [1, 1]} : vector<50x100xf32> to vector<1x100xf32>
    %add3A_716 = vector.broadcast %slice3A_714 : vector<100x1xf32> to vector<100x100xf32>
    %add3A_717 = vector.broadcast %slice3A_715 : vector<1x100xf32> to vector<100x100xf32>
    %add3A_718 = arith.addf %add3A_716, %add3A_717 : vector<100x100xf32>
    %mul3A_719 = arith.constant 2.000000e-01 : f32
    %mul3A_720 = vector.broadcast %mul3A_719 : f32 to vector<100x100xf32>
    %mul3A_721 = arith.mulf %mul3A_720, %add3A_718 : vector<100x100xf32>
    %max3A_722 = arith.maximumf %add3A_718, %mul3A_721 : vector<100x100xf32>
    %convert_element_type3A_723 = arith.truncf %max3A_722 : vector<100x100xf32> to vector<100x100xbf16>
    %convert_element_type3A_724 = arith.extf %convert_element_type3A_723 : vector<100x100xbf16> to vector<100x100xf32>
    %get3A_725 = arith.constant 43 : index
    %get3A_726 = memref.load %arg5[%get3A_725] : memref<50xf32, #tpu.memory_space<smem>>
    %mul3A_727 = vector.broadcast %get3A_726 : f32 to vector<100x100xf32>
    %mul3A_728 = arith.mulf %mul3A_727, %convert_element_type3A_724 : vector<100x100xf32>
    %add3A_729 = arith.addf %add3A_713, %mul3A_728 : vector<100x100xf32>
    %slice3A_730 = vector.extract_strided_slice %add3A_23 {offsets = [0, 44], sizes = [100, 1], strides = [1, 1]} : vector<100x50xf32> to vector<100x1xf32>
    %slice3A_731 = vector.extract_strided_slice %dot_general3A_25 {offsets = [44, 0], sizes = [1, 100], strides = [1, 1]} : vector<50x100xf32> to vector<1x100xf32>
    %add3A_732 = vector.broadcast %slice3A_730 : vector<100x1xf32> to vector<100x100xf32>
    %add3A_733 = vector.broadcast %slice3A_731 : vector<1x100xf32> to vector<100x100xf32>
    %add3A_734 = arith.addf %add3A_732, %add3A_733 : vector<100x100xf32>
    %mul3A_735 = arith.constant 2.000000e-01 : f32
    %mul3A_736 = vector.broadcast %mul3A_735 : f32 to vector<100x100xf32>
    %mul3A_737 = arith.mulf %mul3A_736, %add3A_734 : vector<100x100xf32>
    %max3A_738 = arith.maximumf %add3A_734, %mul3A_737 : vector<100x100xf32>
    %convert_element_type3A_739 = arith.truncf %max3A_738 : vector<100x100xf32> to vector<100x100xbf16>
    %convert_element_type3A_740 = arith.extf %convert_element_type3A_739 : vector<100x100xbf16> to vector<100x100xf32>
    %get3A_741 = arith.constant 44 : index
    %get3A_742 = memref.load %arg5[%get3A_741] : memref<50xf32, #tpu.memory_space<smem>>
    %mul3A_743 = vector.broadcast %get3A_742 : f32 to vector<100x100xf32>
    %mul3A_744 = arith.mulf %mul3A_743, %convert_element_type3A_740 : vector<100x100xf32>
    %add3A_745 = arith.addf %add3A_729, %mul3A_744 : vector<100x100xf32>
    %slice3A_746 = vector.extract_strided_slice %add3A_23 {offsets = [0, 45], sizes = [100, 1], strides = [1, 1]} : vector<100x50xf32> to vector<100x1xf32>
    %slice3A_747 = vector.extract_strided_slice %dot_general3A_25 {offsets = [45, 0], sizes = [1, 100], strides = [1, 1]} : vector<50x100xf32> to vector<1x100xf32>
    %add3A_748 = vector.broadcast %slice3A_746 : vector<100x1xf32> to vector<100x100xf32>
    %add3A_749 = vector.broadcast %slice3A_747 : vector<1x100xf32> to vector<100x100xf32>
    %add3A_750 = arith.addf %add3A_748, %add3A_749 : vector<100x100xf32>
    %mul3A_751 = arith.constant 2.000000e-01 : f32
    %mul3A_752 = vector.broadcast %mul3A_751 : f32 to vector<100x100xf32>
    %mul3A_753 = arith.mulf %mul3A_752, %add3A_750 : vector<100x100xf32>
    %max3A_754 = arith.maximumf %add3A_750, %mul3A_753 : vector<100x100xf32>
    %convert_element_type3A_755 = arith.truncf %max3A_754 : vector<100x100xf32> to vector<100x100xbf16>
    %convert_element_type3A_756 = arith.extf %convert_element_type3A_755 : vector<100x100xbf16> to vector<100x100xf32>
    %get3A_757 = arith.constant 45 : index
    %get3A_758 = memref.load %arg5[%get3A_757] : memref<50xf32, #tpu.memory_space<smem>>
    %mul3A_759 = vector.broadcast %get3A_758 : f32 to vector<100x100xf32>
    %mul3A_760 = arith.mulf %mul3A_759, %convert_element_type3A_756 : vector<100x100xf32>
    %add3A_761 = arith.addf %add3A_745, %mul3A_760 : vector<100x100xf32>
    %slice3A_762 = vector.extract_strided_slice %add3A_23 {offsets = [0, 46], sizes = [100, 1], strides = [1, 1]} : vector<100x50xf32> to vector<100x1xf32>
    %slice3A_763 = vector.extract_strided_slice %dot_general3A_25 {offsets = [46, 0], sizes = [1, 100], strides = [1, 1]} : vector<50x100xf32> to vector<1x100xf32>
    %add3A_764 = vector.broadcast %slice3A_762 : vector<100x1xf32> to vector<100x100xf32>
    %add3A_765 = vector.broadcast %slice3A_763 : vector<1x100xf32> to vector<100x100xf32>
    %add3A_766 = arith.addf %add3A_764, %add3A_765 : vector<100x100xf32>
    %mul3A_767 = arith.constant 2.000000e-01 : f32
    %mul3A_768 = vector.broadcast %mul3A_767 : f32 to vector<100x100xf32>
    %mul3A_769 = arith.mulf %mul3A_768, %add3A_766 : vector<100x100xf32>
    %max3A_770 = arith.maximumf %add3A_766, %mul3A_769 : vector<100x100xf32>
    %convert_element_type3A_771 = arith.truncf %max3A_770 : vector<100x100xf32> to vector<100x100xbf16>
    %convert_element_type3A_772 = arith.extf %convert_element_type3A_771 : vector<100x100xbf16> to vector<100x100xf32>
    %get3A_773 = arith.constant 46 : index
    %get3A_774 = memref.load %arg5[%get3A_773] : memref<50xf32, #tpu.memory_space<smem>>
    %mul3A_775 = vector.broadcast %get3A_774 : f32 to vector<100x100xf32>
    %mul3A_776 = arith.mulf %mul3A_775, %convert_element_type3A_772 : vector<100x100xf32>
    %add3A_777 = arith.addf %add3A_761, %mul3A_776 : vector<100x100xf32>
    %slice3A_778 = vector.extract_strided_slice %add3A_23 {offsets = [0, 47], sizes = [100, 1], strides = [1, 1]} : vector<100x50xf32> to vector<100x1xf32>
    %slice3A_779 = vector.extract_strided_slice %dot_general3A_25 {offsets = [47, 0], sizes = [1, 100], strides = [1, 1]} : vector<50x100xf32> to vector<1x100xf32>
    %add3A_780 = vector.broadcast %slice3A_778 : vector<100x1xf32> to vector<100x100xf32>
    %add3A_781 = vector.broadcast %slice3A_779 : vector<1x100xf32> to vector<100x100xf32>
    %add3A_782 = arith.addf %add3A_780, %add3A_781 : vector<100x100xf32>
    %mul3A_783 = arith.constant 2.000000e-01 : f32
    %mul3A_784 = vector.broadcast %mul3A_783 : f32 to vector<100x100xf32>
    %mul3A_785 = arith.mulf %mul3A_784, %add3A_782 : vector<100x100xf32>
    %max3A_786 = arith.maximumf %add3A_782, %mul3A_785 : vector<100x100xf32>
    %convert_element_type3A_787 = arith.truncf %max3A_786 : vector<100x100xf32> to vector<100x100xbf16>
    %convert_element_type3A_788 = arith.extf %convert_element_type3A_787 : vector<100x100xbf16> to vector<100x100xf32>
    %get3A_789 = arith.constant 47 : index
    %get3A_790 = memref.load %arg5[%get3A_789] : memref<50xf32, #tpu.memory_space<smem>>
    %mul3A_791 = vector.broadcast %get3A_790 : f32 to vector<100x100xf32>
    %mul3A_792 = arith.mulf %mul3A_791, %convert_element_type3A_788 : vector<100x100xf32>
    %add3A_793 = arith.addf %add3A_777, %mul3A_792 : vector<100x100xf32>
    %slice3A_794 = vector.extract_strided_slice %add3A_23 {offsets = [0, 48], sizes = [100, 1], strides = [1, 1]} : vector<100x50xf32> to vector<100x1xf32>
    %slice3A_795 = vector.extract_strided_slice %dot_general3A_25 {offsets = [48, 0], sizes = [1, 100], strides = [1, 1]} : vector<50x100xf32> to vector<1x100xf32>
    %add3A_796 = vector.broadcast %slice3A_794 : vector<100x1xf32> to vector<100x100xf32>
    %add3A_797 = vector.broadcast %slice3A_795 : vector<1x100xf32> to vector<100x100xf32>
    %add3A_798 = arith.addf %add3A_796, %add3A_797 : vector<100x100xf32>
    %mul3A_799 = arith.constant 2.000000e-01 : f32
    %mul3A_800 = vector.broadcast %mul3A_799 : f32 to vector<100x100xf32>
    %mul3A_801 = arith.mulf %mul3A_800, %add3A_798 : vector<100x100xf32>
    %max3A_802 = arith.maximumf %add3A_798, %mul3A_801 : vector<100x100xf32>
    %convert_element_type3A_803 = arith.truncf %max3A_802 : vector<100x100xf32> to vector<100x100xbf16>
    %convert_element_type3A_804 = arith.extf %convert_element_type3A_803 : vector<100x100xbf16> to vector<100x100xf32>
    %get3A_805 = arith.constant 48 : index
    %get3A_806 = memref.load %arg5[%get3A_805] : memref<50xf32, #tpu.memory_space<smem>>
    %mul3A_807 = vector.broadcast %get3A_806 : f32 to vector<100x100xf32>
    %mul3A_808 = arith.mulf %mul3A_807, %convert_element_type3A_804 : vector<100x100xf32>
    %add3A_809 = arith.addf %add3A_793, %mul3A_808 : vector<100x100xf32>
    %slice3A_810 = vector.extract_strided_slice %add3A_23 {offsets = [0, 49], sizes = [100, 1], strides = [1, 1]} : vector<100x50xf32> to vector<100x1xf32>
    %slice3A_811 = vector.extract_strided_slice %dot_general3A_25 {offsets = [49, 0], sizes = [1, 100], strides = [1, 1]} : vector<50x100xf32> to vector<1x100xf32>
    %add3A_812 = vector.broadcast %slice3A_810 : vector<100x1xf32> to vector<100x100xf32>
    %add3A_813 = vector.broadcast %slice3A_811 : vector<1x100xf32> to vector<100x100xf32>
    %add3A_814 = arith.addf %add3A_812, %add3A_813 : vector<100x100xf32>
    %mul3A_815 = arith.constant 2.000000e-01 : f32
    %mul3A_816 = vector.broadcast %mul3A_815 : f32 to vector<100x100xf32>
    %mul3A_817 = arith.mulf %mul3A_816, %add3A_814 : vector<100x100xf32>
    %max3A_818 = arith.maximumf %add3A_814, %mul3A_817 : vector<100x100xf32>
    %convert_element_type3A_819 = arith.truncf %max3A_818 : vector<100x100xf32> to vector<100x100xbf16>
    %convert_element_type3A_820 = arith.extf %convert_element_type3A_819 : vector<100x100xbf16> to vector<100x100xf32>
    %get3A_821 = arith.constant 49 : index
    %get3A_822 = memref.load %arg5[%get3A_821] : memref<50xf32, #tpu.memory_space<smem>>
    %mul3A_823 = vector.broadcast %get3A_822 : f32 to vector<100x100xf32>
    %mul3A_824 = arith.mulf %mul3A_823, %convert_element_type3A_820 : vector<100x100xf32>
    %add3A_825 = arith.addf %add3A_809, %mul3A_824 : vector<100x100xf32>
    %reduce_max3A = arith.constant dense<0xFF800000> : vector<100xf32>
    %reduce_max3A_826 = vector.multi_reduction <maximumf>, %add3A_825, %reduce_max3A [1] : vector<100x100xf32> to vector<100xf32>
    %broadcast_in_dim3A_827 = vector.shape_cast %reduce_max3A_826 : vector<100xf32> to vector<100x1xf32>
    %sub3A = vector.broadcast %broadcast_in_dim3A_827 : vector<100x1xf32> to vector<100x100xf32>
    %sub3A_828 = arith.subf %add3A_825, %sub3A : vector<100x100xf32>
    %exp3A = math.exp %sub3A_828 : vector<100x100xf32>
    %reduce_sum3A = arith.constant dense<0.000000e+00> : vector<100xf32>
    %reduce_sum3A_829 = vector.multi_reduction <add>, %exp3A, %reduce_sum3A [1] : vector<100x100xf32> to vector<100xf32>
    %broadcast_in_dim3A_830 = vector.shape_cast %reduce_sum3A_829 : vector<100xf32> to vector<100x1xf32>
    %div3A = vector.broadcast %broadcast_in_dim3A_830 : vector<100x1xf32> to vector<100x100xf32>
    %div3A_831 = arith.divf %exp3A, %div3A : vector<100x100xf32>
    %convert_element_type3A_832 = arith.truncf %div3A_831 : vector<100x100xf32> to vector<100x100xbf16>
    %dot_general3A_833 = arith.constant dense<0.000000e+00> : vector<100x25xf32>
    %dot_general3A_834 = tpu.matmul %convert_element_type3A_832, %convert_element_type3A_19, %dot_general3A_833 {dimension_numbers = #tpu.dot_dimension_numbers<[1], [0], [0], [1], [0, 0, 1, 1], [], []>, transpose_lhs_hint = false} : vector<100x100xbf16>, vector<100x25xbf16>, vector<100x25xf32> -> vector<100x25xf32>
    %tanh3A = math.tanh %dot_general3A_834 : vector<100x25xf32>
    %convert_element_type3A_835 = arith.truncf %tanh3A : vector<100x25xf32> to vector<100x25xbf16>
    %dot_general3A_836 = arith.constant dense<0.000000e+00> : vector<25x100xf32>
    %dot_general3A_837 = tpu.matmul %convert_element_type3A_835, %convert_element_type3A_9, %dot_general3A_836 {dimension_numbers = #tpu.dot_dimension_numbers<[0], [0], [1], [1], [0, 1, 1, 1], [], []>, transpose_lhs_hint = false} : vector<100x25xbf16>, vector<100x100xbf16>, vector<25x100xf32> -> vector<25x100xf32>
    %convert_element_type3A_838 = arith.truncf %dot_general3A_837 : vector<25x100xf32> to vector<25x100xbf16>
    %slice3A_839 = vector.extract_strided_slice %convert_element_type3A_13 {offsets = [0, 0], sizes = [100, 2], strides = [1, 1]} : vector<100x3xbf16> to vector<100x2xbf16>
    %dot_general3A_840 = arith.constant dense<0.000000e+00> : vector<25x2xf32>
    %dot_general3A_841 = tpu.matmul %convert_element_type3A_838, %slice3A_839, %dot_general3A_840 {dimension_numbers = #tpu.dot_dimension_numbers<[1], [0], [0], [1], [0, 0, 1, 1], [], []>, transpose_lhs_hint = false} : vector<25x100xbf16>, vector<100x2xbf16>, vector<25x2xf32> -> vector<25x2xf32>
    %get3A_842 = arith.constant 0 : index
    %get3A_843 = arith.constant 0 : index
    %get3A_844 = vector.load %arg8[%get3A_842, %get3A_843] : memref<100x3xf32, #tpu.memory_space<vmem>>, vector<100x3xf32>
    %slice3A_845 = vector.extract_strided_slice %get3A_844 {offsets = [0, 2], sizes = [100, 1], strides = [1, 1]} : vector<100x3xf32> to vector<100x1xf32>
    %dot_general3A_846 = arith.constant dense<0.000000e+00> : vector<25x1xf32>
    %dot_general3A_847 = tpu.matmul %dot_general3A_837, %slice3A_845, %dot_general3A_846 {dimension_numbers = #tpu.dot_dimension_numbers<[1], [0], [0], [1], [0, 0, 1, 1], [], []>, precision = #tpu.contract_precision<fp32>, transpose_lhs_hint = false} : vector<25x100xf32>, vector<100x1xf32>, vector<25x1xf32> -> vector<25x1xf32>
    %slice3A_848 = vector.extract_strided_slice %dot_general3A_841 {offsets = [0, 0], sizes = [25, 1], strides = [1, 1]} : vector<25x2xf32> to vector<25x1xf32>
    %squeeze3A = vector.shape_cast %slice3A_848 : vector<25x1xf32> to vector<25xf32>
    %reshape3A = vector.shape_cast %squeeze3A : vector<25xf32> to vector<1x25xf32>
    %swap3A = arith.constant 0 : index
    %swap3A_849 = arith.constant 0 : index
    %swap3A_850 = arith.constant 0 : index
    %swap3A_851 = vector.load %arg12[%swap3A, %swap3A_849, %swap3A_850] : memref<4x1x25xf32, #tpu.memory_space<vmem>>, vector<1x1x25xf32>
    %swap3A_852 = vector.shape_cast %swap3A_851 : vector<1x1x25xf32> to vector<1x25xf32>
    %swap3A_853 = vector.shape_cast %reshape3A : vector<1x25xf32> to vector<1x1x25xf32>
    tpu.vector_store %arg12[%swap3A, %swap3A_849, %swap3A_850], %swap3A_853 {strides = array<i32>} : memref<4x1x25xf32, #tpu.memory_space<vmem>>, vector<1x1x25xf32>,
    %slice3A_854 = vector.extract_strided_slice %dot_general3A_841 {offsets = [0, 1], sizes = [25, 1], strides = [1, 1]} : vector<25x2xf32> to vector<25x1xf32>
    %squeeze3A_855 = vector.shape_cast %slice3A_854 : vector<25x1xf32> to vector<25xf32>
    %reshape3A_856 = vector.shape_cast %squeeze3A_855 : vector<25xf32> to vector<1x25xf32>
    %swap3A_857 = arith.constant 0 : index
    %swap3A_858 = arith.constant 0 : index
    %swap3A_859 = arith.constant 0 : index
    %swap3A_860 = vector.load %arg13[%swap3A_857, %swap3A_858, %swap3A_859] : memref<4x1x25xf32, #tpu.memory_space<vmem>>, vector<1x1x25xf32>
    %swap3A_861 = vector.shape_cast %swap3A_860 : vector<1x1x25xf32> to vector<1x25xf32>
    %swap3A_862 = vector.shape_cast %reshape3A_856 : vector<1x25xf32> to vector<1x1x25xf32>
    tpu.vector_store %arg13[%swap3A_857, %swap3A_858, %swap3A_859], %swap3A_862 {strides = array<i32>} : memref<4x1x25xf32, #tpu.memory_space<vmem>>, vector<1x1x25xf32>,
    %squeeze3A_863 = vector.shape_cast %dot_general3A_847 : vector<25x1xf32> to vector<25xf32>
    %reshape3A_864 = vector.shape_cast %squeeze3A_863 : vector<25xf32> to vector<1x25xf32>
    %swap3A_865 = arith.constant 0 : index
    %swap3A_866 = arith.constant 0 : index
    %swap3A_867 = arith.constant 0 : index
    %swap3A_868 = vector.load %arg14[%swap3A_865, %swap3A_866, %swap3A_867] : memref<4x1x25xf32, #tpu.memory_space<vmem>>, vector<1x1x25xf32>
    %swap3A_869 = vector.shape_cast %swap3A_868 : vector<1x1x25xf32> to vector<1x25xf32>
    %swap3A_870 = vector.shape_cast %reshape3A_864 : vector<1x25xf32> to vector<1x1x25xf32>
    tpu.vector_store %arg14[%swap3A_865, %swap3A_866, %swap3A_867], %swap3A_870 {strides = array<i32>} : memref<4x1x25xf32, #tpu.memory_space<vmem>>, vector<1x1x25xf32>,
    %get3A_871 = arith.constant 1 : index
    %get3A_872 = arith.constant 0 : index
    %get3A_873 = arith.constant 0 : index
    %get3A_874 = vector.load %arg1[%get3A_871, %get3A_872, %get3A_873] : memref<4x100x25xf32, #tpu.memory_space<vmem>>, vector<1x100x25xf32>
    %get3A_875 = vector.shape_cast %get3A_874 : vector<1x100x25xf32> to vector<100x25xf32>
    %convert_element_type3A_876 = arith.truncf %get3A_875 : vector<100x25xf32> to vector<100x25xbf16>
    %dot_general3A_877 = arith.constant dense<0.000000e+00> : vector<100x50xf32>
    %dot_general3A_878 = tpu.matmul %convert_element_type3A_876, %convert_element_type3A, %dot_general3A_877 {dimension_numbers = #tpu.dot_dimension_numbers<[1], [1], [0], [0], [0, 0, 1, 0], [], []>, transpose_lhs_hint = false} : vector<100x25xbf16>, vector<50x25xbf16>, vector<100x50xf32> -> vector<100x50xf32>
    %get3A_879 = arith.constant 0 : index
    %get3A_880 = vector.load %arg4[%get3A_879] : memref<50xf32, #tpu.memory_space<vmem>>, vector<50xf32>
    %broadcast_in_dim3A_881 = vector.shape_cast %get3A_880 : vector<50xf32> to vector<1x50xf32>
    %add3A_882 = vector.broadcast %broadcast_in_dim3A_881 : vector<1x50xf32> to vector<100x50xf32>
    %add3A_883 = arith.addf %dot_general3A_878, %add3A_882 : vector<100x50xf32>
    %dot_general3A_884 = arith.constant dense<0.000000e+00> : vector<50x100xf32>
    %dot_general3A_885 = tpu.matmul %convert_element_type3A_5, %convert_element_type3A_876, %dot_general3A_884 {dimension_numbers = #tpu.dot_dimension_numbers<[1], [1], [0], [0], [0, 0, 1, 0], [], []>, transpose_lhs_hint = false} : vector<50x25xbf16>, vector<100x25xbf16>, vector<50x100xf32> -> vector<50x100xf32>
    %get3A_886 = arith.constant 0 : index
    %get3A_887 = arith.constant 0 : index
    %get3A_888 = vector.load %arg6[%get3A_886, %get3A_887] : memref<100x100xf32, #tpu.memory_space<vmem>>, vector<100x100xf32>
    %slice3A_889 = vector.extract_strided_slice %add3A_883 {offsets = [0, 0], sizes = [100, 1], strides = [1, 1]} : vector<100x50xf32> to vector<100x1xf32>
    %slice3A_890 = vector.extract_strided_slice %dot_general3A_885 {offsets = [0, 0], sizes = [1, 100], strides = [1, 1]} : vector<50x100xf32> to vector<1x100xf32>
    %add3A_891 = vector.broadcast %slice3A_889 : vector<100x1xf32> to vector<100x100xf32>
    %add3A_892 = vector.broadcast %slice3A_890 : vector<1x100xf32> to vector<100x100xf32>
    %add3A_893 = arith.addf %add3A_891, %add3A_892 : vector<100x100xf32>
    %mul3A_894 = arith.constant 2.000000e-01 : f32
    %mul3A_895 = vector.broadcast %mul3A_894 : f32 to vector<100x100xf32>
    %mul3A_896 = arith.mulf %mul3A_895, %add3A_893 : vector<100x100xf32>
    %max3A_897 = arith.maximumf %add3A_893, %mul3A_896 : vector<100x100xf32>
    %convert_element_type3A_898 = arith.truncf %max3A_897 : vector<100x100xf32> to vector<100x100xbf16>
    %convert_element_type3A_899 = arith.extf %convert_element_type3A_898 : vector<100x100xbf16> to vector<100x100xf32>
    %get3A_900 = arith.constant 0 : index
    %get3A_901 = memref.load %arg5[%get3A_900] : memref<50xf32, #tpu.memory_space<smem>>
    %mul3A_902 = vector.broadcast %get3A_901 : f32 to vector<100x100xf32>
    %mul3A_903 = arith.mulf %mul3A_902, %convert_element_type3A_899 : vector<100x100xf32>
    %add3A_904 = arith.addf %get3A_888, %mul3A_903 : vector<100x100xf32>
    %slice3A_905 = vector.extract_strided_slice %add3A_883 {offsets = [0, 1], sizes = [100, 1], strides = [1, 1]} : vector<100x50xf32> to vector<100x1xf32>
    %slice3A_906 = vector.extract_strided_slice %dot_general3A_885 {offsets = [1, 0], sizes = [1, 100], strides = [1, 1]} : vector<50x100xf32> to vector<1x100xf32>
    %add3A_907 = vector.broadcast %slice3A_905 : vector<100x1xf32> to vector<100x100xf32>
    %add3A_908 = vector.broadcast %slice3A_906 : vector<1x100xf32> to vector<100x100xf32>
    %add3A_909 = arith.addf %add3A_907, %add3A_908 : vector<100x100xf32>
    %mul3A_910 = arith.constant 2.000000e-01 : f32
    %mul3A_911 = vector.broadcast %mul3A_910 : f32 to vector<100x100xf32>
    %mul3A_912 = arith.mulf %mul3A_911, %add3A_909 : vector<100x100xf32>
    %max3A_913 = arith.maximumf %add3A_909, %mul3A_912 : vector<100x100xf32>
    %convert_element_type3A_914 = arith.truncf %max3A_913 : vector<100x100xf32> to vector<100x100xbf16>
    %convert_element_type3A_915 = arith.extf %convert_element_type3A_914 : vector<100x100xbf16> to vector<100x100xf32>
    %get3A_916 = arith.constant 1 : index
    %get3A_917 = memref.load %arg5[%get3A_916] : memref<50xf32, #tpu.memory_space<smem>>
    %mul3A_918 = vector.broadcast %get3A_917 : f32 to vector<100x100xf32>
    %mul3A_919 = arith.mulf %mul3A_918, %convert_element_type3A_915 : vector<100x100xf32>
    %add3A_920 = arith.addf %add3A_904, %mul3A_919 : vector<100x100xf32>
    %slice3A_921 = vector.extract_strided_slice %add3A_883 {offsets = [0, 2], sizes = [100, 1], strides = [1, 1]} : vector<100x50xf32> to vector<100x1xf32>
    %slice3A_922 = vector.extract_strided_slice %dot_general3A_885 {offsets = [2, 0], sizes = [1, 100], strides = [1, 1]} : vector<50x100xf32> to vector<1x100xf32>
    %add3A_923 = vector.broadcast %slice3A_921 : vector<100x1xf32> to vector<100x100xf32>
    %add3A_924 = vector.broadcast %slice3A_922 : vector<1x100xf32> to vector<100x100xf32>
    %add3A_925 = arith.addf %add3A_923, %add3A_924 : vector<100x100xf32>
    %mul3A_926 = arith.constant 2.000000e-01 : f32
    %mul3A_927 = vector.broadcast %mul3A_926 : f32 to vector<100x100xf32>
    %mul3A_928 = arith.mulf %mul3A_927, %add3A_925 : vector<100x100xf32>
    %max3A_929 = arith.maximumf %add3A_925, %mul3A_928 : vector<100x100xf32>
    %convert_element_type3A_930 = arith.truncf %max3A_929 : vector<100x100xf32> to vector<100x100xbf16>
    %convert_element_type3A_931 = arith.extf %convert_element_type3A_930 : vector<100x100xbf16> to vector<100x100xf32>
    %get3A_932 = arith.constant 2 : index
    %get3A_933 = memref.load %arg5[%get3A_932] : memref<50xf32, #tpu.memory_space<smem>>
    %mul3A_934 = vector.broadcast %get3A_933 : f32 to vector<100x100xf32>
    %mul3A_935 = arith.mulf %mul3A_934, %convert_element_type3A_931 : vector<100x100xf32>
    %add3A_936 = arith.addf %add3A_920, %mul3A_935 : vector<100x100xf32>
    %slice3A_937 = vector.extract_strided_slice %add3A_883 {offsets = [0, 3], sizes = [100, 1], strides = [1, 1]} : vector<100x50xf32> to vector<100x1xf32>
    %slice3A_938 = vector.extract_strided_slice %dot_general3A_885 {offsets = [3, 0], sizes = [1, 100], strides = [1, 1]} : vector<50x100xf32> to vector<1x100xf32>
    %add3A_939 = vector.broadcast %slice3A_937 : vector<100x1xf32> to vector<100x100xf32>
    %add3A_940 = vector.broadcast %slice3A_938 : vector<1x100xf32> to vector<100x100xf32>
    %add3A_941 = arith.addf %add3A_939, %add3A_940 : vector<100x100xf32>
    %mul3A_942 = arith.constant 2.000000e-01 : f32
    %mul3A_943 = vector.broadcast %mul3A_942 : f32 to vector<100x100xf32>
    %mul3A_944 = arith.mulf %mul3A_943, %add3A_941 : vector<100x100xf32>
    %max3A_945 = arith.maximumf %add3A_941, %mul3A_944 : vector<100x100xf32>
    %convert_element_type3A_946 = arith.truncf %max3A_945 : vector<100x100xf32> to vector<100x100xbf16>
    %convert_element_type3A_947 = arith.extf %convert_element_type3A_946 : vector<100x100xbf16> to vector<100x100xf32>
    %get3A_948 = arith.constant 3 : index
    %get3A_949 = memref.load %arg5[%get3A_948] : memref<50xf32, #tpu.memory_space<smem>>
    %mul3A_950 = vector.broadcast %get3A_949 : f32 to vector<100x100xf32>
    %mul3A_951 = arith.mulf %mul3A_950, %convert_element_type3A_947 : vector<100x100xf32>
    %add3A_952 = arith.addf %add3A_936, %mul3A_951 : vector<100x100xf32>
    %slice3A_953 = vector.extract_strided_slice %add3A_883 {offsets = [0, 4], sizes = [100, 1], strides = [1, 1]} : vector<100x50xf32> to vector<100x1xf32>
    %slice3A_954 = vector.extract_strided_slice %dot_general3A_885 {offsets = [4, 0], sizes = [1, 100], strides = [1, 1]} : vector<50x100xf32> to vector<1x100xf32>
    %add3A_955 = vector.broadcast %slice3A_953 : vector<100x1xf32> to vector<100x100xf32>
    %add3A_956 = vector.broadcast %slice3A_954 : vector<1x100xf32> to vector<100x100xf32>
    %add3A_957 = arith.addf %add3A_955, %add3A_956 : vector<100x100xf32>
    %mul3A_958 = arith.constant 2.000000e-01 : f32
    %mul3A_959 = vector.broadcast %mul3A_958 : f32 to vector<100x100xf32>
    %mul3A_960 = arith.mulf %mul3A_959, %add3A_957 : vector<100x100xf32>
    %max3A_961 = arith.maximumf %add3A_957, %mul3A_960 : vector<100x100xf32>
    %convert_element_type3A_962 = arith.truncf %max3A_961 : vector<100x100xf32> to vector<100x100xbf16>
    %convert_element_type3A_963 = arith.extf %convert_element_type3A_962 : vector<100x100xbf16> to vector<100x100xf32>
    %get3A_964 = arith.constant 4 : index
    %get3A_965 = memref.load %arg5[%get3A_964] : memref<50xf32, #tpu.memory_space<smem>>
    %mul3A_966 = vector.broadcast %get3A_965 : f32 to vector<100x100xf32>
    %mul3A_967 = arith.mulf %mul3A_966, %convert_element_type3A_963 : vector<100x100xf32>
    %add3A_968 = arith.addf %add3A_952, %mul3A_967 : vector<100x100xf32>
    %slice3A_969 = vector.extract_strided_slice %add3A_883 {offsets = [0, 5], sizes = [100, 1], strides = [1, 1]} : vector<100x50xf32> to vector<100x1xf32>
    %slice3A_970 = vector.extract_strided_slice %dot_general3A_885 {offsets = [5, 0], sizes = [1, 100], strides = [1, 1]} : vector<50x100xf32> to vector<1x100xf32>
    %add3A_971 = vector.broadcast %slice3A_969 : vector<100x1xf32> to vector<100x100xf32>
    %add3A_972 = vector.broadcast %slice3A_970 : vector<1x100xf32> to vector<100x100xf32>
    %add3A_973 = arith.addf %add3A_971, %add3A_972 : vector<100x100xf32>
    %mul3A_974 = arith.constant 2.000000e-01 : f32
    %mul3A_975 = vector.broadcast %mul3A_974 : f32 to vector<100x100xf32>
    %mul3A_976 = arith.mulf %mul3A_975, %add3A_973 : vector<100x100xf32>
    %max3A_977 = arith.maximumf %add3A_973, %mul3A_976 : vector<100x100xf32>
    %convert_element_type3A_978 = arith.truncf %max3A_977 : vector<100x100xf32> to vector<100x100xbf16>
    %convert_element_type3A_979 = arith.extf %convert_element_type3A_978 : vector<100x100xbf16> to vector<100x100xf32>
    %get3A_980 = arith.constant 5 : index
    %get3A_981 = memref.load %arg5[%get3A_980] : memref<50xf32, #tpu.memory_space<smem>>
    %mul3A_982 = vector.broadcast %get3A_981 : f32 to vector<100x100xf32>
    %mul3A_983 = arith.mulf %mul3A_982, %convert_element_type3A_979 : vector<100x100xf32>
    %add3A_984 = arith.addf %add3A_968, %mul3A_983 : vector<100x100xf32>
    %slice3A_985 = vector.extract_strided_slice %add3A_883 {offsets = [0, 6], sizes = [100, 1], strides = [1, 1]} : vector<100x50xf32> to vector<100x1xf32>
    %slice3A_986 = vector.extract_strided_slice %dot_general3A_885 {offsets = [6, 0], sizes = [1, 100], strides = [1, 1]} : vector<50x100xf32> to vector<1x100xf32>
    %add3A_987 = vector.broadcast %slice3A_985 : vector<100x1xf32> to vector<100x100xf32>
    %add3A_988 = vector.broadcast %slice3A_986 : vector<1x100xf32> to vector<100x100xf32>
    %add3A_989 = arith.addf %add3A_987, %add3A_988 : vector<100x100xf32>
    %mul3A_990 = arith.constant 2.000000e-01 : f32
    %mul3A_991 = vector.broadcast %mul3A_990 : f32 to vector<100x100xf32>
    %mul3A_992 = arith.mulf %mul3A_991, %add3A_989 : vector<100x100xf32>
    %max3A_993 = arith.maximumf %add3A_989, %mul3A_992 : vector<100x100xf32>
    %convert_element_type3A_994 = arith.truncf %max3A_993 : vector<100x100xf32> to vector<100x100xbf16>
    %convert_element_type3A_995 = arith.extf %convert_element_type3A_994 : vector<100x100xbf16> to vector<100x100xf32>
    %get3A_996 = arith.constant 6 : index
    %get3A_997 = memref.load %arg5[%get3A_996] : memref<50xf32, #tpu.memory_space<smem>>
    %mul3A_998 = vector.broadcast %get3A_997 : f32 to vector<100x100xf32>
    %mul3A_999 = arith.mulf %mul3A_998, %convert_element_type3A_995 : vector<100x100xf32>
    %add3A_1000 = arith.addf %add3A_984, %mul3A_999 : vector<100x100xf32>
    %slice3A_1001 = vector.extract_strided_slice %add3A_883 {offsets = [0, 7], sizes = [100, 1], strides = [1, 1]} : vector<100x50xf32> to vector<100x1xf32>
    %slice3A_1002 = vector.extract_strided_slice %dot_general3A_885 {offsets = [7, 0], sizes = [1, 100], strides = [1, 1]} : vector<50x100xf32> to vector<1x100xf32>
    %add3A_1003 = vector.broadcast %slice3A_1001 : vector<100x1xf32> to vector<100x100xf32>
    %add3A_1004 = vector.broadcast %slice3A_1002 : vector<1x100xf32> to vector<100x100xf32>
    %add3A_1005 = arith.addf %add3A_1003, %add3A_1004 : vector<100x100xf32>
    %mul3A_1006 = arith.constant 2.000000e-01 : f32
    %mul3A_1007 = vector.broadcast %mul3A_1006 : f32 to vector<100x100xf32>
    %mul3A_1008 = arith.mulf %mul3A_1007, %add3A_1005 : vector<100x100xf32>
    %max3A_1009 = arith.maximumf %add3A_1005, %mul3A_1008 : vector<100x100xf32>
    %convert_element_type3A_1010 = arith.truncf %max3A_1009 : vector<100x100xf32> to vector<100x100xbf16>
    %convert_element_type3A_1011 = arith.extf %convert_element_type3A_1010 : vector<100x100xbf16> to vector<100x100xf32>
    %get3A_1012 = arith.constant 7 : index
    %get3A_1013 = memref.load %arg5[%get3A_1012] : memref<50xf32, #tpu.memory_space<smem>>
    %mul3A_1014 = vector.broadcast %get3A_1013 : f32 to vector<100x100xf32>
    %mul3A_1015 = arith.mulf %mul3A_1014, %convert_element_type3A_1011 : vector<100x100xf32>
    %add3A_1016 = arith.addf %add3A_1000, %mul3A_1015 : vector<100x100xf32>
    %slice3A_1017 = vector.extract_strided_slice %add3A_883 {offsets = [0, 8], sizes = [100, 1], strides = [1, 1]} : vector<100x50xf32> to vector<100x1xf32>
    %slice3A_1018 = vector.extract_strided_slice %dot_general3A_885 {offsets = [8, 0], sizes = [1, 100], strides = [1, 1]} : vector<50x100xf32> to vector<1x100xf32>
    %add3A_1019 = vector.broadcast %slice3A_1017 : vector<100x1xf32> to vector<100x100xf32>
    %add3A_1020 = vector.broadcast %slice3A_1018 : vector<1x100xf32> to vector<100x100xf32>
    %add3A_1021 = arith.addf %add3A_1019, %add3A_1020 : vector<100x100xf32>
    %mul3A_1022 = arith.constant 2.000000e-01 : f32
    %mul3A_1023 = vector.broadcast %mul3A_1022 : f32 to vector<100x100xf32>
    %mul3A_1024 = arith.mulf %mul3A_1023, %add3A_1021 : vector<100x100xf32>
    %max3A_1025 = arith.maximumf %add3A_1021, %mul3A_1024 : vector<100x100xf32>
    %convert_element_type3A_1026 = arith.truncf %max3A_1025 : vector<100x100xf32> to vector<100x100xbf16>
    %convert_element_type3A_1027 = arith.extf %convert_element_type3A_1026 : vector<100x100xbf16> to vector<100x100xf32>
    %get3A_1028 = arith.constant 8 : index
    %get3A_1029 = memref.load %arg5[%get3A_1028] : memref<50xf32, #tpu.memory_space<smem>>
    %mul3A_1030 = vector.broadcast %get3A_1029 : f32 to vector<100x100xf32>
    %mul3A_1031 = arith.mulf %mul3A_1030, %convert_element_type3A_1027 : vector<100x100xf32>
    %add3A_1032 = arith.addf %add3A_1016, %mul3A_1031 : vector<100x100xf32>
    %slice3A_1033 = vector.extract_strided_slice %add3A_883 {offsets = [0, 9], sizes = [100, 1], strides = [1, 1]} : vector<100x50xf32> to vector<100x1xf32>
    %slice3A_1034 = vector.extract_strided_slice %dot_general3A_885 {offsets = [9, 0], sizes = [1, 100], strides = [1, 1]} : vector<50x100xf32> to vector<1x100xf32>
    %add3A_1035 = vector.broadcast %slice3A_1033 : vector<100x1xf32> to vector<100x100xf32>
    %add3A_1036 = vector.broadcast %slice3A_1034 : vector<1x100xf32> to vector<100x100xf32>
    %add3A_1037 = arith.addf %add3A_1035, %add3A_1036 : vector<100x100xf32>
    %mul3A_1038 = arith.constant 2.000000e-01 : f32
    %mul3A_1039 = vector.broadcast %mul3A_1038 : f32 to vector<100x100xf32>
    %mul3A_1040 = arith.mulf %mul3A_1039, %add3A_1037 : vector<100x100xf32>
    %max3A_1041 = arith.maximumf %add3A_1037, %mul3A_1040 : vector<100x100xf32>
    %convert_element_type3A_1042 = arith.truncf %max3A_1041 : vector<100x100xf32> to vector<100x100xbf16>
    %convert_element_type3A_1043 = arith.extf %convert_element_type3A_1042 : vector<100x100xbf16> to vector<100x100xf32>
    %get3A_1044 = arith.constant 9 : index
    %get3A_1045 = memref.load %arg5[%get3A_1044] : memref<50xf32, #tpu.memory_space<smem>>
    %mul3A_1046 = vector.broadcast %get3A_1045 : f32 to vector<100x100xf32>
    %mul3A_1047 = arith.mulf %mul3A_1046, %convert_element_type3A_1043 : vector<100x100xf32>
    %add3A_1048 = arith.addf %add3A_1032, %mul3A_1047 : vector<100x100xf32>
    %slice3A_1049 = vector.extract_strided_slice %add3A_883 {offsets = [0, 10], sizes = [100, 1], strides = [1, 1]} : vector<100x50xf32> to vector<100x1xf32>
    %slice3A_1050 = vector.extract_strided_slice %dot_general3A_885 {offsets = [10, 0], sizes = [1, 100], strides = [1, 1]} : vector<50x100xf32> to vector<1x100xf32>
    %add3A_1051 = vector.broadcast %slice3A_1049 : vector<100x1xf32> to vector<100x100xf32>
    %add3A_1052 = vector.broadcast %slice3A_1050 : vector<1x100xf32> to vector<100x100xf32>
    %add3A_1053 = arith.addf %add3A_1051, %add3A_1052 : vector<100x100xf32>
    %mul3A_1054 = arith.constant 2.000000e-01 : f32
    %mul3A_1055 = vector.broadcast %mul3A_1054 : f32 to vector<100x100xf32>
    %mul3A_1056 = arith.mulf %mul3A_1055, %add3A_1053 : vector<100x100xf32>
    %max3A_1057 = arith.maximumf %add3A_1053, %mul3A_1056 : vector<100x100xf32>
    %convert_element_type3A_1058 = arith.truncf %max3A_1057 : vector<100x100xf32> to vector<100x100xbf16>
    %convert_element_type3A_1059 = arith.extf %convert_element_type3A_1058 : vector<100x100xbf16> to vector<100x100xf32>
    %get3A_1060 = arith.constant 10 : index
    %get3A_1061 = memref.load %arg5[%get3A_1060] : memref<50xf32, #tpu.memory_space<smem>>
    %mul3A_1062 = vector.broadcast %get3A_1061 : f32 to vector<100x100xf32>
    %mul3A_1063 = arith.mulf %mul3A_1062, %convert_element_type3A_1059 : vector<100x100xf32>
    %add3A_1064 = arith.addf %add3A_1048, %mul3A_1063 : vector<100x100xf32>
    %slice3A_1065 = vector.extract_strided_slice %add3A_883 {offsets = [0, 11], sizes = [100, 1], strides = [1, 1]} : vector<100x50xf32> to vector<100x1xf32>
    %slice3A_1066 = vector.extract_strided_slice %dot_general3A_885 {offsets = [11, 0], sizes = [1, 100], strides = [1, 1]} : vector<50x100xf32> to vector<1x100xf32>
    %add3A_1067 = vector.broadcast %slice3A_1065 : vector<100x1xf32> to vector<100x100xf32>
    %add3A_1068 = vector.broadcast %slice3A_1066 : vector<1x100xf32> to vector<100x100xf32>
    %add3A_1069 = arith.addf %add3A_1067, %add3A_1068 : vector<100x100xf32>
    %mul3A_1070 = arith.constant 2.000000e-01 : f32
    %mul3A_1071 = vector.broadcast %mul3A_1070 : f32 to vector<100x100xf32>
    %mul3A_1072 = arith.mulf %mul3A_1071, %add3A_1069 : vector<100x100xf32>
    %max3A_1073 = arith.maximumf %add3A_1069, %mul3A_1072 : vector<100x100xf32>
    %convert_element_type3A_1074 = arith.truncf %max3A_1073 : vector<100x100xf32> to vector<100x100xbf16>
    %convert_element_type3A_1075 = arith.extf %convert_element_type3A_1074 : vector<100x100xbf16> to vector<100x100xf32>
    %get3A_1076 = arith.constant 11 : index
    %get3A_1077 = memref.load %arg5[%get3A_1076] : memref<50xf32, #tpu.memory_space<smem>>
    %mul3A_1078 = vector.broadcast %get3A_1077 : f32 to vector<100x100xf32>
    %mul3A_1079 = arith.mulf %mul3A_1078, %convert_element_type3A_1075 : vector<100x100xf32>
    %add3A_1080 = arith.addf %add3A_1064, %mul3A_1079 : vector<100x100xf32>
    %slice3A_1081 = vector.extract_strided_slice %add3A_883 {offsets = [0, 12], sizes = [100, 1], strides = [1, 1]} : vector<100x50xf32> to vector<100x1xf32>
    %slice3A_1082 = vector.extract_strided_slice %dot_general3A_885 {offsets = [12, 0], sizes = [1, 100], strides = [1, 1]} : vector<50x100xf32> to vector<1x100xf32>
    %add3A_1083 = vector.broadcast %slice3A_1081 : vector<100x1xf32> to vector<100x100xf32>
    %add3A_1084 = vector.broadcast %slice3A_1082 : vector<1x100xf32> to vector<100x100xf32>
    %add3A_1085 = arith.addf %add3A_1083, %add3A_1084 : vector<100x100xf32>
    %mul3A_1086 = arith.constant 2.000000e-01 : f32
    %mul3A_1087 = vector.broadcast %mul3A_1086 : f32 to vector<100x100xf32>
    %mul3A_1088 = arith.mulf %mul3A_1087, %add3A_1085 : vector<100x100xf32>
    %max3A_1089 = arith.maximumf %add3A_1085, %mul3A_1088 : vector<100x100xf32>
    %convert_element_type3A_1090 = arith.truncf %max3A_1089 : vector<100x100xf32> to vector<100x100xbf16>
    %convert_element_type3A_1091 = arith.extf %convert_element_type3A_1090 : vector<100x100xbf16> to vector<100x100xf32>
    %get3A_1092 = arith.constant 12 : index
    %get3A_1093 = memref.load %arg5[%get3A_1092] : memref<50xf32, #tpu.memory_space<smem>>
    %mul3A_1094 = vector.broadcast %get3A_1093 : f32 to vector<100x100xf32>
    %mul3A_1095 = arith.mulf %mul3A_1094, %convert_element_type3A_1091 : vector<100x100xf32>
    %add3A_1096 = arith.addf %add3A_1080, %mul3A_1095 : vector<100x100xf32>
    %slice3A_1097 = vector.extract_strided_slice %add3A_883 {offsets = [0, 13], sizes = [100, 1], strides = [1, 1]} : vector<100x50xf32> to vector<100x1xf32>
    %slice3A_1098 = vector.extract_strided_slice %dot_general3A_885 {offsets = [13, 0], sizes = [1, 100], strides = [1, 1]} : vector<50x100xf32> to vector<1x100xf32>
    %add3A_1099 = vector.broadcast %slice3A_1097 : vector<100x1xf32> to vector<100x100xf32>
    %add3A_1100 = vector.broadcast %slice3A_1098 : vector<1x100xf32> to vector<100x100xf32>
    %add3A_1101 = arith.addf %add3A_1099, %add3A_1100 : vector<100x100xf32>
    %mul3A_1102 = arith.constant 2.000000e-01 : f32
    %mul3A_1103 = vector.broadcast %mul3A_1102 : f32 to vector<100x100xf32>
    %mul3A_1104 = arith.mulf %mul3A_1103, %add3A_1101 : vector<100x100xf32>
    %max3A_1105 = arith.maximumf %add3A_1101, %mul3A_1104 : vector<100x100xf32>
    %convert_element_type3A_1106 = arith.truncf %max3A_1105 : vector<100x100xf32> to vector<100x100xbf16>
    %convert_element_type3A_1107 = arith.extf %convert_element_type3A_1106 : vector<100x100xbf16> to vector<100x100xf32>
    %get3A_1108 = arith.constant 13 : index
    %get3A_1109 = memref.load %arg5[%get3A_1108] : memref<50xf32, #tpu.memory_space<smem>>
    %mul3A_1110 = vector.broadcast %get3A_1109 : f32 to vector<100x100xf32>
    %mul3A_1111 = arith.mulf %mul3A_1110, %convert_element_type3A_1107 : vector<100x100xf32>
    %add3A_1112 = arith.addf %add3A_1096, %mul3A_1111 : vector<100x100xf32>
    %slice3A_1113 = vector.extract_strided_slice %add3A_883 {offsets = [0, 14], sizes = [100, 1], strides = [1, 1]} : vector<100x50xf32> to vector<100x1xf32>
    %slice3A_1114 = vector.extract_strided_slice %dot_general3A_885 {offsets = [14, 0], sizes = [1, 100], strides = [1, 1]} : vector<50x100xf32> to vector<1x100xf32>
    %add3A_1115 = vector.broadcast %slice3A_1113 : vector<100x1xf32> to vector<100x100xf32>
    %add3A_1116 = vector.broadcast %slice3A_1114 : vector<1x100xf32> to vector<100x100xf32>
    %add3A_1117 = arith.addf %add3A_1115, %add3A_1116 : vector<100x100xf32>
    %mul3A_1118 = arith.constant 2.000000e-01 : f32
    %mul3A_1119 = vector.broadcast %mul3A_1118 : f32 to vector<100x100xf32>
    %mul3A_1120 = arith.mulf %mul3A_1119, %add3A_1117 : vector<100x100xf32>
    %max3A_1121 = arith.maximumf %add3A_1117, %mul3A_1120 : vector<100x100xf32>
    %convert_element_type3A_1122 = arith.truncf %max3A_1121 : vector<100x100xf32> to vector<100x100xbf16>
    %convert_element_type3A_1123 = arith.extf %convert_element_type3A_1122 : vector<100x100xbf16> to vector<100x100xf32>
    %get3A_1124 = arith.constant 14 : index
    %get3A_1125 = memref.load %arg5[%get3A_1124] : memref<50xf32, #tpu.memory_space<smem>>
    %mul3A_1126 = vector.broadcast %get3A_1125 : f32 to vector<100x100xf32>
    %mul3A_1127 = arith.mulf %mul3A_1126, %convert_element_type3A_1123 : vector<100x100xf32>
    %add3A_1128 = arith.addf %add3A_1112, %mul3A_1127 : vector<100x100xf32>
    %slice3A_1129 = vector.extract_strided_slice %add3A_883 {offsets = [0, 15], sizes = [100, 1], strides = [1, 1]} : vector<100x50xf32> to vector<100x1xf32>
    %slice3A_1130 = vector.extract_strided_slice %dot_general3A_885 {offsets = [15, 0], sizes = [1, 100], strides = [1, 1]} : vector<50x100xf32> to vector<1x100xf32>
    %add3A_1131 = vector.broadcast %slice3A_1129 : vector<100x1xf32> to vector<100x100xf32>
    %add3A_1132 = vector.broadcast %slice3A_1130 : vector<1x100xf32> to vector<100x100xf32>
    %add3A_1133 = arith.addf %add3A_1131, %add3A_1132 : vector<100x100xf32>
    %mul3A_1134 = arith.constant 2.000000e-01 : f32
    %mul3A_1135 = vector.broadcast %mul3A_1134 : f32 to vector<100x100xf32>
    %mul3A_1136 = arith.mulf %mul3A_1135, %add3A_1133 : vector<100x100xf32>
    %max3A_1137 = arith.maximumf %add3A_1133, %mul3A_1136 : vector<100x100xf32>
    %convert_element_type3A_1138 = arith.truncf %max3A_1137 : vector<100x100xf32> to vector<100x100xbf16>
    %convert_element_type3A_1139 = arith.extf %convert_element_type3A_1138 : vector<100x100xbf16> to vector<100x100xf32>
    %get3A_1140 = arith.constant 15 : index
    %get3A_1141 = memref.load %arg5[%get3A_1140] : memref<50xf32, #tpu.memory_space<smem>>
    %mul3A_1142 = vector.broadcast %get3A_1141 : f32 to vector<100x100xf32>
    %mul3A_1143 = arith.mulf %mul3A_1142, %convert_element_type3A_1139 : vector<100x100xf32>
    %add3A_1144 = arith.addf %add3A_1128, %mul3A_1143 : vector<100x100xf32>
    %slice3A_1145 = vector.extract_strided_slice %add3A_883 {offsets = [0, 16], sizes = [100, 1], strides = [1, 1]} : vector<100x50xf32> to vector<100x1xf32>
    %slice3A_1146 = vector.extract_strided_slice %dot_general3A_885 {offsets = [16, 0], sizes = [1, 100], strides = [1, 1]} : vector<50x100xf32> to vector<1x100xf32>
    %add3A_1147 = vector.broadcast %slice3A_1145 : vector<100x1xf32> to vector<100x100xf32>
    %add3A_1148 = vector.broadcast %slice3A_1146 : vector<1x100xf32> to vector<100x100xf32>
    %add3A_1149 = arith.addf %add3A_1147, %add3A_1148 : vector<100x100xf32>
    %mul3A_1150 = arith.constant 2.000000e-01 : f32
    %mul3A_1151 = vector.broadcast %mul3A_1150 : f32 to vector<100x100xf32>
    %mul3A_1152 = arith.mulf %mul3A_1151, %add3A_1149 : vector<100x100xf32>
    %max3A_1153 = arith.maximumf %add3A_1149, %mul3A_1152 : vector<100x100xf32>
    %convert_element_type3A_1154 = arith.truncf %max3A_1153 : vector<100x100xf32> to vector<100x100xbf16>
    %convert_element_type3A_1155 = arith.extf %convert_element_type3A_1154 : vector<100x100xbf16> to vector<100x100xf32>
    %get3A_1156 = arith.constant 16 : index
    %get3A_1157 = memref.load %arg5[%get3A_1156] : memref<50xf32, #tpu.memory_space<smem>>
    %mul3A_1158 = vector.broadcast %get3A_1157 : f32 to vector<100x100xf32>
    %mul3A_1159 = arith.mulf %mul3A_1158, %convert_element_type3A_1155 : vector<100x100xf32>
    %add3A_1160 = arith.addf %add3A_1144, %mul3A_1159 : vector<100x100xf32>
    %slice3A_1161 = vector.extract_strided_slice %add3A_883 {offsets = [0, 17], sizes = [100, 1], strides = [1, 1]} : vector<100x50xf32> to vector<100x1xf32>
    %slice3A_1162 = vector.extract_strided_slice %dot_general3A_885 {offsets = [17, 0], sizes = [1, 100], strides = [1, 1]} : vector<50x100xf32> to vector<1x100xf32>
    %add3A_1163 = vector.broadcast %slice3A_1161 : vector<100x1xf32> to vector<100x100xf32>
    %add3A_1164 = vector.broadcast %slice3A_1162 : vector<1x100xf32> to vector<100x100xf32>
    %add3A_1165 = arith.addf %add3A_1163, %add3A_1164 : vector<100x100xf32>
    %mul3A_1166 = arith.constant 2.000000e-01 : f32
    %mul3A_1167 = vector.broadcast %mul3A_1166 : f32 to vector<100x100xf32>
    %mul3A_1168 = arith.mulf %mul3A_1167, %add3A_1165 : vector<100x100xf32>
    %max3A_1169 = arith.maximumf %add3A_1165, %mul3A_1168 : vector<100x100xf32>
    %convert_element_type3A_1170 = arith.truncf %max3A_1169 : vector<100x100xf32> to vector<100x100xbf16>
    %convert_element_type3A_1171 = arith.extf %convert_element_type3A_1170 : vector<100x100xbf16> to vector<100x100xf32>
    %get3A_1172 = arith.constant 17 : index
    %get3A_1173 = memref.load %arg5[%get3A_1172] : memref<50xf32, #tpu.memory_space<smem>>
    %mul3A_1174 = vector.broadcast %get3A_1173 : f32 to vector<100x100xf32>
    %mul3A_1175 = arith.mulf %mul3A_1174, %convert_element_type3A_1171 : vector<100x100xf32>
    %add3A_1176 = arith.addf %add3A_1160, %mul3A_1175 : vector<100x100xf32>
    %slice3A_1177 = vector.extract_strided_slice %add3A_883 {offsets = [0, 18], sizes = [100, 1], strides = [1, 1]} : vector<100x50xf32> to vector<100x1xf32>
    %slice3A_1178 = vector.extract_strided_slice %dot_general3A_885 {offsets = [18, 0], sizes = [1, 100], strides = [1, 1]} : vector<50x100xf32> to vector<1x100xf32>
    %add3A_1179 = vector.broadcast %slice3A_1177 : vector<100x1xf32> to vector<100x100xf32>
    %add3A_1180 = vector.broadcast %slice3A_1178 : vector<1x100xf32> to vector<100x100xf32>
    %add3A_1181 = arith.addf %add3A_1179, %add3A_1180 : vector<100x100xf32>
    %mul3A_1182 = arith.constant 2.000000e-01 : f32
    %mul3A_1183 = vector.broadcast %mul3A_1182 : f32 to vector<100x100xf32>
    %mul3A_1184 = arith.mulf %mul3A_1183, %add3A_1181 : vector<100x100xf32>
    %max3A_1185 = arith.maximumf %add3A_1181, %mul3A_1184 : vector<100x100xf32>
    %convert_element_type3A_1186 = arith.truncf %max3A_1185 : vector<100x100xf32> to vector<100x100xbf16>
    %convert_element_type3A_1187 = arith.extf %convert_element_type3A_1186 : vector<100x100xbf16> to vector<100x100xf32>
    %get3A_1188 = arith.constant 18 : index
    %get3A_1189 = memref.load %arg5[%get3A_1188] : memref<50xf32, #tpu.memory_space<smem>>
    %mul3A_1190 = vector.broadcast %get3A_1189 : f32 to vector<100x100xf32>
    %mul3A_1191 = arith.mulf %mul3A_1190, %convert_element_type3A_1187 : vector<100x100xf32>
    %add3A_1192 = arith.addf %add3A_1176, %mul3A_1191 : vector<100x100xf32>
    %slice3A_1193 = vector.extract_strided_slice %add3A_883 {offsets = [0, 19], sizes = [100, 1], strides = [1, 1]} : vector<100x50xf32> to vector<100x1xf32>
    %slice3A_1194 = vector.extract_strided_slice %dot_general3A_885 {offsets = [19, 0], sizes = [1, 100], strides = [1, 1]} : vector<50x100xf32> to vector<1x100xf32>
    %add3A_1195 = vector.broadcast %slice3A_1193 : vector<100x1xf32> to vector<100x100xf32>
    %add3A_1196 = vector.broadcast %slice3A_1194 : vector<1x100xf32> to vector<100x100xf32>
    %add3A_1197 = arith.addf %add3A_1195, %add3A_1196 : vector<100x100xf32>
    %mul3A_1198 = arith.constant 2.000000e-01 : f32
    %mul3A_1199 = vector.broadcast %mul3A_1198 : f32 to vector<100x100xf32>
    %mul3A_1200 = arith.mulf %mul3A_1199, %add3A_1197 : vector<100x100xf32>
    %max3A_1201 = arith.maximumf %add3A_1197, %mul3A_1200 : vector<100x100xf32>
    %convert_element_type3A_1202 = arith.truncf %max3A_1201 : vector<100x100xf32> to vector<100x100xbf16>
    %convert_element_type3A_1203 = arith.extf %convert_element_type3A_1202 : vector<100x100xbf16> to vector<100x100xf32>
    %get3A_1204 = arith.constant 19 : index
    %get3A_1205 = memref.load %arg5[%get3A_1204] : memref<50xf32, #tpu.memory_space<smem>>
    %mul3A_1206 = vector.broadcast %get3A_1205 : f32 to vector<100x100xf32>
    %mul3A_1207 = arith.mulf %mul3A_1206, %convert_element_type3A_1203 : vector<100x100xf32>
    %add3A_1208 = arith.addf %add3A_1192, %mul3A_1207 : vector<100x100xf32>
    %slice3A_1209 = vector.extract_strided_slice %add3A_883 {offsets = [0, 20], sizes = [100, 1], strides = [1, 1]} : vector<100x50xf32> to vector<100x1xf32>
    %slice3A_1210 = vector.extract_strided_slice %dot_general3A_885 {offsets = [20, 0], sizes = [1, 100], strides = [1, 1]} : vector<50x100xf32> to vector<1x100xf32>
    %add3A_1211 = vector.broadcast %slice3A_1209 : vector<100x1xf32> to vector<100x100xf32>
    %add3A_1212 = vector.broadcast %slice3A_1210 : vector<1x100xf32> to vector<100x100xf32>
    %add3A_1213 = arith.addf %add3A_1211, %add3A_1212 : vector<100x100xf32>
    %mul3A_1214 = arith.constant 2.000000e-01 : f32
    %mul3A_1215 = vector.broadcast %mul3A_1214 : f32 to vector<100x100xf32>
    %mul3A_1216 = arith.mulf %mul3A_1215, %add3A_1213 : vector<100x100xf32>
    %max3A_1217 = arith.maximumf %add3A_1213, %mul3A_1216 : vector<100x100xf32>
    %convert_element_type3A_1218 = arith.truncf %max3A_1217 : vector<100x100xf32> to vector<100x100xbf16>
    %convert_element_type3A_1219 = arith.extf %convert_element_type3A_1218 : vector<100x100xbf16> to vector<100x100xf32>
    %get3A_1220 = arith.constant 20 : index
    %get3A_1221 = memref.load %arg5[%get3A_1220] : memref<50xf32, #tpu.memory_space<smem>>
    %mul3A_1222 = vector.broadcast %get3A_1221 : f32 to vector<100x100xf32>
    %mul3A_1223 = arith.mulf %mul3A_1222, %convert_element_type3A_1219 : vector<100x100xf32>
    %add3A_1224 = arith.addf %add3A_1208, %mul3A_1223 : vector<100x100xf32>
    %slice3A_1225 = vector.extract_strided_slice %add3A_883 {offsets = [0, 21], sizes = [100, 1], strides = [1, 1]} : vector<100x50xf32> to vector<100x1xf32>
    %slice3A_1226 = vector.extract_strided_slice %dot_general3A_885 {offsets = [21, 0], sizes = [1, 100], strides = [1, 1]} : vector<50x100xf32> to vector<1x100xf32>
    %add3A_1227 = vector.broadcast %slice3A_1225 : vector<100x1xf32> to vector<100x100xf32>
    %add3A_1228 = vector.broadcast %slice3A_1226 : vector<1x100xf32> to vector<100x100xf32>
    %add3A_1229 = arith.addf %add3A_1227, %add3A_1228 : vector<100x100xf32>
    %mul3A_1230 = arith.constant 2.000000e-01 : f32
    %mul3A_1231 = vector.broadcast %mul3A_1230 : f32 to vector<100x100xf32>
    %mul3A_1232 = arith.mulf %mul3A_1231, %add3A_1229 : vector<100x100xf32>
    %max3A_1233 = arith.maximumf %add3A_1229, %mul3A_1232 : vector<100x100xf32>
    %convert_element_type3A_1234 = arith.truncf %max3A_1233 : vector<100x100xf32> to vector<100x100xbf16>
    %convert_element_type3A_1235 = arith.extf %convert_element_type3A_1234 : vector<100x100xbf16> to vector<100x100xf32>
    %get3A_1236 = arith.constant 21 : index
    %get3A_1237 = memref.load %arg5[%get3A_1236] : memref<50xf32, #tpu.memory_space<smem>>
    %mul3A_1238 = vector.broadcast %get3A_1237 : f32 to vector<100x100xf32>
    %mul3A_1239 = arith.mulf %mul3A_1238, %convert_element_type3A_1235 : vector<100x100xf32>
    %add3A_1240 = arith.addf %add3A_1224, %mul3A_1239 : vector<100x100xf32>
    %slice3A_1241 = vector.extract_strided_slice %add3A_883 {offsets = [0, 22], sizes = [100, 1], strides = [1, 1]} : vector<100x50xf32> to vector<100x1xf32>
    %slice3A_1242 = vector.extract_strided_slice %dot_general3A_885 {offsets = [22, 0], sizes = [1, 100], strides = [1, 1]} : vector<50x100xf32> to vector<1x100xf32>
    %add3A_1243 = vector.broadcast %slice3A_1241 : vector<100x1xf32> to vector<100x100xf32>
    %add3A_1244 = vector.broadcast %slice3A_1242 : vector<1x100xf32> to vector<100x100xf32>
    %add3A_1245 = arith.addf %add3A_1243, %add3A_1244 : vector<100x100xf32>
    %mul3A_1246 = arith.constant 2.000000e-01 : f32
    %mul3A_1247 = vector.broadcast %mul3A_1246 : f32 to vector<100x100xf32>
    %mul3A_1248 = arith.mulf %mul3A_1247, %add3A_1245 : vector<100x100xf32>
    %max3A_1249 = arith.maximumf %add3A_1245, %mul3A_1248 : vector<100x100xf32>
    %convert_element_type3A_1250 = arith.truncf %max3A_1249 : vector<100x100xf32> to vector<100x100xbf16>
    %convert_element_type3A_1251 = arith.extf %convert_element_type3A_1250 : vector<100x100xbf16> to vector<100x100xf32>
    %get3A_1252 = arith.constant 22 : index
    %get3A_1253 = memref.load %arg5[%get3A_1252] : memref<50xf32, #tpu.memory_space<smem>>
    %mul3A_1254 = vector.broadcast %get3A_1253 : f32 to vector<100x100xf32>
    %mul3A_1255 = arith.mulf %mul3A_1254, %convert_element_type3A_1251 : vector<100x100xf32>
    %add3A_1256 = arith.addf %add3A_1240, %mul3A_1255 : vector<100x100xf32>
    %slice3A_1257 = vector.extract_strided_slice %add3A_883 {offsets = [0, 23], sizes = [100, 1], strides = [1, 1]} : vector<100x50xf32> to vector<100x1xf32>
    %slice3A_1258 = vector.extract_strided_slice %dot_general3A_885 {offsets = [23, 0], sizes = [1, 100], strides = [1, 1]} : vector<50x100xf32> to vector<1x100xf32>
    %add3A_1259 = vector.broadcast %slice3A_1257 : vector<100x1xf32> to vector<100x100xf32>
    %add3A_1260 = vector.broadcast %slice3A_1258 : vector<1x100xf32> to vector<100x100xf32>
    %add3A_1261 = arith.addf %add3A_1259, %add3A_1260 : vector<100x100xf32>
    %mul3A_1262 = arith.constant 2.000000e-01 : f32
    %mul3A_1263 = vector.broadcast %mul3A_1262 : f32 to vector<100x100xf32>
    %mul3A_1264 = arith.mulf %mul3A_1263, %add3A_1261 : vector<100x100xf32>
    %max3A_1265 = arith.maximumf %add3A_1261, %mul3A_1264 : vector<100x100xf32>
    %convert_element_type3A_1266 = arith.truncf %max3A_1265 : vector<100x100xf32> to vector<100x100xbf16>
    %convert_element_type3A_1267 = arith.extf %convert_element_type3A_1266 : vector<100x100xbf16> to vector<100x100xf32>
    %get3A_1268 = arith.constant 23 : index
    %get3A_1269 = memref.load %arg5[%get3A_1268] : memref<50xf32, #tpu.memory_space<smem>>
    %mul3A_1270 = vector.broadcast %get3A_1269 : f32 to vector<100x100xf32>
    %mul3A_1271 = arith.mulf %mul3A_1270, %convert_element_type3A_1267 : vector<100x100xf32>
    %add3A_1272 = arith.addf %add3A_1256, %mul3A_1271 : vector<100x100xf32>
    %slice3A_1273 = vector.extract_strided_slice %add3A_883 {offsets = [0, 24], sizes = [100, 1], strides = [1, 1]} : vector<100x50xf32> to vector<100x1xf32>
    %slice3A_1274 = vector.extract_strided_slice %dot_general3A_885 {offsets = [24, 0], sizes = [1, 100], strides = [1, 1]} : vector<50x100xf32> to vector<1x100xf32>
    %add3A_1275 = vector.broadcast %slice3A_1273 : vector<100x1xf32> to vector<100x100xf32>
    %add3A_1276 = vector.broadcast %slice3A_1274 : vector<1x100xf32> to vector<100x100xf32>
    %add3A_1277 = arith.addf %add3A_1275, %add3A_1276 : vector<100x100xf32>
    %mul3A_1278 = arith.constant 2.000000e-01 : f32
    %mul3A_1279 = vector.broadcast %mul3A_1278 : f32 to vector<100x100xf32>
    %mul3A_1280 = arith.mulf %mul3A_1279, %add3A_1277 : vector<100x100xf32>
    %max3A_1281 = arith.maximumf %add3A_1277, %mul3A_1280 : vector<100x100xf32>
    %convert_element_type3A_1282 = arith.truncf %max3A_1281 : vector<100x100xf32> to vector<100x100xbf16>
    %convert_element_type3A_1283 = arith.extf %convert_element_type3A_1282 : vector<100x100xbf16> to vector<100x100xf32>
    %get3A_1284 = arith.constant 24 : index
    %get3A_1285 = memref.load %arg5[%get3A_1284] : memref<50xf32, #tpu.memory_space<smem>>
    %mul3A_1286 = vector.broadcast %get3A_1285 : f32 to vector<100x100xf32>
    %mul3A_1287 = arith.mulf %mul3A_1286, %convert_element_type3A_1283 : vector<100x100xf32>
    %add3A_1288 = arith.addf %add3A_1272, %mul3A_1287 : vector<100x100xf32>
    %slice3A_1289 = vector.extract_strided_slice %add3A_883 {offsets = [0, 25], sizes = [100, 1], strides = [1, 1]} : vector<100x50xf32> to vector<100x1xf32>
    %slice3A_1290 = vector.extract_strided_slice %dot_general3A_885 {offsets = [25, 0], sizes = [1, 100], strides = [1, 1]} : vector<50x100xf32> to vector<1x100xf32>
    %add3A_1291 = vector.broadcast %slice3A_1289 : vector<100x1xf32> to vector<100x100xf32>
    %add3A_1292 = vector.broadcast %slice3A_1290 : vector<1x100xf32> to vector<100x100xf32>
    %add3A_1293 = arith.addf %add3A_1291, %add3A_1292 : vector<100x100xf32>
    %mul3A_1294 = arith.constant 2.000000e-01 : f32
    %mul3A_1295 = vector.broadcast %mul3A_1294 : f32 to vector<100x100xf32>
    %mul3A_1296 = arith.mulf %mul3A_1295, %add3A_1293 : vector<100x100xf32>
    %max3A_1297 = arith.maximumf %add3A_1293, %mul3A_1296 : vector<100x100xf32>
    %convert_element_type3A_1298 = arith.truncf %max3A_1297 : vector<100x100xf32> to vector<100x100xbf16>
    %convert_element_type3A_1299 = arith.extf %convert_element_type3A_1298 : vector<100x100xbf16> to vector<100x100xf32>
    %get3A_1300 = arith.constant 25 : index
    %get3A_1301 = memref.load %arg5[%get3A_1300] : memref<50xf32, #tpu.memory_space<smem>>
    %mul3A_1302 = vector.broadcast %get3A_1301 : f32 to vector<100x100xf32>
    %mul3A_1303 = arith.mulf %mul3A_1302, %convert_element_type3A_1299 : vector<100x100xf32>
    %add3A_1304 = arith.addf %add3A_1288, %mul3A_1303 : vector<100x100xf32>
    %slice3A_1305 = vector.extract_strided_slice %add3A_883 {offsets = [0, 26], sizes = [100, 1], strides = [1, 1]} : vector<100x50xf32> to vector<100x1xf32>
    %slice3A_1306 = vector.extract_strided_slice %dot_general3A_885 {offsets = [26, 0], sizes = [1, 100], strides = [1, 1]} : vector<50x100xf32> to vector<1x100xf32>
    %add3A_1307 = vector.broadcast %slice3A_1305 : vector<100x1xf32> to vector<100x100xf32>
    %add3A_1308 = vector.broadcast %slice3A_1306 : vector<1x100xf32> to vector<100x100xf32>
    %add3A_1309 = arith.addf %add3A_1307, %add3A_1308 : vector<100x100xf32>
    %mul3A_1310 = arith.constant 2.000000e-01 : f32
    %mul3A_1311 = vector.broadcast %mul3A_1310 : f32 to vector<100x100xf32>
    %mul3A_1312 = arith.mulf %mul3A_1311, %add3A_1309 : vector<100x100xf32>
    %max3A_1313 = arith.maximumf %add3A_1309, %mul3A_1312 : vector<100x100xf32>
    %convert_element_type3A_1314 = arith.truncf %max3A_1313 : vector<100x100xf32> to vector<100x100xbf16>
    %convert_element_type3A_1315 = arith.extf %convert_element_type3A_1314 : vector<100x100xbf16> to vector<100x100xf32>
    %get3A_1316 = arith.constant 26 : index
    %get3A_1317 = memref.load %arg5[%get3A_1316] : memref<50xf32, #tpu.memory_space<smem>>
    %mul3A_1318 = vector.broadcast %get3A_1317 : f32 to vector<100x100xf32>
    %mul3A_1319 = arith.mulf %mul3A_1318, %convert_element_type3A_1315 : vector<100x100xf32>
    %add3A_1320 = arith.addf %add3A_1304, %mul3A_1319 : vector<100x100xf32>
    %slice3A_1321 = vector.extract_strided_slice %add3A_883 {offsets = [0, 27], sizes = [100, 1], strides = [1, 1]} : vector<100x50xf32> to vector<100x1xf32>
    %slice3A_1322 = vector.extract_strided_slice %dot_general3A_885 {offsets = [27, 0], sizes = [1, 100], strides = [1, 1]} : vector<50x100xf32> to vector<1x100xf32>
    %add3A_1323 = vector.broadcast %slice3A_1321 : vector<100x1xf32> to vector<100x100xf32>
    %add3A_1324 = vector.broadcast %slice3A_1322 : vector<1x100xf32> to vector<100x100xf32>
    %add3A_1325 = arith.addf %add3A_1323, %add3A_1324 : vector<100x100xf32>
    %mul3A_1326 = arith.constant 2.000000e-01 : f32
    %mul3A_1327 = vector.broadcast %mul3A_1326 : f32 to vector<100x100xf32>
    %mul3A_1328 = arith.mulf %mul3A_1327, %add3A_1325 : vector<100x100xf32>
    %max3A_1329 = arith.maximumf %add3A_1325, %mul3A_1328 : vector<100x100xf32>
    %convert_element_type3A_1330 = arith.truncf %max3A_1329 : vector<100x100xf32> to vector<100x100xbf16>
    %convert_element_type3A_1331 = arith.extf %convert_element_type3A_1330 : vector<100x100xbf16> to vector<100x100xf32>
    %get3A_1332 = arith.constant 27 : index
    %get3A_1333 = memref.load %arg5[%get3A_1332] : memref<50xf32, #tpu.memory_space<smem>>
    %mul3A_1334 = vector.broadcast %get3A_1333 : f32 to vector<100x100xf32>
    %mul3A_1335 = arith.mulf %mul3A_1334, %convert_element_type3A_1331 : vector<100x100xf32>
    %add3A_1336 = arith.addf %add3A_1320, %mul3A_1335 : vector<100x100xf32>
    %slice3A_1337 = vector.extract_strided_slice %add3A_883 {offsets = [0, 28], sizes = [100, 1], strides = [1, 1]} : vector<100x50xf32> to vector<100x1xf32>
    %slice3A_1338 = vector.extract_strided_slice %dot_general3A_885 {offsets = [28, 0], sizes = [1, 100], strides = [1, 1]} : vector<50x100xf32> to vector<1x100xf32>
    %add3A_1339 = vector.broadcast %slice3A_1337 : vector<100x1xf32> to vector<100x100xf32>
    %add3A_1340 = vector.broadcast %slice3A_1338 : vector<1x100xf32> to vector<100x100xf32>
    %add3A_1341 = arith.addf %add3A_1339, %add3A_1340 : vector<100x100xf32>
    %mul3A_1342 = arith.constant 2.000000e-01 : f32
    %mul3A_1343 = vector.broadcast %mul3A_1342 : f32 to vector<100x100xf32>
    %mul3A_1344 = arith.mulf %mul3A_1343, %add3A_1341 : vector<100x100xf32>
    %max3A_1345 = arith.maximumf %add3A_1341, %mul3A_1344 : vector<100x100xf32>
    %convert_element_type3A_1346 = arith.truncf %max3A_1345 : vector<100x100xf32> to vector<100x100xbf16>
    %convert_element_type3A_1347 = arith.extf %convert_element_type3A_1346 : vector<100x100xbf16> to vector<100x100xf32>
    %get3A_1348 = arith.constant 28 : index
    %get3A_1349 = memref.load %arg5[%get3A_1348] : memref<50xf32, #tpu.memory_space<smem>>
    %mul3A_1350 = vector.broadcast %get3A_1349 : f32 to vector<100x100xf32>
    %mul3A_1351 = arith.mulf %mul3A_1350, %convert_element_type3A_1347 : vector<100x100xf32>
    %add3A_1352 = arith.addf %add3A_1336, %mul3A_1351 : vector<100x100xf32>
    %slice3A_1353 = vector.extract_strided_slice %add3A_883 {offsets = [0, 29], sizes = [100, 1], strides = [1, 1]} : vector<100x50xf32> to vector<100x1xf32>
    %slice3A_1354 = vector.extract_strided_slice %dot_general3A_885 {offsets = [29, 0], sizes = [1, 100], strides = [1, 1]} : vector<50x100xf32> to vector<1x100xf32>
    %add3A_1355 = vector.broadcast %slice3A_1353 : vector<100x1xf32> to vector<100x100xf32>
    %add3A_1356 = vector.broadcast %slice3A_1354 : vector<1x100xf32> to vector<100x100xf32>
    %add3A_1357 = arith.addf %add3A_1355, %add3A_1356 : vector<100x100xf32>
    %mul3A_1358 = arith.constant 2.000000e-01 : f32
    %mul3A_1359 = vector.broadcast %mul3A_1358 : f32 to vector<100x100xf32>
    %mul3A_1360 = arith.mulf %mul3A_1359, %add3A_1357 : vector<100x100xf32>
    %max3A_1361 = arith.maximumf %add3A_1357, %mul3A_1360 : vector<100x100xf32>
    %convert_element_type3A_1362 = arith.truncf %max3A_1361 : vector<100x100xf32> to vector<100x100xbf16>
    %convert_element_type3A_1363 = arith.extf %convert_element_type3A_1362 : vector<100x100xbf16> to vector<100x100xf32>
    %get3A_1364 = arith.constant 29 : index
    %get3A_1365 = memref.load %arg5[%get3A_1364] : memref<50xf32, #tpu.memory_space<smem>>
    %mul3A_1366 = vector.broadcast %get3A_1365 : f32 to vector<100x100xf32>
    %mul3A_1367 = arith.mulf %mul3A_1366, %convert_element_type3A_1363 : vector<100x100xf32>
    %add3A_1368 = arith.addf %add3A_1352, %mul3A_1367 : vector<100x100xf32>
    %slice3A_1369 = vector.extract_strided_slice %add3A_883 {offsets = [0, 30], sizes = [100, 1], strides = [1, 1]} : vector<100x50xf32> to vector<100x1xf32>
    %slice3A_1370 = vector.extract_strided_slice %dot_general3A_885 {offsets = [30, 0], sizes = [1, 100], strides = [1, 1]} : vector<50x100xf32> to vector<1x100xf32>
    %add3A_1371 = vector.broadcast %slice3A_1369 : vector<100x1xf32> to vector<100x100xf32>
    %add3A_1372 = vector.broadcast %slice3A_1370 : vector<1x100xf32> to vector<100x100xf32>
    %add3A_1373 = arith.addf %add3A_1371, %add3A_1372 : vector<100x100xf32>
    %mul3A_1374 = arith.constant 2.000000e-01 : f32
    %mul3A_1375 = vector.broadcast %mul3A_1374 : f32 to vector<100x100xf32>
    %mul3A_1376 = arith.mulf %mul3A_1375, %add3A_1373 : vector<100x100xf32>
    %max3A_1377 = arith.maximumf %add3A_1373, %mul3A_1376 : vector<100x100xf32>
    %convert_element_type3A_1378 = arith.truncf %max3A_1377 : vector<100x100xf32> to vector<100x100xbf16>
    %convert_element_type3A_1379 = arith.extf %convert_element_type3A_1378 : vector<100x100xbf16> to vector<100x100xf32>
    %get3A_1380 = arith.constant 30 : index
    %get3A_1381 = memref.load %arg5[%get3A_1380] : memref<50xf32, #tpu.memory_space<smem>>
    %mul3A_1382 = vector.broadcast %get3A_1381 : f32 to vector<100x100xf32>
    %mul3A_1383 = arith.mulf %mul3A_1382, %convert_element_type3A_1379 : vector<100x100xf32>
    %add3A_1384 = arith.addf %add3A_1368, %mul3A_1383 : vector<100x100xf32>
    %slice3A_1385 = vector.extract_strided_slice %add3A_883 {offsets = [0, 31], sizes = [100, 1], strides = [1, 1]} : vector<100x50xf32> to vector<100x1xf32>
    %slice3A_1386 = vector.extract_strided_slice %dot_general3A_885 {offsets = [31, 0], sizes = [1, 100], strides = [1, 1]} : vector<50x100xf32> to vector<1x100xf32>
    %add3A_1387 = vector.broadcast %slice3A_1385 : vector<100x1xf32> to vector<100x100xf32>
    %add3A_1388 = vector.broadcast %slice3A_1386 : vector<1x100xf32> to vector<100x100xf32>
    %add3A_1389 = arith.addf %add3A_1387, %add3A_1388 : vector<100x100xf32>
    %mul3A_1390 = arith.constant 2.000000e-01 : f32
    %mul3A_1391 = vector.broadcast %mul3A_1390 : f32 to vector<100x100xf32>
    %mul3A_1392 = arith.mulf %mul3A_1391, %add3A_1389 : vector<100x100xf32>
    %max3A_1393 = arith.maximumf %add3A_1389, %mul3A_1392 : vector<100x100xf32>
    %convert_element_type3A_1394 = arith.truncf %max3A_1393 : vector<100x100xf32> to vector<100x100xbf16>
    %convert_element_type3A_1395 = arith.extf %convert_element_type3A_1394 : vector<100x100xbf16> to vector<100x100xf32>
    %get3A_1396 = arith.constant 31 : index
    %get3A_1397 = memref.load %arg5[%get3A_1396] : memref<50xf32, #tpu.memory_space<smem>>
    %mul3A_1398 = vector.broadcast %get3A_1397 : f32 to vector<100x100xf32>
    %mul3A_1399 = arith.mulf %mul3A_1398, %convert_element_type3A_1395 : vector<100x100xf32>
    %add3A_1400 = arith.addf %add3A_1384, %mul3A_1399 : vector<100x100xf32>
    %slice3A_1401 = vector.extract_strided_slice %add3A_883 {offsets = [0, 32], sizes = [100, 1], strides = [1, 1]} : vector<100x50xf32> to vector<100x1xf32>
    %slice3A_1402 = vector.extract_strided_slice %dot_general3A_885 {offsets = [32, 0], sizes = [1, 100], strides = [1, 1]} : vector<50x100xf32> to vector<1x100xf32>
    %add3A_1403 = vector.broadcast %slice3A_1401 : vector<100x1xf32> to vector<100x100xf32>
    %add3A_1404 = vector.broadcast %slice3A_1402 : vector<1x100xf32> to vector<100x100xf32>
    %add3A_1405 = arith.addf %add3A_1403, %add3A_1404 : vector<100x100xf32>
    %mul3A_1406 = arith.constant 2.000000e-01 : f32
    %mul3A_1407 = vector.broadcast %mul3A_1406 : f32 to vector<100x100xf32>
    %mul3A_1408 = arith.mulf %mul3A_1407, %add3A_1405 : vector<100x100xf32>
    %max3A_1409 = arith.maximumf %add3A_1405, %mul3A_1408 : vector<100x100xf32>
    %convert_element_type3A_1410 = arith.truncf %max3A_1409 : vector<100x100xf32> to vector<100x100xbf16>
    %convert_element_type3A_1411 = arith.extf %convert_element_type3A_1410 : vector<100x100xbf16> to vector<100x100xf32>
    %get3A_1412 = arith.constant 32 : index
    %get3A_1413 = memref.load %arg5[%get3A_1412] : memref<50xf32, #tpu.memory_space<smem>>
    %mul3A_1414 = vector.broadcast %get3A_1413 : f32 to vector<100x100xf32>
    %mul3A_1415 = arith.mulf %mul3A_1414, %convert_element_type3A_1411 : vector<100x100xf32>
    %add3A_1416 = arith.addf %add3A_1400, %mul3A_1415 : vector<100x100xf32>
    %slice3A_1417 = vector.extract_strided_slice %add3A_883 {offsets = [0, 33], sizes = [100, 1], strides = [1, 1]} : vector<100x50xf32> to vector<100x1xf32>
    %slice3A_1418 = vector.extract_strided_slice %dot_general3A_885 {offsets = [33, 0], sizes = [1, 100], strides = [1, 1]} : vector<50x100xf32> to vector<1x100xf32>
    %add3A_1419 = vector.broadcast %slice3A_1417 : vector<100x1xf32> to vector<100x100xf32>
    %add3A_1420 = vector.broadcast %slice3A_1418 : vector<1x100xf32> to vector<100x100xf32>
    %add3A_1421 = arith.addf %add3A_1419, %add3A_1420 : vector<100x100xf32>
    %mul3A_1422 = arith.constant 2.000000e-01 : f32
    %mul3A_1423 = vector.broadcast %mul3A_1422 : f32 to vector<100x100xf32>
    %mul3A_1424 = arith.mulf %mul3A_1423, %add3A_1421 : vector<100x100xf32>
    %max3A_1425 = arith.maximumf %add3A_1421, %mul3A_1424 : vector<100x100xf32>
    %convert_element_type3A_1426 = arith.truncf %max3A_1425 : vector<100x100xf32> to vector<100x100xbf16>
    %convert_element_type3A_1427 = arith.extf %convert_element_type3A_1426 : vector<100x100xbf16> to vector<100x100xf32>
    %get3A_1428 = arith.constant 33 : index
    %get3A_1429 = memref.load %arg5[%get3A_1428] : memref<50xf32, #tpu.memory_space<smem>>
    %mul3A_1430 = vector.broadcast %get3A_1429 : f32 to vector<100x100xf32>
    %mul3A_1431 = arith.mulf %mul3A_1430, %convert_element_type3A_1427 : vector<100x100xf32>
    %add3A_1432 = arith.addf %add3A_1416, %mul3A_1431 : vector<100x100xf32>
    %slice3A_1433 = vector.extract_strided_slice %add3A_883 {offsets = [0, 34], sizes = [100, 1], strides = [1, 1]} : vector<100x50xf32> to vector<100x1xf32>
    %slice3A_1434 = vector.extract_strided_slice %dot_general3A_885 {offsets = [34, 0], sizes = [1, 100], strides = [1, 1]} : vector<50x100xf32> to vector<1x100xf32>
    %add3A_1435 = vector.broadcast %slice3A_1433 : vector<100x1xf32> to vector<100x100xf32>
    %add3A_1436 = vector.broadcast %slice3A_1434 : vector<1x100xf32> to vector<100x100xf32>
    %add3A_1437 = arith.addf %add3A_1435, %add3A_1436 : vector<100x100xf32>
    %mul3A_1438 = arith.constant 2.000000e-01 : f32
    %mul3A_1439 = vector.broadcast %mul3A_1438 : f32 to vector<100x100xf32>
    %mul3A_1440 = arith.mulf %mul3A_1439, %add3A_1437 : vector<100x100xf32>
    %max3A_1441 = arith.maximumf %add3A_1437, %mul3A_1440 : vector<100x100xf32>
    %convert_element_type3A_1442 = arith.truncf %max3A_1441 : vector<100x100xf32> to vector<100x100xbf16>
    %convert_element_type3A_1443 = arith.extf %convert_element_type3A_1442 : vector<100x100xbf16> to vector<100x100xf32>
    %get3A_1444 = arith.constant 34 : index
    %get3A_1445 = memref.load %arg5[%get3A_1444] : memref<50xf32, #tpu.memory_space<smem>>
    %mul3A_1446 = vector.broadcast %get3A_1445 : f32 to vector<100x100xf32>
    %mul3A_1447 = arith.mulf %mul3A_1446, %convert_element_type3A_1443 : vector<100x100xf32>
    %add3A_1448 = arith.addf %add3A_1432, %mul3A_1447 : vector<100x100xf32>
    %slice3A_1449 = vector.extract_strided_slice %add3A_883 {offsets = [0, 35], sizes = [100, 1], strides = [1, 1]} : vector<100x50xf32> to vector<100x1xf32>
    %slice3A_1450 = vector.extract_strided_slice %dot_general3A_885 {offsets = [35, 0], sizes = [1, 100], strides = [1, 1]} : vector<50x100xf32> to vector<1x100xf32>
    %add3A_1451 = vector.broadcast %slice3A_1449 : vector<100x1xf32> to vector<100x100xf32>
    %add3A_1452 = vector.broadcast %slice3A_1450 : vector<1x100xf32> to vector<100x100xf32>
    %add3A_1453 = arith.addf %add3A_1451, %add3A_1452 : vector<100x100xf32>
    %mul3A_1454 = arith.constant 2.000000e-01 : f32
    %mul3A_1455 = vector.broadcast %mul3A_1454 : f32 to vector<100x100xf32>
    %mul3A_1456 = arith.mulf %mul3A_1455, %add3A_1453 : vector<100x100xf32>
    %max3A_1457 = arith.maximumf %add3A_1453, %mul3A_1456 : vector<100x100xf32>
    %convert_element_type3A_1458 = arith.truncf %max3A_1457 : vector<100x100xf32> to vector<100x100xbf16>
    %convert_element_type3A_1459 = arith.extf %convert_element_type3A_1458 : vector<100x100xbf16> to vector<100x100xf32>
    %get3A_1460 = arith.constant 35 : index
    %get3A_1461 = memref.load %arg5[%get3A_1460] : memref<50xf32, #tpu.memory_space<smem>>
    %mul3A_1462 = vector.broadcast %get3A_1461 : f32 to vector<100x100xf32>
    %mul3A_1463 = arith.mulf %mul3A_1462, %convert_element_type3A_1459 : vector<100x100xf32>
    %add3A_1464 = arith.addf %add3A_1448, %mul3A_1463 : vector<100x100xf32>
    %slice3A_1465 = vector.extract_strided_slice %add3A_883 {offsets = [0, 36], sizes = [100, 1], strides = [1, 1]} : vector<100x50xf32> to vector<100x1xf32>
    %slice3A_1466 = vector.extract_strided_slice %dot_general3A_885 {offsets = [36, 0], sizes = [1, 100], strides = [1, 1]} : vector<50x100xf32> to vector<1x100xf32>
    %add3A_1467 = vector.broadcast %slice3A_1465 : vector<100x1xf32> to vector<100x100xf32>
    %add3A_1468 = vector.broadcast %slice3A_1466 : vector<1x100xf32> to vector<100x100xf32>
    %add3A_1469 = arith.addf %add3A_1467, %add3A_1468 : vector<100x100xf32>
    %mul3A_1470 = arith.constant 2.000000e-01 : f32
    %mul3A_1471 = vector.broadcast %mul3A_1470 : f32 to vector<100x100xf32>
    %mul3A_1472 = arith.mulf %mul3A_1471, %add3A_1469 : vector<100x100xf32>
    %max3A_1473 = arith.maximumf %add3A_1469, %mul3A_1472 : vector<100x100xf32>
    %convert_element_type3A_1474 = arith.truncf %max3A_1473 : vector<100x100xf32> to vector<100x100xbf16>
    %convert_element_type3A_1475 = arith.extf %convert_element_type3A_1474 : vector<100x100xbf16> to vector<100x100xf32>
    %get3A_1476 = arith.constant 36 : index
    %get3A_1477 = memref.load %arg5[%get3A_1476] : memref<50xf32, #tpu.memory_space<smem>>
    %mul3A_1478 = vector.broadcast %get3A_1477 : f32 to vector<100x100xf32>
    %mul3A_1479 = arith.mulf %mul3A_1478, %convert_element_type3A_1475 : vector<100x100xf32>
    %add3A_1480 = arith.addf %add3A_1464, %mul3A_1479 : vector<100x100xf32>
    %slice3A_1481 = vector.extract_strided_slice %add3A_883 {offsets = [0, 37], sizes = [100, 1], strides = [1, 1]} : vector<100x50xf32> to vector<100x1xf32>
    %slice3A_1482 = vector.extract_strided_slice %dot_general3A_885 {offsets = [37, 0], sizes = [1, 100], strides = [1, 1]} : vector<50x100xf32> to vector<1x100xf32>
    %add3A_1483 = vector.broadcast %slice3A_1481 : vector<100x1xf32> to vector<100x100xf32>
    %add3A_1484 = vector.broadcast %slice3A_1482 : vector<1x100xf32> to vector<100x100xf32>
    %add3A_1485 = arith.addf %add3A_1483, %add3A_1484 : vector<100x100xf32>
    %mul3A_1486 = arith.constant 2.000000e-01 : f32
    %mul3A_1487 = vector.broadcast %mul3A_1486 : f32 to vector<100x100xf32>
    %mul3A_1488 = arith.mulf %mul3A_1487, %add3A_1485 : vector<100x100xf32>
    %max3A_1489 = arith.maximumf %add3A_1485, %mul3A_1488 : vector<100x100xf32>
    %convert_element_type3A_1490 = arith.truncf %max3A_1489 : vector<100x100xf32> to vector<100x100xbf16>
    %convert_element_type3A_1491 = arith.extf %convert_element_type3A_1490 : vector<100x100xbf16> to vector<100x100xf32>
    %get3A_1492 = arith.constant 37 : index
    %get3A_1493 = memref.load %arg5[%get3A_1492] : memref<50xf32, #tpu.memory_space<smem>>
    %mul3A_1494 = vector.broadcast %get3A_1493 : f32 to vector<100x100xf32>
    %mul3A_1495 = arith.mulf %mul3A_1494, %convert_element_type3A_1491 : vector<100x100xf32>
    %add3A_1496 = arith.addf %add3A_1480, %mul3A_1495 : vector<100x100xf32>
    %slice3A_1497 = vector.extract_strided_slice %add3A_883 {offsets = [0, 38], sizes = [100, 1], strides = [1, 1]} : vector<100x50xf32> to vector<100x1xf32>
    %slice3A_1498 = vector.extract_strided_slice %dot_general3A_885 {offsets = [38, 0], sizes = [1, 100], strides = [1, 1]} : vector<50x100xf32> to vector<1x100xf32>
    %add3A_1499 = vector.broadcast %slice3A_1497 : vector<100x1xf32> to vector<100x100xf32>
    %add3A_1500 = vector.broadcast %slice3A_1498 : vector<1x100xf32> to vector<100x100xf32>
    %add3A_1501 = arith.addf %add3A_1499, %add3A_1500 : vector<100x100xf32>
    %mul3A_1502 = arith.constant 2.000000e-01 : f32
    %mul3A_1503 = vector.broadcast %mul3A_1502 : f32 to vector<100x100xf32>
    %mul3A_1504 = arith.mulf %mul3A_1503, %add3A_1501 : vector<100x100xf32>
    %max3A_1505 = arith.maximumf %add3A_1501, %mul3A_1504 : vector<100x100xf32>
    %convert_element_type3A_1506 = arith.truncf %max3A_1505 : vector<100x100xf32> to vector<100x100xbf16>
    %convert_element_type3A_1507 = arith.extf %convert_element_type3A_1506 : vector<100x100xbf16> to vector<100x100xf32>
    %get3A_1508 = arith.constant 38 : index
    %get3A_1509 = memref.load %arg5[%get3A_1508] : memref<50xf32, #tpu.memory_space<smem>>
    %mul3A_1510 = vector.broadcast %get3A_1509 : f32 to vector<100x100xf32>
    %mul3A_1511 = arith.mulf %mul3A_1510, %convert_element_type3A_1507 : vector<100x100xf32>
    %add3A_1512 = arith.addf %add3A_1496, %mul3A_1511 : vector<100x100xf32>
    %slice3A_1513 = vector.extract_strided_slice %add3A_883 {offsets = [0, 39], sizes = [100, 1], strides = [1, 1]} : vector<100x50xf32> to vector<100x1xf32>
    %slice3A_1514 = vector.extract_strided_slice %dot_general3A_885 {offsets = [39, 0], sizes = [1, 100], strides = [1, 1]} : vector<50x100xf32> to vector<1x100xf32>
    %add3A_1515 = vector.broadcast %slice3A_1513 : vector<100x1xf32> to vector<100x100xf32>
    %add3A_1516 = vector.broadcast %slice3A_1514 : vector<1x100xf32> to vector<100x100xf32>
    %add3A_1517 = arith.addf %add3A_1515, %add3A_1516 : vector<100x100xf32>
    %mul3A_1518 = arith.constant 2.000000e-01 : f32
    %mul3A_1519 = vector.broadcast %mul3A_1518 : f32 to vector<100x100xf32>
    %mul3A_1520 = arith.mulf %mul3A_1519, %add3A_1517 : vector<100x100xf32>
    %max3A_1521 = arith.maximumf %add3A_1517, %mul3A_1520 : vector<100x100xf32>
    %convert_element_type3A_1522 = arith.truncf %max3A_1521 : vector<100x100xf32> to vector<100x100xbf16>
    %convert_element_type3A_1523 = arith.extf %convert_element_type3A_1522 : vector<100x100xbf16> to vector<100x100xf32>
    %get3A_1524 = arith.constant 39 : index
    %get3A_1525 = memref.load %arg5[%get3A_1524] : memref<50xf32, #tpu.memory_space<smem>>
    %mul3A_1526 = vector.broadcast %get3A_1525 : f32 to vector<100x100xf32>
    %mul3A_1527 = arith.mulf %mul3A_1526, %convert_element_type3A_1523 : vector<100x100xf32>
    %add3A_1528 = arith.addf %add3A_1512, %mul3A_1527 : vector<100x100xf32>
    %slice3A_1529 = vector.extract_strided_slice %add3A_883 {offsets = [0, 40], sizes = [100, 1], strides = [1, 1]} : vector<100x50xf32> to vector<100x1xf32>
    %slice3A_1530 = vector.extract_strided_slice %dot_general3A_885 {offsets = [40, 0], sizes = [1, 100], strides = [1, 1]} : vector<50x100xf32> to vector<1x100xf32>
    %add3A_1531 = vector.broadcast %slice3A_1529 : vector<100x1xf32> to vector<100x100xf32>
    %add3A_1532 = vector.broadcast %slice3A_1530 : vector<1x100xf32> to vector<100x100xf32>
    %add3A_1533 = arith.addf %add3A_1531, %add3A_1532 : vector<100x100xf32>
    %mul3A_1534 = arith.constant 2.000000e-01 : f32
    %mul3A_1535 = vector.broadcast %mul3A_1534 : f32 to vector<100x100xf32>
    %mul3A_1536 = arith.mulf %mul3A_1535, %add3A_1533 : vector<100x100xf32>
    %max3A_1537 = arith.maximumf %add3A_1533, %mul3A_1536 : vector<100x100xf32>
    %convert_element_type3A_1538 = arith.truncf %max3A_1537 : vector<100x100xf32> to vector<100x100xbf16>
    %convert_element_type3A_1539 = arith.extf %convert_element_type3A_1538 : vector<100x100xbf16> to vector<100x100xf32>
    %get3A_1540 = arith.constant 40 : index
    %get3A_1541 = memref.load %arg5[%get3A_1540] : memref<50xf32, #tpu.memory_space<smem>>
    %mul3A_1542 = vector.broadcast %get3A_1541 : f32 to vector<100x100xf32>
    %mul3A_1543 = arith.mulf %mul3A_1542, %convert_element_type3A_1539 : vector<100x100xf32>
    %add3A_1544 = arith.addf %add3A_1528, %mul3A_1543 : vector<100x100xf32>
    %slice3A_1545 = vector.extract_strided_slice %add3A_883 {offsets = [0, 41], sizes = [100, 1], strides = [1, 1]} : vector<100x50xf32> to vector<100x1xf32>
    %slice3A_1546 = vector.extract_strided_slice %dot_general3A_885 {offsets = [41, 0], sizes = [1, 100], strides = [1, 1]} : vector<50x100xf32> to vector<1x100xf32>
    %add3A_1547 = vector.broadcast %slice3A_1545 : vector<100x1xf32> to vector<100x100xf32>
    %add3A_1548 = vector.broadcast %slice3A_1546 : vector<1x100xf32> to vector<100x100xf32>
    %add3A_1549 = arith.addf %add3A_1547, %add3A_1548 : vector<100x100xf32>
    %mul3A_1550 = arith.constant 2.000000e-01 : f32
    %mul3A_1551 = vector.broadcast %mul3A_1550 : f32 to vector<100x100xf32>
    %mul3A_1552 = arith.mulf %mul3A_1551, %add3A_1549 : vector<100x100xf32>
    %max3A_1553 = arith.maximumf %add3A_1549, %mul3A_1552 : vector<100x100xf32>
    %convert_element_type3A_1554 = arith.truncf %max3A_1553 : vector<100x100xf32> to vector<100x100xbf16>
    %convert_element_type3A_1555 = arith.extf %convert_element_type3A_1554 : vector<100x100xbf16> to vector<100x100xf32>
    %get3A_1556 = arith.constant 41 : index
    %get3A_1557 = memref.load %arg5[%get3A_1556] : memref<50xf32, #tpu.memory_space<smem>>
    %mul3A_1558 = vector.broadcast %get3A_1557 : f32 to vector<100x100xf32>
    %mul3A_1559 = arith.mulf %mul3A_1558, %convert_element_type3A_1555 : vector<100x100xf32>
    %add3A_1560 = arith.addf %add3A_1544, %mul3A_1559 : vector<100x100xf32>
    %slice3A_1561 = vector.extract_strided_slice %add3A_883 {offsets = [0, 42], sizes = [100, 1], strides = [1, 1]} : vector<100x50xf32> to vector<100x1xf32>
    %slice3A_1562 = vector.extract_strided_slice %dot_general3A_885 {offsets = [42, 0], sizes = [1, 100], strides = [1, 1]} : vector<50x100xf32> to vector<1x100xf32>
    %add3A_1563 = vector.broadcast %slice3A_1561 : vector<100x1xf32> to vector<100x100xf32>
    %add3A_1564 = vector.broadcast %slice3A_1562 : vector<1x100xf32> to vector<100x100xf32>
    %add3A_1565 = arith.addf %add3A_1563, %add3A_1564 : vector<100x100xf32>
    %mul3A_1566 = arith.constant 2.000000e-01 : f32
    %mul3A_1567 = vector.broadcast %mul3A_1566 : f32 to vector<100x100xf32>
    %mul3A_1568 = arith.mulf %mul3A_1567, %add3A_1565 : vector<100x100xf32>
    %max3A_1569 = arith.maximumf %add3A_1565, %mul3A_1568 : vector<100x100xf32>
    %convert_element_type3A_1570 = arith.truncf %max3A_1569 : vector<100x100xf32> to vector<100x100xbf16>
    %convert_element_type3A_1571 = arith.extf %convert_element_type3A_1570 : vector<100x100xbf16> to vector<100x100xf32>
    %get3A_1572 = arith.constant 42 : index
    %get3A_1573 = memref.load %arg5[%get3A_1572] : memref<50xf32, #tpu.memory_space<smem>>
    %mul3A_1574 = vector.broadcast %get3A_1573 : f32 to vector<100x100xf32>
    %mul3A_1575 = arith.mulf %mul3A_1574, %convert_element_type3A_1571 : vector<100x100xf32>
    %add3A_1576 = arith.addf %add3A_1560, %mul3A_1575 : vector<100x100xf32>
    %slice3A_1577 = vector.extract_strided_slice %add3A_883 {offsets = [0, 43], sizes = [100, 1], strides = [1, 1]} : vector<100x50xf32> to vector<100x1xf32>
    %slice3A_1578 = vector.extract_strided_slice %dot_general3A_885 {offsets = [43, 0], sizes = [1, 100], strides = [1, 1]} : vector<50x100xf32> to vector<1x100xf32>
    %add3A_1579 = vector.broadcast %slice3A_1577 : vector<100x1xf32> to vector<100x100xf32>
    %add3A_1580 = vector.broadcast %slice3A_1578 : vector<1x100xf32> to vector<100x100xf32>
    %add3A_1581 = arith.addf %add3A_1579, %add3A_1580 : vector<100x100xf32>
    %mul3A_1582 = arith.constant 2.000000e-01 : f32
    %mul3A_1583 = vector.broadcast %mul3A_1582 : f32 to vector<100x100xf32>
    %mul3A_1584 = arith.mulf %mul3A_1583, %add3A_1581 : vector<100x100xf32>
    %max3A_1585 = arith.maximumf %add3A_1581, %mul3A_1584 : vector<100x100xf32>
    %convert_element_type3A_1586 = arith.truncf %max3A_1585 : vector<100x100xf32> to vector<100x100xbf16>
    %convert_element_type3A_1587 = arith.extf %convert_element_type3A_1586 : vector<100x100xbf16> to vector<100x100xf32>
    %get3A_1588 = arith.constant 43 : index
    %get3A_1589 = memref.load %arg5[%get3A_1588] : memref<50xf32, #tpu.memory_space<smem>>
    %mul3A_1590 = vector.broadcast %get3A_1589 : f32 to vector<100x100xf32>
    %mul3A_1591 = arith.mulf %mul3A_1590, %convert_element_type3A_1587 : vector<100x100xf32>
    %add3A_1592 = arith.addf %add3A_1576, %mul3A_1591 : vector<100x100xf32>
    %slice3A_1593 = vector.extract_strided_slice %add3A_883 {offsets = [0, 44], sizes = [100, 1], strides = [1, 1]} : vector<100x50xf32> to vector<100x1xf32>
    %slice3A_1594 = vector.extract_strided_slice %dot_general3A_885 {offsets = [44, 0], sizes = [1, 100], strides = [1, 1]} : vector<50x100xf32> to vector<1x100xf32>
    %add3A_1595 = vector.broadcast %slice3A_1593 : vector<100x1xf32> to vector<100x100xf32>
    %add3A_1596 = vector.broadcast %slice3A_1594 : vector<1x100xf32> to vector<100x100xf32>
    %add3A_1597 = arith.addf %add3A_1595, %add3A_1596 : vector<100x100xf32>
    %mul3A_1598 = arith.constant 2.000000e-01 : f32
    %mul3A_1599 = vector.broadcast %mul3A_1598 : f32 to vector<100x100xf32>
    %mul3A_1600 = arith.mulf %mul3A_1599, %add3A_1597 : vector<100x100xf32>
    %max3A_1601 = arith.maximumf %add3A_1597, %mul3A_1600 : vector<100x100xf32>
    %convert_element_type3A_1602 = arith.truncf %max3A_1601 : vector<100x100xf32> to vector<100x100xbf16>
    %convert_element_type3A_1603 = arith.extf %convert_element_type3A_1602 : vector<100x100xbf16> to vector<100x100xf32>
    %get3A_1604 = arith.constant 44 : index
    %get3A_1605 = memref.load %arg5[%get3A_1604] : memref<50xf32, #tpu.memory_space<smem>>
    %mul3A_1606 = vector.broadcast %get3A_1605 : f32 to vector<100x100xf32>
    %mul3A_1607 = arith.mulf %mul3A_1606, %convert_element_type3A_1603 : vector<100x100xf32>
    %add3A_1608 = arith.addf %add3A_1592, %mul3A_1607 : vector<100x100xf32>
    %slice3A_1609 = vector.extract_strided_slice %add3A_883 {offsets = [0, 45], sizes = [100, 1], strides = [1, 1]} : vector<100x50xf32> to vector<100x1xf32>
    %slice3A_1610 = vector.extract_strided_slice %dot_general3A_885 {offsets = [45, 0], sizes = [1, 100], strides = [1, 1]} : vector<50x100xf32> to vector<1x100xf32>
    %add3A_1611 = vector.broadcast %slice3A_1609 : vector<100x1xf32> to vector<100x100xf32>
    %add3A_1612 = vector.broadcast %slice3A_1610 : vector<1x100xf32> to vector<100x100xf32>
    %add3A_1613 = arith.addf %add3A_1611, %add3A_1612 : vector<100x100xf32>
    %mul3A_1614 = arith.constant 2.000000e-01 : f32
    %mul3A_1615 = vector.broadcast %mul3A_1614 : f32 to vector<100x100xf32>
    %mul3A_1616 = arith.mulf %mul3A_1615, %add3A_1613 : vector<100x100xf32>
    %max3A_1617 = arith.maximumf %add3A_1613, %mul3A_1616 : vector<100x100xf32>
    %convert_element_type3A_1618 = arith.truncf %max3A_1617 : vector<100x100xf32> to vector<100x100xbf16>
    %convert_element_type3A_1619 = arith.extf %convert_element_type3A_1618 : vector<100x100xbf16> to vector<100x100xf32>
    %get3A_1620 = arith.constant 45 : index
    %get3A_1621 = memref.load %arg5[%get3A_1620] : memref<50xf32, #tpu.memory_space<smem>>
    %mul3A_1622 = vector.broadcast %get3A_1621 : f32 to vector<100x100xf32>
    %mul3A_1623 = arith.mulf %mul3A_1622, %convert_element_type3A_1619 : vector<100x100xf32>
    %add3A_1624 = arith.addf %add3A_1608, %mul3A_1623 : vector<100x100xf32>
    %slice3A_1625 = vector.extract_strided_slice %add3A_883 {offsets = [0, 46], sizes = [100, 1], strides = [1, 1]} : vector<100x50xf32> to vector<100x1xf32>
    %slice3A_1626 = vector.extract_strided_slice %dot_general3A_885 {offsets = [46, 0], sizes = [1, 100], strides = [1, 1]} : vector<50x100xf32> to vector<1x100xf32>
    %add3A_1627 = vector.broadcast %slice3A_1625 : vector<100x1xf32> to vector<100x100xf32>
    %add3A_1628 = vector.broadcast %slice3A_1626 : vector<1x100xf32> to vector<100x100xf32>
    %add3A_1629 = arith.addf %add3A_1627, %add3A_1628 : vector<100x100xf32>
    %mul3A_1630 = arith.constant 2.000000e-01 : f32
    %mul3A_1631 = vector.broadcast %mul3A_1630 : f32 to vector<100x100xf32>
    %mul3A_1632 = arith.mulf %mul3A_1631, %add3A_1629 : vector<100x100xf32>
    %max3A_1633 = arith.maximumf %add3A_1629, %mul3A_1632 : vector<100x100xf32>
    %convert_element_type3A_1634 = arith.truncf %max3A_1633 : vector<100x100xf32> to vector<100x100xbf16>
    %convert_element_type3A_1635 = arith.extf %convert_element_type3A_1634 : vector<100x100xbf16> to vector<100x100xf32>
    %get3A_1636 = arith.constant 46 : index
    %get3A_1637 = memref.load %arg5[%get3A_1636] : memref<50xf32, #tpu.memory_space<smem>>
    %mul3A_1638 = vector.broadcast %get3A_1637 : f32 to vector<100x100xf32>
    %mul3A_1639 = arith.mulf %mul3A_1638, %convert_element_type3A_1635 : vector<100x100xf32>
    %add3A_1640 = arith.addf %add3A_1624, %mul3A_1639 : vector<100x100xf32>
    %slice3A_1641 = vector.extract_strided_slice %add3A_883 {offsets = [0, 47], sizes = [100, 1], strides = [1, 1]} : vector<100x50xf32> to vector<100x1xf32>
    %slice3A_1642 = vector.extract_strided_slice %dot_general3A_885 {offsets = [47, 0], sizes = [1, 100], strides = [1, 1]} : vector<50x100xf32> to vector<1x100xf32>
    %add3A_1643 = vector.broadcast %slice3A_1641 : vector<100x1xf32> to vector<100x100xf32>
    %add3A_1644 = vector.broadcast %slice3A_1642 : vector<1x100xf32> to vector<100x100xf32>
    %add3A_1645 = arith.addf %add3A_1643, %add3A_1644 : vector<100x100xf32>
    %mul3A_1646 = arith.constant 2.000000e-01 : f32
    %mul3A_1647 = vector.broadcast %mul3A_1646 : f32 to vector<100x100xf32>
    %mul3A_1648 = arith.mulf %mul3A_1647, %add3A_1645 : vector<100x100xf32>
    %max3A_1649 = arith.maximumf %add3A_1645, %mul3A_1648 : vector<100x100xf32>
    %convert_element_type3A_1650 = arith.truncf %max3A_1649 : vector<100x100xf32> to vector<100x100xbf16>
    %convert_element_type3A_1651 = arith.extf %convert_element_type3A_1650 : vector<100x100xbf16> to vector<100x100xf32>
    %get3A_1652 = arith.constant 47 : index
    %get3A_1653 = memref.load %arg5[%get3A_1652] : memref<50xf32, #tpu.memory_space<smem>>
    %mul3A_1654 = vector.broadcast %get3A_1653 : f32 to vector<100x100xf32>
    %mul3A_1655 = arith.mulf %mul3A_1654, %convert_element_type3A_1651 : vector<100x100xf32>
    %add3A_1656 = arith.addf %add3A_1640, %mul3A_1655 : vector<100x100xf32>
    %slice3A_1657 = vector.extract_strided_slice %add3A_883 {offsets = [0, 48], sizes = [100, 1], strides = [1, 1]} : vector<100x50xf32> to vector<100x1xf32>
    %slice3A_1658 = vector.extract_strided_slice %dot_general3A_885 {offsets = [48, 0], sizes = [1, 100], strides = [1, 1]} : vector<50x100xf32> to vector<1x100xf32>
    %add3A_1659 = vector.broadcast %slice3A_1657 : vector<100x1xf32> to vector<100x100xf32>
    %add3A_1660 = vector.broadcast %slice3A_1658 : vector<1x100xf32> to vector<100x100xf32>
    %add3A_1661 = arith.addf %add3A_1659, %add3A_1660 : vector<100x100xf32>
    %mul3A_1662 = arith.constant 2.000000e-01 : f32
    %mul3A_1663 = vector.broadcast %mul3A_1662 : f32 to vector<100x100xf32>
    %mul3A_1664 = arith.mulf %mul3A_1663, %add3A_1661 : vector<100x100xf32>
    %max3A_1665 = arith.maximumf %add3A_1661, %mul3A_1664 : vector<100x100xf32>
    %convert_element_type3A_1666 = arith.truncf %max3A_1665 : vector<100x100xf32> to vector<100x100xbf16>
    %convert_element_type3A_1667 = arith.extf %convert_element_type3A_1666 : vector<100x100xbf16> to vector<100x100xf32>
    %get3A_1668 = arith.constant 48 : index
    %get3A_1669 = memref.load %arg5[%get3A_1668] : memref<50xf32, #tpu.memory_space<smem>>
    %mul3A_1670 = vector.broadcast %get3A_1669 : f32 to vector<100x100xf32>
    %mul3A_1671 = arith.mulf %mul3A_1670, %convert_element_type3A_1667 : vector<100x100xf32>
    %add3A_1672 = arith.addf %add3A_1656, %mul3A_1671 : vector<100x100xf32>
    %slice3A_1673 = vector.extract_strided_slice %add3A_883 {offsets = [0, 49], sizes = [100, 1], strides = [1, 1]} : vector<100x50xf32> to vector<100x1xf32>
    %slice3A_1674 = vector.extract_strided_slice %dot_general3A_885 {offsets = [49, 0], sizes = [1, 100], strides = [1, 1]} : vector<50x100xf32> to vector<1x100xf32>
    %add3A_1675 = vector.broadcast %slice3A_1673 : vector<100x1xf32> to vector<100x100xf32>
    %add3A_1676 = vector.broadcast %slice3A_1674 : vector<1x100xf32> to vector<100x100xf32>
    %add3A_1677 = arith.addf %add3A_1675, %add3A_1676 : vector<100x100xf32>
    %mul3A_1678 = arith.constant 2.000000e-01 : f32
    %mul3A_1679 = vector.broadcast %mul3A_1678 : f32 to vector<100x100xf32>
    %mul3A_1680 = arith.mulf %mul3A_1679, %add3A_1677 : vector<100x100xf32>
    %max3A_1681 = arith.maximumf %add3A_1677, %mul3A_1680 : vector<100x100xf32>
    %convert_element_type3A_1682 = arith.truncf %max3A_1681 : vector<100x100xf32> to vector<100x100xbf16>
    %convert_element_type3A_1683 = arith.extf %convert_element_type3A_1682 : vector<100x100xbf16> to vector<100x100xf32>
    %get3A_1684 = arith.constant 49 : index
    %get3A_1685 = memref.load %arg5[%get3A_1684] : memref<50xf32, #tpu.memory_space<smem>>
    %mul3A_1686 = vector.broadcast %get3A_1685 : f32 to vector<100x100xf32>
    %mul3A_1687 = arith.mulf %mul3A_1686, %convert_element_type3A_1683 : vector<100x100xf32>
    %add3A_1688 = arith.addf %add3A_1672, %mul3A_1687 : vector<100x100xf32>
    %reduce_max3A_1689 = arith.constant dense<0xFF800000> : vector<100xf32>
    %reduce_max3A_1690 = vector.multi_reduction <maximumf>, %add3A_1688, %reduce_max3A_1689 [1] : vector<100x100xf32> to vector<100xf32>
    %broadcast_in_dim3A_1691 = vector.shape_cast %reduce_max3A_1690 : vector<100xf32> to vector<100x1xf32>
    %sub3A_1692 = vector.broadcast %broadcast_in_dim3A_1691 : vector<100x1xf32> to vector<100x100xf32>
    %sub3A_1693 = arith.subf %add3A_1688, %sub3A_1692 : vector<100x100xf32>
    %exp3A_1694 = math.exp %sub3A_1693 : vector<100x100xf32>
    %reduce_sum3A_1695 = arith.constant dense<0.000000e+00> : vector<100xf32>
    %reduce_sum3A_1696 = vector.multi_reduction <add>, %exp3A_1694, %reduce_sum3A_1695 [1] : vector<100x100xf32> to vector<100xf32>
    %broadcast_in_dim3A_1697 = vector.shape_cast %reduce_sum3A_1696 : vector<100xf32> to vector<100x1xf32>
    %div3A_1698 = vector.broadcast %broadcast_in_dim3A_1697 : vector<100x1xf32> to vector<100x100xf32>
    %div3A_1699 = arith.divf %exp3A_1694, %div3A_1698 : vector<100x100xf32>
    %convert_element_type3A_1700 = arith.truncf %div3A_1699 : vector<100x100xf32> to vector<100x100xbf16>
    %dot_general3A_1701 = arith.constant dense<0.000000e+00> : vector<100x25xf32>
    %dot_general3A_1702 = tpu.matmul %convert_element_type3A_1700, %convert_element_type3A_876, %dot_general3A_1701 {dimension_numbers = #tpu.dot_dimension_numbers<[1], [0], [0], [1], [0, 0, 1, 1], [], []>, transpose_lhs_hint = false} : vector<100x100xbf16>, vector<100x25xbf16>, vector<100x25xf32> -> vector<100x25xf32>
    %tanh3A_1703 = math.tanh %dot_general3A_1702 : vector<100x25xf32>
    %convert_element_type3A_1704 = arith.truncf %tanh3A_1703 : vector<100x25xf32> to vector<100x25xbf16>
    %dot_general3A_1705 = arith.constant dense<0.000000e+00> : vector<25x100xf32>
    %dot_general3A_1706 = tpu.matmul %convert_element_type3A_1704, %convert_element_type3A_9, %dot_general3A_1705 {dimension_numbers = #tpu.dot_dimension_numbers<[0], [0], [1], [1], [0, 1, 1, 1], [], []>, transpose_lhs_hint = false} : vector<100x25xbf16>, vector<100x100xbf16>, vector<25x100xf32> -> vector<25x100xf32>
    %convert_element_type3A_1707 = arith.truncf %dot_general3A_1706 : vector<25x100xf32> to vector<25x100xbf16>
    %slice3A_1708 = vector.extract_strided_slice %convert_element_type3A_13 {offsets = [0, 0], sizes = [100, 2], strides = [1, 1]} : vector<100x3xbf16> to vector<100x2xbf16>
    %dot_general3A_1709 = arith.constant dense<0.000000e+00> : vector<25x2xf32>
    %dot_general3A_1710 = tpu.matmul %convert_element_type3A_1707, %slice3A_1708, %dot_general3A_1709 {dimension_numbers = #tpu.dot_dimension_numbers<[1], [0], [0], [1], [0, 0, 1, 1], [], []>, transpose_lhs_hint = false} : vector<25x100xbf16>, vector<100x2xbf16>, vector<25x2xf32> -> vector<25x2xf32>
    %get3A_1711 = arith.constant 0 : index
    %get3A_1712 = arith.constant 0 : index
    %get3A_1713 = vector.load %arg8[%get3A_1711, %get3A_1712] : memref<100x3xf32, #tpu.memory_space<vmem>>, vector<100x3xf32>
    %slice3A_1714 = vector.extract_strided_slice %get3A_1713 {offsets = [0, 2], sizes = [100, 1], strides = [1, 1]} : vector<100x3xf32> to vector<100x1xf32>
    %dot_general3A_1715 = arith.constant dense<0.000000e+00> : vector<25x1xf32>
    %dot_general3A_1716 = tpu.matmul %dot_general3A_1706, %slice3A_1714, %dot_general3A_1715 {dimension_numbers = #tpu.dot_dimension_numbers<[1], [0], [0], [1], [0, 0, 1, 1], [], []>, precision = #tpu.contract_precision<fp32>, transpose_lhs_hint = false} : vector<25x100xf32>, vector<100x1xf32>, vector<25x1xf32> -> vector<25x1xf32>
    %slice3A_1717 = vector.extract_strided_slice %dot_general3A_1710 {offsets = [0, 0], sizes = [25, 1], strides = [1, 1]} : vector<25x2xf32> to vector<25x1xf32>
    %squeeze3A_1718 = vector.shape_cast %slice3A_1717 : vector<25x1xf32> to vector<25xf32>
    %reshape3A_1719 = vector.shape_cast %squeeze3A_1718 : vector<25xf32> to vector<1x25xf32>
    %swap3A_1720 = arith.constant 1 : index
    %swap3A_1721 = arith.constant 0 : index
    %swap3A_1722 = arith.constant 0 : index
    %swap3A_1723 = vector.load %arg12[%swap3A_1720, %swap3A_1721, %swap3A_1722] : memref<4x1x25xf32, #tpu.memory_space<vmem>>, vector<1x1x25xf32>
    %swap3A_1724 = vector.shape_cast %swap3A_1723 : vector<1x1x25xf32> to vector<1x25xf32>
    %swap3A_1725 = vector.shape_cast %reshape3A_1719 : vector<1x25xf32> to vector<1x1x25xf32>
    tpu.vector_store %arg12[%swap3A_1720, %swap3A_1721, %swap3A_1722], %swap3A_1725 {strides = array<i32>} : memref<4x1x25xf32, #tpu.memory_space<vmem>>, vector<1x1x25xf32>,
    %slice3A_1726 = vector.extract_strided_slice %dot_general3A_1710 {offsets = [0, 1], sizes = [25, 1], strides = [1, 1]} : vector<25x2xf32> to vector<25x1xf32>
    %squeeze3A_1727 = vector.shape_cast %slice3A_1726 : vector<25x1xf32> to vector<25xf32>
    %reshape3A_1728 = vector.shape_cast %squeeze3A_1727 : vector<25xf32> to vector<1x25xf32>
    %swap3A_1729 = arith.constant 1 : index
    %swap3A_1730 = arith.constant 0 : index
    %swap3A_1731 = arith.constant 0 : index
    %swap3A_1732 = vector.load %arg13[%swap3A_1729, %swap3A_1730, %swap3A_1731] : memref<4x1x25xf32, #tpu.memory_space<vmem>>, vector<1x1x25xf32>
    %swap3A_1733 = vector.shape_cast %swap3A_1732 : vector<1x1x25xf32> to vector<1x25xf32>
    %swap3A_1734 = vector.shape_cast %reshape3A_1728 : vector<1x25xf32> to vector<1x1x25xf32>
    tpu.vector_store %arg13[%swap3A_1729, %swap3A_1730, %swap3A_1731], %swap3A_1734 {strides = array<i32>} : memref<4x1x25xf32, #tpu.memory_space<vmem>>, vector<1x1x25xf32>,
    %squeeze3A_1735 = vector.shape_cast %dot_general3A_1716 : vector<25x1xf32> to vector<25xf32>
    %reshape3A_1736 = vector.shape_cast %squeeze3A_1735 : vector<25xf32> to vector<1x25xf32>
    %swap3A_1737 = arith.constant 1 : index
    %swap3A_1738 = arith.constant 0 : index
    %swap3A_1739 = arith.constant 0 : index
    %swap3A_1740 = vector.load %arg14[%swap3A_1737, %swap3A_1738, %swap3A_1739] : memref<4x1x25xf32, #tpu.memory_space<vmem>>, vector<1x1x25xf32>
    %swap3A_1741 = vector.shape_cast %swap3A_1740 : vector<1x1x25xf32> to vector<1x25xf32>
    %swap3A_1742 = vector.shape_cast %reshape3A_1736 : vector<1x25xf32> to vector<1x1x25xf32>
    tpu.vector_store %arg14[%swap3A_1737, %swap3A_1738, %swap3A_1739], %swap3A_1742 {strides = array<i32>} : memref<4x1x25xf32, #tpu.memory_space<vmem>>, vector<1x1x25xf32>,
    %get3A_1743 = arith.constant 2 : index
    %get3A_1744 = arith.constant 0 : index
    %get3A_1745 = arith.constant 0 : index
    %get3A_1746 = vector.load %arg1[%get3A_1743, %get3A_1744, %get3A_1745] : memref<4x100x25xf32, #tpu.memory_space<vmem>>, vector<1x100x25xf32>
    %get3A_1747 = vector.shape_cast %get3A_1746 : vector<1x100x25xf32> to vector<100x25xf32>
    %convert_element_type3A_1748 = arith.truncf %get3A_1747 : vector<100x25xf32> to vector<100x25xbf16>
    %dot_general3A_1749 = arith.constant dense<0.000000e+00> : vector<100x50xf32>
    %dot_general3A_1750 = tpu.matmul %convert_element_type3A_1748, %convert_element_type3A, %dot_general3A_1749 {dimension_numbers = #tpu.dot_dimension_numbers<[1], [1], [0], [0], [0, 0, 1, 0], [], []>, transpose_lhs_hint = false} : vector<100x25xbf16>, vector<50x25xbf16>, vector<100x50xf32> -> vector<100x50xf32>
    %get3A_1751 = arith.constant 0 : index
    %get3A_1752 = vector.load %arg4[%get3A_1751] : memref<50xf32, #tpu.memory_space<vmem>>, vector<50xf32>
    %broadcast_in_dim3A_1753 = vector.shape_cast %get3A_1752 : vector<50xf32> to vector<1x50xf32>
    %add3A_1754 = vector.broadcast %broadcast_in_dim3A_1753 : vector<1x50xf32> to vector<100x50xf32>
    %add3A_1755 = arith.addf %dot_general3A_1750, %add3A_1754 : vector<100x50xf32>
    %dot_general3A_1756 = arith.constant dense<0.000000e+00> : vector<50x100xf32>
    %dot_general3A_1757 = tpu.matmul %convert_element_type3A_5, %convert_element_type3A_1748, %dot_general3A_1756 {dimension_numbers = #tpu.dot_dimension_numbers<[1], [1], [0], [0], [0, 0, 1, 0], [], []>, transpose_lhs_hint = false} : vector<50x25xbf16>, vector<100x25xbf16>, vector<50x100xf32> -> vector<50x100xf32>
    %get3A_1758 = arith.constant 0 : index
    %get3A_1759 = arith.constant 0 : index
    %get3A_1760 = vector.load %arg6[%get3A_1758, %get3A_1759] : memref<100x100xf32, #tpu.memory_space<vmem>>, vector<100x100xf32>
    %slice3A_1761 = vector.extract_strided_slice %add3A_1755 {offsets = [0, 0], sizes = [100, 1], strides = [1, 1]} : vector<100x50xf32> to vector<100x1xf32>
    %slice3A_1762 = vector.extract_strided_slice %dot_general3A_1757 {offsets = [0, 0], sizes = [1, 100], strides = [1, 1]} : vector<50x100xf32> to vector<1x100xf32>
    %add3A_1763 = vector.broadcast %slice3A_1761 : vector<100x1xf32> to vector<100x100xf32>
    %add3A_1764 = vector.broadcast %slice3A_1762 : vector<1x100xf32> to vector<100x100xf32>
    %add3A_1765 = arith.addf %add3A_1763, %add3A_1764 : vector<100x100xf32>
    %mul3A_1766 = arith.constant 2.000000e-01 : f32
    %mul3A_1767 = vector.broadcast %mul3A_1766 : f32 to vector<100x100xf32>
    %mul3A_1768 = arith.mulf %mul3A_1767, %add3A_1765 : vector<100x100xf32>
    %max3A_1769 = arith.maximumf %add3A_1765, %mul3A_1768 : vector<100x100xf32>
    %convert_element_type3A_1770 = arith.truncf %max3A_1769 : vector<100x100xf32> to vector<100x100xbf16>
    %convert_element_type3A_1771 = arith.extf %convert_element_type3A_1770 : vector<100x100xbf16> to vector<100x100xf32>
    %get3A_1772 = arith.constant 0 : index
    %get3A_1773 = memref.load %arg5[%get3A_1772] : memref<50xf32, #tpu.memory_space<smem>>
    %mul3A_1774 = vector.broadcast %get3A_1773 : f32 to vector<100x100xf32>
    %mul3A_1775 = arith.mulf %mul3A_1774, %convert_element_type3A_1771 : vector<100x100xf32>
    %add3A_1776 = arith.addf %get3A_1760, %mul3A_1775 : vector<100x100xf32>
    %slice3A_1777 = vector.extract_strided_slice %add3A_1755 {offsets = [0, 1], sizes = [100, 1], strides = [1, 1]} : vector<100x50xf32> to vector<100x1xf32>
    %slice3A_1778 = vector.extract_strided_slice %dot_general3A_1757 {offsets = [1, 0], sizes = [1, 100], strides = [1, 1]} : vector<50x100xf32> to vector<1x100xf32>
    %add3A_1779 = vector.broadcast %slice3A_1777 : vector<100x1xf32> to vector<100x100xf32>
    %add3A_1780 = vector.broadcast %slice3A_1778 : vector<1x100xf32> to vector<100x100xf32>
    %add3A_1781 = arith.addf %add3A_1779, %add3A_1780 : vector<100x100xf32>
    %mul3A_1782 = arith.constant 2.000000e-01 : f32
    %mul3A_1783 = vector.broadcast %mul3A_1782 : f32 to vector<100x100xf32>
    %mul3A_1784 = arith.mulf %mul3A_1783, %add3A_1781 : vector<100x100xf32>
    %max3A_1785 = arith.maximumf %add3A_1781, %mul3A_1784 : vector<100x100xf32>
    %convert_element_type3A_1786 = arith.truncf %max3A_1785 : vector<100x100xf32> to vector<100x100xbf16>
    %convert_element_type3A_1787 = arith.extf %convert_element_type3A_1786 : vector<100x100xbf16> to vector<100x100xf32>
    %get3A_1788 = arith.constant 1 : index
    %get3A_1789 = memref.load %arg5[%get3A_1788] : memref<50xf32, #tpu.memory_space<smem>>
    %mul3A_1790 = vector.broadcast %get3A_1789 : f32 to vector<100x100xf32>
    %mul3A_1791 = arith.mulf %mul3A_1790, %convert_element_type3A_1787 : vector<100x100xf32>
    %add3A_1792 = arith.addf %add3A_1776, %mul3A_1791 : vector<100x100xf32>
    %slice3A_1793 = vector.extract_strided_slice %add3A_1755 {offsets = [0, 2], sizes = [100, 1], strides = [1, 1]} : vector<100x50xf32> to vector<100x1xf32>
    %slice3A_1794 = vector.extract_strided_slice %dot_general3A_1757 {offsets = [2, 0], sizes = [1, 100], strides = [1, 1]} : vector<50x100xf32> to vector<1x100xf32>
    %add3A_1795 = vector.broadcast %slice3A_1793 : vector<100x1xf32> to vector<100x100xf32>
    %add3A_1796 = vector.broadcast %slice3A_1794 : vector<1x100xf32> to vector<100x100xf32>
    %add3A_1797 = arith.addf %add3A_1795, %add3A_1796 : vector<100x100xf32>
    %mul3A_1798 = arith.constant 2.000000e-01 : f32
    %mul3A_1799 = vector.broadcast %mul3A_1798 : f32 to vector<100x100xf32>
    %mul3A_1800 = arith.mulf %mul3A_1799, %add3A_1797 : vector<100x100xf32>
    %max3A_1801 = arith.maximumf %add3A_1797, %mul3A_1800 : vector<100x100xf32>
    %convert_element_type3A_1802 = arith.truncf %max3A_1801 : vector<100x100xf32> to vector<100x100xbf16>
    %convert_element_type3A_1803 = arith.extf %convert_element_type3A_1802 : vector<100x100xbf16> to vector<100x100xf32>
    %get3A_1804 = arith.constant 2 : index
    %get3A_1805 = memref.load %arg5[%get3A_1804] : memref<50xf32, #tpu.memory_space<smem>>
    %mul3A_1806 = vector.broadcast %get3A_1805 : f32 to vector<100x100xf32>
    %mul3A_1807 = arith.mulf %mul3A_1806, %convert_element_type3A_1803 : vector<100x100xf32>
    %add3A_1808 = arith.addf %add3A_1792, %mul3A_1807 : vector<100x100xf32>
    %slice3A_1809 = vector.extract_strided_slice %add3A_1755 {offsets = [0, 3], sizes = [100, 1], strides = [1, 1]} : vector<100x50xf32> to vector<100x1xf32>
    %slice3A_1810 = vector.extract_strided_slice %dot_general3A_1757 {offsets = [3, 0], sizes = [1, 100], strides = [1, 1]} : vector<50x100xf32> to vector<1x100xf32>
    %add3A_1811 = vector.broadcast %slice3A_1809 : vector<100x1xf32> to vector<100x100xf32>
    %add3A_1812 = vector.broadcast %slice3A_1810 : vector<1x100xf32> to vector<100x100xf32>
    %add3A_1813 = arith.addf %add3A_1811, %add3A_1812 : vector<100x100xf32>
    %mul3A_1814 = arith.constant 2.000000e-01 : f32
    %mul3A_1815 = vector.broadcast %mul3A_1814 : f32 to vector<100x100xf32>
    %mul3A_1816 = arith.mulf %mul3A_1815, %add3A_1813 : vector<100x100xf32>
    %max3A_1817 = arith.maximumf %add3A_1813, %mul3A_1816 : vector<100x100xf32>
    %convert_element_type3A_1818 = arith.truncf %max3A_1817 : vector<100x100xf32> to vector<100x100xbf16>
    %convert_element_type3A_1819 = arith.extf %convert_element_type3A_1818 : vector<100x100xbf16> to vector<100x100xf32>
    %get3A_1820 = arith.constant 3 : index
    %get3A_1821 = memref.load %arg5[%get3A_1820] : memref<50xf32, #tpu.memory_space<smem>>
    %mul3A_1822 = vector.broadcast %get3A_1821 : f32 to vector<100x100xf32>
    %mul3A_1823 = arith.mulf %mul3A_1822, %convert_element_type3A_1819 : vector<100x100xf32>
    %add3A_1824 = arith.addf %add3A_1808, %mul3A_1823 : vector<100x100xf32>
    %slice3A_1825 = vector.extract_strided_slice %add3A_1755 {offsets = [0, 4], sizes = [100, 1], strides = [1, 1]} : vector<100x50xf32> to vector<100x1xf32>
    %slice3A_1826 = vector.extract_strided_slice %dot_general3A_1757 {offsets = [4, 0], sizes = [1, 100], strides = [1, 1]} : vector<50x100xf32> to vector<1x100xf32>
    %add3A_1827 = vector.broadcast %slice3A_1825 : vector<100x1xf32> to vector<100x100xf32>
    %add3A_1828 = vector.broadcast %slice3A_1826 : vector<1x100xf32> to vector<100x100xf32>
    %add3A_1829 = arith.addf %add3A_1827, %add3A_1828 : vector<100x100xf32>
    %mul3A_1830 = arith.constant 2.000000e-01 : f32
    %mul3A_1831 = vector.broadcast %mul3A_1830 : f32 to vector<100x100xf32>
    %mul3A_1832 = arith.mulf %mul3A_1831, %add3A_1829 : vector<100x100xf32>
    %max3A_1833 = arith.maximumf %add3A_1829, %mul3A_1832 : vector<100x100xf32>
    %convert_element_type3A_1834 = arith.truncf %max3A_1833 : vector<100x100xf32> to vector<100x100xbf16>
    %convert_element_type3A_1835 = arith.extf %convert_element_type3A_1834 : vector<100x100xbf16> to vector<100x100xf32>
    %get3A_1836 = arith.constant 4 : index
    %get3A_1837 = memref.load %arg5[%get3A_1836] : memref<50xf32, #tpu.memory_space<smem>>
    %mul3A_1838 = vector.broadcast %get3A_1837 : f32 to vector<100x100xf32>
    %mul3A_1839 = arith.mulf %mul3A_1838, %convert_element_type3A_1835 : vector<100x100xf32>
    %add3A_1840 = arith.addf %add3A_1824, %mul3A_1839 : vector<100x100xf32>
    %slice3A_1841 = vector.extract_strided_slice %add3A_1755 {offsets = [0, 5], sizes = [100, 1], strides = [1, 1]} : vector<100x50xf32> to vector<100x1xf32>
    %slice3A_1842 = vector.extract_strided_slice %dot_general3A_1757 {offsets = [5, 0], sizes = [1, 100], strides = [1, 1]} : vector<50x100xf32> to vector<1x100xf32>
    %add3A_1843 = vector.broadcast %slice3A_1841 : vector<100x1xf32> to vector<100x100xf32>
    %add3A_1844 = vector.broadcast %slice3A_1842 : vector<1x100xf32> to vector<100x100xf32>
    %add3A_1845 = arith.addf %add3A_1843, %add3A_1844 : vector<100x100xf32>
    %mul3A_1846 = arith.constant 2.000000e-01 : f32
    %mul3A_1847 = vector.broadcast %mul3A_1846 : f32 to vector<100x100xf32>
    %mul3A_1848 = arith.mulf %mul3A_1847, %add3A_1845 : vector<100x100xf32>
    %max3A_1849 = arith.maximumf %add3A_1845, %mul3A_1848 : vector<100x100xf32>
    %convert_element_type3A_1850 = arith.truncf %max3A_1849 : vector<100x100xf32> to vector<100x100xbf16>
    %convert_element_type3A_1851 = arith.extf %convert_element_type3A_1850 : vector<100x100xbf16> to vector<100x100xf32>
    %get3A_1852 = arith.constant 5 : index
    %get3A_1853 = memref.load %arg5[%get3A_1852] : memref<50xf32, #tpu.memory_space<smem>>
    %mul3A_1854 = vector.broadcast %get3A_1853 : f32 to vector<100x100xf32>
    %mul3A_1855 = arith.mulf %mul3A_1854, %convert_element_type3A_1851 : vector<100x100xf32>
    %add3A_1856 = arith.addf %add3A_1840, %mul3A_1855 : vector<100x100xf32>
    %slice3A_1857 = vector.extract_strided_slice %add3A_1755 {offsets = [0, 6], sizes = [100, 1], strides = [1, 1]} : vector<100x50xf32> to vector<100x1xf32>
    %slice3A_1858 = vector.extract_strided_slice %dot_general3A_1757 {offsets = [6, 0], sizes = [1, 100], strides = [1, 1]} : vector<50x100xf32> to vector<1x100xf32>
    %add3A_1859 = vector.broadcast %slice3A_1857 : vector<100x1xf32> to vector<100x100xf32>
    %add3A_1860 = vector.broadcast %slice3A_1858 : vector<1x100xf32> to vector<100x100xf32>
    %add3A_1861 = arith.addf %add3A_1859, %add3A_1860 : vector<100x100xf32>
    %mul3A_1862 = arith.constant 2.000000e-01 : f32
    %mul3A_1863 = vector.broadcast %mul3A_1862 : f32 to vector<100x100xf32>
    %mul3A_1864 = arith.mulf %mul3A_1863, %add3A_1861 : vector<100x100xf32>
    %max3A_1865 = arith.maximumf %add3A_1861, %mul3A_1864 : vector<100x100xf32>
    %convert_element_type3A_1866 = arith.truncf %max3A_1865 : vector<100x100xf32> to vector<100x100xbf16>
    %convert_element_type3A_1867 = arith.extf %convert_element_type3A_1866 : vector<100x100xbf16> to vector<100x100xf32>
    %get3A_1868 = arith.constant 6 : index
    %get3A_1869 = memref.load %arg5[%get3A_1868] : memref<50xf32, #tpu.memory_space<smem>>
    %mul3A_1870 = vector.broadcast %get3A_1869 : f32 to vector<100x100xf32>
    %mul3A_1871 = arith.mulf %mul3A_1870, %convert_element_type3A_1867 : vector<100x100xf32>
    %add3A_1872 = arith.addf %add3A_1856, %mul3A_1871 : vector<100x100xf32>
    %slice3A_1873 = vector.extract_strided_slice %add3A_1755 {offsets = [0, 7], sizes = [100, 1], strides = [1, 1]} : vector<100x50xf32> to vector<100x1xf32>
    %slice3A_1874 = vector.extract_strided_slice %dot_general3A_1757 {offsets = [7, 0], sizes = [1, 100], strides = [1, 1]} : vector<50x100xf32> to vector<1x100xf32>
    %add3A_1875 = vector.broadcast %slice3A_1873 : vector<100x1xf32> to vector<100x100xf32>
    %add3A_1876 = vector.broadcast %slice3A_1874 : vector<1x100xf32> to vector<100x100xf32>
    %add3A_1877 = arith.addf %add3A_1875, %add3A_1876 : vector<100x100xf32>
    %mul3A_1878 = arith.constant 2.000000e-01 : f32
    %mul3A_1879 = vector.broadcast %mul3A_1878 : f32 to vector<100x100xf32>
    %mul3A_1880 = arith.mulf %mul3A_1879, %add3A_1877 : vector<100x100xf32>
    %max3A_1881 = arith.maximumf %add3A_1877, %mul3A_1880 : vector<100x100xf32>
    %convert_element_type3A_1882 = arith.truncf %max3A_1881 : vector<100x100xf32> to vector<100x100xbf16>
    %convert_element_type3A_1883 = arith.extf %convert_element_type3A_1882 : vector<100x100xbf16> to vector<100x100xf32>
    %get3A_1884 = arith.constant 7 : index
    %get3A_1885 = memref.load %arg5[%get3A_1884] : memref<50xf32, #tpu.memory_space<smem>>
    %mul3A_1886 = vector.broadcast %get3A_1885 : f32 to vector<100x100xf32>
    %mul3A_1887 = arith.mulf %mul3A_1886, %convert_element_type3A_1883 : vector<100x100xf32>
    %add3A_1888 = arith.addf %add3A_1872, %mul3A_1887 : vector<100x100xf32>
    %slice3A_1889 = vector.extract_strided_slice %add3A_1755 {offsets = [0, 8], sizes = [100, 1], strides = [1, 1]} : vector<100x50xf32> to vector<100x1xf32>
    %slice3A_1890 = vector.extract_strided_slice %dot_general3A_1757 {offsets = [8, 0], sizes = [1, 100], strides = [1, 1]} : vector<50x100xf32> to vector<1x100xf32>
    %add3A_1891 = vector.broadcast %slice3A_1889 : vector<100x1xf32> to vector<100x100xf32>
    %add3A_1892 = vector.broadcast %slice3A_1890 : vector<1x100xf32> to vector<100x100xf32>
    %add3A_1893 = arith.addf %add3A_1891, %add3A_1892 : vector<100x100xf32>
    %mul3A_1894 = arith.constant 2.000000e-01 : f32
    %mul3A_1895 = vector.broadcast %mul3A_1894 : f32 to vector<100x100xf32>
    %mul3A_1896 = arith.mulf %mul3A_1895, %add3A_1893 : vector<100x100xf32>
    %max3A_1897 = arith.maximumf %add3A_1893, %mul3A_1896 : vector<100x100xf32>
    %convert_element_type3A_1898 = arith.truncf %max3A_1897 : vector<100x100xf32> to vector<100x100xbf16>
    %convert_element_type3A_1899 = arith.extf %convert_element_type3A_1898 : vector<100x100xbf16> to vector<100x100xf32>
    %get3A_1900 = arith.constant 8 : index
    %get3A_1901 = memref.load %arg5[%get3A_1900] : memref<50xf32, #tpu.memory_space<smem>>
    %mul3A_1902 = vector.broadcast %get3A_1901 : f32 to vector<100x100xf32>
    %mul3A_1903 = arith.mulf %mul3A_1902, %convert_element_type3A_1899 : vector<100x100xf32>
    %add3A_1904 = arith.addf %add3A_1888, %mul3A_1903 : vector<100x100xf32>
    %slice3A_1905 = vector.extract_strided_slice %add3A_1755 {offsets = [0, 9], sizes = [100, 1], strides = [1, 1]} : vector<100x50xf32> to vector<100x1xf32>
    %slice3A_1906 = vector.extract_strided_slice %dot_general3A_1757 {offsets = [9, 0], sizes = [1, 100], strides = [1, 1]} : vector<50x100xf32> to vector<1x100xf32>
    %add3A_1907 = vector.broadcast %slice3A_1905 : vector<100x1xf32> to vector<100x100xf32>
    %add3A_1908 = vector.broadcast %slice3A_1906 : vector<1x100xf32> to vector<100x100xf32>
    %add3A_1909 = arith.addf %add3A_1907, %add3A_1908 : vector<100x100xf32>
    %mul3A_1910 = arith.constant 2.000000e-01 : f32
    %mul3A_1911 = vector.broadcast %mul3A_1910 : f32 to vector<100x100xf32>
    %mul3A_1912 = arith.mulf %mul3A_1911, %add3A_1909 : vector<100x100xf32>
    %max3A_1913 = arith.maximumf %add3A_1909, %mul3A_1912 : vector<100x100xf32>
    %convert_element_type3A_1914 = arith.truncf %max3A_1913 : vector<100x100xf32> to vector<100x100xbf16>
    %convert_element_type3A_1915 = arith.extf %convert_element_type3A_1914 : vector<100x100xbf16> to vector<100x100xf32>
    %get3A_1916 = arith.constant 9 : index
    %get3A_1917 = memref.load %arg5[%get3A_1916] : memref<50xf32, #tpu.memory_space<smem>>
    %mul3A_1918 = vector.broadcast %get3A_1917 : f32 to vector<100x100xf32>
    %mul3A_1919 = arith.mulf %mul3A_1918, %convert_element_type3A_1915 : vector<100x100xf32>
    %add3A_1920 = arith.addf %add3A_1904, %mul3A_1919 : vector<100x100xf32>
    %slice3A_1921 = vector.extract_strided_slice %add3A_1755 {offsets = [0, 10], sizes = [100, 1], strides = [1, 1]} : vector<100x50xf32> to vector<100x1xf32>
    %slice3A_1922 = vector.extract_strided_slice %dot_general3A_1757 {offsets = [10, 0], sizes = [1, 100], strides = [1, 1]} : vector<50x100xf32> to vector<1x100xf32>
    %add3A_1923 = vector.broadcast %slice3A_1921 : vector<100x1xf32> to vector<100x100xf32>
    %add3A_1924 = vector.broadcast %slice3A_1922 : vector<1x100xf32> to vector<100x100xf32>
    %add3A_1925 = arith.addf %add3A_1923, %add3A_1924 : vector<100x100xf32>
    %mul3A_1926 = arith.constant 2.000000e-01 : f32
    %mul3A_1927 = vector.broadcast %mul3A_1926 : f32 to vector<100x100xf32>
    %mul3A_1928 = arith.mulf %mul3A_1927, %add3A_1925 : vector<100x100xf32>
    %max3A_1929 = arith.maximumf %add3A_1925, %mul3A_1928 : vector<100x100xf32>
    %convert_element_type3A_1930 = arith.truncf %max3A_1929 : vector<100x100xf32> to vector<100x100xbf16>
    %convert_element_type3A_1931 = arith.extf %convert_element_type3A_1930 : vector<100x100xbf16> to vector<100x100xf32>
    %get3A_1932 = arith.constant 10 : index
    %get3A_1933 = memref.load %arg5[%get3A_1932] : memref<50xf32, #tpu.memory_space<smem>>
    %mul3A_1934 = vector.broadcast %get3A_1933 : f32 to vector<100x100xf32>
    %mul3A_1935 = arith.mulf %mul3A_1934, %convert_element_type3A_1931 : vector<100x100xf32>
    %add3A_1936 = arith.addf %add3A_1920, %mul3A_1935 : vector<100x100xf32>
    %slice3A_1937 = vector.extract_strided_slice %add3A_1755 {offsets = [0, 11], sizes = [100, 1], strides = [1, 1]} : vector<100x50xf32> to vector<100x1xf32>
    %slice3A_1938 = vector.extract_strided_slice %dot_general3A_1757 {offsets = [11, 0], sizes = [1, 100], strides = [1, 1]} : vector<50x100xf32> to vector<1x100xf32>
    %add3A_1939 = vector.broadcast %slice3A_1937 : vector<100x1xf32> to vector<100x100xf32>
    %add3A_1940 = vector.broadcast %slice3A_1938 : vector<1x100xf32> to vector<100x100xf32>
    %add3A_1941 = arith.addf %add3A_1939, %add3A_1940 : vector<100x100xf32>
    %mul3A_1942 = arith.constant 2.000000e-01 : f32
    %mul3A_1943 = vector.broadcast %mul3A_1942 : f32 to vector<100x100xf32>
    %mul3A_1944 = arith.mulf %mul3A_1943, %add3A_1941 : vector<100x100xf32>
    %max3A_1945 = arith.maximumf %add3A_1941, %mul3A_1944 : vector<100x100xf32>
    %convert_element_type3A_1946 = arith.truncf %max3A_1945 : vector<100x100xf32> to vector<100x100xbf16>
    %convert_element_type3A_1947 = arith.extf %convert_element_type3A_1946 : vector<100x100xbf16> to vector<100x100xf32>
    %get3A_1948 = arith.constant 11 : index
    %get3A_1949 = memref.load %arg5[%get3A_1948] : memref<50xf32, #tpu.memory_space<smem>>
    %mul3A_1950 = vector.broadcast %get3A_1949 : f32 to vector<100x100xf32>
    %mul3A_1951 = arith.mulf %mul3A_1950, %convert_element_type3A_1947 : vector<100x100xf32>
    %add3A_1952 = arith.addf %add3A_1936, %mul3A_1951 : vector<100x100xf32>
    %slice3A_1953 = vector.extract_strided_slice %add3A_1755 {offsets = [0, 12], sizes = [100, 1], strides = [1, 1]} : vector<100x50xf32> to vector<100x1xf32>
    %slice3A_1954 = vector.extract_strided_slice %dot_general3A_1757 {offsets = [12, 0], sizes = [1, 100], strides = [1, 1]} : vector<50x100xf32> to vector<1x100xf32>
    %add3A_1955 = vector.broadcast %slice3A_1953 : vector<100x1xf32> to vector<100x100xf32>
    %add3A_1956 = vector.broadcast %slice3A_1954 : vector<1x100xf32> to vector<100x100xf32>
    %add3A_1957 = arith.addf %add3A_1955, %add3A_1956 : vector<100x100xf32>
    %mul3A_1958 = arith.constant 2.000000e-01 : f32
    %mul3A_1959 = vector.broadcast %mul3A_1958 : f32 to vector<100x100xf32>
    %mul3A_1960 = arith.mulf %mul3A_1959, %add3A_1957 : vector<100x100xf32>
    %max3A_1961 = arith.maximumf %add3A_1957, %mul3A_1960 : vector<100x100xf32>
    %convert_element_type3A_1962 = arith.truncf %max3A_1961 : vector<100x100xf32> to vector<100x100xbf16>
    %convert_element_type3A_1963 = arith.extf %convert_element_type3A_1962 : vector<100x100xbf16> to vector<100x100xf32>
    %get3A_1964 = arith.constant 12 : index
    %get3A_1965 = memref.load %arg5[%get3A_1964] : memref<50xf32, #tpu.memory_space<smem>>
    %mul3A_1966 = vector.broadcast %get3A_1965 : f32 to vector<100x100xf32>
    %mul3A_1967 = arith.mulf %mul3A_1966, %convert_element_type3A_1963 : vector<100x100xf32>
    %add3A_1968 = arith.addf %add3A_1952, %mul3A_1967 : vector<100x100xf32>
    %slice3A_1969 = vector.extract_strided_slice %add3A_1755 {offsets = [0, 13], sizes = [100, 1], strides = [1, 1]} : vector<100x50xf32> to vector<100x1xf32>
    %slice3A_1970 = vector.extract_strided_slice %dot_general3A_1757 {offsets = [13, 0], sizes = [1, 100], strides = [1, 1]} : vector<50x100xf32> to vector<1x100xf32>
    %add3A_1971 = vector.broadcast %slice3A_1969 : vector<100x1xf32> to vector<100x100xf32>
    %add3A_1972 = vector.broadcast %slice3A_1970 : vector<1x100xf32> to vector<100x100xf32>
    %add3A_1973 = arith.addf %add3A_1971, %add3A_1972 : vector<100x100xf32>
    %mul3A_1974 = arith.constant 2.000000e-01 : f32
    %mul3A_1975 = vector.broadcast %mul3A_1974 : f32 to vector<100x100xf32>
    %mul3A_1976 = arith.mulf %mul3A_1975, %add3A_1973 : vector<100x100xf32>
    %max3A_1977 = arith.maximumf %add3A_1973, %mul3A_1976 : vector<100x100xf32>
    %convert_element_type3A_1978 = arith.truncf %max3A_1977 : vector<100x100xf32> to vector<100x100xbf16>
    %convert_element_type3A_1979 = arith.extf %convert_element_type3A_1978 : vector<100x100xbf16> to vector<100x100xf32>
    %get3A_1980 = arith.constant 13 : index
    %get3A_1981 = memref.load %arg5[%get3A_1980] : memref<50xf32, #tpu.memory_space<smem>>
    %mul3A_1982 = vector.broadcast %get3A_1981 : f32 to vector<100x100xf32>
    %mul3A_1983 = arith.mulf %mul3A_1982, %convert_element_type3A_1979 : vector<100x100xf32>
    %add3A_1984 = arith.addf %add3A_1968, %mul3A_1983 : vector<100x100xf32>
    %slice3A_1985 = vector.extract_strided_slice %add3A_1755 {offsets = [0, 14], sizes = [100, 1], strides = [1, 1]} : vector<100x50xf32> to vector<100x1xf32>
    %slice3A_1986 = vector.extract_strided_slice %dot_general3A_1757 {offsets = [14, 0], sizes = [1, 100], strides = [1, 1]} : vector<50x100xf32> to vector<1x100xf32>
    %add3A_1987 = vector.broadcast %slice3A_1985 : vector<100x1xf32> to vector<100x100xf32>
    %add3A_1988 = vector.broadcast %slice3A_1986 : vector<1x100xf32> to vector<100x100xf32>
    %add3A_1989 = arith.addf %add3A_1987, %add3A_1988 : vector<100x100xf32>
    %mul3A_1990 = arith.constant 2.000000e-01 : f32
    %mul3A_1991 = vector.broadcast %mul3A_1990 : f32 to vector<100x100xf32>
    %mul3A_1992 = arith.mulf %mul3A_1991, %add3A_1989 : vector<100x100xf32>
    %max3A_1993 = arith.maximumf %add3A_1989, %mul3A_1992 : vector<100x100xf32>
    %convert_element_type3A_1994 = arith.truncf %max3A_1993 : vector<100x100xf32> to vector<100x100xbf16>
    %convert_element_type3A_1995 = arith.extf %convert_element_type3A_1994 : vector<100x100xbf16> to vector<100x100xf32>
    %get3A_1996 = arith.constant 14 : index
    %get3A_1997 = memref.load %arg5[%get3A_1996] : memref<50xf32, #tpu.memory_space<smem>>
    %mul3A_1998 = vector.broadcast %get3A_1997 : f32 to vector<100x100xf32>
    %mul3A_1999 = arith.mulf %mul3A_1998, %convert_element_type3A_1995 : vector<100x100xf32>
    %add3A_2000 = arith.addf %add3A_1984, %mul3A_1999 : vector<100x100xf32>
    %slice3A_2001 = vector.extract_strided_slice %add3A_1755 {offsets = [0, 15], sizes = [100, 1], strides = [1, 1]} : vector<100x50xf32> to vector<100x1xf32>
    %slice3A_2002 = vector.extract_strided_slice %dot_general3A_1757 {offsets = [15, 0], sizes = [1, 100], strides = [1, 1]} : vector<50x100xf32> to vector<1x100xf32>
    %add3A_2003 = vector.broadcast %slice3A_2001 : vector<100x1xf32> to vector<100x100xf32>
    %add3A_2004 = vector.broadcast %slice3A_2002 : vector<1x100xf32> to vector<100x100xf32>
    %add3A_2005 = arith.addf %add3A_2003, %add3A_2004 : vector<100x100xf32>
    %mul3A_2006 = arith.constant 2.000000e-01 : f32
    %mul3A_2007 = vector.broadcast %mul3A_2006 : f32 to vector<100x100xf32>
    %mul3A_2008 = arith.mulf %mul3A_2007, %add3A_2005 : vector<100x100xf32>
    %max3A_2009 = arith.maximumf %add3A_2005, %mul3A_2008 : vector<100x100xf32>
    %convert_element_type3A_2010 = arith.truncf %max3A_2009 : vector<100x100xf32> to vector<100x100xbf16>
    %convert_element_type3A_2011 = arith.extf %convert_element_type3A_2010 : vector<100x100xbf16> to vector<100x100xf32>
    %get3A_2012 = arith.constant 15 : index
    %get3A_2013 = memref.load %arg5[%get3A_2012] : memref<50xf32, #tpu.memory_space<smem>>
    %mul3A_2014 = vector.broadcast %get3A_2013 : f32 to vector<100x100xf32>
    %mul3A_2015 = arith.mulf %mul3A_2014, %convert_element_type3A_2011 : vector<100x100xf32>
    %add3A_2016 = arith.addf %add3A_2000, %mul3A_2015 : vector<100x100xf32>
    %slice3A_2017 = vector.extract_strided_slice %add3A_1755 {offsets = [0, 16], sizes = [100, 1], strides = [1, 1]} : vector<100x50xf32> to vector<100x1xf32>
    %slice3A_2018 = vector.extract_strided_slice %dot_general3A_1757 {offsets = [16, 0], sizes = [1, 100], strides = [1, 1]} : vector<50x100xf32> to vector<1x100xf32>
    %add3A_2019 = vector.broadcast %slice3A_2017 : vector<100x1xf32> to vector<100x100xf32>
    %add3A_2020 = vector.broadcast %slice3A_2018 : vector<1x100xf32> to vector<100x100xf32>
    %add3A_2021 = arith.addf %add3A_2019, %add3A_2020 : vector<100x100xf32>
    %mul3A_2022 = arith.constant 2.000000e-01 : f32
    %mul3A_2023 = vector.broadcast %mul3A_2022 : f32 to vector<100x100xf32>
    %mul3A_2024 = arith.mulf %mul3A_2023, %add3A_2021 : vector<100x100xf32>
    %max3A_2025 = arith.maximumf %add3A_2021, %mul3A_2024 : vector<100x100xf32>
    %convert_element_type3A_2026 = arith.truncf %max3A_2025 : vector<100x100xf32> to vector<100x100xbf16>
    %convert_element_type3A_2027 = arith.extf %convert_element_type3A_2026 : vector<100x100xbf16> to vector<100x100xf32>
    %get3A_2028 = arith.constant 16 : index
    %get3A_2029 = memref.load %arg5[%get3A_2028] : memref<50xf32, #tpu.memory_space<smem>>
    %mul3A_2030 = vector.broadcast %get3A_2029 : f32 to vector<100x100xf32>
    %mul3A_2031 = arith.mulf %mul3A_2030, %convert_element_type3A_2027 : vector<100x100xf32>
    %add3A_2032 = arith.addf %add3A_2016, %mul3A_2031 : vector<100x100xf32>
    %slice3A_2033 = vector.extract_strided_slice %add3A_1755 {offsets = [0, 17], sizes = [100, 1], strides = [1, 1]} : vector<100x50xf32> to vector<100x1xf32>
    %slice3A_2034 = vector.extract_strided_slice %dot_general3A_1757 {offsets = [17, 0], sizes = [1, 100], strides = [1, 1]} : vector<50x100xf32> to vector<1x100xf32>
    %add3A_2035 = vector.broadcast %slice3A_2033 : vector<100x1xf32> to vector<100x100xf32>
    %add3A_2036 = vector.broadcast %slice3A_2034 : vector<1x100xf32> to vector<100x100xf32>
    %add3A_2037 = arith.addf %add3A_2035, %add3A_2036 : vector<100x100xf32>
    %mul3A_2038 = arith.constant 2.000000e-01 : f32
    %mul3A_2039 = vector.broadcast %mul3A_2038 : f32 to vector<100x100xf32>
    %mul3A_2040 = arith.mulf %mul3A_2039, %add3A_2037 : vector<100x100xf32>
    %max3A_2041 = arith.maximumf %add3A_2037, %mul3A_2040 : vector<100x100xf32>
    %convert_element_type3A_2042 = arith.truncf %max3A_2041 : vector<100x100xf32> to vector<100x100xbf16>
    %convert_element_type3A_2043 = arith.extf %convert_element_type3A_2042 : vector<100x100xbf16> to vector<100x100xf32>
    %get3A_2044 = arith.constant 17 : index
    %get3A_2045 = memref.load %arg5[%get3A_2044] : memref<50xf32, #tpu.memory_space<smem>>
    %mul3A_2046 = vector.broadcast %get3A_2045 : f32 to vector<100x100xf32>
    %mul3A_2047 = arith.mulf %mul3A_2046, %convert_element_type3A_2043 : vector<100x100xf32>
    %add3A_2048 = arith.addf %add3A_2032, %mul3A_2047 : vector<100x100xf32>
    %slice3A_2049 = vector.extract_strided_slice %add3A_1755 {offsets = [0, 18], sizes = [100, 1], strides = [1, 1]} : vector<100x50xf32> to vector<100x1xf32>
    %slice3A_2050 = vector.extract_strided_slice %dot_general3A_1757 {offsets = [18, 0], sizes = [1, 100], strides = [1, 1]} : vector<50x100xf32> to vector<1x100xf32>
    %add3A_2051 = vector.broadcast %slice3A_2049 : vector<100x1xf32> to vector<100x100xf32>
    %add3A_2052 = vector.broadcast %slice3A_2050 : vector<1x100xf32> to vector<100x100xf32>
    %add3A_2053 = arith.addf %add3A_2051, %add3A_2052 : vector<100x100xf32>
    %mul3A_2054 = arith.constant 2.000000e-01 : f32
    %mul3A_2055 = vector.broadcast %mul3A_2054 : f32 to vector<100x100xf32>
    %mul3A_2056 = arith.mulf %mul3A_2055, %add3A_2053 : vector<100x100xf32>
    %max3A_2057 = arith.maximumf %add3A_2053, %mul3A_2056 : vector<100x100xf32>
    %convert_element_type3A_2058 = arith.truncf %max3A_2057 : vector<100x100xf32> to vector<100x100xbf16>
    %convert_element_type3A_2059 = arith.extf %convert_element_type3A_2058 : vector<100x100xbf16> to vector<100x100xf32>
    %get3A_2060 = arith.constant 18 : index
    %get3A_2061 = memref.load %arg5[%get3A_2060] : memref<50xf32, #tpu.memory_space<smem>>
    %mul3A_2062 = vector.broadcast %get3A_2061 : f32 to vector<100x100xf32>
    %mul3A_2063 = arith.mulf %mul3A_2062, %convert_element_type3A_2059 : vector<100x100xf32>
    %add3A_2064 = arith.addf %add3A_2048, %mul3A_2063 : vector<100x100xf32>
    %slice3A_2065 = vector.extract_strided_slice %add3A_1755 {offsets = [0, 19], sizes = [100, 1], strides = [1, 1]} : vector<100x50xf32> to vector<100x1xf32>
    %slice3A_2066 = vector.extract_strided_slice %dot_general3A_1757 {offsets = [19, 0], sizes = [1, 100], strides = [1, 1]} : vector<50x100xf32> to vector<1x100xf32>
    %add3A_2067 = vector.broadcast %slice3A_2065 : vector<100x1xf32> to vector<100x100xf32>
    %add3A_2068 = vector.broadcast %slice3A_2066 : vector<1x100xf32> to vector<100x100xf32>
    %add3A_2069 = arith.addf %add3A_2067, %add3A_2068 : vector<100x100xf32>
    %mul3A_2070 = arith.constant 2.000000e-01 : f32
    %mul3A_2071 = vector.broadcast %mul3A_2070 : f32 to vector<100x100xf32>
    %mul3A_2072 = arith.mulf %mul3A_2071, %add3A_2069 : vector<100x100xf32>
    %max3A_2073 = arith.maximumf %add3A_2069, %mul3A_2072 : vector<100x100xf32>
    %convert_element_type3A_2074 = arith.truncf %max3A_2073 : vector<100x100xf32> to vector<100x100xbf16>
    %convert_element_type3A_2075 = arith.extf %convert_element_type3A_2074 : vector<100x100xbf16> to vector<100x100xf32>
    %get3A_2076 = arith.constant 19 : index
    %get3A_2077 = memref.load %arg5[%get3A_2076] : memref<50xf32, #tpu.memory_space<smem>>
    %mul3A_2078 = vector.broadcast %get3A_2077 : f32 to vector<100x100xf32>
    %mul3A_2079 = arith.mulf %mul3A_2078, %convert_element_type3A_2075 : vector<100x100xf32>
    %add3A_2080 = arith.addf %add3A_2064, %mul3A_2079 : vector<100x100xf32>
    %slice3A_2081 = vector.extract_strided_slice %add3A_1755 {offsets = [0, 20], sizes = [100, 1], strides = [1, 1]} : vector<100x50xf32> to vector<100x1xf32>
    %slice3A_2082 = vector.extract_strided_slice %dot_general3A_1757 {offsets = [20, 0], sizes = [1, 100], strides = [1, 1]} : vector<50x100xf32> to vector<1x100xf32>
    %add3A_2083 = vector.broadcast %slice3A_2081 : vector<100x1xf32> to vector<100x100xf32>
    %add3A_2084 = vector.broadcast %slice3A_2082 : vector<1x100xf32> to vector<100x100xf32>
    %add3A_2085 = arith.addf %add3A_2083, %add3A_2084 : vector<100x100xf32>
    %mul3A_2086 = arith.constant 2.000000e-01 : f32
    %mul3A_2087 = vector.broadcast %mul3A_2086 : f32 to vector<100x100xf32>
    %mul3A_2088 = arith.mulf %mul3A_2087, %add3A_2085 : vector<100x100xf32>
    %max3A_2089 = arith.maximumf %add3A_2085, %mul3A_2088 : vector<100x100xf32>
    %convert_element_type3A_2090 = arith.truncf %max3A_2089 : vector<100x100xf32> to vector<100x100xbf16>
    %convert_element_type3A_2091 = arith.extf %convert_element_type3A_2090 : vector<100x100xbf16> to vector<100x100xf32>
    %get3A_2092 = arith.constant 20 : index
    %get3A_2093 = memref.load %arg5[%get3A_2092] : memref<50xf32, #tpu.memory_space<smem>>
    %mul3A_2094 = vector.broadcast %get3A_2093 : f32 to vector<100x100xf32>
    %mul3A_2095 = arith.mulf %mul3A_2094, %convert_element_type3A_2091 : vector<100x100xf32>
    %add3A_2096 = arith.addf %add3A_2080, %mul3A_2095 : vector<100x100xf32>
    %slice3A_2097 = vector.extract_strided_slice %add3A_1755 {offsets = [0, 21], sizes = [100, 1], strides = [1, 1]} : vector<100x50xf32> to vector<100x1xf32>
    %slice3A_2098 = vector.extract_strided_slice %dot_general3A_1757 {offsets = [21, 0], sizes = [1, 100], strides = [1, 1]} : vector<50x100xf32> to vector<1x100xf32>
    %add3A_2099 = vector.broadcast %slice3A_2097 : vector<100x1xf32> to vector<100x100xf32>
    %add3A_2100 = vector.broadcast %slice3A_2098 : vector<1x100xf32> to vector<100x100xf32>
    %add3A_2101 = arith.addf %add3A_2099, %add3A_2100 : vector<100x100xf32>
    %mul3A_2102 = arith.constant 2.000000e-01 : f32
    %mul3A_2103 = vector.broadcast %mul3A_2102 : f32 to vector<100x100xf32>
    %mul3A_2104 = arith.mulf %mul3A_2103, %add3A_2101 : vector<100x100xf32>
    %max3A_2105 = arith.maximumf %add3A_2101, %mul3A_2104 : vector<100x100xf32>
    %convert_element_type3A_2106 = arith.truncf %max3A_2105 : vector<100x100xf32> to vector<100x100xbf16>
    %convert_element_type3A_2107 = arith.extf %convert_element_type3A_2106 : vector<100x100xbf16> to vector<100x100xf32>
    %get3A_2108 = arith.constant 21 : index
    %get3A_2109 = memref.load %arg5[%get3A_2108] : memref<50xf32, #tpu.memory_space<smem>>
    %mul3A_2110 = vector.broadcast %get3A_2109 : f32 to vector<100x100xf32>
    %mul3A_2111 = arith.mulf %mul3A_2110, %convert_element_type3A_2107 : vector<100x100xf32>
    %add3A_2112 = arith.addf %add3A_2096, %mul3A_2111 : vector<100x100xf32>
    %slice3A_2113 = vector.extract_strided_slice %add3A_1755 {offsets = [0, 22], sizes = [100, 1], strides = [1, 1]} : vector<100x50xf32> to vector<100x1xf32>
    %slice3A_2114 = vector.extract_strided_slice %dot_general3A_1757 {offsets = [22, 0], sizes = [1, 100], strides = [1, 1]} : vector<50x100xf32> to vector<1x100xf32>
    %add3A_2115 = vector.broadcast %slice3A_2113 : vector<100x1xf32> to vector<100x100xf32>
    %add3A_2116 = vector.broadcast %slice3A_2114 : vector<1x100xf32> to vector<100x100xf32>
    %add3A_2117 = arith.addf %add3A_2115, %add3A_2116 : vector<100x100xf32>
    %mul3A_2118 = arith.constant 2.000000e-01 : f32
    %mul3A_2119 = vector.broadcast %mul3A_2118 : f32 to vector<100x100xf32>
    %mul3A_2120 = arith.mulf %mul3A_2119, %add3A_2117 : vector<100x100xf32>
    %max3A_2121 = arith.maximumf %add3A_2117, %mul3A_2120 : vector<100x100xf32>
    %convert_element_type3A_2122 = arith.truncf %max3A_2121 : vector<100x100xf32> to vector<100x100xbf16>
    %convert_element_type3A_2123 = arith.extf %convert_element_type3A_2122 : vector<100x100xbf16> to vector<100x100xf32>
    %get3A_2124 = arith.constant 22 : index
    %get3A_2125 = memref.load %arg5[%get3A_2124] : memref<50xf32, #tpu.memory_space<smem>>
    %mul3A_2126 = vector.broadcast %get3A_2125 : f32 to vector<100x100xf32>
    %mul3A_2127 = arith.mulf %mul3A_2126, %convert_element_type3A_2123 : vector<100x100xf32>
    %add3A_2128 = arith.addf %add3A_2112, %mul3A_2127 : vector<100x100xf32>
    %slice3A_2129 = vector.extract_strided_slice %add3A_1755 {offsets = [0, 23], sizes = [100, 1], strides = [1, 1]} : vector<100x50xf32> to vector<100x1xf32>
    %slice3A_2130 = vector.extract_strided_slice %dot_general3A_1757 {offsets = [23, 0], sizes = [1, 100], strides = [1, 1]} : vector<50x100xf32> to vector<1x100xf32>
    %add3A_2131 = vector.broadcast %slice3A_2129 : vector<100x1xf32> to vector<100x100xf32>
    %add3A_2132 = vector.broadcast %slice3A_2130 : vector<1x100xf32> to vector<100x100xf32>
    %add3A_2133 = arith.addf %add3A_2131, %add3A_2132 : vector<100x100xf32>
    %mul3A_2134 = arith.constant 2.000000e-01 : f32
    %mul3A_2135 = vector.broadcast %mul3A_2134 : f32 to vector<100x100xf32>
    %mul3A_2136 = arith.mulf %mul3A_2135, %add3A_2133 : vector<100x100xf32>
    %max3A_2137 = arith.maximumf %add3A_2133, %mul3A_2136 : vector<100x100xf32>
    %convert_element_type3A_2138 = arith.truncf %max3A_2137 : vector<100x100xf32> to vector<100x100xbf16>
    %convert_element_type3A_2139 = arith.extf %convert_element_type3A_2138 : vector<100x100xbf16> to vector<100x100xf32>
    %get3A_2140 = arith.constant 23 : index
    %get3A_2141 = memref.load %arg5[%get3A_2140] : memref<50xf32, #tpu.memory_space<smem>>
    %mul3A_2142 = vector.broadcast %get3A_2141 : f32 to vector<100x100xf32>
    %mul3A_2143 = arith.mulf %mul3A_2142, %convert_element_type3A_2139 : vector<100x100xf32>
    %add3A_2144 = arith.addf %add3A_2128, %mul3A_2143 : vector<100x100xf32>
    %slice3A_2145 = vector.extract_strided_slice %add3A_1755 {offsets = [0, 24], sizes = [100, 1], strides = [1, 1]} : vector<100x50xf32> to vector<100x1xf32>
    %slice3A_2146 = vector.extract_strided_slice %dot_general3A_1757 {offsets = [24, 0], sizes = [1, 100], strides = [1, 1]} : vector<50x100xf32> to vector<1x100xf32>
    %add3A_2147 = vector.broadcast %slice3A_2145 : vector<100x1xf32> to vector<100x100xf32>
    %add3A_2148 = vector.broadcast %slice3A_2146 : vector<1x100xf32> to vector<100x100xf32>
    %add3A_2149 = arith.addf %add3A_2147, %add3A_2148 : vector<100x100xf32>
    %mul3A_2150 = arith.constant 2.000000e-01 : f32
    %mul3A_2151 = vector.broadcast %mul3A_2150 : f32 to vector<100x100xf32>
    %mul3A_2152 = arith.mulf %mul3A_2151, %add3A_2149 : vector<100x100xf32>
    %max3A_2153 = arith.maximumf %add3A_2149, %mul3A_2152 : vector<100x100xf32>
    %convert_element_type3A_2154 = arith.truncf %max3A_2153 : vector<100x100xf32> to vector<100x100xbf16>
    %convert_element_type3A_2155 = arith.extf %convert_element_type3A_2154 : vector<100x100xbf16> to vector<100x100xf32>
    %get3A_2156 = arith.constant 24 : index
    %get3A_2157 = memref.load %arg5[%get3A_2156] : memref<50xf32, #tpu.memory_space<smem>>
    %mul3A_2158 = vector.broadcast %get3A_2157 : f32 to vector<100x100xf32>
    %mul3A_2159 = arith.mulf %mul3A_2158, %convert_element_type3A_2155 : vector<100x100xf32>
    %add3A_2160 = arith.addf %add3A_2144, %mul3A_2159 : vector<100x100xf32>
    %slice3A_2161 = vector.extract_strided_slice %add3A_1755 {offsets = [0, 25], sizes = [100, 1], strides = [1, 1]} : vector<100x50xf32> to vector<100x1xf32>
    %slice3A_2162 = vector.extract_strided_slice %dot_general3A_1757 {offsets = [25, 0], sizes = [1, 100], strides = [1, 1]} : vector<50x100xf32> to vector<1x100xf32>
    %add3A_2163 = vector.broadcast %slice3A_2161 : vector<100x1xf32> to vector<100x100xf32>
    %add3A_2164 = vector.broadcast %slice3A_2162 : vector<1x100xf32> to vector<100x100xf32>
    %add3A_2165 = arith.addf %add3A_2163, %add3A_2164 : vector<100x100xf32>
    %mul3A_2166 = arith.constant 2.000000e-01 : f32
    %mul3A_2167 = vector.broadcast %mul3A_2166 : f32 to vector<100x100xf32>
    %mul3A_2168 = arith.mulf %mul3A_2167, %add3A_2165 : vector<100x100xf32>
    %max3A_2169 = arith.maximumf %add3A_2165, %mul3A_2168 : vector<100x100xf32>
    %convert_element_type3A_2170 = arith.truncf %max3A_2169 : vector<100x100xf32> to vector<100x100xbf16>
    %convert_element_type3A_2171 = arith.extf %convert_element_type3A_2170 : vector<100x100xbf16> to vector<100x100xf32>
    %get3A_2172 = arith.constant 25 : index
    %get3A_2173 = memref.load %arg5[%get3A_2172] : memref<50xf32, #tpu.memory_space<smem>>
    %mul3A_2174 = vector.broadcast %get3A_2173 : f32 to vector<100x100xf32>
    %mul3A_2175 = arith.mulf %mul3A_2174, %convert_element_type3A_2171 : vector<100x100xf32>
    %add3A_2176 = arith.addf %add3A_2160, %mul3A_2175 : vector<100x100xf32>
    %slice3A_2177 = vector.extract_strided_slice %add3A_1755 {offsets = [0, 26], sizes = [100, 1], strides = [1, 1]} : vector<100x50xf32> to vector<100x1xf32>
    %slice3A_2178 = vector.extract_strided_slice %dot_general3A_1757 {offsets = [26, 0], sizes = [1, 100], strides = [1, 1]} : vector<50x100xf32> to vector<1x100xf32>
    %add3A_2179 = vector.broadcast %slice3A_2177 : vector<100x1xf32> to vector<100x100xf32>
    %add3A_2180 = vector.broadcast %slice3A_2178 : vector<1x100xf32> to vector<100x100xf32>
    %add3A_2181 = arith.addf %add3A_2179, %add3A_2180 : vector<100x100xf32>
    %mul3A_2182 = arith.constant 2.000000e-01 : f32
    %mul3A_2183 = vector.broadcast %mul3A_2182 : f32 to vector<100x100xf32>
    %mul3A_2184 = arith.mulf %mul3A_2183, %add3A_2181 : vector<100x100xf32>
    %max3A_2185 = arith.maximumf %add3A_2181, %mul3A_2184 : vector<100x100xf32>
    %convert_element_type3A_2186 = arith.truncf %max3A_2185 : vector<100x100xf32> to vector<100x100xbf16>
    %convert_element_type3A_2187 = arith.extf %convert_element_type3A_2186 : vector<100x100xbf16> to vector<100x100xf32>
    %get3A_2188 = arith.constant 26 : index
    %get3A_2189 = memref.load %arg5[%get3A_2188] : memref<50xf32, #tpu.memory_space<smem>>
    %mul3A_2190 = vector.broadcast %get3A_2189 : f32 to vector<100x100xf32>
    %mul3A_2191 = arith.mulf %mul3A_2190, %convert_element_type3A_2187 : vector<100x100xf32>
    %add3A_2192 = arith.addf %add3A_2176, %mul3A_2191 : vector<100x100xf32>
    %slice3A_2193 = vector.extract_strided_slice %add3A_1755 {offsets = [0, 27], sizes = [100, 1], strides = [1, 1]} : vector<100x50xf32> to vector<100x1xf32>
    %slice3A_2194 = vector.extract_strided_slice %dot_general3A_1757 {offsets = [27, 0], sizes = [1, 100], strides = [1, 1]} : vector<50x100xf32> to vector<1x100xf32>
    %add3A_2195 = vector.broadcast %slice3A_2193 : vector<100x1xf32> to vector<100x100xf32>
    %add3A_2196 = vector.broadcast %slice3A_2194 : vector<1x100xf32> to vector<100x100xf32>
    %add3A_2197 = arith.addf %add3A_2195, %add3A_2196 : vector<100x100xf32>
    %mul3A_2198 = arith.constant 2.000000e-01 : f32
    %mul3A_2199 = vector.broadcast %mul3A_2198 : f32 to vector<100x100xf32>
    %mul3A_2200 = arith.mulf %mul3A_2199, %add3A_2197 : vector<100x100xf32>
    %max3A_2201 = arith.maximumf %add3A_2197, %mul3A_2200 : vector<100x100xf32>
    %convert_element_type3A_2202 = arith.truncf %max3A_2201 : vector<100x100xf32> to vector<100x100xbf16>
    %convert_element_type3A_2203 = arith.extf %convert_element_type3A_2202 : vector<100x100xbf16> to vector<100x100xf32>
    %get3A_2204 = arith.constant 27 : index
    %get3A_2205 = memref.load %arg5[%get3A_2204] : memref<50xf32, #tpu.memory_space<smem>>
    %mul3A_2206 = vector.broadcast %get3A_2205 : f32 to vector<100x100xf32>
    %mul3A_2207 = arith.mulf %mul3A_2206, %convert_element_type3A_2203 : vector<100x100xf32>
    %add3A_2208 = arith.addf %add3A_2192, %mul3A_2207 : vector<100x100xf32>
    %slice3A_2209 = vector.extract_strided_slice %add3A_1755 {offsets = [0, 28], sizes = [100, 1], strides = [1, 1]} : vector<100x50xf32> to vector<100x1xf32>
    %slice3A_2210 = vector.extract_strided_slice %dot_general3A_1757 {offsets = [28, 0], sizes = [1, 100], strides = [1, 1]} : vector<50x100xf32> to vector<1x100xf32>
    %add3A_2211 = vector.broadcast %slice3A_2209 : vector<100x1xf32> to vector<100x100xf32>
    %add3A_2212 = vector.broadcast %slice3A_2210 : vector<1x100xf32> to vector<100x100xf32>
    %add3A_2213 = arith.addf %add3A_2211, %add3A_2212 : vector<100x100xf32>
    %mul3A_2214 = arith.constant 2.000000e-01 : f32
    %mul3A_2215 = vector.broadcast %mul3A_2214 : f32 to vector<100x100xf32>
    %mul3A_2216 = arith.mulf %mul3A_2215, %add3A_2213 : vector<100x100xf32>
    %max3A_2217 = arith.maximumf %add3A_2213, %mul3A_2216 : vector<100x100xf32>
    %convert_element_type3A_2218 = arith.truncf %max3A_2217 : vector<100x100xf32> to vector<100x100xbf16>
    %convert_element_type3A_2219 = arith.extf %convert_element_type3A_2218 : vector<100x100xbf16> to vector<100x100xf32>
    %get3A_2220 = arith.constant 28 : index
    %get3A_2221 = memref.load %arg5[%get3A_2220] : memref<50xf32, #tpu.memory_space<smem>>
    %mul3A_2222 = vector.broadcast %get3A_2221 : f32 to vector<100x100xf32>
    %mul3A_2223 = arith.mulf %mul3A_2222, %convert_element_type3A_2219 : vector<100x100xf32>
    %add3A_2224 = arith.addf %add3A_2208, %mul3A_2223 : vector<100x100xf32>
    %slice3A_2225 = vector.extract_strided_slice %add3A_1755 {offsets = [0, 29], sizes = [100, 1], strides = [1, 1]} : vector<100x50xf32> to vector<100x1xf32>
    %slice3A_2226 = vector.extract_strided_slice %dot_general3A_1757 {offsets = [29, 0], sizes = [1, 100], strides = [1, 1]} : vector<50x100xf32> to vector<1x100xf32>
    %add3A_2227 = vector.broadcast %slice3A_2225 : vector<100x1xf32> to vector<100x100xf32>
    %add3A_2228 = vector.broadcast %slice3A_2226 : vector<1x100xf32> to vector<100x100xf32>
    %add3A_2229 = arith.addf %add3A_2227, %add3A_2228 : vector<100x100xf32>
    %mul3A_2230 = arith.constant 2.000000e-01 : f32
    %mul3A_2231 = vector.broadcast %mul3A_2230 : f32 to vector<100x100xf32>
    %mul3A_2232 = arith.mulf %mul3A_2231, %add3A_2229 : vector<100x100xf32>
    %max3A_2233 = arith.maximumf %add3A_2229, %mul3A_2232 : vector<100x100xf32>
    %convert_element_type3A_2234 = arith.truncf %max3A_2233 : vector<100x100xf32> to vector<100x100xbf16>
    %convert_element_type3A_2235 = arith.extf %convert_element_type3A_2234 : vector<100x100xbf16> to vector<100x100xf32>
    %get3A_2236 = arith.constant 29 : index
    %get3A_2237 = memref.load %arg5[%get3A_2236] : memref<50xf32, #tpu.memory_space<smem>>
    %mul3A_2238 = vector.broadcast %get3A_2237 : f32 to vector<100x100xf32>
    %mul3A_2239 = arith.mulf %mul3A_2238, %convert_element_type3A_2235 : vector<100x100xf32>
    %add3A_2240 = arith.addf %add3A_2224, %mul3A_2239 : vector<100x100xf32>
    %slice3A_2241 = vector.extract_strided_slice %add3A_1755 {offsets = [0, 30], sizes = [100, 1], strides = [1, 1]} : vector<100x50xf32> to vector<100x1xf32>
    %slice3A_2242 = vector.extract_strided_slice %dot_general3A_1757 {offsets = [30, 0], sizes = [1, 100], strides = [1, 1]} : vector<50x100xf32> to vector<1x100xf32>
    %add3A_2243 = vector.broadcast %slice3A_2241 : vector<100x1xf32> to vector<100x100xf32>
    %add3A_2244 = vector.broadcast %slice3A_2242 : vector<1x100xf32> to vector<100x100xf32>
    %add3A_2245 = arith.addf %add3A_2243, %add3A_2244 : vector<100x100xf32>
    %mul3A_2246 = arith.constant 2.000000e-01 : f32
    %mul3A_2247 = vector.broadcast %mul3A_2246 : f32 to vector<100x100xf32>
    %mul3A_2248 = arith.mulf %mul3A_2247, %add3A_2245 : vector<100x100xf32>
    %max3A_2249 = arith.maximumf %add3A_2245, %mul3A_2248 : vector<100x100xf32>
    %convert_element_type3A_2250 = arith.truncf %max3A_2249 : vector<100x100xf32> to vector<100x100xbf16>
    %convert_element_type3A_2251 = arith.extf %convert_element_type3A_2250 : vector<100x100xbf16> to vector<100x100xf32>
    %get3A_2252 = arith.constant 30 : index
    %get3A_2253 = memref.load %arg5[%get3A_2252] : memref<50xf32, #tpu.memory_space<smem>>
    %mul3A_2254 = vector.broadcast %get3A_2253 : f32 to vector<100x100xf32>
    %mul3A_2255 = arith.mulf %mul3A_2254, %convert_element_type3A_2251 : vector<100x100xf32>
    %add3A_2256 = arith.addf %add3A_2240, %mul3A_2255 : vector<100x100xf32>
    %slice3A_2257 = vector.extract_strided_slice %add3A_1755 {offsets = [0, 31], sizes = [100, 1], strides = [1, 1]} : vector<100x50xf32> to vector<100x1xf32>
    %slice3A_2258 = vector.extract_strided_slice %dot_general3A_1757 {offsets = [31, 0], sizes = [1, 100], strides = [1, 1]} : vector<50x100xf32> to vector<1x100xf32>
    %add3A_2259 = vector.broadcast %slice3A_2257 : vector<100x1xf32> to vector<100x100xf32>
    %add3A_2260 = vector.broadcast %slice3A_2258 : vector<1x100xf32> to vector<100x100xf32>
    %add3A_2261 = arith.addf %add3A_2259, %add3A_2260 : vector<100x100xf32>
    %mul3A_2262 = arith.constant 2.000000e-01 : f32
    %mul3A_2263 = vector.broadcast %mul3A_2262 : f32 to vector<100x100xf32>
    %mul3A_2264 = arith.mulf %mul3A_2263, %add3A_2261 : vector<100x100xf32>
    %max3A_2265 = arith.maximumf %add3A_2261, %mul3A_2264 : vector<100x100xf32>
    %convert_element_type3A_2266 = arith.truncf %max3A_2265 : vector<100x100xf32> to vector<100x100xbf16>
    %convert_element_type3A_2267 = arith.extf %convert_element_type3A_2266 : vector<100x100xbf16> to vector<100x100xf32>
    %get3A_2268 = arith.constant 31 : index
    %get3A_2269 = memref.load %arg5[%get3A_2268] : memref<50xf32, #tpu.memory_space<smem>>
    %mul3A_2270 = vector.broadcast %get3A_2269 : f32 to vector<100x100xf32>
    %mul3A_2271 = arith.mulf %mul3A_2270, %convert_element_type3A_2267 : vector<100x100xf32>
    %add3A_2272 = arith.addf %add3A_2256, %mul3A_2271 : vector<100x100xf32>
    %slice3A_2273 = vector.extract_strided_slice %add3A_1755 {offsets = [0, 32], sizes = [100, 1], strides = [1, 1]} : vector<100x50xf32> to vector<100x1xf32>
    %slice3A_2274 = vector.extract_strided_slice %dot_general3A_1757 {offsets = [32, 0], sizes = [1, 100], strides = [1, 1]} : vector<50x100xf32> to vector<1x100xf32>
    %add3A_2275 = vector.broadcast %slice3A_2273 : vector<100x1xf32> to vector<100x100xf32>
    %add3A_2276 = vector.broadcast %slice3A_2274 : vector<1x100xf32> to vector<100x100xf32>
    %add3A_2277 = arith.addf %add3A_2275, %add3A_2276 : vector<100x100xf32>
    %mul3A_2278 = arith.constant 2.000000e-01 : f32
    %mul3A_2279 = vector.broadcast %mul3A_2278 : f32 to vector<100x100xf32>
    %mul3A_2280 = arith.mulf %mul3A_2279, %add3A_2277 : vector<100x100xf32>
    %max3A_2281 = arith.maximumf %add3A_2277, %mul3A_2280 : vector<100x100xf32>
    %convert_element_type3A_2282 = arith.truncf %max3A_2281 : vector<100x100xf32> to vector<100x100xbf16>
    %convert_element_type3A_2283 = arith.extf %convert_element_type3A_2282 : vector<100x100xbf16> to vector<100x100xf32>
    %get3A_2284 = arith.constant 32 : index
    %get3A_2285 = memref.load %arg5[%get3A_2284] : memref<50xf32, #tpu.memory_space<smem>>
    %mul3A_2286 = vector.broadcast %get3A_2285 : f32 to vector<100x100xf32>
    %mul3A_2287 = arith.mulf %mul3A_2286, %convert_element_type3A_2283 : vector<100x100xf32>
    %add3A_2288 = arith.addf %add3A_2272, %mul3A_2287 : vector<100x100xf32>
    %slice3A_2289 = vector.extract_strided_slice %add3A_1755 {offsets = [0, 33], sizes = [100, 1], strides = [1, 1]} : vector<100x50xf32> to vector<100x1xf32>
    %slice3A_2290 = vector.extract_strided_slice %dot_general3A_1757 {offsets = [33, 0], sizes = [1, 100], strides = [1, 1]} : vector<50x100xf32> to vector<1x100xf32>
    %add3A_2291 = vector.broadcast %slice3A_2289 : vector<100x1xf32> to vector<100x100xf32>
    %add3A_2292 = vector.broadcast %slice3A_2290 : vector<1x100xf32> to vector<100x100xf32>
    %add3A_2293 = arith.addf %add3A_2291, %add3A_2292 : vector<100x100xf32>
    %mul3A_2294 = arith.constant 2.000000e-01 : f32
    %mul3A_2295 = vector.broadcast %mul3A_2294 : f32 to vector<100x100xf32>
    %mul3A_2296 = arith.mulf %mul3A_2295, %add3A_2293 : vector<100x100xf32>
    %max3A_2297 = arith.maximumf %add3A_2293, %mul3A_2296 : vector<100x100xf32>
    %convert_element_type3A_2298 = arith.truncf %max3A_2297 : vector<100x100xf32> to vector<100x100xbf16>
    %convert_element_type3A_2299 = arith.extf %convert_element_type3A_2298 : vector<100x100xbf16> to vector<100x100xf32>
    %get3A_2300 = arith.constant 33 : index
    %get3A_2301 = memref.load %arg5[%get3A_2300] : memref<50xf32, #tpu.memory_space<smem>>
    %mul3A_2302 = vector.broadcast %get3A_2301 : f32 to vector<100x100xf32>
    %mul3A_2303 = arith.mulf %mul3A_2302, %convert_element_type3A_2299 : vector<100x100xf32>
    %add3A_2304 = arith.addf %add3A_2288, %mul3A_2303 : vector<100x100xf32>
    %slice3A_2305 = vector.extract_strided_slice %add3A_1755 {offsets = [0, 34], sizes = [100, 1], strides = [1, 1]} : vector<100x50xf32> to vector<100x1xf32>
    %slice3A_2306 = vector.extract_strided_slice %dot_general3A_1757 {offsets = [34, 0], sizes = [1, 100], strides = [1, 1]} : vector<50x100xf32> to vector<1x100xf32>
    %add3A_2307 = vector.broadcast %slice3A_2305 : vector<100x1xf32> to vector<100x100xf32>
    %add3A_2308 = vector.broadcast %slice3A_2306 : vector<1x100xf32> to vector<100x100xf32>
    %add3A_2309 = arith.addf %add3A_2307, %add3A_2308 : vector<100x100xf32>
    %mul3A_2310 = arith.constant 2.000000e-01 : f32
    %mul3A_2311 = vector.broadcast %mul3A_2310 : f32 to vector<100x100xf32>
    %mul3A_2312 = arith.mulf %mul3A_2311, %add3A_2309 : vector<100x100xf32>
    %max3A_2313 = arith.maximumf %add3A_2309, %mul3A_2312 : vector<100x100xf32>
    %convert_element_type3A_2314 = arith.truncf %max3A_2313 : vector<100x100xf32> to vector<100x100xbf16>
    %convert_element_type3A_2315 = arith.extf %convert_element_type3A_2314 : vector<100x100xbf16> to vector<100x100xf32>
    %get3A_2316 = arith.constant 34 : index
    %get3A_2317 = memref.load %arg5[%get3A_2316] : memref<50xf32, #tpu.memory_space<smem>>
    %mul3A_2318 = vector.broadcast %get3A_2317 : f32 to vector<100x100xf32>
    %mul3A_2319 = arith.mulf %mul3A_2318, %convert_element_type3A_2315 : vector<100x100xf32>
    %add3A_2320 = arith.addf %add3A_2304, %mul3A_2319 : vector<100x100xf32>
    %slice3A_2321 = vector.extract_strided_slice %add3A_1755 {offsets = [0, 35], sizes = [100, 1], strides = [1, 1]} : vector<100x50xf32> to vector<100x1xf32>
    %slice3A_2322 = vector.extract_strided_slice %dot_general3A_1757 {offsets = [35, 0], sizes = [1, 100], strides = [1, 1]} : vector<50x100xf32> to vector<1x100xf32>
    %add3A_2323 = vector.broadcast %slice3A_2321 : vector<100x1xf32> to vector<100x100xf32>
    %add3A_2324 = vector.broadcast %slice3A_2322 : vector<1x100xf32> to vector<100x100xf32>
    %add3A_2325 = arith.addf %add3A_2323, %add3A_2324 : vector<100x100xf32>
    %mul3A_2326 = arith.constant 2.000000e-01 : f32
    %mul3A_2327 = vector.broadcast %mul3A_2326 : f32 to vector<100x100xf32>
    %mul3A_2328 = arith.mulf %mul3A_2327, %add3A_2325 : vector<100x100xf32>
    %max3A_2329 = arith.maximumf %add3A_2325, %mul3A_2328 : vector<100x100xf32>
    %convert_element_type3A_2330 = arith.truncf %max3A_2329 : vector<100x100xf32> to vector<100x100xbf16>
    %convert_element_type3A_2331 = arith.extf %convert_element_type3A_2330 : vector<100x100xbf16> to vector<100x100xf32>
    %get3A_2332 = arith.constant 35 : index
    %get3A_2333 = memref.load %arg5[%get3A_2332] : memref<50xf32, #tpu.memory_space<smem>>
    %mul3A_2334 = vector.broadcast %get3A_2333 : f32 to vector<100x100xf32>
    %mul3A_2335 = arith.mulf %mul3A_2334, %convert_element_type3A_2331 : vector<100x100xf32>
    %add3A_2336 = arith.addf %add3A_2320, %mul3A_2335 : vector<100x100xf32>
    %slice3A_2337 = vector.extract_strided_slice %add3A_1755 {offsets = [0, 36], sizes = [100, 1], strides = [1, 1]} : vector<100x50xf32> to vector<100x1xf32>
    %slice3A_2338 = vector.extract_strided_slice %dot_general3A_1757 {offsets = [36, 0], sizes = [1, 100], strides = [1, 1]} : vector<50x100xf32> to vector<1x100xf32>
    %add3A_2339 = vector.broadcast %slice3A_2337 : vector<100x1xf32> to vector<100x100xf32>
    %add3A_2340 = vector.broadcast %slice3A_2338 : vector<1x100xf32> to vector<100x100xf32>
    %add3A_2341 = arith.addf %add3A_2339, %add3A_2340 : vector<100x100xf32>
    %mul3A_2342 = arith.constant 2.000000e-01 : f32
    %mul3A_2343 = vector.broadcast %mul3A_2342 : f32 to vector<100x100xf32>
    %mul3A_2344 = arith.mulf %mul3A_2343, %add3A_2341 : vector<100x100xf32>
    %max3A_2345 = arith.maximumf %add3A_2341, %mul3A_2344 : vector<100x100xf32>
    %convert_element_type3A_2346 = arith.truncf %max3A_2345 : vector<100x100xf32> to vector<100x100xbf16>
    %convert_element_type3A_2347 = arith.extf %convert_element_type3A_2346 : vector<100x100xbf16> to vector<100x100xf32>
    %get3A_2348 = arith.constant 36 : index
    %get3A_2349 = memref.load %arg5[%get3A_2348] : memref<50xf32, #tpu.memory_space<smem>>
    %mul3A_2350 = vector.broadcast %get3A_2349 : f32 to vector<100x100xf32>
    %mul3A_2351 = arith.mulf %mul3A_2350, %convert_element_type3A_2347 : vector<100x100xf32>
    %add3A_2352 = arith.addf %add3A_2336, %mul3A_2351 : vector<100x100xf32>
    %slice3A_2353 = vector.extract_strided_slice %add3A_1755 {offsets = [0, 37], sizes = [100, 1], strides = [1, 1]} : vector<100x50xf32> to vector<100x1xf32>
    %slice3A_2354 = vector.extract_strided_slice %dot_general3A_1757 {offsets = [37, 0], sizes = [1, 100], strides = [1, 1]} : vector<50x100xf32> to vector<1x100xf32>
    %add3A_2355 = vector.broadcast %slice3A_2353 : vector<100x1xf32> to vector<100x100xf32>
    %add3A_2356 = vector.broadcast %slice3A_2354 : vector<1x100xf32> to vector<100x100xf32>
    %add3A_2357 = arith.addf %add3A_2355, %add3A_2356 : vector<100x100xf32>
    %mul3A_2358 = arith.constant 2.000000e-01 : f32
    %mul3A_2359 = vector.broadcast %mul3A_2358 : f32 to vector<100x100xf32>
    %mul3A_2360 = arith.mulf %mul3A_2359, %add3A_2357 : vector<100x100xf32>
    %max3A_2361 = arith.maximumf %add3A_2357, %mul3A_2360 : vector<100x100xf32>
    %convert_element_type3A_2362 = arith.truncf %max3A_2361 : vector<100x100xf32> to vector<100x100xbf16>
    %convert_element_type3A_2363 = arith.extf %convert_element_type3A_2362 : vector<100x100xbf16> to vector<100x100xf32>
    %get3A_2364 = arith.constant 37 : index
    %get3A_2365 = memref.load %arg5[%get3A_2364] : memref<50xf32, #tpu.memory_space<smem>>
    %mul3A_2366 = vector.broadcast %get3A_2365 : f32 to vector<100x100xf32>
    %mul3A_2367 = arith.mulf %mul3A_2366, %convert_element_type3A_2363 : vector<100x100xf32>
    %add3A_2368 = arith.addf %add3A_2352, %mul3A_2367 : vector<100x100xf32>
    %slice3A_2369 = vector.extract_strided_slice %add3A_1755 {offsets = [0, 38], sizes = [100, 1], strides = [1, 1]} : vector<100x50xf32> to vector<100x1xf32>
    %slice3A_2370 = vector.extract_strided_slice %dot_general3A_1757 {offsets = [38, 0], sizes = [1, 100], strides = [1, 1]} : vector<50x100xf32> to vector<1x100xf32>
    %add3A_2371 = vector.broadcast %slice3A_2369 : vector<100x1xf32> to vector<100x100xf32>
    %add3A_2372 = vector.broadcast %slice3A_2370 : vector<1x100xf32> to vector<100x100xf32>
    %add3A_2373 = arith.addf %add3A_2371, %add3A_2372 : vector<100x100xf32>
    %mul3A_2374 = arith.constant 2.000000e-01 : f32
    %mul3A_2375 = vector.broadcast %mul3A_2374 : f32 to vector<100x100xf32>
    %mul3A_2376 = arith.mulf %mul3A_2375, %add3A_2373 : vector<100x100xf32>
    %max3A_2377 = arith.maximumf %add3A_2373, %mul3A_2376 : vector<100x100xf32>
    %convert_element_type3A_2378 = arith.truncf %max3A_2377 : vector<100x100xf32> to vector<100x100xbf16>
    %convert_element_type3A_2379 = arith.extf %convert_element_type3A_2378 : vector<100x100xbf16> to vector<100x100xf32>
    %get3A_2380 = arith.constant 38 : index
    %get3A_2381 = memref.load %arg5[%get3A_2380] : memref<50xf32, #tpu.memory_space<smem>>
    %mul3A_2382 = vector.broadcast %get3A_2381 : f32 to vector<100x100xf32>
    %mul3A_2383 = arith.mulf %mul3A_2382, %convert_element_type3A_2379 : vector<100x100xf32>
    %add3A_2384 = arith.addf %add3A_2368, %mul3A_2383 : vector<100x100xf32>
    %slice3A_2385 = vector.extract_strided_slice %add3A_1755 {offsets = [0, 39], sizes = [100, 1], strides = [1, 1]} : vector<100x50xf32> to vector<100x1xf32>
    %slice3A_2386 = vector.extract_strided_slice %dot_general3A_1757 {offsets = [39, 0], sizes = [1, 100], strides = [1, 1]} : vector<50x100xf32> to vector<1x100xf32>
    %add3A_2387 = vector.broadcast %slice3A_2385 : vector<100x1xf32> to vector<100x100xf32>
    %add3A_2388 = vector.broadcast %slice3A_2386 : vector<1x100xf32> to vector<100x100xf32>
    %add3A_2389 = arith.addf %add3A_2387, %add3A_2388 : vector<100x100xf32>
    %mul3A_2390 = arith.constant 2.000000e-01 : f32
    %mul3A_2391 = vector.broadcast %mul3A_2390 : f32 to vector<100x100xf32>
    %mul3A_2392 = arith.mulf %mul3A_2391, %add3A_2389 : vector<100x100xf32>
    %max3A_2393 = arith.maximumf %add3A_2389, %mul3A_2392 : vector<100x100xf32>
    %convert_element_type3A_2394 = arith.truncf %max3A_2393 : vector<100x100xf32> to vector<100x100xbf16>
    %convert_element_type3A_2395 = arith.extf %convert_element_type3A_2394 : vector<100x100xbf16> to vector<100x100xf32>
    %get3A_2396 = arith.constant 39 : index
    %get3A_2397 = memref.load %arg5[%get3A_2396] : memref<50xf32, #tpu.memory_space<smem>>
    %mul3A_2398 = vector.broadcast %get3A_2397 : f32 to vector<100x100xf32>
    %mul3A_2399 = arith.mulf %mul3A_2398, %convert_element_type3A_2395 : vector<100x100xf32>
    %add3A_2400 = arith.addf %add3A_2384, %mul3A_2399 : vector<100x100xf32>
    %slice3A_2401 = vector.extract_strided_slice %add3A_1755 {offsets = [0, 40], sizes = [100, 1], strides = [1, 1]} : vector<100x50xf32> to vector<100x1xf32>
    %slice3A_2402 = vector.extract_strided_slice %dot_general3A_1757 {offsets = [40, 0], sizes = [1, 100], strides = [1, 1]} : vector<50x100xf32> to vector<1x100xf32>
    %add3A_2403 = vector.broadcast %slice3A_2401 : vector<100x1xf32> to vector<100x100xf32>
    %add3A_2404 = vector.broadcast %slice3A_2402 : vector<1x100xf32> to vector<100x100xf32>
    %add3A_2405 = arith.addf %add3A_2403, %add3A_2404 : vector<100x100xf32>
    %mul3A_2406 = arith.constant 2.000000e-01 : f32
    %mul3A_2407 = vector.broadcast %mul3A_2406 : f32 to vector<100x100xf32>
    %mul3A_2408 = arith.mulf %mul3A_2407, %add3A_2405 : vector<100x100xf32>
    %max3A_2409 = arith.maximumf %add3A_2405, %mul3A_2408 : vector<100x100xf32>
    %convert_element_type3A_2410 = arith.truncf %max3A_2409 : vector<100x100xf32> to vector<100x100xbf16>
    %convert_element_type3A_2411 = arith.extf %convert_element_type3A_2410 : vector<100x100xbf16> to vector<100x100xf32>
    %get3A_2412 = arith.constant 40 : index
    %get3A_2413 = memref.load %arg5[%get3A_2412] : memref<50xf32, #tpu.memory_space<smem>>
    %mul3A_2414 = vector.broadcast %get3A_2413 : f32 to vector<100x100xf32>
    %mul3A_2415 = arith.mulf %mul3A_2414, %convert_element_type3A_2411 : vector<100x100xf32>
    %add3A_2416 = arith.addf %add3A_2400, %mul3A_2415 : vector<100x100xf32>
    %slice3A_2417 = vector.extract_strided_slice %add3A_1755 {offsets = [0, 41], sizes = [100, 1], strides = [1, 1]} : vector<100x50xf32> to vector<100x1xf32>
    %slice3A_2418 = vector.extract_strided_slice %dot_general3A_1757 {offsets = [41, 0], sizes = [1, 100], strides = [1, 1]} : vector<50x100xf32> to vector<1x100xf32>
    %add3A_2419 = vector.broadcast %slice3A_2417 : vector<100x1xf32> to vector<100x100xf32>
    %add3A_2420 = vector.broadcast %slice3A_2418 : vector<1x100xf32> to vector<100x100xf32>
    %add3A_2421 = arith.addf %add3A_2419, %add3A_2420 : vector<100x100xf32>
    %mul3A_2422 = arith.constant 2.000000e-01 : f32
    %mul3A_2423 = vector.broadcast %mul3A_2422 : f32 to vector<100x100xf32>
    %mul3A_2424 = arith.mulf %mul3A_2423, %add3A_2421 : vector<100x100xf32>
    %max3A_2425 = arith.maximumf %add3A_2421, %mul3A_2424 : vector<100x100xf32>
    %convert_element_type3A_2426 = arith.truncf %max3A_2425 : vector<100x100xf32> to vector<100x100xbf16>
    %convert_element_type3A_2427 = arith.extf %convert_element_type3A_2426 : vector<100x100xbf16> to vector<100x100xf32>
    %get3A_2428 = arith.constant 41 : index
    %get3A_2429 = memref.load %arg5[%get3A_2428] : memref<50xf32, #tpu.memory_space<smem>>
    %mul3A_2430 = vector.broadcast %get3A_2429 : f32 to vector<100x100xf32>
    %mul3A_2431 = arith.mulf %mul3A_2430, %convert_element_type3A_2427 : vector<100x100xf32>
    %add3A_2432 = arith.addf %add3A_2416, %mul3A_2431 : vector<100x100xf32>
    %slice3A_2433 = vector.extract_strided_slice %add3A_1755 {offsets = [0, 42], sizes = [100, 1], strides = [1, 1]} : vector<100x50xf32> to vector<100x1xf32>
    %slice3A_2434 = vector.extract_strided_slice %dot_general3A_1757 {offsets = [42, 0], sizes = [1, 100], strides = [1, 1]} : vector<50x100xf32> to vector<1x100xf32>
    %add3A_2435 = vector.broadcast %slice3A_2433 : vector<100x1xf32> to vector<100x100xf32>
    %add3A_2436 = vector.broadcast %slice3A_2434 : vector<1x100xf32> to vector<100x100xf32>
    %add3A_2437 = arith.addf %add3A_2435, %add3A_2436 : vector<100x100xf32>
    %mul3A_2438 = arith.constant 2.000000e-01 : f32
    %mul3A_2439 = vector.broadcast %mul3A_2438 : f32 to vector<100x100xf32>
    %mul3A_2440 = arith.mulf %mul3A_2439, %add3A_2437 : vector<100x100xf32>
    %max3A_2441 = arith.maximumf %add3A_2437, %mul3A_2440 : vector<100x100xf32>
    %convert_element_type3A_2442 = arith.truncf %max3A_2441 : vector<100x100xf32> to vector<100x100xbf16>
    %convert_element_type3A_2443 = arith.extf %convert_element_type3A_2442 : vector<100x100xbf16> to vector<100x100xf32>
    %get3A_2444 = arith.constant 42 : index
    %get3A_2445 = memref.load %arg5[%get3A_2444] : memref<50xf32, #tpu.memory_space<smem>>
    %mul3A_2446 = vector.broadcast %get3A_2445 : f32 to vector<100x100xf32>
    %mul3A_2447 = arith.mulf %mul3A_2446, %convert_element_type3A_2443 : vector<100x100xf32>
    %add3A_2448 = arith.addf %add3A_2432, %mul3A_2447 : vector<100x100xf32>
    %slice3A_2449 = vector.extract_strided_slice %add3A_1755 {offsets = [0, 43], sizes = [100, 1], strides = [1, 1]} : vector<100x50xf32> to vector<100x1xf32>
    %slice3A_2450 = vector.extract_strided_slice %dot_general3A_1757 {offsets = [43, 0], sizes = [1, 100], strides = [1, 1]} : vector<50x100xf32> to vector<1x100xf32>
    %add3A_2451 = vector.broadcast %slice3A_2449 : vector<100x1xf32> to vector<100x100xf32>
    %add3A_2452 = vector.broadcast %slice3A_2450 : vector<1x100xf32> to vector<100x100xf32>
    %add3A_2453 = arith.addf %add3A_2451, %add3A_2452 : vector<100x100xf32>
    %mul3A_2454 = arith.constant 2.000000e-01 : f32
    %mul3A_2455 = vector.broadcast %mul3A_2454 : f32 to vector<100x100xf32>
    %mul3A_2456 = arith.mulf %mul3A_2455, %add3A_2453 : vector<100x100xf32>
    %max3A_2457 = arith.maximumf %add3A_2453, %mul3A_2456 : vector<100x100xf32>
    %convert_element_type3A_2458 = arith.truncf %max3A_2457 : vector<100x100xf32> to vector<100x100xbf16>
    %convert_element_type3A_2459 = arith.extf %convert_element_type3A_2458 : vector<100x100xbf16> to vector<100x100xf32>
    %get3A_2460 = arith.constant 43 : index
    %get3A_2461 = memref.load %arg5[%get3A_2460] : memref<50xf32, #tpu.memory_space<smem>>
    %mul3A_2462 = vector.broadcast %get3A_2461 : f32 to vector<100x100xf32>
    %mul3A_2463 = arith.mulf %mul3A_2462, %convert_element_type3A_2459 : vector<100x100xf32>
    %add3A_2464 = arith.addf %add3A_2448, %mul3A_2463 : vector<100x100xf32>
    %slice3A_2465 = vector.extract_strided_slice %add3A_1755 {offsets = [0, 44], sizes = [100, 1], strides = [1, 1]} : vector<100x50xf32> to vector<100x1xf32>
    %slice3A_2466 = vector.extract_strided_slice %dot_general3A_1757 {offsets = [44, 0], sizes = [1, 100], strides = [1, 1]} : vector<50x100xf32> to vector<1x100xf32>
    %add3A_2467 = vector.broadcast %slice3A_2465 : vector<100x1xf32> to vector<100x100xf32>
    %add3A_2468 = vector.broadcast %slice3A_2466 : vector<1x100xf32> to vector<100x100xf32>
    %add3A_2469 = arith.addf %add3A_2467, %add3A_2468 : vector<100x100xf32>
    %mul3A_2470 = arith.constant 2.000000e-01 : f32
    %mul3A_2471 = vector.broadcast %mul3A_2470 : f32 to vector<100x100xf32>
    %mul3A_2472 = arith.mulf %mul3A_2471, %add3A_2469 : vector<100x100xf32>
    %max3A_2473 = arith.maximumf %add3A_2469, %mul3A_2472 : vector<100x100xf32>
    %convert_element_type3A_2474 = arith.truncf %max3A_2473 : vector<100x100xf32> to vector<100x100xbf16>
    %convert_element_type3A_2475 = arith.extf %convert_element_type3A_2474 : vector<100x100xbf16> to vector<100x100xf32>
    %get3A_2476 = arith.constant 44 : index
    %get3A_2477 = memref.load %arg5[%get3A_2476] : memref<50xf32, #tpu.memory_space<smem>>
    %mul3A_2478 = vector.broadcast %get3A_2477 : f32 to vector<100x100xf32>
    %mul3A_2479 = arith.mulf %mul3A_2478, %convert_element_type3A_2475 : vector<100x100xf32>
    %add3A_2480 = arith.addf %add3A_2464, %mul3A_2479 : vector<100x100xf32>
    %slice3A_2481 = vector.extract_strided_slice %add3A_1755 {offsets = [0, 45], sizes = [100, 1], strides = [1, 1]} : vector<100x50xf32> to vector<100x1xf32>
    %slice3A_2482 = vector.extract_strided_slice %dot_general3A_1757 {offsets = [45, 0], sizes = [1, 100], strides = [1, 1]} : vector<50x100xf32> to vector<1x100xf32>
    %add3A_2483 = vector.broadcast %slice3A_2481 : vector<100x1xf32> to vector<100x100xf32>
    %add3A_2484 = vector.broadcast %slice3A_2482 : vector<1x100xf32> to vector<100x100xf32>
    %add3A_2485 = arith.addf %add3A_2483, %add3A_2484 : vector<100x100xf32>
    %mul3A_2486 = arith.constant 2.000000e-01 : f32
    %mul3A_2487 = vector.broadcast %mul3A_2486 : f32 to vector<100x100xf32>
    %mul3A_2488 = arith.mulf %mul3A_2487, %add3A_2485 : vector<100x100xf32>
    %max3A_2489 = arith.maximumf %add3A_2485, %mul3A_2488 : vector<100x100xf32>
    %convert_element_type3A_2490 = arith.truncf %max3A_2489 : vector<100x100xf32> to vector<100x100xbf16>
    %convert_element_type3A_2491 = arith.extf %convert_element_type3A_2490 : vector<100x100xbf16> to vector<100x100xf32>
    %get3A_2492 = arith.constant 45 : index
    %get3A_2493 = memref.load %arg5[%get3A_2492] : memref<50xf32, #tpu.memory_space<smem>>
    %mul3A_2494 = vector.broadcast %get3A_2493 : f32 to vector<100x100xf32>
    %mul3A_2495 = arith.mulf %mul3A_2494, %convert_element_type3A_2491 : vector<100x100xf32>
    %add3A_2496 = arith.addf %add3A_2480, %mul3A_2495 : vector<100x100xf32>
    %slice3A_2497 = vector.extract_strided_slice %add3A_1755 {offsets = [0, 46], sizes = [100, 1], strides = [1, 1]} : vector<100x50xf32> to vector<100x1xf32>
    %slice3A_2498 = vector.extract_strided_slice %dot_general3A_1757 {offsets = [46, 0], sizes = [1, 100], strides = [1, 1]} : vector<50x100xf32> to vector<1x100xf32>
    %add3A_2499 = vector.broadcast %slice3A_2497 : vector<100x1xf32> to vector<100x100xf32>
    %add3A_2500 = vector.broadcast %slice3A_2498 : vector<1x100xf32> to vector<100x100xf32>
    %add3A_2501 = arith.addf %add3A_2499, %add3A_2500 : vector<100x100xf32>
    %mul3A_2502 = arith.constant 2.000000e-01 : f32
    %mul3A_2503 = vector.broadcast %mul3A_2502 : f32 to vector<100x100xf32>
    %mul3A_2504 = arith.mulf %mul3A_2503, %add3A_2501 : vector<100x100xf32>
    %max3A_2505 = arith.maximumf %add3A_2501, %mul3A_2504 : vector<100x100xf32>
    %convert_element_type3A_2506 = arith.truncf %max3A_2505 : vector<100x100xf32> to vector<100x100xbf16>
    %convert_element_type3A_2507 = arith.extf %convert_element_type3A_2506 : vector<100x100xbf16> to vector<100x100xf32>
    %get3A_2508 = arith.constant 46 : index
    %get3A_2509 = memref.load %arg5[%get3A_2508] : memref<50xf32, #tpu.memory_space<smem>>
    %mul3A_2510 = vector.broadcast %get3A_2509 : f32 to vector<100x100xf32>
    %mul3A_2511 = arith.mulf %mul3A_2510, %convert_element_type3A_2507 : vector<100x100xf32>
    %add3A_2512 = arith.addf %add3A_2496, %mul3A_2511 : vector<100x100xf32>
    %slice3A_2513 = vector.extract_strided_slice %add3A_1755 {offsets = [0, 47], sizes = [100, 1], strides = [1, 1]} : vector<100x50xf32> to vector<100x1xf32>
    %slice3A_2514 = vector.extract_strided_slice %dot_general3A_1757 {offsets = [47, 0], sizes = [1, 100], strides = [1, 1]} : vector<50x100xf32> to vector<1x100xf32>
    %add3A_2515 = vector.broadcast %slice3A_2513 : vector<100x1xf32> to vector<100x100xf32>
    %add3A_2516 = vector.broadcast %slice3A_2514 : vector<1x100xf32> to vector<100x100xf32>
    %add3A_2517 = arith.addf %add3A_2515, %add3A_2516 : vector<100x100xf32>
    %mul3A_2518 = arith.constant 2.000000e-01 : f32
    %mul3A_2519 = vector.broadcast %mul3A_2518 : f32 to vector<100x100xf32>
    %mul3A_2520 = arith.mulf %mul3A_2519, %add3A_2517 : vector<100x100xf32>
    %max3A_2521 = arith.maximumf %add3A_2517, %mul3A_2520 : vector<100x100xf32>
    %convert_element_type3A_2522 = arith.truncf %max3A_2521 : vector<100x100xf32> to vector<100x100xbf16>
    %convert_element_type3A_2523 = arith.extf %convert_element_type3A_2522 : vector<100x100xbf16> to vector<100x100xf32>
    %get3A_2524 = arith.constant 47 : index
    %get3A_2525 = memref.load %arg5[%get3A_2524] : memref<50xf32, #tpu.memory_space<smem>>
    %mul3A_2526 = vector.broadcast %get3A_2525 : f32 to vector<100x100xf32>
    %mul3A_2527 = arith.mulf %mul3A_2526, %convert_element_type3A_2523 : vector<100x100xf32>
    %add3A_2528 = arith.addf %add3A_2512, %mul3A_2527 : vector<100x100xf32>
    %slice3A_2529 = vector.extract_strided_slice %add3A_1755 {offsets = [0, 48], sizes = [100, 1], strides = [1, 1]} : vector<100x50xf32> to vector<100x1xf32>
    %slice3A_2530 = vector.extract_strided_slice %dot_general3A_1757 {offsets = [48, 0], sizes = [1, 100], strides = [1, 1]} : vector<50x100xf32> to vector<1x100xf32>
    %add3A_2531 = vector.broadcast %slice3A_2529 : vector<100x1xf32> to vector<100x100xf32>
    %add3A_2532 = vector.broadcast %slice3A_2530 : vector<1x100xf32> to vector<100x100xf32>
    %add3A_2533 = arith.addf %add3A_2531, %add3A_2532 : vector<100x100xf32>
    %mul3A_2534 = arith.constant 2.000000e-01 : f32
    %mul3A_2535 = vector.broadcast %mul3A_2534 : f32 to vector<100x100xf32>
    %mul3A_2536 = arith.mulf %mul3A_2535, %add3A_2533 : vector<100x100xf32>
    %max3A_2537 = arith.maximumf %add3A_2533, %mul3A_2536 : vector<100x100xf32>
    %convert_element_type3A_2538 = arith.truncf %max3A_2537 : vector<100x100xf32> to vector<100x100xbf16>
    %convert_element_type3A_2539 = arith.extf %convert_element_type3A_2538 : vector<100x100xbf16> to vector<100x100xf32>
    %get3A_2540 = arith.constant 48 : index
    %get3A_2541 = memref.load %arg5[%get3A_2540] : memref<50xf32, #tpu.memory_space<smem>>
    %mul3A_2542 = vector.broadcast %get3A_2541 : f32 to vector<100x100xf32>
    %mul3A_2543 = arith.mulf %mul3A_2542, %convert_element_type3A_2539 : vector<100x100xf32>
    %add3A_2544 = arith.addf %add3A_2528, %mul3A_2543 : vector<100x100xf32>
    %slice3A_2545 = vector.extract_strided_slice %add3A_1755 {offsets = [0, 49], sizes = [100, 1], strides = [1, 1]} : vector<100x50xf32> to vector<100x1xf32>
    %slice3A_2546 = vector.extract_strided_slice %dot_general3A_1757 {offsets = [49, 0], sizes = [1, 100], strides = [1, 1]} : vector<50x100xf32> to vector<1x100xf32>
    %add3A_2547 = vector.broadcast %slice3A_2545 : vector<100x1xf32> to vector<100x100xf32>
    %add3A_2548 = vector.broadcast %slice3A_2546 : vector<1x100xf32> to vector<100x100xf32>
    %add3A_2549 = arith.addf %add3A_2547, %add3A_2548 : vector<100x100xf32>
    %mul3A_2550 = arith.constant 2.000000e-01 : f32
    %mul3A_2551 = vector.broadcast %mul3A_2550 : f32 to vector<100x100xf32>
    %mul3A_2552 = arith.mulf %mul3A_2551, %add3A_2549 : vector<100x100xf32>
    %max3A_2553 = arith.maximumf %add3A_2549, %mul3A_2552 : vector<100x100xf32>
    %convert_element_type3A_2554 = arith.truncf %max3A_2553 : vector<100x100xf32> to vector<100x100xbf16>
    %convert_element_type3A_2555 = arith.extf %convert_element_type3A_2554 : vector<100x100xbf16> to vector<100x100xf32>
    %get3A_2556 = arith.constant 49 : index
    %get3A_2557 = memref.load %arg5[%get3A_2556] : memref<50xf32, #tpu.memory_space<smem>>
    %mul3A_2558 = vector.broadcast %get3A_2557 : f32 to vector<100x100xf32>
    %mul3A_2559 = arith.mulf %mul3A_2558, %convert_element_type3A_2555 : vector<100x100xf32>
    %add3A_2560 = arith.addf %add3A_2544, %mul3A_2559 : vector<100x100xf32>
    %reduce_max3A_2561 = arith.constant dense<0xFF800000> : vector<100xf32>
    %reduce_max3A_2562 = vector.multi_reduction <maximumf>, %add3A_2560, %reduce_max3A_2561 [1] : vector<100x100xf32> to vector<100xf32>
    %broadcast_in_dim3A_2563 = vector.shape_cast %reduce_max3A_2562 : vector<100xf32> to vector<100x1xf32>
    %sub3A_2564 = vector.broadcast %broadcast_in_dim3A_2563 : vector<100x1xf32> to vector<100x100xf32>
    %sub3A_2565 = arith.subf %add3A_2560, %sub3A_2564 : vector<100x100xf32>
    %exp3A_2566 = math.exp %sub3A_2565 : vector<100x100xf32>
    %reduce_sum3A_2567 = arith.constant dense<0.000000e+00> : vector<100xf32>
    %reduce_sum3A_2568 = vector.multi_reduction <add>, %exp3A_2566, %reduce_sum3A_2567 [1] : vector<100x100xf32> to vector<100xf32>
    %broadcast_in_dim3A_2569 = vector.shape_cast %reduce_sum3A_2568 : vector<100xf32> to vector<100x1xf32>
    %div3A_2570 = vector.broadcast %broadcast_in_dim3A_2569 : vector<100x1xf32> to vector<100x100xf32>
    %div3A_2571 = arith.divf %exp3A_2566, %div3A_2570 : vector<100x100xf32>
    %convert_element_type3A_2572 = arith.truncf %div3A_2571 : vector<100x100xf32> to vector<100x100xbf16>
    %dot_general3A_2573 = arith.constant dense<0.000000e+00> : vector<100x25xf32>
    %dot_general3A_2574 = tpu.matmul %convert_element_type3A_2572, %convert_element_type3A_1748, %dot_general3A_2573 {dimension_numbers = #tpu.dot_dimension_numbers<[1], [0], [0], [1], [0, 0, 1, 1], [], []>, transpose_lhs_hint = false} : vector<100x100xbf16>, vector<100x25xbf16>, vector<100x25xf32> -> vector<100x25xf32>
    %tanh3A_2575 = math.tanh %dot_general3A_2574 : vector<100x25xf32>
    %convert_element_type3A_2576 = arith.truncf %tanh3A_2575 : vector<100x25xf32> to vector<100x25xbf16>
    %dot_general3A_2577 = arith.constant dense<0.000000e+00> : vector<25x100xf32>
    %dot_general3A_2578 = tpu.matmul %convert_element_type3A_2576, %convert_element_type3A_9, %dot_general3A_2577 {dimension_numbers = #tpu.dot_dimension_numbers<[0], [0], [1], [1], [0, 1, 1, 1], [], []>, transpose_lhs_hint = false} : vector<100x25xbf16>, vector<100x100xbf16>, vector<25x100xf32> -> vector<25x100xf32>
    %convert_element_type3A_2579 = arith.truncf %dot_general3A_2578 : vector<25x100xf32> to vector<25x100xbf16>
    %slice3A_2580 = vector.extract_strided_slice %convert_element_type3A_13 {offsets = [0, 0], sizes = [100, 2], strides = [1, 1]} : vector<100x3xbf16> to vector<100x2xbf16>
    %dot_general3A_2581 = arith.constant dense<0.000000e+00> : vector<25x2xf32>
    %dot_general3A_2582 = tpu.matmul %convert_element_type3A_2579, %slice3A_2580, %dot_general3A_2581 {dimension_numbers = #tpu.dot_dimension_numbers<[1], [0], [0], [1], [0, 0, 1, 1], [], []>, transpose_lhs_hint = false} : vector<25x100xbf16>, vector<100x2xbf16>, vector<25x2xf32> -> vector<25x2xf32>
    %get3A_2583 = arith.constant 0 : index
    %get3A_2584 = arith.constant 0 : index
    %get3A_2585 = vector.load %arg8[%get3A_2583, %get3A_2584] : memref<100x3xf32, #tpu.memory_space<vmem>>, vector<100x3xf32>
    %slice3A_2586 = vector.extract_strided_slice %get3A_2585 {offsets = [0, 2], sizes = [100, 1], strides = [1, 1]} : vector<100x3xf32> to vector<100x1xf32>
    %dot_general3A_2587 = arith.constant dense<0.000000e+00> : vector<25x1xf32>
    %dot_general3A_2588 = tpu.matmul %dot_general3A_2578, %slice3A_2586, %dot_general3A_2587 {dimension_numbers = #tpu.dot_dimension_numbers<[1], [0], [0], [1], [0, 0, 1, 1], [], []>, precision = #tpu.contract_precision<fp32>, transpose_lhs_hint = false} : vector<25x100xf32>, vector<100x1xf32>, vector<25x1xf32> -> vector<25x1xf32>
    %slice3A_2589 = vector.extract_strided_slice %dot_general3A_2582 {offsets = [0, 0], sizes = [25, 1], strides = [1, 1]} : vector<25x2xf32> to vector<25x1xf32>
    %squeeze3A_2590 = vector.shape_cast %slice3A_2589 : vector<25x1xf32> to vector<25xf32>
    %reshape3A_2591 = vector.shape_cast %squeeze3A_2590 : vector<25xf32> to vector<1x25xf32>
    %swap3A_2592 = arith.constant 2 : index
    %swap3A_2593 = arith.constant 0 : index
    %swap3A_2594 = arith.constant 0 : index
    %swap3A_2595 = vector.load %arg12[%swap3A_2592, %swap3A_2593, %swap3A_2594] : memref<4x1x25xf32, #tpu.memory_space<vmem>>, vector<1x1x25xf32>
    %swap3A_2596 = vector.shape_cast %swap3A_2595 : vector<1x1x25xf32> to vector<1x25xf32>
    %swap3A_2597 = vector.shape_cast %reshape3A_2591 : vector<1x25xf32> to vector<1x1x25xf32>
    tpu.vector_store %arg12[%swap3A_2592, %swap3A_2593, %swap3A_2594], %swap3A_2597 {strides = array<i32>} : memref<4x1x25xf32, #tpu.memory_space<vmem>>, vector<1x1x25xf32>,
    %slice3A_2598 = vector.extract_strided_slice %dot_general3A_2582 {offsets = [0, 1], sizes = [25, 1], strides = [1, 1]} : vector<25x2xf32> to vector<25x1xf32>
    %squeeze3A_2599 = vector.shape_cast %slice3A_2598 : vector<25x1xf32> to vector<25xf32>
    %reshape3A_2600 = vector.shape_cast %squeeze3A_2599 : vector<25xf32> to vector<1x25xf32>
    %swap3A_2601 = arith.constant 2 : index
    %swap3A_2602 = arith.constant 0 : index
    %swap3A_2603 = arith.constant 0 : index
    %swap3A_2604 = vector.load %arg13[%swap3A_2601, %swap3A_2602, %swap3A_2603] : memref<4x1x25xf32, #tpu.memory_space<vmem>>, vector<1x1x25xf32>
    %swap3A_2605 = vector.shape_cast %swap3A_2604 : vector<1x1x25xf32> to vector<1x25xf32>
    %swap3A_2606 = vector.shape_cast %reshape3A_2600 : vector<1x25xf32> to vector<1x1x25xf32>
    tpu.vector_store %arg13[%swap3A_2601, %swap3A_2602, %swap3A_2603], %swap3A_2606 {strides = array<i32>} : memref<4x1x25xf32, #tpu.memory_space<vmem>>, vector<1x1x25xf32>,
    %squeeze3A_2607 = vector.shape_cast %dot_general3A_2588 : vector<25x1xf32> to vector<25xf32>
    %reshape3A_2608 = vector.shape_cast %squeeze3A_2607 : vector<25xf32> to vector<1x25xf32>
    %swap3A_2609 = arith.constant 2 : index
    %swap3A_2610 = arith.constant 0 : index
    %swap3A_2611 = arith.constant 0 : index
    %swap3A_2612 = vector.load %arg14[%swap3A_2609, %swap3A_2610, %swap3A_2611] : memref<4x1x25xf32, #tpu.memory_space<vmem>>, vector<1x1x25xf32>
    %swap3A_2613 = vector.shape_cast %swap3A_2612 : vector<1x1x25xf32> to vector<1x25xf32>
    %swap3A_2614 = vector.shape_cast %reshape3A_2608 : vector<1x25xf32> to vector<1x1x25xf32>
    tpu.vector_store %arg14[%swap3A_2609, %swap3A_2610, %swap3A_2611], %swap3A_2614 {strides = array<i32>} : memref<4x1x25xf32, #tpu.memory_space<vmem>>, vector<1x1x25xf32>,
    %get3A_2615 = arith.constant 3 : index
    %get3A_2616 = arith.constant 0 : index
    %get3A_2617 = arith.constant 0 : index
    %get3A_2618 = vector.load %arg1[%get3A_2615, %get3A_2616, %get3A_2617] : memref<4x100x25xf32, #tpu.memory_space<vmem>>, vector<1x100x25xf32>
    %get3A_2619 = vector.shape_cast %get3A_2618 : vector<1x100x25xf32> to vector<100x25xf32>
    %convert_element_type3A_2620 = arith.truncf %get3A_2619 : vector<100x25xf32> to vector<100x25xbf16>
    %dot_general3A_2621 = arith.constant dense<0.000000e+00> : vector<100x50xf32>
    %dot_general3A_2622 = tpu.matmul %convert_element_type3A_2620, %convert_element_type3A, %dot_general3A_2621 {dimension_numbers = #tpu.dot_dimension_numbers<[1], [1], [0], [0], [0, 0, 1, 0], [], []>, transpose_lhs_hint = false} : vector<100x25xbf16>, vector<50x25xbf16>, vector<100x50xf32> -> vector<100x50xf32>
    %get3A_2623 = arith.constant 0 : index
    %get3A_2624 = vector.load %arg4[%get3A_2623] : memref<50xf32, #tpu.memory_space<vmem>>, vector<50xf32>
    %broadcast_in_dim3A_2625 = vector.shape_cast %get3A_2624 : vector<50xf32> to vector<1x50xf32>
    %add3A_2626 = vector.broadcast %broadcast_in_dim3A_2625 : vector<1x50xf32> to vector<100x50xf32>
    %add3A_2627 = arith.addf %dot_general3A_2622, %add3A_2626 : vector<100x50xf32>
    %dot_general3A_2628 = arith.constant dense<0.000000e+00> : vector<50x100xf32>
    %dot_general3A_2629 = tpu.matmul %convert_element_type3A_5, %convert_element_type3A_2620, %dot_general3A_2628 {dimension_numbers = #tpu.dot_dimension_numbers<[1], [1], [0], [0], [0, 0, 1, 0], [], []>, transpose_lhs_hint = false} : vector<50x25xbf16>, vector<100x25xbf16>, vector<50x100xf32> -> vector<50x100xf32>
    %get3A_2630 = arith.constant 0 : index
    %get3A_2631 = arith.constant 0 : index
    %get3A_2632 = vector.load %arg6[%get3A_2630, %get3A_2631] : memref<100x100xf32, #tpu.memory_space<vmem>>, vector<100x100xf32>
    %slice3A_2633 = vector.extract_strided_slice %add3A_2627 {offsets = [0, 0], sizes = [100, 1], strides = [1, 1]} : vector<100x50xf32> to vector<100x1xf32>
    %slice3A_2634 = vector.extract_strided_slice %dot_general3A_2629 {offsets = [0, 0], sizes = [1, 100], strides = [1, 1]} : vector<50x100xf32> to vector<1x100xf32>
    %add3A_2635 = vector.broadcast %slice3A_2633 : vector<100x1xf32> to vector<100x100xf32>
    %add3A_2636 = vector.broadcast %slice3A_2634 : vector<1x100xf32> to vector<100x100xf32>
    %add3A_2637 = arith.addf %add3A_2635, %add3A_2636 : vector<100x100xf32>
    %mul3A_2638 = arith.constant 2.000000e-01 : f32
    %mul3A_2639 = vector.broadcast %mul3A_2638 : f32 to vector<100x100xf32>
    %mul3A_2640 = arith.mulf %mul3A_2639, %add3A_2637 : vector<100x100xf32>
    %max3A_2641 = arith.maximumf %add3A_2637, %mul3A_2640 : vector<100x100xf32>
    %convert_element_type3A_2642 = arith.truncf %max3A_2641 : vector<100x100xf32> to vector<100x100xbf16>
    %convert_element_type3A_2643 = arith.extf %convert_element_type3A_2642 : vector<100x100xbf16> to vector<100x100xf32>
    %get3A_2644 = arith.constant 0 : index
    %get3A_2645 = memref.load %arg5[%get3A_2644] : memref<50xf32, #tpu.memory_space<smem>>
    %mul3A_2646 = vector.broadcast %get3A_2645 : f32 to vector<100x100xf32>
    %mul3A_2647 = arith.mulf %mul3A_2646, %convert_element_type3A_2643 : vector<100x100xf32>
    %add3A_2648 = arith.addf %get3A_2632, %mul3A_2647 : vector<100x100xf32>
    %slice3A_2649 = vector.extract_strided_slice %add3A_2627 {offsets = [0, 1], sizes = [100, 1], strides = [1, 1]} : vector<100x50xf32> to vector<100x1xf32>
    %slice3A_2650 = vector.extract_strided_slice %dot_general3A_2629 {offsets = [1, 0], sizes = [1, 100], strides = [1, 1]} : vector<50x100xf32> to vector<1x100xf32>
    %add3A_2651 = vector.broadcast %slice3A_2649 : vector<100x1xf32> to vector<100x100xf32>
    %add3A_2652 = vector.broadcast %slice3A_2650 : vector<1x100xf32> to vector<100x100xf32>
    %add3A_2653 = arith.addf %add3A_2651, %add3A_2652 : vector<100x100xf32>
    %mul3A_2654 = arith.constant 2.000000e-01 : f32
    %mul3A_2655 = vector.broadcast %mul3A_2654 : f32 to vector<100x100xf32>
    %mul3A_2656 = arith.mulf %mul3A_2655, %add3A_2653 : vector<100x100xf32>
    %max3A_2657 = arith.maximumf %add3A_2653, %mul3A_2656 : vector<100x100xf32>
    %convert_element_type3A_2658 = arith.truncf %max3A_2657 : vector<100x100xf32> to vector<100x100xbf16>
    %convert_element_type3A_2659 = arith.extf %convert_element_type3A_2658 : vector<100x100xbf16> to vector<100x100xf32>
    %get3A_2660 = arith.constant 1 : index
    %get3A_2661 = memref.load %arg5[%get3A_2660] : memref<50xf32, #tpu.memory_space<smem>>
    %mul3A_2662 = vector.broadcast %get3A_2661 : f32 to vector<100x100xf32>
    %mul3A_2663 = arith.mulf %mul3A_2662, %convert_element_type3A_2659 : vector<100x100xf32>
    %add3A_2664 = arith.addf %add3A_2648, %mul3A_2663 : vector<100x100xf32>
    %slice3A_2665 = vector.extract_strided_slice %add3A_2627 {offsets = [0, 2], sizes = [100, 1], strides = [1, 1]} : vector<100x50xf32> to vector<100x1xf32>
    %slice3A_2666 = vector.extract_strided_slice %dot_general3A_2629 {offsets = [2, 0], sizes = [1, 100], strides = [1, 1]} : vector<50x100xf32> to vector<1x100xf32>
    %add3A_2667 = vector.broadcast %slice3A_2665 : vector<100x1xf32> to vector<100x100xf32>
    %add3A_2668 = vector.broadcast %slice3A_2666 : vector<1x100xf32> to vector<100x100xf32>
    %add3A_2669 = arith.addf %add3A_2667, %add3A_2668 : vector<100x100xf32>
    %mul3A_2670 = arith.constant 2.000000e-01 : f32
    %mul3A_2671 = vector.broadcast %mul3A_2670 : f32 to vector<100x100xf32>
    %mul3A_2672 = arith.mulf %mul3A_2671, %add3A_2669 : vector<100x100xf32>
    %max3A_2673 = arith.maximumf %add3A_2669, %mul3A_2672 : vector<100x100xf32>
    %convert_element_type3A_2674 = arith.truncf %max3A_2673 : vector<100x100xf32> to vector<100x100xbf16>
    %convert_element_type3A_2675 = arith.extf %convert_element_type3A_2674 : vector<100x100xbf16> to vector<100x100xf32>
    %get3A_2676 = arith.constant 2 : index
    %get3A_2677 = memref.load %arg5[%get3A_2676] : memref<50xf32, #tpu.memory_space<smem>>
    %mul3A_2678 = vector.broadcast %get3A_2677 : f32 to vector<100x100xf32>
    %mul3A_2679 = arith.mulf %mul3A_2678, %convert_element_type3A_2675 : vector<100x100xf32>
    %add3A_2680 = arith.addf %add3A_2664, %mul3A_2679 : vector<100x100xf32>
    %slice3A_2681 = vector.extract_strided_slice %add3A_2627 {offsets = [0, 3], sizes = [100, 1], strides = [1, 1]} : vector<100x50xf32> to vector<100x1xf32>
    %slice3A_2682 = vector.extract_strided_slice %dot_general3A_2629 {offsets = [3, 0], sizes = [1, 100], strides = [1, 1]} : vector<50x100xf32> to vector<1x100xf32>
    %add3A_2683 = vector.broadcast %slice3A_2681 : vector<100x1xf32> to vector<100x100xf32>
    %add3A_2684 = vector.broadcast %slice3A_2682 : vector<1x100xf32> to vector<100x100xf32>
    %add3A_2685 = arith.addf %add3A_2683, %add3A_2684 : vector<100x100xf32>
    %mul3A_2686 = arith.constant 2.000000e-01 : f32
    %mul3A_2687 = vector.broadcast %mul3A_2686 : f32 to vector<100x100xf32>
    %mul3A_2688 = arith.mulf %mul3A_2687, %add3A_2685 : vector<100x100xf32>
    %max3A_2689 = arith.maximumf %add3A_2685, %mul3A_2688 : vector<100x100xf32>
    %convert_element_type3A_2690 = arith.truncf %max3A_2689 : vector<100x100xf32> to vector<100x100xbf16>
    %convert_element_type3A_2691 = arith.extf %convert_element_type3A_2690 : vector<100x100xbf16> to vector<100x100xf32>
    %get3A_2692 = arith.constant 3 : index
    %get3A_2693 = memref.load %arg5[%get3A_2692] : memref<50xf32, #tpu.memory_space<smem>>
    %mul3A_2694 = vector.broadcast %get3A_2693 : f32 to vector<100x100xf32>
    %mul3A_2695 = arith.mulf %mul3A_2694, %convert_element_type3A_2691 : vector<100x100xf32>
    %add3A_2696 = arith.addf %add3A_2680, %mul3A_2695 : vector<100x100xf32>
    %slice3A_2697 = vector.extract_strided_slice %add3A_2627 {offsets = [0, 4], sizes = [100, 1], strides = [1, 1]} : vector<100x50xf32> to vector<100x1xf32>
    %slice3A_2698 = vector.extract_strided_slice %dot_general3A_2629 {offsets = [4, 0], sizes = [1, 100], strides = [1, 1]} : vector<50x100xf32> to vector<1x100xf32>
    %add3A_2699 = vector.broadcast %slice3A_2697 : vector<100x1xf32> to vector<100x100xf32>
    %add3A_2700 = vector.broadcast %slice3A_2698 : vector<1x100xf32> to vector<100x100xf32>
    %add3A_2701 = arith.addf %add3A_2699, %add3A_2700 : vector<100x100xf32>
    %mul3A_2702 = arith.constant 2.000000e-01 : f32
    %mul3A_2703 = vector.broadcast %mul3A_2702 : f32 to vector<100x100xf32>
    %mul3A_2704 = arith.mulf %mul3A_2703, %add3A_2701 : vector<100x100xf32>
    %max3A_2705 = arith.maximumf %add3A_2701, %mul3A_2704 : vector<100x100xf32>
    %convert_element_type3A_2706 = arith.truncf %max3A_2705 : vector<100x100xf32> to vector<100x100xbf16>
    %convert_element_type3A_2707 = arith.extf %convert_element_type3A_2706 : vector<100x100xbf16> to vector<100x100xf32>
    %get3A_2708 = arith.constant 4 : index
    %get3A_2709 = memref.load %arg5[%get3A_2708] : memref<50xf32, #tpu.memory_space<smem>>
    %mul3A_2710 = vector.broadcast %get3A_2709 : f32 to vector<100x100xf32>
    %mul3A_2711 = arith.mulf %mul3A_2710, %convert_element_type3A_2707 : vector<100x100xf32>
    %add3A_2712 = arith.addf %add3A_2696, %mul3A_2711 : vector<100x100xf32>
    %slice3A_2713 = vector.extract_strided_slice %add3A_2627 {offsets = [0, 5], sizes = [100, 1], strides = [1, 1]} : vector<100x50xf32> to vector<100x1xf32>
    %slice3A_2714 = vector.extract_strided_slice %dot_general3A_2629 {offsets = [5, 0], sizes = [1, 100], strides = [1, 1]} : vector<50x100xf32> to vector<1x100xf32>
    %add3A_2715 = vector.broadcast %slice3A_2713 : vector<100x1xf32> to vector<100x100xf32>
    %add3A_2716 = vector.broadcast %slice3A_2714 : vector<1x100xf32> to vector<100x100xf32>
    %add3A_2717 = arith.addf %add3A_2715, %add3A_2716 : vector<100x100xf32>
    %mul3A_2718 = arith.constant 2.000000e-01 : f32
    %mul3A_2719 = vector.broadcast %mul3A_2718 : f32 to vector<100x100xf32>
    %mul3A_2720 = arith.mulf %mul3A_2719, %add3A_2717 : vector<100x100xf32>
    %max3A_2721 = arith.maximumf %add3A_2717, %mul3A_2720 : vector<100x100xf32>
    %convert_element_type3A_2722 = arith.truncf %max3A_2721 : vector<100x100xf32> to vector<100x100xbf16>
    %convert_element_type3A_2723 = arith.extf %convert_element_type3A_2722 : vector<100x100xbf16> to vector<100x100xf32>
    %get3A_2724 = arith.constant 5 : index
    %get3A_2725 = memref.load %arg5[%get3A_2724] : memref<50xf32, #tpu.memory_space<smem>>
    %mul3A_2726 = vector.broadcast %get3A_2725 : f32 to vector<100x100xf32>
    %mul3A_2727 = arith.mulf %mul3A_2726, %convert_element_type3A_2723 : vector<100x100xf32>
    %add3A_2728 = arith.addf %add3A_2712, %mul3A_2727 : vector<100x100xf32>
    %slice3A_2729 = vector.extract_strided_slice %add3A_2627 {offsets = [0, 6], sizes = [100, 1], strides = [1, 1]} : vector<100x50xf32> to vector<100x1xf32>
    %slice3A_2730 = vector.extract_strided_slice %dot_general3A_2629 {offsets = [6, 0], sizes = [1, 100], strides = [1, 1]} : vector<50x100xf32> to vector<1x100xf32>
    %add3A_2731 = vector.broadcast %slice3A_2729 : vector<100x1xf32> to vector<100x100xf32>
    %add3A_2732 = vector.broadcast %slice3A_2730 : vector<1x100xf32> to vector<100x100xf32>
    %add3A_2733 = arith.addf %add3A_2731, %add3A_2732 : vector<100x100xf32>
    %mul3A_2734 = arith.constant 2.000000e-01 : f32
    %mul3A_2735 = vector.broadcast %mul3A_2734 : f32 to vector<100x100xf32>
    %mul3A_2736 = arith.mulf %mul3A_2735, %add3A_2733 : vector<100x100xf32>
    %max3A_2737 = arith.maximumf %add3A_2733, %mul3A_2736 : vector<100x100xf32>
    %convert_element_type3A_2738 = arith.truncf %max3A_2737 : vector<100x100xf32> to vector<100x100xbf16>
    %convert_element_type3A_2739 = arith.extf %convert_element_type3A_2738 : vector<100x100xbf16> to vector<100x100xf32>
    %get3A_2740 = arith.constant 6 : index
    %get3A_2741 = memref.load %arg5[%get3A_2740] : memref<50xf32, #tpu.memory_space<smem>>
    %mul3A_2742 = vector.broadcast %get3A_2741 : f32 to vector<100x100xf32>
    %mul3A_2743 = arith.mulf %mul3A_2742, %convert_element_type3A_2739 : vector<100x100xf32>
    %add3A_2744 = arith.addf %add3A_2728, %mul3A_2743 : vector<100x100xf32>
    %slice3A_2745 = vector.extract_strided_slice %add3A_2627 {offsets = [0, 7], sizes = [100, 1], strides = [1, 1]} : vector<100x50xf32> to vector<100x1xf32>
    %slice3A_2746 = vector.extract_strided_slice %dot_general3A_2629 {offsets = [7, 0], sizes = [1, 100], strides = [1, 1]} : vector<50x100xf32> to vector<1x100xf32>
    %add3A_2747 = vector.broadcast %slice3A_2745 : vector<100x1xf32> to vector<100x100xf32>
    %add3A_2748 = vector.broadcast %slice3A_2746 : vector<1x100xf32> to vector<100x100xf32>
    %add3A_2749 = arith.addf %add3A_2747, %add3A_2748 : vector<100x100xf32>
    %mul3A_2750 = arith.constant 2.000000e-01 : f32
    %mul3A_2751 = vector.broadcast %mul3A_2750 : f32 to vector<100x100xf32>
    %mul3A_2752 = arith.mulf %mul3A_2751, %add3A_2749 : vector<100x100xf32>
    %max3A_2753 = arith.maximumf %add3A_2749, %mul3A_2752 : vector<100x100xf32>
    %convert_element_type3A_2754 = arith.truncf %max3A_2753 : vector<100x100xf32> to vector<100x100xbf16>
    %convert_element_type3A_2755 = arith.extf %convert_element_type3A_2754 : vector<100x100xbf16> to vector<100x100xf32>
    %get3A_2756 = arith.constant 7 : index
    %get3A_2757 = memref.load %arg5[%get3A_2756] : memref<50xf32, #tpu.memory_space<smem>>
    %mul3A_2758 = vector.broadcast %get3A_2757 : f32 to vector<100x100xf32>
    %mul3A_2759 = arith.mulf %mul3A_2758, %convert_element_type3A_2755 : vector<100x100xf32>
    %add3A_2760 = arith.addf %add3A_2744, %mul3A_2759 : vector<100x100xf32>
    %slice3A_2761 = vector.extract_strided_slice %add3A_2627 {offsets = [0, 8], sizes = [100, 1], strides = [1, 1]} : vector<100x50xf32> to vector<100x1xf32>
    %slice3A_2762 = vector.extract_strided_slice %dot_general3A_2629 {offsets = [8, 0], sizes = [1, 100], strides = [1, 1]} : vector<50x100xf32> to vector<1x100xf32>
    %add3A_2763 = vector.broadcast %slice3A_2761 : vector<100x1xf32> to vector<100x100xf32>
    %add3A_2764 = vector.broadcast %slice3A_2762 : vector<1x100xf32> to vector<100x100xf32>
    %add3A_2765 = arith.addf %add3A_2763, %add3A_2764 : vector<100x100xf32>
    %mul3A_2766 = arith.constant 2.000000e-01 : f32
    %mul3A_2767 = vector.broadcast %mul3A_2766 : f32 to vector<100x100xf32>
    %mul3A_2768 = arith.mulf %mul3A_2767, %add3A_2765 : vector<100x100xf32>
    %max3A_2769 = arith.maximumf %add3A_2765, %mul3A_2768 : vector<100x100xf32>
    %convert_element_type3A_2770 = arith.truncf %max3A_2769 : vector<100x100xf32> to vector<100x100xbf16>
    %convert_element_type3A_2771 = arith.extf %convert_element_type3A_2770 : vector<100x100xbf16> to vector<100x100xf32>
    %get3A_2772 = arith.constant 8 : index
    %get3A_2773 = memref.load %arg5[%get3A_2772] : memref<50xf32, #tpu.memory_space<smem>>
    %mul3A_2774 = vector.broadcast %get3A_2773 : f32 to vector<100x100xf32>
    %mul3A_2775 = arith.mulf %mul3A_2774, %convert_element_type3A_2771 : vector<100x100xf32>
    %add3A_2776 = arith.addf %add3A_2760, %mul3A_2775 : vector<100x100xf32>
    %slice3A_2777 = vector.extract_strided_slice %add3A_2627 {offsets = [0, 9], sizes = [100, 1], strides = [1, 1]} : vector<100x50xf32> to vector<100x1xf32>
    %slice3A_2778 = vector.extract_strided_slice %dot_general3A_2629 {offsets = [9, 0], sizes = [1, 100], strides = [1, 1]} : vector<50x100xf32> to vector<1x100xf32>
    %add3A_2779 = vector.broadcast %slice3A_2777 : vector<100x1xf32> to vector<100x100xf32>
    %add3A_2780 = vector.broadcast %slice3A_2778 : vector<1x100xf32> to vector<100x100xf32>
    %add3A_2781 = arith.addf %add3A_2779, %add3A_2780 : vector<100x100xf32>
    %mul3A_2782 = arith.constant 2.000000e-01 : f32
    %mul3A_2783 = vector.broadcast %mul3A_2782 : f32 to vector<100x100xf32>
    %mul3A_2784 = arith.mulf %mul3A_2783, %add3A_2781 : vector<100x100xf32>
    %max3A_2785 = arith.maximumf %add3A_2781, %mul3A_2784 : vector<100x100xf32>
    %convert_element_type3A_2786 = arith.truncf %max3A_2785 : vector<100x100xf32> to vector<100x100xbf16>
    %convert_element_type3A_2787 = arith.extf %convert_element_type3A_2786 : vector<100x100xbf16> to vector<100x100xf32>
    %get3A_2788 = arith.constant 9 : index
    %get3A_2789 = memref.load %arg5[%get3A_2788] : memref<50xf32, #tpu.memory_space<smem>>
    %mul3A_2790 = vector.broadcast %get3A_2789 : f32 to vector<100x100xf32>
    %mul3A_2791 = arith.mulf %mul3A_2790, %convert_element_type3A_2787 : vector<100x100xf32>
    %add3A_2792 = arith.addf %add3A_2776, %mul3A_2791 : vector<100x100xf32>
    %slice3A_2793 = vector.extract_strided_slice %add3A_2627 {offsets = [0, 10], sizes = [100, 1], strides = [1, 1]} : vector<100x50xf32> to vector<100x1xf32>
    %slice3A_2794 = vector.extract_strided_slice %dot_general3A_2629 {offsets = [10, 0], sizes = [1, 100], strides = [1, 1]} : vector<50x100xf32> to vector<1x100xf32>
    %add3A_2795 = vector.broadcast %slice3A_2793 : vector<100x1xf32> to vector<100x100xf32>
    %add3A_2796 = vector.broadcast %slice3A_2794 : vector<1x100xf32> to vector<100x100xf32>
    %add3A_2797 = arith.addf %add3A_2795, %add3A_2796 : vector<100x100xf32>
    %mul3A_2798 = arith.constant 2.000000e-01 : f32
    %mul3A_2799 = vector.broadcast %mul3A_2798 : f32 to vector<100x100xf32>
    %mul3A_2800 = arith.mulf %mul3A_2799, %add3A_2797 : vector<100x100xf32>
    %max3A_2801 = arith.maximumf %add3A_2797, %mul3A_2800 : vector<100x100xf32>
    %convert_element_type3A_2802 = arith.truncf %max3A_2801 : vector<100x100xf32> to vector<100x100xbf16>
    %convert_element_type3A_2803 = arith.extf %convert_element_type3A_2802 : vector<100x100xbf16> to vector<100x100xf32>
    %get3A_2804 = arith.constant 10 : index
    %get3A_2805 = memref.load %arg5[%get3A_2804] : memref<50xf32, #tpu.memory_space<smem>>
    %mul3A_2806 = vector.broadcast %get3A_2805 : f32 to vector<100x100xf32>
    %mul3A_2807 = arith.mulf %mul3A_2806, %convert_element_type3A_2803 : vector<100x100xf32>
    %add3A_2808 = arith.addf %add3A_2792, %mul3A_2807 : vector<100x100xf32>
    %slice3A_2809 = vector.extract_strided_slice %add3A_2627 {offsets = [0, 11], sizes = [100, 1], strides = [1, 1]} : vector<100x50xf32> to vector<100x1xf32>
    %slice3A_2810 = vector.extract_strided_slice %dot_general3A_2629 {offsets = [11, 0], sizes = [1, 100], strides = [1, 1]} : vector<50x100xf32> to vector<1x100xf32>
    %add3A_2811 = vector.broadcast %slice3A_2809 : vector<100x1xf32> to vector<100x100xf32>
    %add3A_2812 = vector.broadcast %slice3A_2810 : vector<1x100xf32> to vector<100x100xf32>
    %add3A_2813 = arith.addf %add3A_2811, %add3A_2812 : vector<100x100xf32>
    %mul3A_2814 = arith.constant 2.000000e-01 : f32
    %mul3A_2815 = vector.broadcast %mul3A_2814 : f32 to vector<100x100xf32>
    %mul3A_2816 = arith.mulf %mul3A_2815, %add3A_2813 : vector<100x100xf32>
    %max3A_2817 = arith.maximumf %add3A_2813, %mul3A_2816 : vector<100x100xf32>
    %convert_element_type3A_2818 = arith.truncf %max3A_2817 : vector<100x100xf32> to vector<100x100xbf16>
    %convert_element_type3A_2819 = arith.extf %convert_element_type3A_2818 : vector<100x100xbf16> to vector<100x100xf32>
    %get3A_2820 = arith.constant 11 : index
    %get3A_2821 = memref.load %arg5[%get3A_2820] : memref<50xf32, #tpu.memory_space<smem>>
    %mul3A_2822 = vector.broadcast %get3A_2821 : f32 to vector<100x100xf32>
    %mul3A_2823 = arith.mulf %mul3A_2822, %convert_element_type3A_2819 : vector<100x100xf32>
    %add3A_2824 = arith.addf %add3A_2808, %mul3A_2823 : vector<100x100xf32>
    %slice3A_2825 = vector.extract_strided_slice %add3A_2627 {offsets = [0, 12], sizes = [100, 1], strides = [1, 1]} : vector<100x50xf32> to vector<100x1xf32>
    %slice3A_2826 = vector.extract_strided_slice %dot_general3A_2629 {offsets = [12, 0], sizes = [1, 100], strides = [1, 1]} : vector<50x100xf32> to vector<1x100xf32>
    %add3A_2827 = vector.broadcast %slice3A_2825 : vector<100x1xf32> to vector<100x100xf32>
    %add3A_2828 = vector.broadcast %slice3A_2826 : vector<1x100xf32> to vector<100x100xf32>
    %add3A_2829 = arith.addf %add3A_2827, %add3A_2828 : vector<100x100xf32>
    %mul3A_2830 = arith.constant 2.000000e-01 : f32
    %mul3A_2831 = vector.broadcast %mul3A_2830 : f32 to vector<100x100xf32>
    %mul3A_2832 = arith.mulf %mul3A_2831, %add3A_2829 : vector<100x100xf32>
    %max3A_2833 = arith.maximumf %add3A_2829, %mul3A_2832 : vector<100x100xf32>
    %convert_element_type3A_2834 = arith.truncf %max3A_2833 : vector<100x100xf32> to vector<100x100xbf16>
    %convert_element_type3A_2835 = arith.extf %convert_element_type3A_2834 : vector<100x100xbf16> to vector<100x100xf32>
    %get3A_2836 = arith.constant 12 : index
    %get3A_2837 = memref.load %arg5[%get3A_2836] : memref<50xf32, #tpu.memory_space<smem>>
    %mul3A_2838 = vector.broadcast %get3A_2837 : f32 to vector<100x100xf32>
    %mul3A_2839 = arith.mulf %mul3A_2838, %convert_element_type3A_2835 : vector<100x100xf32>
    %add3A_2840 = arith.addf %add3A_2824, %mul3A_2839 : vector<100x100xf32>
    %slice3A_2841 = vector.extract_strided_slice %add3A_2627 {offsets = [0, 13], sizes = [100, 1], strides = [1, 1]} : vector<100x50xf32> to vector<100x1xf32>
    %slice3A_2842 = vector.extract_strided_slice %dot_general3A_2629 {offsets = [13, 0], sizes = [1, 100], strides = [1, 1]} : vector<50x100xf32> to vector<1x100xf32>
    %add3A_2843 = vector.broadcast %slice3A_2841 : vector<100x1xf32> to vector<100x100xf32>
    %add3A_2844 = vector.broadcast %slice3A_2842 : vector<1x100xf32> to vector<100x100xf32>
    %add3A_2845 = arith.addf %add3A_2843, %add3A_2844 : vector<100x100xf32>
    %mul3A_2846 = arith.constant 2.000000e-01 : f32
    %mul3A_2847 = vector.broadcast %mul3A_2846 : f32 to vector<100x100xf32>
    %mul3A_2848 = arith.mulf %mul3A_2847, %add3A_2845 : vector<100x100xf32>
    %max3A_2849 = arith.maximumf %add3A_2845, %mul3A_2848 : vector<100x100xf32>
    %convert_element_type3A_2850 = arith.truncf %max3A_2849 : vector<100x100xf32> to vector<100x100xbf16>
    %convert_element_type3A_2851 = arith.extf %convert_element_type3A_2850 : vector<100x100xbf16> to vector<100x100xf32>
    %get3A_2852 = arith.constant 13 : index
    %get3A_2853 = memref.load %arg5[%get3A_2852] : memref<50xf32, #tpu.memory_space<smem>>
    %mul3A_2854 = vector.broadcast %get3A_2853 : f32 to vector<100x100xf32>
    %mul3A_2855 = arith.mulf %mul3A_2854, %convert_element_type3A_2851 : vector<100x100xf32>
    %add3A_2856 = arith.addf %add3A_2840, %mul3A_2855 : vector<100x100xf32>
    %slice3A_2857 = vector.extract_strided_slice %add3A_2627 {offsets = [0, 14], sizes = [100, 1], strides = [1, 1]} : vector<100x50xf32> to vector<100x1xf32>
    %slice3A_2858 = vector.extract_strided_slice %dot_general3A_2629 {offsets = [14, 0], sizes = [1, 100], strides = [1, 1]} : vector<50x100xf32> to vector<1x100xf32>
    %add3A_2859 = vector.broadcast %slice3A_2857 : vector<100x1xf32> to vector<100x100xf32>
    %add3A_2860 = vector.broadcast %slice3A_2858 : vector<1x100xf32> to vector<100x100xf32>
    %add3A_2861 = arith.addf %add3A_2859, %add3A_2860 : vector<100x100xf32>
    %mul3A_2862 = arith.constant 2.000000e-01 : f32
    %mul3A_2863 = vector.broadcast %mul3A_2862 : f32 to vector<100x100xf32>
    %mul3A_2864 = arith.mulf %mul3A_2863, %add3A_2861 : vector<100x100xf32>
    %max3A_2865 = arith.maximumf %add3A_2861, %mul3A_2864 : vector<100x100xf32>
    %convert_element_type3A_2866 = arith.truncf %max3A_2865 : vector<100x100xf32> to vector<100x100xbf16>
    %convert_element_type3A_2867 = arith.extf %convert_element_type3A_2866 : vector<100x100xbf16> to vector<100x100xf32>
    %get3A_2868 = arith.constant 14 : index
    %get3A_2869 = memref.load %arg5[%get3A_2868] : memref<50xf32, #tpu.memory_space<smem>>
    %mul3A_2870 = vector.broadcast %get3A_2869 : f32 to vector<100x100xf32>
    %mul3A_2871 = arith.mulf %mul3A_2870, %convert_element_type3A_2867 : vector<100x100xf32>
    %add3A_2872 = arith.addf %add3A_2856, %mul3A_2871 : vector<100x100xf32>
    %slice3A_2873 = vector.extract_strided_slice %add3A_2627 {offsets = [0, 15], sizes = [100, 1], strides = [1, 1]} : vector<100x50xf32> to vector<100x1xf32>
    %slice3A_2874 = vector.extract_strided_slice %dot_general3A_2629 {offsets = [15, 0], sizes = [1, 100], strides = [1, 1]} : vector<50x100xf32> to vector<1x100xf32>
    %add3A_2875 = vector.broadcast %slice3A_2873 : vector<100x1xf32> to vector<100x100xf32>
    %add3A_2876 = vector.broadcast %slice3A_2874 : vector<1x100xf32> to vector<100x100xf32>
    %add3A_2877 = arith.addf %add3A_2875, %add3A_2876 : vector<100x100xf32>
    %mul3A_2878 = arith.constant 2.000000e-01 : f32
    %mul3A_2879 = vector.broadcast %mul3A_2878 : f32 to vector<100x100xf32>
    %mul3A_2880 = arith.mulf %mul3A_2879, %add3A_2877 : vector<100x100xf32>
    %max3A_2881 = arith.maximumf %add3A_2877, %mul3A_2880 : vector<100x100xf32>
    %convert_element_type3A_2882 = arith.truncf %max3A_2881 : vector<100x100xf32> to vector<100x100xbf16>
    %convert_element_type3A_2883 = arith.extf %convert_element_type3A_2882 : vector<100x100xbf16> to vector<100x100xf32>
    %get3A_2884 = arith.constant 15 : index
    %get3A_2885 = memref.load %arg5[%get3A_2884] : memref<50xf32, #tpu.memory_space<smem>>
    %mul3A_2886 = vector.broadcast %get3A_2885 : f32 to vector<100x100xf32>
    %mul3A_2887 = arith.mulf %mul3A_2886, %convert_element_type3A_2883 : vector<100x100xf32>
    %add3A_2888 = arith.addf %add3A_2872, %mul3A_2887 : vector<100x100xf32>
    %slice3A_2889 = vector.extract_strided_slice %add3A_2627 {offsets = [0, 16], sizes = [100, 1], strides = [1, 1]} : vector<100x50xf32> to vector<100x1xf32>
    %slice3A_2890 = vector.extract_strided_slice %dot_general3A_2629 {offsets = [16, 0], sizes = [1, 100], strides = [1, 1]} : vector<50x100xf32> to vector<1x100xf32>
    %add3A_2891 = vector.broadcast %slice3A_2889 : vector<100x1xf32> to vector<100x100xf32>
    %add3A_2892 = vector.broadcast %slice3A_2890 : vector<1x100xf32> to vector<100x100xf32>
    %add3A_2893 = arith.addf %add3A_2891, %add3A_2892 : vector<100x100xf32>
    %mul3A_2894 = arith.constant 2.000000e-01 : f32
    %mul3A_2895 = vector.broadcast %mul3A_2894 : f32 to vector<100x100xf32>
    %mul3A_2896 = arith.mulf %mul3A_2895, %add3A_2893 : vector<100x100xf32>
    %max3A_2897 = arith.maximumf %add3A_2893, %mul3A_2896 : vector<100x100xf32>
    %convert_element_type3A_2898 = arith.truncf %max3A_2897 : vector<100x100xf32> to vector<100x100xbf16>
    %convert_element_type3A_2899 = arith.extf %convert_element_type3A_2898 : vector<100x100xbf16> to vector<100x100xf32>
    %get3A_2900 = arith.constant 16 : index
    %get3A_2901 = memref.load %arg5[%get3A_2900] : memref<50xf32, #tpu.memory_space<smem>>
    %mul3A_2902 = vector.broadcast %get3A_2901 : f32 to vector<100x100xf32>
    %mul3A_2903 = arith.mulf %mul3A_2902, %convert_element_type3A_2899 : vector<100x100xf32>
    %add3A_2904 = arith.addf %add3A_2888, %mul3A_2903 : vector<100x100xf32>
    %slice3A_2905 = vector.extract_strided_slice %add3A_2627 {offsets = [0, 17], sizes = [100, 1], strides = [1, 1]} : vector<100x50xf32> to vector<100x1xf32>
    %slice3A_2906 = vector.extract_strided_slice %dot_general3A_2629 {offsets = [17, 0], sizes = [1, 100], strides = [1, 1]} : vector<50x100xf32> to vector<1x100xf32>
    %add3A_2907 = vector.broadcast %slice3A_2905 : vector<100x1xf32> to vector<100x100xf32>
    %add3A_2908 = vector.broadcast %slice3A_2906 : vector<1x100xf32> to vector<100x100xf32>
    %add3A_2909 = arith.addf %add3A_2907, %add3A_2908 : vector<100x100xf32>
    %mul3A_2910 = arith.constant 2.000000e-01 : f32
    %mul3A_2911 = vector.broadcast %mul3A_2910 : f32 to vector<100x100xf32>
    %mul3A_2912 = arith.mulf %mul3A_2911, %add3A_2909 : vector<100x100xf32>
    %max3A_2913 = arith.maximumf %add3A_2909, %mul3A_2912 : vector<100x100xf32>
    %convert_element_type3A_2914 = arith.truncf %max3A_2913 : vector<100x100xf32> to vector<100x100xbf16>
    %convert_element_type3A_2915 = arith.extf %convert_element_type3A_2914 : vector<100x100xbf16> to vector<100x100xf32>
    %get3A_2916 = arith.constant 17 : index
    %get3A_2917 = memref.load %arg5[%get3A_2916] : memref<50xf32, #tpu.memory_space<smem>>
    %mul3A_2918 = vector.broadcast %get3A_2917 : f32 to vector<100x100xf32>
    %mul3A_2919 = arith.mulf %mul3A_2918, %convert_element_type3A_2915 : vector<100x100xf32>
    %add3A_2920 = arith.addf %add3A_2904, %mul3A_2919 : vector<100x100xf32>
    %slice3A_2921 = vector.extract_strided_slice %add3A_2627 {offsets = [0, 18], sizes = [100, 1], strides = [1, 1]} : vector<100x50xf32> to vector<100x1xf32>
    %slice3A_2922 = vector.extract_strided_slice %dot_general3A_2629 {offsets = [18, 0], sizes = [1, 100], strides = [1, 1]} : vector<50x100xf32> to vector<1x100xf32>
    %add3A_2923 = vector.broadcast %slice3A_2921 : vector<100x1xf32> to vector<100x100xf32>
    %add3A_2924 = vector.broadcast %slice3A_2922 : vector<1x100xf32> to vector<100x100xf32>
    %add3A_2925 = arith.addf %add3A_2923, %add3A_2924 : vector<100x100xf32>
    %mul3A_2926 = arith.constant 2.000000e-01 : f32
    %mul3A_2927 = vector.broadcast %mul3A_2926 : f32 to vector<100x100xf32>
    %mul3A_2928 = arith.mulf %mul3A_2927, %add3A_2925 : vector<100x100xf32>
    %max3A_2929 = arith.maximumf %add3A_2925, %mul3A_2928 : vector<100x100xf32>
    %convert_element_type3A_2930 = arith.truncf %max3A_2929 : vector<100x100xf32> to vector<100x100xbf16>
    %convert_element_type3A_2931 = arith.extf %convert_element_type3A_2930 : vector<100x100xbf16> to vector<100x100xf32>
    %get3A_2932 = arith.constant 18 : index
    %get3A_2933 = memref.load %arg5[%get3A_2932] : memref<50xf32, #tpu.memory_space<smem>>
    %mul3A_2934 = vector.broadcast %get3A_2933 : f32 to vector<100x100xf32>
    %mul3A_2935 = arith.mulf %mul3A_2934, %convert_element_type3A_2931 : vector<100x100xf32>
    %add3A_2936 = arith.addf %add3A_2920, %mul3A_2935 : vector<100x100xf32>
    %slice3A_2937 = vector.extract_strided_slice %add3A_2627 {offsets = [0, 19], sizes = [100, 1], strides = [1, 1]} : vector<100x50xf32> to vector<100x1xf32>
    %slice3A_2938 = vector.extract_strided_slice %dot_general3A_2629 {offsets = [19, 0], sizes = [1, 100], strides = [1, 1]} : vector<50x100xf32> to vector<1x100xf32>
    %add3A_2939 = vector.broadcast %slice3A_2937 : vector<100x1xf32> to vector<100x100xf32>
    %add3A_2940 = vector.broadcast %slice3A_2938 : vector<1x100xf32> to vector<100x100xf32>
    %add3A_2941 = arith.addf %add3A_2939, %add3A_2940 : vector<100x100xf32>
    %mul3A_2942 = arith.constant 2.000000e-01 : f32
    %mul3A_2943 = vector.broadcast %mul3A_2942 : f32 to vector<100x100xf32>
    %mul3A_2944 = arith.mulf %mul3A_2943, %add3A_2941 : vector<100x100xf32>
    %max3A_2945 = arith.maximumf %add3A_2941, %mul3A_2944 : vector<100x100xf32>
    %convert_element_type3A_2946 = arith.truncf %max3A_2945 : vector<100x100xf32> to vector<100x100xbf16>
    %convert_element_type3A_2947 = arith.extf %convert_element_type3A_2946 : vector<100x100xbf16> to vector<100x100xf32>
    %get3A_2948 = arith.constant 19 : index
    %get3A_2949 = memref.load %arg5[%get3A_2948] : memref<50xf32, #tpu.memory_space<smem>>
    %mul3A_2950 = vector.broadcast %get3A_2949 : f32 to vector<100x100xf32>
    %mul3A_2951 = arith.mulf %mul3A_2950, %convert_element_type3A_2947 : vector<100x100xf32>
    %add3A_2952 = arith.addf %add3A_2936, %mul3A_2951 : vector<100x100xf32>
    %slice3A_2953 = vector.extract_strided_slice %add3A_2627 {offsets = [0, 20], sizes = [100, 1], strides = [1, 1]} : vector<100x50xf32> to vector<100x1xf32>
    %slice3A_2954 = vector.extract_strided_slice %dot_general3A_2629 {offsets = [20, 0], sizes = [1, 100], strides = [1, 1]} : vector<50x100xf32> to vector<1x100xf32>
    %add3A_2955 = vector.broadcast %slice3A_2953 : vector<100x1xf32> to vector<100x100xf32>
    %add3A_2956 = vector.broadcast %slice3A_2954 : vector<1x100xf32> to vector<100x100xf32>
    %add3A_2957 = arith.addf %add3A_2955, %add3A_2956 : vector<100x100xf32>
    %mul3A_2958 = arith.constant 2.000000e-01 : f32
    %mul3A_2959 = vector.broadcast %mul3A_2958 : f32 to vector<100x100xf32>
    %mul3A_2960 = arith.mulf %mul3A_2959, %add3A_2957 : vector<100x100xf32>
    %max3A_2961 = arith.maximumf %add3A_2957, %mul3A_2960 : vector<100x100xf32>
    %convert_element_type3A_2962 = arith.truncf %max3A_2961 : vector<100x100xf32> to vector<100x100xbf16>
    %convert_element_type3A_2963 = arith.extf %convert_element_type3A_2962 : vector<100x100xbf16> to vector<100x100xf32>
    %get3A_2964 = arith.constant 20 : index
    %get3A_2965 = memref.load %arg5[%get3A_2964] : memref<50xf32, #tpu.memory_space<smem>>
    %mul3A_2966 = vector.broadcast %get3A_2965 : f32 to vector<100x100xf32>
    %mul3A_2967 = arith.mulf %mul3A_2966, %convert_element_type3A_2963 : vector<100x100xf32>
    %add3A_2968 = arith.addf %add3A_2952, %mul3A_2967 : vector<100x100xf32>
    %slice3A_2969 = vector.extract_strided_slice %add3A_2627 {offsets = [0, 21], sizes = [100, 1], strides = [1, 1]} : vector<100x50xf32> to vector<100x1xf32>
    %slice3A_2970 = vector.extract_strided_slice %dot_general3A_2629 {offsets = [21, 0], sizes = [1, 100], strides = [1, 1]} : vector<50x100xf32> to vector<1x100xf32>
    %add3A_2971 = vector.broadcast %slice3A_2969 : vector<100x1xf32> to vector<100x100xf32>
    %add3A_2972 = vector.broadcast %slice3A_2970 : vector<1x100xf32> to vector<100x100xf32>
    %add3A_2973 = arith.addf %add3A_2971, %add3A_2972 : vector<100x100xf32>
    %mul3A_2974 = arith.constant 2.000000e-01 : f32
    %mul3A_2975 = vector.broadcast %mul3A_2974 : f32 to vector<100x100xf32>
    %mul3A_2976 = arith.mulf %mul3A_2975, %add3A_2973 : vector<100x100xf32>
    %max3A_2977 = arith.maximumf %add3A_2973, %mul3A_2976 : vector<100x100xf32>
    %convert_element_type3A_2978 = arith.truncf %max3A_2977 : vector<100x100xf32> to vector<100x100xbf16>
    %convert_element_type3A_2979 = arith.extf %convert_element_type3A_2978 : vector<100x100xbf16> to vector<100x100xf32>
    %get3A_2980 = arith.constant 21 : index
    %get3A_2981 = memref.load %arg5[%get3A_2980] : memref<50xf32, #tpu.memory_space<smem>>
    %mul3A_2982 = vector.broadcast %get3A_2981 : f32 to vector<100x100xf32>
    %mul3A_2983 = arith.mulf %mul3A_2982, %convert_element_type3A_2979 : vector<100x100xf32>
    %add3A_2984 = arith.addf %add3A_2968, %mul3A_2983 : vector<100x100xf32>
    %slice3A_2985 = vector.extract_strided_slice %add3A_2627 {offsets = [0, 22], sizes = [100, 1], strides = [1, 1]} : vector<100x50xf32> to vector<100x1xf32>
    %slice3A_2986 = vector.extract_strided_slice %dot_general3A_2629 {offsets = [22, 0], sizes = [1, 100], strides = [1, 1]} : vector<50x100xf32> to vector<1x100xf32>
    %add3A_2987 = vector.broadcast %slice3A_2985 : vector<100x1xf32> to vector<100x100xf32>
    %add3A_2988 = vector.broadcast %slice3A_2986 : vector<1x100xf32> to vector<100x100xf32>
    %add3A_2989 = arith.addf %add3A_2987, %add3A_2988 : vector<100x100xf32>
    %mul3A_2990 = arith.constant 2.000000e-01 : f32
    %mul3A_2991 = vector.broadcast %mul3A_2990 : f32 to vector<100x100xf32>
    %mul3A_2992 = arith.mulf %mul3A_2991, %add3A_2989 : vector<100x100xf32>
    %max3A_2993 = arith.maximumf %add3A_2989, %mul3A_2992 : vector<100x100xf32>
    %convert_element_type3A_2994 = arith.truncf %max3A_2993 : vector<100x100xf32> to vector<100x100xbf16>
    %convert_element_type3A_2995 = arith.extf %convert_element_type3A_2994 : vector<100x100xbf16> to vector<100x100xf32>
    %get3A_2996 = arith.constant 22 : index
    %get3A_2997 = memref.load %arg5[%get3A_2996] : memref<50xf32, #tpu.memory_space<smem>>
    %mul3A_2998 = vector.broadcast %get3A_2997 : f32 to vector<100x100xf32>
    %mul3A_2999 = arith.mulf %mul3A_2998, %convert_element_type3A_2995 : vector<100x100xf32>
    %add3A_3000 = arith.addf %add3A_2984, %mul3A_2999 : vector<100x100xf32>
    %slice3A_3001 = vector.extract_strided_slice %add3A_2627 {offsets = [0, 23], sizes = [100, 1], strides = [1, 1]} : vector<100x50xf32> to vector<100x1xf32>
    %slice3A_3002 = vector.extract_strided_slice %dot_general3A_2629 {offsets = [23, 0], sizes = [1, 100], strides = [1, 1]} : vector<50x100xf32> to vector<1x100xf32>
    %add3A_3003 = vector.broadcast %slice3A_3001 : vector<100x1xf32> to vector<100x100xf32>
    %add3A_3004 = vector.broadcast %slice3A_3002 : vector<1x100xf32> to vector<100x100xf32>
    %add3A_3005 = arith.addf %add3A_3003, %add3A_3004 : vector<100x100xf32>
    %mul3A_3006 = arith.constant 2.000000e-01 : f32
    %mul3A_3007 = vector.broadcast %mul3A_3006 : f32 to vector<100x100xf32>
    %mul3A_3008 = arith.mulf %mul3A_3007, %add3A_3005 : vector<100x100xf32>
    %max3A_3009 = arith.maximumf %add3A_3005, %mul3A_3008 : vector<100x100xf32>
    %convert_element_type3A_3010 = arith.truncf %max3A_3009 : vector<100x100xf32> to vector<100x100xbf16>
    %convert_element_type3A_3011 = arith.extf %convert_element_type3A_3010 : vector<100x100xbf16> to vector<100x100xf32>
    %get3A_3012 = arith.constant 23 : index
    %get3A_3013 = memref.load %arg5[%get3A_3012] : memref<50xf32, #tpu.memory_space<smem>>
    %mul3A_3014 = vector.broadcast %get3A_3013 : f32 to vector<100x100xf32>
    %mul3A_3015 = arith.mulf %mul3A_3014, %convert_element_type3A_3011 : vector<100x100xf32>
    %add3A_3016 = arith.addf %add3A_3000, %mul3A_3015 : vector<100x100xf32>
    %slice3A_3017 = vector.extract_strided_slice %add3A_2627 {offsets = [0, 24], sizes = [100, 1], strides = [1, 1]} : vector<100x50xf32> to vector<100x1xf32>
    %slice3A_3018 = vector.extract_strided_slice %dot_general3A_2629 {offsets = [24, 0], sizes = [1, 100], strides = [1, 1]} : vector<50x100xf32> to vector<1x100xf32>
    %add3A_3019 = vector.broadcast %slice3A_3017 : vector<100x1xf32> to vector<100x100xf32>
    %add3A_3020 = vector.broadcast %slice3A_3018 : vector<1x100xf32> to vector<100x100xf32>
    %add3A_3021 = arith.addf %add3A_3019, %add3A_3020 : vector<100x100xf32>
    %mul3A_3022 = arith.constant 2.000000e-01 : f32
    %mul3A_3023 = vector.broadcast %mul3A_3022 : f32 to vector<100x100xf32>
    %mul3A_3024 = arith.mulf %mul3A_3023, %add3A_3021 : vector<100x100xf32>
    %max3A_3025 = arith.maximumf %add3A_3021, %mul3A_3024 : vector<100x100xf32>
    %convert_element_type3A_3026 = arith.truncf %max3A_3025 : vector<100x100xf32> to vector<100x100xbf16>
    %convert_element_type3A_3027 = arith.extf %convert_element_type3A_3026 : vector<100x100xbf16> to vector<100x100xf32>
    %get3A_3028 = arith.constant 24 : index
    %get3A_3029 = memref.load %arg5[%get3A_3028] : memref<50xf32, #tpu.memory_space<smem>>
    %mul3A_3030 = vector.broadcast %get3A_3029 : f32 to vector<100x100xf32>
    %mul3A_3031 = arith.mulf %mul3A_3030, %convert_element_type3A_3027 : vector<100x100xf32>
    %add3A_3032 = arith.addf %add3A_3016, %mul3A_3031 : vector<100x100xf32>
    %slice3A_3033 = vector.extract_strided_slice %add3A_2627 {offsets = [0, 25], sizes = [100, 1], strides = [1, 1]} : vector<100x50xf32> to vector<100x1xf32>
    %slice3A_3034 = vector.extract_strided_slice %dot_general3A_2629 {offsets = [25, 0], sizes = [1, 100], strides = [1, 1]} : vector<50x100xf32> to vector<1x100xf32>
    %add3A_3035 = vector.broadcast %slice3A_3033 : vector<100x1xf32> to vector<100x100xf32>
    %add3A_3036 = vector.broadcast %slice3A_3034 : vector<1x100xf32> to vector<100x100xf32>
    %add3A_3037 = arith.addf %add3A_3035, %add3A_3036 : vector<100x100xf32>
    %mul3A_3038 = arith.constant 2.000000e-01 : f32
    %mul3A_3039 = vector.broadcast %mul3A_3038 : f32 to vector<100x100xf32>
    %mul3A_3040 = arith.mulf %mul3A_3039, %add3A_3037 : vector<100x100xf32>
    %max3A_3041 = arith.maximumf %add3A_3037, %mul3A_3040 : vector<100x100xf32>
    %convert_element_type3A_3042 = arith.truncf %max3A_3041 : vector<100x100xf32> to vector<100x100xbf16>
    %convert_element_type3A_3043 = arith.extf %convert_element_type3A_3042 : vector<100x100xbf16> to vector<100x100xf32>
    %get3A_3044 = arith.constant 25 : index
    %get3A_3045 = memref.load %arg5[%get3A_3044] : memref<50xf32, #tpu.memory_space<smem>>
    %mul3A_3046 = vector.broadcast %get3A_3045 : f32 to vector<100x100xf32>
    %mul3A_3047 = arith.mulf %mul3A_3046, %convert_element_type3A_3043 : vector<100x100xf32>
    %add3A_3048 = arith.addf %add3A_3032, %mul3A_3047 : vector<100x100xf32>
    %slice3A_3049 = vector.extract_strided_slice %add3A_2627 {offsets = [0, 26], sizes = [100, 1], strides = [1, 1]} : vector<100x50xf32> to vector<100x1xf32>
    %slice3A_3050 = vector.extract_strided_slice %dot_general3A_2629 {offsets = [26, 0], sizes = [1, 100], strides = [1, 1]} : vector<50x100xf32> to vector<1x100xf32>
    %add3A_3051 = vector.broadcast %slice3A_3049 : vector<100x1xf32> to vector<100x100xf32>
    %add3A_3052 = vector.broadcast %slice3A_3050 : vector<1x100xf32> to vector<100x100xf32>
    %add3A_3053 = arith.addf %add3A_3051, %add3A_3052 : vector<100x100xf32>
    %mul3A_3054 = arith.constant 2.000000e-01 : f32
    %mul3A_3055 = vector.broadcast %mul3A_3054 : f32 to vector<100x100xf32>
    %mul3A_3056 = arith.mulf %mul3A_3055, %add3A_3053 : vector<100x100xf32>
    %max3A_3057 = arith.maximumf %add3A_3053, %mul3A_3056 : vector<100x100xf32>
    %convert_element_type3A_3058 = arith.truncf %max3A_3057 : vector<100x100xf32> to vector<100x100xbf16>
    %convert_element_type3A_3059 = arith.extf %convert_element_type3A_3058 : vector<100x100xbf16> to vector<100x100xf32>
    %get3A_3060 = arith.constant 26 : index
    %get3A_3061 = memref.load %arg5[%get3A_3060] : memref<50xf32, #tpu.memory_space<smem>>
    %mul3A_3062 = vector.broadcast %get3A_3061 : f32 to vector<100x100xf32>
    %mul3A_3063 = arith.mulf %mul3A_3062, %convert_element_type3A_3059 : vector<100x100xf32>
    %add3A_3064 = arith.addf %add3A_3048, %mul3A_3063 : vector<100x100xf32>
    %slice3A_3065 = vector.extract_strided_slice %add3A_2627 {offsets = [0, 27], sizes = [100, 1], strides = [1, 1]} : vector<100x50xf32> to vector<100x1xf32>
    %slice3A_3066 = vector.extract_strided_slice %dot_general3A_2629 {offsets = [27, 0], sizes = [1, 100], strides = [1, 1]} : vector<50x100xf32> to vector<1x100xf32>
    %add3A_3067 = vector.broadcast %slice3A_3065 : vector<100x1xf32> to vector<100x100xf32>
    %add3A_3068 = vector.broadcast %slice3A_3066 : vector<1x100xf32> to vector<100x100xf32>
    %add3A_3069 = arith.addf %add3A_3067, %add3A_3068 : vector<100x100xf32>
    %mul3A_3070 = arith.constant 2.000000e-01 : f32
    %mul3A_3071 = vector.broadcast %mul3A_3070 : f32 to vector<100x100xf32>
    %mul3A_3072 = arith.mulf %mul3A_3071, %add3A_3069 : vector<100x100xf32>
    %max3A_3073 = arith.maximumf %add3A_3069, %mul3A_3072 : vector<100x100xf32>
    %convert_element_type3A_3074 = arith.truncf %max3A_3073 : vector<100x100xf32> to vector<100x100xbf16>
    %convert_element_type3A_3075 = arith.extf %convert_element_type3A_3074 : vector<100x100xbf16> to vector<100x100xf32>
    %get3A_3076 = arith.constant 27 : index
    %get3A_3077 = memref.load %arg5[%get3A_3076] : memref<50xf32, #tpu.memory_space<smem>>
    %mul3A_3078 = vector.broadcast %get3A_3077 : f32 to vector<100x100xf32>
    %mul3A_3079 = arith.mulf %mul3A_3078, %convert_element_type3A_3075 : vector<100x100xf32>
    %add3A_3080 = arith.addf %add3A_3064, %mul3A_3079 : vector<100x100xf32>
    %slice3A_3081 = vector.extract_strided_slice %add3A_2627 {offsets = [0, 28], sizes = [100, 1], strides = [1, 1]} : vector<100x50xf32> to vector<100x1xf32>
    %slice3A_3082 = vector.extract_strided_slice %dot_general3A_2629 {offsets = [28, 0], sizes = [1, 100], strides = [1, 1]} : vector<50x100xf32> to vector<1x100xf32>
    %add3A_3083 = vector.broadcast %slice3A_3081 : vector<100x1xf32> to vector<100x100xf32>
    %add3A_3084 = vector.broadcast %slice3A_3082 : vector<1x100xf32> to vector<100x100xf32>
    %add3A_3085 = arith.addf %add3A_3083, %add3A_3084 : vector<100x100xf32>
    %mul3A_3086 = arith.constant 2.000000e-01 : f32
    %mul3A_3087 = vector.broadcast %mul3A_3086 : f32 to vector<100x100xf32>
    %mul3A_3088 = arith.mulf %mul3A_3087, %add3A_3085 : vector<100x100xf32>
    %max3A_3089 = arith.maximumf %add3A_3085, %mul3A_3088 : vector<100x100xf32>
    %convert_element_type3A_3090 = arith.truncf %max3A_3089 : vector<100x100xf32> to vector<100x100xbf16>
    %convert_element_type3A_3091 = arith.extf %convert_element_type3A_3090 : vector<100x100xbf16> to vector<100x100xf32>
    %get3A_3092 = arith.constant 28 : index
    %get3A_3093 = memref.load %arg5[%get3A_3092] : memref<50xf32, #tpu.memory_space<smem>>
    %mul3A_3094 = vector.broadcast %get3A_3093 : f32 to vector<100x100xf32>
    %mul3A_3095 = arith.mulf %mul3A_3094, %convert_element_type3A_3091 : vector<100x100xf32>
    %add3A_3096 = arith.addf %add3A_3080, %mul3A_3095 : vector<100x100xf32>
    %slice3A_3097 = vector.extract_strided_slice %add3A_2627 {offsets = [0, 29], sizes = [100, 1], strides = [1, 1]} : vector<100x50xf32> to vector<100x1xf32>
    %slice3A_3098 = vector.extract_strided_slice %dot_general3A_2629 {offsets = [29, 0], sizes = [1, 100], strides = [1, 1]} : vector<50x100xf32> to vector<1x100xf32>
    %add3A_3099 = vector.broadcast %slice3A_3097 : vector<100x1xf32> to vector<100x100xf32>
    %add3A_3100 = vector.broadcast %slice3A_3098 : vector<1x100xf32> to vector<100x100xf32>
    %add3A_3101 = arith.addf %add3A_3099, %add3A_3100 : vector<100x100xf32>
    %mul3A_3102 = arith.constant 2.000000e-01 : f32
    %mul3A_3103 = vector.broadcast %mul3A_3102 : f32 to vector<100x100xf32>
    %mul3A_3104 = arith.mulf %mul3A_3103, %add3A_3101 : vector<100x100xf32>
    %max3A_3105 = arith.maximumf %add3A_3101, %mul3A_3104 : vector<100x100xf32>
    %convert_element_type3A_3106 = arith.truncf %max3A_3105 : vector<100x100xf32> to vector<100x100xbf16>
    %convert_element_type3A_3107 = arith.extf %convert_element_type3A_3106 : vector<100x100xbf16> to vector<100x100xf32>
    %get3A_3108 = arith.constant 29 : index
    %get3A_3109 = memref.load %arg5[%get3A_3108] : memref<50xf32, #tpu.memory_space<smem>>
    %mul3A_3110 = vector.broadcast %get3A_3109 : f32 to vector<100x100xf32>
    %mul3A_3111 = arith.mulf %mul3A_3110, %convert_element_type3A_3107 : vector<100x100xf32>
    %add3A_3112 = arith.addf %add3A_3096, %mul3A_3111 : vector<100x100xf32>
    %slice3A_3113 = vector.extract_strided_slice %add3A_2627 {offsets = [0, 30], sizes = [100, 1], strides = [1, 1]} : vector<100x50xf32> to vector<100x1xf32>
    %slice3A_3114 = vector.extract_strided_slice %dot_general3A_2629 {offsets = [30, 0], sizes = [1, 100], strides = [1, 1]} : vector<50x100xf32> to vector<1x100xf32>
    %add3A_3115 = vector.broadcast %slice3A_3113 : vector<100x1xf32> to vector<100x100xf32>
    %add3A_3116 = vector.broadcast %slice3A_3114 : vector<1x100xf32> to vector<100x100xf32>
    %add3A_3117 = arith.addf %add3A_3115, %add3A_3116 : vector<100x100xf32>
    %mul3A_3118 = arith.constant 2.000000e-01 : f32
    %mul3A_3119 = vector.broadcast %mul3A_3118 : f32 to vector<100x100xf32>
    %mul3A_3120 = arith.mulf %mul3A_3119, %add3A_3117 : vector<100x100xf32>
    %max3A_3121 = arith.maximumf %add3A_3117, %mul3A_3120 : vector<100x100xf32>
    %convert_element_type3A_3122 = arith.truncf %max3A_3121 : vector<100x100xf32> to vector<100x100xbf16>
    %convert_element_type3A_3123 = arith.extf %convert_element_type3A_3122 : vector<100x100xbf16> to vector<100x100xf32>
    %get3A_3124 = arith.constant 30 : index
    %get3A_3125 = memref.load %arg5[%get3A_3124] : memref<50xf32, #tpu.memory_space<smem>>
    %mul3A_3126 = vector.broadcast %get3A_3125 : f32 to vector<100x100xf32>
    %mul3A_3127 = arith.mulf %mul3A_3126, %convert_element_type3A_3123 : vector<100x100xf32>
    %add3A_3128 = arith.addf %add3A_3112, %mul3A_3127 : vector<100x100xf32>
    %slice3A_3129 = vector.extract_strided_slice %add3A_2627 {offsets = [0, 31], sizes = [100, 1], strides = [1, 1]} : vector<100x50xf32> to vector<100x1xf32>
    %slice3A_3130 = vector.extract_strided_slice %dot_general3A_2629 {offsets = [31, 0], sizes = [1, 100], strides = [1, 1]} : vector<50x100xf32> to vector<1x100xf32>
    %add3A_3131 = vector.broadcast %slice3A_3129 : vector<100x1xf32> to vector<100x100xf32>
    %add3A_3132 = vector.broadcast %slice3A_3130 : vector<1x100xf32> to vector<100x100xf32>
    %add3A_3133 = arith.addf %add3A_3131, %add3A_3132 : vector<100x100xf32>
    %mul3A_3134 = arith.constant 2.000000e-01 : f32
    %mul3A_3135 = vector.broadcast %mul3A_3134 : f32 to vector<100x100xf32>
    %mul3A_3136 = arith.mulf %mul3A_3135, %add3A_3133 : vector<100x100xf32>
    %max3A_3137 = arith.maximumf %add3A_3133, %mul3A_3136 : vector<100x100xf32>
    %convert_element_type3A_3138 = arith.truncf %max3A_3137 : vector<100x100xf32> to vector<100x100xbf16>
    %convert_element_type3A_3139 = arith.extf %convert_element_type3A_3138 : vector<100x100xbf16> to vector<100x100xf32>
    %get3A_3140 = arith.constant 31 : index
    %get3A_3141 = memref.load %arg5[%get3A_3140] : memref<50xf32, #tpu.memory_space<smem>>
    %mul3A_3142 = vector.broadcast %get3A_3141 : f32 to vector<100x100xf32>
    %mul3A_3143 = arith.mulf %mul3A_3142, %convert_element_type3A_3139 : vector<100x100xf32>
    %add3A_3144 = arith.addf %add3A_3128, %mul3A_3143 : vector<100x100xf32>
    %slice3A_3145 = vector.extract_strided_slice %add3A_2627 {offsets = [0, 32], sizes = [100, 1], strides = [1, 1]} : vector<100x50xf32> to vector<100x1xf32>
    %slice3A_3146 = vector.extract_strided_slice %dot_general3A_2629 {offsets = [32, 0], sizes = [1, 100], strides = [1, 1]} : vector<50x100xf32> to vector<1x100xf32>
    %add3A_3147 = vector.broadcast %slice3A_3145 : vector<100x1xf32> to vector<100x100xf32>
    %add3A_3148 = vector.broadcast %slice3A_3146 : vector<1x100xf32> to vector<100x100xf32>
    %add3A_3149 = arith.addf %add3A_3147, %add3A_3148 : vector<100x100xf32>
    %mul3A_3150 = arith.constant 2.000000e-01 : f32
    %mul3A_3151 = vector.broadcast %mul3A_3150 : f32 to vector<100x100xf32>
    %mul3A_3152 = arith.mulf %mul3A_3151, %add3A_3149 : vector<100x100xf32>
    %max3A_3153 = arith.maximumf %add3A_3149, %mul3A_3152 : vector<100x100xf32>
    %convert_element_type3A_3154 = arith.truncf %max3A_3153 : vector<100x100xf32> to vector<100x100xbf16>
    %convert_element_type3A_3155 = arith.extf %convert_element_type3A_3154 : vector<100x100xbf16> to vector<100x100xf32>
    %get3A_3156 = arith.constant 32 : index
    %get3A_3157 = memref.load %arg5[%get3A_3156] : memref<50xf32, #tpu.memory_space<smem>>
    %mul3A_3158 = vector.broadcast %get3A_3157 : f32 to vector<100x100xf32>
    %mul3A_3159 = arith.mulf %mul3A_3158, %convert_element_type3A_3155 : vector<100x100xf32>
    %add3A_3160 = arith.addf %add3A_3144, %mul3A_3159 : vector<100x100xf32>
    %slice3A_3161 = vector.extract_strided_slice %add3A_2627 {offsets = [0, 33], sizes = [100, 1], strides = [1, 1]} : vector<100x50xf32> to vector<100x1xf32>
    %slice3A_3162 = vector.extract_strided_slice %dot_general3A_2629 {offsets = [33, 0], sizes = [1, 100], strides = [1, 1]} : vector<50x100xf32> to vector<1x100xf32>
    %add3A_3163 = vector.broadcast %slice3A_3161 : vector<100x1xf32> to vector<100x100xf32>
    %add3A_3164 = vector.broadcast %slice3A_3162 : vector<1x100xf32> to vector<100x100xf32>
    %add3A_3165 = arith.addf %add3A_3163, %add3A_3164 : vector<100x100xf32>
    %mul3A_3166 = arith.constant 2.000000e-01 : f32
    %mul3A_3167 = vector.broadcast %mul3A_3166 : f32 to vector<100x100xf32>
    %mul3A_3168 = arith.mulf %mul3A_3167, %add3A_3165 : vector<100x100xf32>
    %max3A_3169 = arith.maximumf %add3A_3165, %mul3A_3168 : vector<100x100xf32>
    %convert_element_type3A_3170 = arith.truncf %max3A_3169 : vector<100x100xf32> to vector<100x100xbf16>
    %convert_element_type3A_3171 = arith.extf %convert_element_type3A_3170 : vector<100x100xbf16> to vector<100x100xf32>
    %get3A_3172 = arith.constant 33 : index
    %get3A_3173 = memref.load %arg5[%get3A_3172] : memref<50xf32, #tpu.memory_space<smem>>
    %mul3A_3174 = vector.broadcast %get3A_3173 : f32 to vector<100x100xf32>
    %mul3A_3175 = arith.mulf %mul3A_3174, %convert_element_type3A_3171 : vector<100x100xf32>
    %add3A_3176 = arith.addf %add3A_3160, %mul3A_3175 : vector<100x100xf32>
    %slice3A_3177 = vector.extract_strided_slice %add3A_2627 {offsets = [0, 34], sizes = [100, 1], strides = [1, 1]} : vector<100x50xf32> to vector<100x1xf32>
    %slice3A_3178 = vector.extract_strided_slice %dot_general3A_2629 {offsets = [34, 0], sizes = [1, 100], strides = [1, 1]} : vector<50x100xf32> to vector<1x100xf32>
    %add3A_3179 = vector.broadcast %slice3A_3177 : vector<100x1xf32> to vector<100x100xf32>
    %add3A_3180 = vector.broadcast %slice3A_3178 : vector<1x100xf32> to vector<100x100xf32>
    %add3A_3181 = arith.addf %add3A_3179, %add3A_3180 : vector<100x100xf32>
    %mul3A_3182 = arith.constant 2.000000e-01 : f32
    %mul3A_3183 = vector.broadcast %mul3A_3182 : f32 to vector<100x100xf32>
    %mul3A_3184 = arith.mulf %mul3A_3183, %add3A_3181 : vector<100x100xf32>
    %max3A_3185 = arith.maximumf %add3A_3181, %mul3A_3184 : vector<100x100xf32>
    %convert_element_type3A_3186 = arith.truncf %max3A_3185 : vector<100x100xf32> to vector<100x100xbf16>
    %convert_element_type3A_3187 = arith.extf %convert_element_type3A_3186 : vector<100x100xbf16> to vector<100x100xf32>
    %get3A_3188 = arith.constant 34 : index
    %get3A_3189 = memref.load %arg5[%get3A_3188] : memref<50xf32, #tpu.memory_space<smem>>
    %mul3A_3190 = vector.broadcast %get3A_3189 : f32 to vector<100x100xf32>
    %mul3A_3191 = arith.mulf %mul3A_3190, %convert_element_type3A_3187 : vector<100x100xf32>
    %add3A_3192 = arith.addf %add3A_3176, %mul3A_3191 : vector<100x100xf32>
    %slice3A_3193 = vector.extract_strided_slice %add3A_2627 {offsets = [0, 35], sizes = [100, 1], strides = [1, 1]} : vector<100x50xf32> to vector<100x1xf32>
    %slice3A_3194 = vector.extract_strided_slice %dot_general3A_2629 {offsets = [35, 0], sizes = [1, 100], strides = [1, 1]} : vector<50x100xf32> to vector<1x100xf32>
    %add3A_3195 = vector.broadcast %slice3A_3193 : vector<100x1xf32> to vector<100x100xf32>
    %add3A_3196 = vector.broadcast %slice3A_3194 : vector<1x100xf32> to vector<100x100xf32>
    %add3A_3197 = arith.addf %add3A_3195, %add3A_3196 : vector<100x100xf32>
    %mul3A_3198 = arith.constant 2.000000e-01 : f32
    %mul3A_3199 = vector.broadcast %mul3A_3198 : f32 to vector<100x100xf32>
    %mul3A_3200 = arith.mulf %mul3A_3199, %add3A_3197 : vector<100x100xf32>
    %max3A_3201 = arith.maximumf %add3A_3197, %mul3A_3200 : vector<100x100xf32>
    %convert_element_type3A_3202 = arith.truncf %max3A_3201 : vector<100x100xf32> to vector<100x100xbf16>
    %convert_element_type3A_3203 = arith.extf %convert_element_type3A_3202 : vector<100x100xbf16> to vector<100x100xf32>
    %get3A_3204 = arith.constant 35 : index
    %get3A_3205 = memref.load %arg5[%get3A_3204] : memref<50xf32, #tpu.memory_space<smem>>
    %mul3A_3206 = vector.broadcast %get3A_3205 : f32 to vector<100x100xf32>
    %mul3A_3207 = arith.mulf %mul3A_3206, %convert_element_type3A_3203 : vector<100x100xf32>
    %add3A_3208 = arith.addf %add3A_3192, %mul3A_3207 : vector<100x100xf32>
    %slice3A_3209 = vector.extract_strided_slice %add3A_2627 {offsets = [0, 36], sizes = [100, 1], strides = [1, 1]} : vector<100x50xf32> to vector<100x1xf32>
    %slice3A_3210 = vector.extract_strided_slice %dot_general3A_2629 {offsets = [36, 0], sizes = [1, 100], strides = [1, 1]} : vector<50x100xf32> to vector<1x100xf32>
    %add3A_3211 = vector.broadcast %slice3A_3209 : vector<100x1xf32> to vector<100x100xf32>
    %add3A_3212 = vector.broadcast %slice3A_3210 : vector<1x100xf32> to vector<100x100xf32>
    %add3A_3213 = arith.addf %add3A_3211, %add3A_3212 : vector<100x100xf32>
    %mul3A_3214 = arith.constant 2.000000e-01 : f32
    %mul3A_3215 = vector.broadcast %mul3A_3214 : f32 to vector<100x100xf32>
    %mul3A_3216 = arith.mulf %mul3A_3215, %add3A_3213 : vector<100x100xf32>
    %max3A_3217 = arith.maximumf %add3A_3213, %mul3A_3216 : vector<100x100xf32>
    %convert_element_type3A_3218 = arith.truncf %max3A_3217 : vector<100x100xf32> to vector<100x100xbf16>
    %convert_element_type3A_3219 = arith.extf %convert_element_type3A_3218 : vector<100x100xbf16> to vector<100x100xf32>
    %get3A_3220 = arith.constant 36 : index
    %get3A_3221 = memref.load %arg5[%get3A_3220] : memref<50xf32, #tpu.memory_space<smem>>
    %mul3A_3222 = vector.broadcast %get3A_3221 : f32 to vector<100x100xf32>
    %mul3A_3223 = arith.mulf %mul3A_3222, %convert_element_type3A_3219 : vector<100x100xf32>
    %add3A_3224 = arith.addf %add3A_3208, %mul3A_3223 : vector<100x100xf32>
    %slice3A_3225 = vector.extract_strided_slice %add3A_2627 {offsets = [0, 37], sizes = [100, 1], strides = [1, 1]} : vector<100x50xf32> to vector<100x1xf32>
    %slice3A_3226 = vector.extract_strided_slice %dot_general3A_2629 {offsets = [37, 0], sizes = [1, 100], strides = [1, 1]} : vector<50x100xf32> to vector<1x100xf32>
    %add3A_3227 = vector.broadcast %slice3A_3225 : vector<100x1xf32> to vector<100x100xf32>
    %add3A_3228 = vector.broadcast %slice3A_3226 : vector<1x100xf32> to vector<100x100xf32>
    %add3A_3229 = arith.addf %add3A_3227, %add3A_3228 : vector<100x100xf32>
    %mul3A_3230 = arith.constant 2.000000e-01 : f32
    %mul3A_3231 = vector.broadcast %mul3A_3230 : f32 to vector<100x100xf32>
    %mul3A_3232 = arith.mulf %mul3A_3231, %add3A_3229 : vector<100x100xf32>
    %max3A_3233 = arith.maximumf %add3A_3229, %mul3A_3232 : vector<100x100xf32>
    %convert_element_type3A_3234 = arith.truncf %max3A_3233 : vector<100x100xf32> to vector<100x100xbf16>
    %convert_element_type3A_3235 = arith.extf %convert_element_type3A_3234 : vector<100x100xbf16> to vector<100x100xf32>
    %get3A_3236 = arith.constant 37 : index
    %get3A_3237 = memref.load %arg5[%get3A_3236] : memref<50xf32, #tpu.memory_space<smem>>
    %mul3A_3238 = vector.broadcast %get3A_3237 : f32 to vector<100x100xf32>
    %mul3A_3239 = arith.mulf %mul3A_3238, %convert_element_type3A_3235 : vector<100x100xf32>
    %add3A_3240 = arith.addf %add3A_3224, %mul3A_3239 : vector<100x100xf32>
    %slice3A_3241 = vector.extract_strided_slice %add3A_2627 {offsets = [0, 38], sizes = [100, 1], strides = [1, 1]} : vector<100x50xf32> to vector<100x1xf32>
    %slice3A_3242 = vector.extract_strided_slice %dot_general3A_2629 {offsets = [38, 0], sizes = [1, 100], strides = [1, 1]} : vector<50x100xf32> to vector<1x100xf32>
    %add3A_3243 = vector.broadcast %slice3A_3241 : vector<100x1xf32> to vector<100x100xf32>
    %add3A_3244 = vector.broadcast %slice3A_3242 : vector<1x100xf32> to vector<100x100xf32>
    %add3A_3245 = arith.addf %add3A_3243, %add3A_3244 : vector<100x100xf32>
    %mul3A_3246 = arith.constant 2.000000e-01 : f32
    %mul3A_3247 = vector.broadcast %mul3A_3246 : f32 to vector<100x100xf32>
    %mul3A_3248 = arith.mulf %mul3A_3247, %add3A_3245 : vector<100x100xf32>
    %max3A_3249 = arith.maximumf %add3A_3245, %mul3A_3248 : vector<100x100xf32>
    %convert_element_type3A_3250 = arith.truncf %max3A_3249 : vector<100x100xf32> to vector<100x100xbf16>
    %convert_element_type3A_3251 = arith.extf %convert_element_type3A_3250 : vector<100x100xbf16> to vector<100x100xf32>
    %get3A_3252 = arith.constant 38 : index
    %get3A_3253 = memref.load %arg5[%get3A_3252] : memref<50xf32, #tpu.memory_space<smem>>
    %mul3A_3254 = vector.broadcast %get3A_3253 : f32 to vector<100x100xf32>
    %mul3A_3255 = arith.mulf %mul3A_3254, %convert_element_type3A_3251 : vector<100x100xf32>
    %add3A_3256 = arith.addf %add3A_3240, %mul3A_3255 : vector<100x100xf32>
    %slice3A_3257 = vector.extract_strided_slice %add3A_2627 {offsets = [0, 39], sizes = [100, 1], strides = [1, 1]} : vector<100x50xf32> to vector<100x1xf32>
    %slice3A_3258 = vector.extract_strided_slice %dot_general3A_2629 {offsets = [39, 0], sizes = [1, 100], strides = [1, 1]} : vector<50x100xf32> to vector<1x100xf32>
    %add3A_3259 = vector.broadcast %slice3A_3257 : vector<100x1xf32> to vector<100x100xf32>
    %add3A_3260 = vector.broadcast %slice3A_3258 : vector<1x100xf32> to vector<100x100xf32>
    %add3A_3261 = arith.addf %add3A_3259, %add3A_3260 : vector<100x100xf32>
    %mul3A_3262 = arith.constant 2.000000e-01 : f32
    %mul3A_3263 = vector.broadcast %mul3A_3262 : f32 to vector<100x100xf32>
    %mul3A_3264 = arith.mulf %mul3A_3263, %add3A_3261 : vector<100x100xf32>
    %max3A_3265 = arith.maximumf %add3A_3261, %mul3A_3264 : vector<100x100xf32>
    %convert_element_type3A_3266 = arith.truncf %max3A_3265 : vector<100x100xf32> to vector<100x100xbf16>
    %convert_element_type3A_3267 = arith.extf %convert_element_type3A_3266 : vector<100x100xbf16> to vector<100x100xf32>
    %get3A_3268 = arith.constant 39 : index
    %get3A_3269 = memref.load %arg5[%get3A_3268] : memref<50xf32, #tpu.memory_space<smem>>
    %mul3A_3270 = vector.broadcast %get3A_3269 : f32 to vector<100x100xf32>
    %mul3A_3271 = arith.mulf %mul3A_3270, %convert_element_type3A_3267 : vector<100x100xf32>
    %add3A_3272 = arith.addf %add3A_3256, %mul3A_3271 : vector<100x100xf32>
    %slice3A_3273 = vector.extract_strided_slice %add3A_2627 {offsets = [0, 40], sizes = [100, 1], strides = [1, 1]} : vector<100x50xf32> to vector<100x1xf32>
    %slice3A_3274 = vector.extract_strided_slice %dot_general3A_2629 {offsets = [40, 0], sizes = [1, 100], strides = [1, 1]} : vector<50x100xf32> to vector<1x100xf32>
    %add3A_3275 = vector.broadcast %slice3A_3273 : vector<100x1xf32> to vector<100x100xf32>
    %add3A_3276 = vector.broadcast %slice3A_3274 : vector<1x100xf32> to vector<100x100xf32>
    %add3A_3277 = arith.addf %add3A_3275, %add3A_3276 : vector<100x100xf32>
    %mul3A_3278 = arith.constant 2.000000e-01 : f32
    %mul3A_3279 = vector.broadcast %mul3A_3278 : f32 to vector<100x100xf32>
    %mul3A_3280 = arith.mulf %mul3A_3279, %add3A_3277 : vector<100x100xf32>
    %max3A_3281 = arith.maximumf %add3A_3277, %mul3A_3280 : vector<100x100xf32>
    %convert_element_type3A_3282 = arith.truncf %max3A_3281 : vector<100x100xf32> to vector<100x100xbf16>
    %convert_element_type3A_3283 = arith.extf %convert_element_type3A_3282 : vector<100x100xbf16> to vector<100x100xf32>
    %get3A_3284 = arith.constant 40 : index
    %get3A_3285 = memref.load %arg5[%get3A_3284] : memref<50xf32, #tpu.memory_space<smem>>
    %mul3A_3286 = vector.broadcast %get3A_3285 : f32 to vector<100x100xf32>
    %mul3A_3287 = arith.mulf %mul3A_3286, %convert_element_type3A_3283 : vector<100x100xf32>
    %add3A_3288 = arith.addf %add3A_3272, %mul3A_3287 : vector<100x100xf32>
    %slice3A_3289 = vector.extract_strided_slice %add3A_2627 {offsets = [0, 41], sizes = [100, 1], strides = [1, 1]} : vector<100x50xf32> to vector<100x1xf32>
    %slice3A_3290 = vector.extract_strided_slice %dot_general3A_2629 {offsets = [41, 0], sizes = [1, 100], strides = [1, 1]} : vector<50x100xf32> to vector<1x100xf32>
    %add3A_3291 = vector.broadcast %slice3A_3289 : vector<100x1xf32> to vector<100x100xf32>
    %add3A_3292 = vector.broadcast %slice3A_3290 : vector<1x100xf32> to vector<100x100xf32>
    %add3A_3293 = arith.addf %add3A_3291, %add3A_3292 : vector<100x100xf32>
    %mul3A_3294 = arith.constant 2.000000e-01 : f32
    %mul3A_3295 = vector.broadcast %mul3A_3294 : f32 to vector<100x100xf32>
    %mul3A_3296 = arith.mulf %mul3A_3295, %add3A_3293 : vector<100x100xf32>
    %max3A_3297 = arith.maximumf %add3A_3293, %mul3A_3296 : vector<100x100xf32>
    %convert_element_type3A_3298 = arith.truncf %max3A_3297 : vector<100x100xf32> to vector<100x100xbf16>
    %convert_element_type3A_3299 = arith.extf %convert_element_type3A_3298 : vector<100x100xbf16> to vector<100x100xf32>
    %get3A_3300 = arith.constant 41 : index
    %get3A_3301 = memref.load %arg5[%get3A_3300] : memref<50xf32, #tpu.memory_space<smem>>
    %mul3A_3302 = vector.broadcast %get3A_3301 : f32 to vector<100x100xf32>
    %mul3A_3303 = arith.mulf %mul3A_3302, %convert_element_type3A_3299 : vector<100x100xf32>
    %add3A_3304 = arith.addf %add3A_3288, %mul3A_3303 : vector<100x100xf32>
    %slice3A_3305 = vector.extract_strided_slice %add3A_2627 {offsets = [0, 42], sizes = [100, 1], strides = [1, 1]} : vector<100x50xf32> to vector<100x1xf32>
    %slice3A_3306 = vector.extract_strided_slice %dot_general3A_2629 {offsets = [42, 0], sizes = [1, 100], strides = [1, 1]} : vector<50x100xf32> to vector<1x100xf32>
    %add3A_3307 = vector.broadcast %slice3A_3305 : vector<100x1xf32> to vector<100x100xf32>
    %add3A_3308 = vector.broadcast %slice3A_3306 : vector<1x100xf32> to vector<100x100xf32>
    %add3A_3309 = arith.addf %add3A_3307, %add3A_3308 : vector<100x100xf32>
    %mul3A_3310 = arith.constant 2.000000e-01 : f32
    %mul3A_3311 = vector.broadcast %mul3A_3310 : f32 to vector<100x100xf32>
    %mul3A_3312 = arith.mulf %mul3A_3311, %add3A_3309 : vector<100x100xf32>
    %max3A_3313 = arith.maximumf %add3A_3309, %mul3A_3312 : vector<100x100xf32>
    %convert_element_type3A_3314 = arith.truncf %max3A_3313 : vector<100x100xf32> to vector<100x100xbf16>
    %convert_element_type3A_3315 = arith.extf %convert_element_type3A_3314 : vector<100x100xbf16> to vector<100x100xf32>
    %get3A_3316 = arith.constant 42 : index
    %get3A_3317 = memref.load %arg5[%get3A_3316] : memref<50xf32, #tpu.memory_space<smem>>
    %mul3A_3318 = vector.broadcast %get3A_3317 : f32 to vector<100x100xf32>
    %mul3A_3319 = arith.mulf %mul3A_3318, %convert_element_type3A_3315 : vector<100x100xf32>
    %add3A_3320 = arith.addf %add3A_3304, %mul3A_3319 : vector<100x100xf32>
    %slice3A_3321 = vector.extract_strided_slice %add3A_2627 {offsets = [0, 43], sizes = [100, 1], strides = [1, 1]} : vector<100x50xf32> to vector<100x1xf32>
    %slice3A_3322 = vector.extract_strided_slice %dot_general3A_2629 {offsets = [43, 0], sizes = [1, 100], strides = [1, 1]} : vector<50x100xf32> to vector<1x100xf32>
    %add3A_3323 = vector.broadcast %slice3A_3321 : vector<100x1xf32> to vector<100x100xf32>
    %add3A_3324 = vector.broadcast %slice3A_3322 : vector<1x100xf32> to vector<100x100xf32>
    %add3A_3325 = arith.addf %add3A_3323, %add3A_3324 : vector<100x100xf32>
    %mul3A_3326 = arith.constant 2.000000e-01 : f32
    %mul3A_3327 = vector.broadcast %mul3A_3326 : f32 to vector<100x100xf32>
    %mul3A_3328 = arith.mulf %mul3A_3327, %add3A_3325 : vector<100x100xf32>
    %max3A_3329 = arith.maximumf %add3A_3325, %mul3A_3328 : vector<100x100xf32>
    %convert_element_type3A_3330 = arith.truncf %max3A_3329 : vector<100x100xf32> to vector<100x100xbf16>
    %convert_element_type3A_3331 = arith.extf %convert_element_type3A_3330 : vector<100x100xbf16> to vector<100x100xf32>
    %get3A_3332 = arith.constant 43 : index
    %get3A_3333 = memref.load %arg5[%get3A_3332] : memref<50xf32, #tpu.memory_space<smem>>
    %mul3A_3334 = vector.broadcast %get3A_3333 : f32 to vector<100x100xf32>
    %mul3A_3335 = arith.mulf %mul3A_3334, %convert_element_type3A_3331 : vector<100x100xf32>
    %add3A_3336 = arith.addf %add3A_3320, %mul3A_3335 : vector<100x100xf32>
    %slice3A_3337 = vector.extract_strided_slice %add3A_2627 {offsets = [0, 44], sizes = [100, 1], strides = [1, 1]} : vector<100x50xf32> to vector<100x1xf32>
    %slice3A_3338 = vector.extract_strided_slice %dot_general3A_2629 {offsets = [44, 0], sizes = [1, 100], strides = [1, 1]} : vector<50x100xf32> to vector<1x100xf32>
    %add3A_3339 = vector.broadcast %slice3A_3337 : vector<100x1xf32> to vector<100x100xf32>
    %add3A_3340 = vector.broadcast %slice3A_3338 : vector<1x100xf32> to vector<100x100xf32>
    %add3A_3341 = arith.addf %add3A_3339, %add3A_3340 : vector<100x100xf32>
    %mul3A_3342 = arith.constant 2.000000e-01 : f32
    %mul3A_3343 = vector.broadcast %mul3A_3342 : f32 to vector<100x100xf32>
    %mul3A_3344 = arith.mulf %mul3A_3343, %add3A_3341 : vector<100x100xf32>
    %max3A_3345 = arith.maximumf %add3A_3341, %mul3A_3344 : vector<100x100xf32>
    %convert_element_type3A_3346 = arith.truncf %max3A_3345 : vector<100x100xf32> to vector<100x100xbf16>
    %convert_element_type3A_3347 = arith.extf %convert_element_type3A_3346 : vector<100x100xbf16> to vector<100x100xf32>
    %get3A_3348 = arith.constant 44 : index
    %get3A_3349 = memref.load %arg5[%get3A_3348] : memref<50xf32, #tpu.memory_space<smem>>
    %mul3A_3350 = vector.broadcast %get3A_3349 : f32 to vector<100x100xf32>
    %mul3A_3351 = arith.mulf %mul3A_3350, %convert_element_type3A_3347 : vector<100x100xf32>
    %add3A_3352 = arith.addf %add3A_3336, %mul3A_3351 : vector<100x100xf32>
    %slice3A_3353 = vector.extract_strided_slice %add3A_2627 {offsets = [0, 45], sizes = [100, 1], strides = [1, 1]} : vector<100x50xf32> to vector<100x1xf32>
    %slice3A_3354 = vector.extract_strided_slice %dot_general3A_2629 {offsets = [45, 0], sizes = [1, 100], strides = [1, 1]} : vector<50x100xf32> to vector<1x100xf32>
    %add3A_3355 = vector.broadcast %slice3A_3353 : vector<100x1xf32> to vector<100x100xf32>
    %add3A_3356 = vector.broadcast %slice3A_3354 : vector<1x100xf32> to vector<100x100xf32>
    %add3A_3357 = arith.addf %add3A_3355, %add3A_3356 : vector<100x100xf32>
    %mul3A_3358 = arith.constant 2.000000e-01 : f32
    %mul3A_3359 = vector.broadcast %mul3A_3358 : f32 to vector<100x100xf32>
    %mul3A_3360 = arith.mulf %mul3A_3359, %add3A_3357 : vector<100x100xf32>
    %max3A_3361 = arith.maximumf %add3A_3357, %mul3A_3360 : vector<100x100xf32>
    %convert_element_type3A_3362 = arith.truncf %max3A_3361 : vector<100x100xf32> to vector<100x100xbf16>
    %convert_element_type3A_3363 = arith.extf %convert_element_type3A_3362 : vector<100x100xbf16> to vector<100x100xf32>
    %get3A_3364 = arith.constant 45 : index
    %get3A_3365 = memref.load %arg5[%get3A_3364] : memref<50xf32, #tpu.memory_space<smem>>
    %mul3A_3366 = vector.broadcast %get3A_3365 : f32 to vector<100x100xf32>
    %mul3A_3367 = arith.mulf %mul3A_3366, %convert_element_type3A_3363 : vector<100x100xf32>
    %add3A_3368 = arith.addf %add3A_3352, %mul3A_3367 : vector<100x100xf32>
    %slice3A_3369 = vector.extract_strided_slice %add3A_2627 {offsets = [0, 46], sizes = [100, 1], strides = [1, 1]} : vector<100x50xf32> to vector<100x1xf32>
    %slice3A_3370 = vector.extract_strided_slice %dot_general3A_2629 {offsets = [46, 0], sizes = [1, 100], strides = [1, 1]} : vector<50x100xf32> to vector<1x100xf32>
    %add3A_3371 = vector.broadcast %slice3A_3369 : vector<100x1xf32> to vector<100x100xf32>
    %add3A_3372 = vector.broadcast %slice3A_3370 : vector<1x100xf32> to vector<100x100xf32>
    %add3A_3373 = arith.addf %add3A_3371, %add3A_3372 : vector<100x100xf32>
    %mul3A_3374 = arith.constant 2.000000e-01 : f32
    %mul3A_3375 = vector.broadcast %mul3A_3374 : f32 to vector<100x100xf32>
    %mul3A_3376 = arith.mulf %mul3A_3375, %add3A_3373 : vector<100x100xf32>
    %max3A_3377 = arith.maximumf %add3A_3373, %mul3A_3376 : vector<100x100xf32>
    %convert_element_type3A_3378 = arith.truncf %max3A_3377 : vector<100x100xf32> to vector<100x100xbf16>
    %convert_element_type3A_3379 = arith.extf %convert_element_type3A_3378 : vector<100x100xbf16> to vector<100x100xf32>
    %get3A_3380 = arith.constant 46 : index
    %get3A_3381 = memref.load %arg5[%get3A_3380] : memref<50xf32, #tpu.memory_space<smem>>
    %mul3A_3382 = vector.broadcast %get3A_3381 : f32 to vector<100x100xf32>
    %mul3A_3383 = arith.mulf %mul3A_3382, %convert_element_type3A_3379 : vector<100x100xf32>
    %add3A_3384 = arith.addf %add3A_3368, %mul3A_3383 : vector<100x100xf32>
    %slice3A_3385 = vector.extract_strided_slice %add3A_2627 {offsets = [0, 47], sizes = [100, 1], strides = [1, 1]} : vector<100x50xf32> to vector<100x1xf32>
    %slice3A_3386 = vector.extract_strided_slice %dot_general3A_2629 {offsets = [47, 0], sizes = [1, 100], strides = [1, 1]} : vector<50x100xf32> to vector<1x100xf32>
    %add3A_3387 = vector.broadcast %slice3A_3385 : vector<100x1xf32> to vector<100x100xf32>
    %add3A_3388 = vector.broadcast %slice3A_3386 : vector<1x100xf32> to vector<100x100xf32>
    %add3A_3389 = arith.addf %add3A_3387, %add3A_3388 : vector<100x100xf32>
    %mul3A_3390 = arith.constant 2.000000e-01 : f32
    %mul3A_3391 = vector.broadcast %mul3A_3390 : f32 to vector<100x100xf32>
    %mul3A_3392 = arith.mulf %mul3A_3391, %add3A_3389 : vector<100x100xf32>
    %max3A_3393 = arith.maximumf %add3A_3389, %mul3A_3392 : vector<100x100xf32>
    %convert_element_type3A_3394 = arith.truncf %max3A_3393 : vector<100x100xf32> to vector<100x100xbf16>
    %convert_element_type3A_3395 = arith.extf %convert_element_type3A_3394 : vector<100x100xbf16> to vector<100x100xf32>
    %get3A_3396 = arith.constant 47 : index
    %get3A_3397 = memref.load %arg5[%get3A_3396] : memref<50xf32, #tpu.memory_space<smem>>
    %mul3A_3398 = vector.broadcast %get3A_3397 : f32 to vector<100x100xf32>
    %mul3A_3399 = arith.mulf %mul3A_3398, %convert_element_type3A_3395 : vector<100x100xf32>
    %add3A_3400 = arith.addf %add3A_3384, %mul3A_3399 : vector<100x100xf32>
    %slice3A_3401 = vector.extract_strided_slice %add3A_2627 {offsets = [0, 48], sizes = [100, 1], strides = [1, 1]} : vector<100x50xf32> to vector<100x1xf32>
    %slice3A_3402 = vector.extract_strided_slice %dot_general3A_2629 {offsets = [48, 0], sizes = [1, 100], strides = [1, 1]} : vector<50x100xf32> to vector<1x100xf32>
    %add3A_3403 = vector.broadcast %slice3A_3401 : vector<100x1xf32> to vector<100x100xf32>
    %add3A_3404 = vector.broadcast %slice3A_3402 : vector<1x100xf32> to vector<100x100xf32>
    %add3A_3405 = arith.addf %add3A_3403, %add3A_3404 : vector<100x100xf32>
    %mul3A_3406 = arith.constant 2.000000e-01 : f32
    %mul3A_3407 = vector.broadcast %mul3A_3406 : f32 to vector<100x100xf32>
    %mul3A_3408 = arith.mulf %mul3A_3407, %add3A_3405 : vector<100x100xf32>
    %max3A_3409 = arith.maximumf %add3A_3405, %mul3A_3408 : vector<100x100xf32>
    %convert_element_type3A_3410 = arith.truncf %max3A_3409 : vector<100x100xf32> to vector<100x100xbf16>
    %convert_element_type3A_3411 = arith.extf %convert_element_type3A_3410 : vector<100x100xbf16> to vector<100x100xf32>
    %get3A_3412 = arith.constant 48 : index
    %get3A_3413 = memref.load %arg5[%get3A_3412] : memref<50xf32, #tpu.memory_space<smem>>
    %mul3A_3414 = vector.broadcast %get3A_3413 : f32 to vector<100x100xf32>
    %mul3A_3415 = arith.mulf %mul3A_3414, %convert_element_type3A_3411 : vector<100x100xf32>
    %add3A_3416 = arith.addf %add3A_3400, %mul3A_3415 : vector<100x100xf32>
    %slice3A_3417 = vector.extract_strided_slice %add3A_2627 {offsets = [0, 49], sizes = [100, 1], strides = [1, 1]} : vector<100x50xf32> to vector<100x1xf32>
    %slice3A_3418 = vector.extract_strided_slice %dot_general3A_2629 {offsets = [49, 0], sizes = [1, 100], strides = [1, 1]} : vector<50x100xf32> to vector<1x100xf32>
    %add3A_3419 = vector.broadcast %slice3A_3417 : vector<100x1xf32> to vector<100x100xf32>
    %add3A_3420 = vector.broadcast %slice3A_3418 : vector<1x100xf32> to vector<100x100xf32>
    %add3A_3421 = arith.addf %add3A_3419, %add3A_3420 : vector<100x100xf32>
    %mul3A_3422 = arith.constant 2.000000e-01 : f32
    %mul3A_3423 = vector.broadcast %mul3A_3422 : f32 to vector<100x100xf32>
    %mul3A_3424 = arith.mulf %mul3A_3423, %add3A_3421 : vector<100x100xf32>
    %max3A_3425 = arith.maximumf %add3A_3421, %mul3A_3424 : vector<100x100xf32>
    %convert_element_type3A_3426 = arith.truncf %max3A_3425 : vector<100x100xf32> to vector<100x100xbf16>
    %convert_element_type3A_3427 = arith.extf %convert_element_type3A_3426 : vector<100x100xbf16> to vector<100x100xf32>
    %get3A_3428 = arith.constant 49 : index
    %get3A_3429 = memref.load %arg5[%get3A_3428] : memref<50xf32, #tpu.memory_space<smem>>
    %mul3A_3430 = vector.broadcast %get3A_3429 : f32 to vector<100x100xf32>
    %mul3A_3431 = arith.mulf %mul3A_3430, %convert_element_type3A_3427 : vector<100x100xf32>
    %add3A_3432 = arith.addf %add3A_3416, %mul3A_3431 : vector<100x100xf32>
    %reduce_max3A_3433 = arith.constant dense<0xFF800000> : vector<100xf32>
    %reduce_max3A_3434 = vector.multi_reduction <maximumf>, %add3A_3432, %reduce_max3A_3433 [1] : vector<100x100xf32> to vector<100xf32>
    %broadcast_in_dim3A_3435 = vector.shape_cast %reduce_max3A_3434 : vector<100xf32> to vector<100x1xf32>
    %sub3A_3436 = vector.broadcast %broadcast_in_dim3A_3435 : vector<100x1xf32> to vector<100x100xf32>
    %sub3A_3437 = arith.subf %add3A_3432, %sub3A_3436 : vector<100x100xf32>
    %exp3A_3438 = math.exp %sub3A_3437 : vector<100x100xf32>
    %reduce_sum3A_3439 = arith.constant dense<0.000000e+00> : vector<100xf32>
    %reduce_sum3A_3440 = vector.multi_reduction <add>, %exp3A_3438, %reduce_sum3A_3439 [1] : vector<100x100xf32> to vector<100xf32>
    %broadcast_in_dim3A_3441 = vector.shape_cast %reduce_sum3A_3440 : vector<100xf32> to vector<100x1xf32>
    %div3A_3442 = vector.broadcast %broadcast_in_dim3A_3441 : vector<100x1xf32> to vector<100x100xf32>
    %div3A_3443 = arith.divf %exp3A_3438, %div3A_3442 : vector<100x100xf32>
    %convert_element_type3A_3444 = arith.truncf %div3A_3443 : vector<100x100xf32> to vector<100x100xbf16>
    %dot_general3A_3445 = arith.constant dense<0.000000e+00> : vector<100x25xf32>
    %dot_general3A_3446 = tpu.matmul %convert_element_type3A_3444, %convert_element_type3A_2620, %dot_general3A_3445 {dimension_numbers = #tpu.dot_dimension_numbers<[1], [0], [0], [1], [0, 0, 1, 1], [], []>, transpose_lhs_hint = false} : vector<100x100xbf16>, vector<100x25xbf16>, vector<100x25xf32> -> vector<100x25xf32>
    %tanh3A_3447 = math.tanh %dot_general3A_3446 : vector<100x25xf32>
    %convert_element_type3A_3448 = arith.truncf %tanh3A_3447 : vector<100x25xf32> to vector<100x25xbf16>
    %dot_general3A_3449 = arith.constant dense<0.000000e+00> : vector<25x100xf32>
    %dot_general3A_3450 = tpu.matmul %convert_element_type3A_3448, %convert_element_type3A_9, %dot_general3A_3449 {dimension_numbers = #tpu.dot_dimension_numbers<[0], [0], [1], [1], [0, 1, 1, 1], [], []>, transpose_lhs_hint = false} : vector<100x25xbf16>, vector<100x100xbf16>, vector<25x100xf32> -> vector<25x100xf32>
    %convert_element_type3A_3451 = arith.truncf %dot_general3A_3450 : vector<25x100xf32> to vector<25x100xbf16>
    %slice3A_3452 = vector.extract_strided_slice %convert_element_type3A_13 {offsets = [0, 0], sizes = [100, 2], strides = [1, 1]} : vector<100x3xbf16> to vector<100x2xbf16>
    %dot_general3A_3453 = arith.constant dense<0.000000e+00> : vector<25x2xf32>
    %dot_general3A_3454 = tpu.matmul %convert_element_type3A_3451, %slice3A_3452, %dot_general3A_3453 {dimension_numbers = #tpu.dot_dimension_numbers<[1], [0], [0], [1], [0, 0, 1, 1], [], []>, transpose_lhs_hint = false} : vector<25x100xbf16>, vector<100x2xbf16>, vector<25x2xf32> -> vector<25x2xf32>
    %get3A_3455 = arith.constant 0 : index
    %get3A_3456 = arith.constant 0 : index
    %get3A_3457 = vector.load %arg8[%get3A_3455, %get3A_3456] : memref<100x3xf32, #tpu.memory_space<vmem>>, vector<100x3xf32>
    %slice3A_3458 = vector.extract_strided_slice %get3A_3457 {offsets = [0, 2], sizes = [100, 1], strides = [1, 1]} : vector<100x3xf32> to vector<100x1xf32>
    %dot_general3A_3459 = arith.constant dense<0.000000e+00> : vector<25x1xf32>
    %dot_general3A_3460 = tpu.matmul %dot_general3A_3450, %slice3A_3458, %dot_general3A_3459 {dimension_numbers = #tpu.dot_dimension_numbers<[1], [0], [0], [1], [0, 0, 1, 1], [], []>, precision = #tpu.contract_precision<fp32>, transpose_lhs_hint = false} : vector<25x100xf32>, vector<100x1xf32>, vector<25x1xf32> -> vector<25x1xf32>
    %slice3A_3461 = vector.extract_strided_slice %dot_general3A_3454 {offsets = [0, 0], sizes = [25, 1], strides = [1, 1]} : vector<25x2xf32> to vector<25x1xf32>
    %squeeze3A_3462 = vector.shape_cast %slice3A_3461 : vector<25x1xf32> to vector<25xf32>
    %reshape3A_3463 = vector.shape_cast %squeeze3A_3462 : vector<25xf32> to vector<1x25xf32>
    %swap3A_3464 = arith.constant 3 : index
    %swap3A_3465 = arith.constant 0 : index
    %swap3A_3466 = arith.constant 0 : index
    %swap3A_3467 = vector.load %arg12[%swap3A_3464, %swap3A_3465, %swap3A_3466] : memref<4x1x25xf32, #tpu.memory_space<vmem>>, vector<1x1x25xf32>
    %swap3A_3468 = vector.shape_cast %swap3A_3467 : vector<1x1x25xf32> to vector<1x25xf32>
    %swap3A_3469 = vector.shape_cast %reshape3A_3463 : vector<1x25xf32> to vector<1x1x25xf32>
    tpu.vector_store %arg12[%swap3A_3464, %swap3A_3465, %swap3A_3466], %swap3A_3469 {strides = array<i32>} : memref<4x1x25xf32, #tpu.memory_space<vmem>>, vector<1x1x25xf32>,
    %slice3A_3470 = vector.extract_strided_slice %dot_general3A_3454 {offsets = [0, 1], sizes = [25, 1], strides = [1, 1]} : vector<25x2xf32> to vector<25x1xf32>
    %squeeze3A_3471 = vector.shape_cast %slice3A_3470 : vector<25x1xf32> to vector<25xf32>
    %reshape3A_3472 = vector.shape_cast %squeeze3A_3471 : vector<25xf32> to vector<1x25xf32>
    %swap3A_3473 = arith.constant 3 : index
    %swap3A_3474 = arith.constant 0 : index
    %swap3A_3475 = arith.constant 0 : index
    %swap3A_3476 = vector.load %arg13[%swap3A_3473, %swap3A_3474, %swap3A_3475] : memref<4x1x25xf32, #tpu.memory_space<vmem>>, vector<1x1x25xf32>
    %swap3A_3477 = vector.shape_cast %swap3A_3476 : vector<1x1x25xf32> to vector<1x25xf32>
    %swap3A_3478 = vector.shape_cast %reshape3A_3472 : vector<1x25xf32> to vector<1x1x25xf32>
    tpu.vector_store %arg13[%swap3A_3473, %swap3A_3474, %swap3A_3475], %swap3A_3478 {strides = array<i32>} : memref<4x1x25xf32, #tpu.memory_space<vmem>>, vector<1x1x25xf32>,
    %squeeze3A_3479 = vector.shape_cast %dot_general3A_3460 : vector<25x1xf32> to vector<25xf32>
    %reshape3A_3480 = vector.shape_cast %squeeze3A_3479 : vector<25xf32> to vector<1x25xf32>
    %swap3A_3481 = arith.constant 3 : index
    %swap3A_3482 = arith.constant 0 : index
    %swap3A_3483 = arith.constant 0 : index
    %swap3A_3484 = vector.load %arg14[%swap3A_3481, %swap3A_3482, %swap3A_3483] : memref<4x1x25xf32, #tpu.memory_space<vmem>>, vector<1x1x25xf32>
    %swap3A_3485 = vector.shape_cast %swap3A_3484 : vector<1x1x25xf32> to vector<1x25xf32>
    %swap3A_3486 = vector.shape_cast %reshape3A_3480 : vector<1x25xf32> to vector<1x1x25xf32>
    tpu.vector_store %arg14[%swap3A_3481, %swap3A_3482, %swap3A_3483], %swap3A_3486 {strides = array<i32>} : memref<4x1x25xf32, #tpu.memory_space<vmem>>, vector<1x1x25xf32>,
    %get3A_3487 = arith.constant 0 : index
    %get3A_3488 = vector.load %arg9[%get3A_3487] : memref<100xf32, #tpu.memory_space<vmem>>, vector<100xf32>
    %get3A_3489 = arith.constant 0 : index
    %get3A_3490 = vector.load %arg10[%get3A_3489] : memref<100xf32, #tpu.memory_space<vmem>>, vector<100xf32>
    %mul3A_3491 = arith.mulf %get3A_3488, %get3A_3490 : vector<100xf32>
    %reduce_sum3A_3492 = vector.shape_cast %mul3A_3491 : vector<100xf32> to vector<1x100xf32>
    %reduce_sum3A_3493 = arith.constant dense<0.000000e+00> : vector<1xf32>
    %reduce_sum3A_3494 = vector.multi_reduction <add>, %reduce_sum3A_3492, %reduce_sum3A_3493 [1] : vector<1x100xf32> to vector<1xf32>
    %reduce_sum3A_3495 = vector.shape_cast %reduce_sum3A_3494 : vector<1xf32> to vector<1x1xf32>
    %reduce_sum3A_3496 = vector.extract %reduce_sum3A_3495[0, 0] : f32 from vector<1x1xf32>
    %get3A_3497 = arith.constant 0 : index
    %get3A_3498 = memref.load %arg11[%get3A_3497] : memref<1xf32, #tpu.memory_space<smem>>
    %add3A_3499 = arith.addf %reduce_sum3A_3496, %get3A_3498 : f32
    %broadcast_in_dim3A_3500 = vector.broadcast %add3A_3499 : f32 to vector<16xf32>
    %swap3A_3501 = arith.constant 0 : index
    %swap3A_3502 = vector.load %arg15[%swap3A_3501] : memref<16xf32, #tpu.memory_space<vmem>>, vector<16xf32>
    tpu.vector_store %arg15[%swap3A_3501], %broadcast_in_dim3A_3500 {strides = array<i32>} : memref<16xf32, #tpu.memory_space<vmem>>, vector<16xf32>,
    return
  }
  func.func @transform_0(%arg0: i32) -> (i32, i32, i32) {
    %c0_i32 = arith.constant 0 : i32
    %c0_i32_0 = arith.constant 0 : i32
    %c0_i32_1 = arith.constant 0 : i32
    return %arg0, %c0_i32, %c0_i32_0 : i32, i32, i32
  }
  func.func @transform_1(%arg0: i32) -> (i32, i32) {
    %c0_i32 = arith.constant 0 : i32
    %c0_i32_0 = arith.constant 0 : i32
    %c0_i32_1 = arith.constant 0 : i32
    return %c0_i32, %c0_i32_0 : i32, i32
  }
  func.func @transform_2(%arg0: i32) -> (i32, i32) {
    %c0_i32 = arith.constant 0 : i32
    %c0_i32_0 = arith.constant 0 : i32
    %c0_i32_1 = arith.constant 0 : i32
    return %c0_i32, %c0_i32_0 : i32, i32
  }
  func.func @transform_3(%arg0: i32) -> i32 {
    %c0_i32 = arith.constant 0 : i32
    %c0_i32_0 = arith.constant 0 : i32
    return %c0_i32 : i32
  }
  func.func @transform_4(%arg0: i32) -> i32 {
    %c0_i32 = arith.constant 0 : i32
    %c0_i32_0 = arith.constant 0 : i32
    return %c0_i32 : i32
  }
  func.func @transform_5(%arg0: i32) -> (i32, i32) {
    %c0_i32 = arith.constant 0 : i32
    %c0_i32_0 = arith.constant 0 : i32
    %c0_i32_1 = arith.constant 0 : i32
    return %c0_i32, %c0_i32_0 : i32, i32
  }
  func.func @transform_6(%arg0: i32) -> (i32, i32) {
    %c0_i32 = arith.constant 0 : i32
    %c0_i32_0 = arith.constant 0 : i32
    %c0_i32_1 = arith.constant 0 : i32
    return %c0_i32, %c0_i32_0 : i32, i32
  }
  func.func @transform_7(%arg0: i32) -> (i32, i32) {
    %c0_i32 = arith.constant 0 : i32
    %c0_i32_0 = arith.constant 0 : i32
    %c0_i32_1 = arith.constant 0 : i32
    return %c0_i32, %c0_i32_0 : i32, i32
  }
  func.func @transform_8(%arg0: i32) -> i32 {
    %c0_i32 = arith.constant 0 : i32
    %c0_i32_0 = arith.constant 0 : i32
    return %c0_i32 : i32
  }
  func.func @transform_9(%arg0: i32) -> i32 {
    %c0_i32 = arith.constant 0 : i32
    %c0_i32_0 = arith.constant 0 : i32
    return %c0_i32 : i32
  }
  func.func @transform_10(%arg0: i32) -> i32 {
    %c0_i32 = arith.constant 0 : i32
    %c0_i32_0 = arith.constant 0 : i32
    return %c0_i32 : i32
  }
  func.func @transform_11(%arg0: i32) -> (i32, i32, i32) {
    %c0_i32 = arith.constant 0 : i32
    %c0_i32_0 = arith.constant 0 : i32
    %c0_i32_1 = arith.constant 0 : i32
    return %arg0, %c0_i32, %c0_i32_0 : i32, i32, i32
  }
  func.func @transform_12(%arg0: i32) -> (i32, i32, i32) {
    %c0_i32 = arith.constant 0 : i32
    %c0_i32_0 = arith.constant 0 : i32
    %c0_i32_1 = arith.constant 0 : i32
    return %arg0, %c0_i32, %c0_i32_0 : i32, i32, i32
  }
  func.func @transform_13(%arg0: i32) -> (i32, i32, i32) {
    %c0_i32 = arith.constant 0 : i32
    %c0_i32_0 = arith.constant 0 : i32
    %c0_i32_1 = arith.constant 0 : i32
    return %arg0, %c0_i32, %c0_i32_0 : i32, i32, i32
  }
  func.func @transform_14(%arg0: i32) -> i32 {
    %c0_i32 = arith.constant 0 : i32
    %c0_i32_0 = arith.constant 0 : i32
    return %c0_i32 : i32
  }
}

</mosaic_0001>

<sc_bundles>
// kernel: kernel.4.cloned.1.call-start
scs
__scs_entry_jumppad:
0x0: {  	(pc) =	sbr.rel $0x88, $3  }
0x1: {  	(tag) =	ssettag $0x0;
	lr =	simm.s32 $0x1  }
0x2: {  	[smem:$0x3F95] =	sst lr;
	_ =	strace $0xD0000000  }
0x3: {  	_ = 	snop  }
0x4: {  	_ = 	snop  }
0x5: {  	_ = 	snop  }
0x6: {  	_ = 	snop  }
0x7: {  	_ = 	snop  }
__scs_overlays_trampoline_lowered:
0x8: {  	[smem:$0x3FA4] =	sst s0  }
0x9: {  	[smem:$0x3FA5] =	sst s1  }
0xa: {  	[smem:$0x3FA6] =	sst s2  }
0xb: {  	[smem:$0x3FA7] =	sst s3  }
0xc: {  	[smem:$0x3FA8] =	sst s4  }
0xd: {  	[smem:$0x3FA9] =	sst s5  }
0xe: {  	[smem:$0x3FAA] =	sst s6  }
0xf: {  	[smem:$0x3FAB] =	sst s7  }
0x10: {  	[smem:$0x3FAC] =	sst s8  }
0x11: {  	[smem:$0x3FAD] =	sst s9;
	s0 =	simm.s32 @!p0 $0x0  }
0x12: {  	s1 =	sld [smem:$0x3F93];
	s0 =	simm.s32 @p0 $0x1  }
0x13: {  	[smem:$0x3FAE] =	sst s0;
	s0 =	simm.s32 @!p1 $0x0  }
0x14: {  	s2 =	sld [smem:$0x3F92];
	s0 =	simm.s32 @p1 $0x1  }
0x15: {  	[smem:$0x3FAF] =	sst s0;
	s0 =	simm.s32 @!p2 $0x0  }
0x16: {  	s3 =	sld [smem:$0x3FDB];
	s0 =	simm.s32 @p2 $0x1  }
0x17: {  	s4 =	simm.s32 $0x1BF5;
	[smem:$0x3FB1] =	sst s0  }
0x18: {  	s0 =	sld [smem:$0x3F94];
	_ =	swait.ge [sflag:s4], $0x0  }
0x19: {  	s7 =	sld [smem:$0x3F95]  }
0x1a: {  	s8 =	sadd.s32 $0xFFFFE003, lr  }
0x1b: {  	s9 =	sadd.s32 $0xFFFFFEF7, lr;
	s5 =	simm.s32 $0xFFFFFFFF;
	p2 =	slt.u32 s8, $0xFFFFF086  }
0x1c: {  	p1 =	slt.u32 s9, $0xF7A;
	s5 =	simm.s32 @!p2 $0x0  }
0x1d: {  	s5 =	simm.s32 @p1 $0x1;
	p0 =	seq.s32 s7, s2  }
0x1e: {  	s7 =	smul.u32 @!p0 $0xF7A, s2;
	p2 =	seq.s32 @!p0 s5, $0x0  }
0x1f: {  	s9 =	smul.u32 $0xF7A, s1;
	s8 =	simm.s32 @!p0 $0x1BF5;
	p2 =	por !p2, p0  }
0x20: {  	[sflag:s8] =	ssyncset.s32 @!p0 $0xFFFFF086;
	s6 =	sadd.s32 @!p0 s3, s7;
	s7 =	simm.s32 @!p0 $0x108  }
0x21: {  	s3 =	sadd.s32 s3, s9;
	s6 =	sadd.s32 @!p0 $0x88, s6;
	s7 =	simm.s32 @p2 $0x1082  }
0x22: {  	[simem:s7], [sflag:s8] =	dma.local @!p0 [hbm:s6], $0xF7A  }
0x23: {  	s9 =	sor.u32 $0xD0000000, s2;
	s6 =	simm.s32 $0x108;
	_ =	swait.ge @!p0 [sflag:s8], $0x0  }
0x24: {  	s3 =	sadd.s32 $0x88, s3;
	s6 =	simm.s32 @!p1 $0x1082;
	[sflag:s4] =	ssyncset.s32 $0xFFFFF086  }
0x25: {  	[simem:s6], [sflag:s4] =	dma.local [hbm:s3], $0xF7A  }
0x26: {  	[smem:$0x3F95] =	sst s1;
	(tag) =	ssettag s2;
	_ =	strace s9  }
0x27: {  	s1 =	sld [smem:$0x3FA5]  }
0x28: {  	s2 =	sld [smem:$0x3FA6]  }
0x29: {  	s4 =	sld [smem:$0x3FA8]  }
0x2a: {  	p0 =	seq.s32 s5, $0x0;
	s5 =	sld [smem:$0x3FA9]  }
0x2b: {  	s6 =	sld [smem:$0x3FAA]  }
0x2c: {  	s7 =	sld [smem:$0x3FAB]  }
0x2d: {  	s3 =	simm.s32 $0x108;
	s8 =	sld [smem:$0x3FAC]  }
0x2e: {  	s3 =	simm.s32 @!p0 $0x1082;
	s9 =	sld [smem:$0x3FAD]  }
0x2f: {  	lr =	sadd.s32 s0, s3;
	s0 =	sld [smem:$0x3FA4]  }
0x30: {  	s3 =	sld [smem:$0x3FA7]  }
0x31: {  	[smem:$0x3FB0] =	sst s10  }
0x32: {  	s10 =	sld [smem:$0x3FAE];
	_ =	sdelay $0x3  }
0x33: {  	p0 =	seq.s32 s10, $0x1;
	s10 =	sld [smem:$0x3FB0];
	_ =	sdelay $0x3  }
0x34: {  	[smem:$0x3FB0] =	sst s10  }
0x35: {  	s10 =	sld [smem:$0x3FAF];
	_ =	sdelay $0x3  }
0x36: {  	p1 =	seq.s32 s10, $0x1;
	s10 =	sld [smem:$0x3FB0];
	_ =	sdelay $0x3  }
0x37: {  	[smem:$0x3FB0] =	sst s10  }
0x38: {  	s10 =	sld [smem:$0x3FB1]  }
0x39: {  	_ = 	snop;
	(pc) =	sbr.ind lr, $3  }
0x3a: {  	_ = 	snop  }
0x3b: {  	_ = 	snop  }
0x3c: {  	p2 =	seq.s32 s10, $0x1;
	s10 =	sld [smem:$0x3FB0]  }
0x3d: {  	_ =	shalt  }
0x3e: {  	_ =	shalt  }
0x3f: {  	_ =	shalt  }
0x40: {  	_ =	shalt  }
0x41: {  	_ =	shalt  }
0x42: {  	_ =	shalt  }
0x43: {  	_ =	shalt  }
0x44: {  	_ =	shalt  }
0x45: {  	_ =	shalt  }
0x46: {  	_ =	shalt  }
0x47: {  	_ =	shalt  }
0x48: {  	_ =	shalt  }
0x49: {  	_ =	shalt  }
0x4a: {  	_ =	shalt  }
0x4b: {  	_ =	shalt  }
0x4c: {  	_ =	shalt  }
0x4d: {  	_ =	shalt  }
0x4e: {  	_ =	shalt  }
0x4f: {  	_ =	shalt  }
0x50: {  	_ =	shalt  }
0x51: {  	_ =	shalt  }
0x52: {  	_ =	shalt  }
0x53: {  	_ =	shalt  }
0x54: {  	_ =	shalt  }
0x55: {  	_ =	shalt  }
0x56: {  	_ =	shalt  }
0x57: {  	_ =	shalt  }
0x58: {  	_ =	shalt  }
0x59: {  	_ =	shalt  }
0x5a: {  	_ =	shalt  }
0x5b: {  	_ =	shalt  }
0x5c: {  	_ =	shalt  }
0x5d: {  	_ =	shalt  }
0x5e: {  	_ =	shalt  }
0x5f: {  	_ =	shalt  }
0x60: {  	_ =	shalt  }
0x61: {  	_ =	shalt  }
0x62: {  	_ =	shalt  }
0x63: {  	_ =	shalt  }
0x64: {  	_ =	shalt  }
0x65: {  	_ =	shalt  }
0x66: {  	_ =	shalt  }
0x67: {  	_ =	shalt  }
0x68: {  	_ =	shalt  }
0x69: {  	_ =	shalt  }
0x6a: {  	_ =	shalt  }
0x6b: {  	_ =	shalt  }
0x6c: {  	_ =	shalt  }
0x6d: {  	_ =	shalt  }
0x6e: {  	_ =	shalt  }
0x6f: {  	_ =	shalt  }
0x70: {  	_ =	shalt  }
0x71: {  	_ =	shalt  }
0x72: {  	_ =	shalt  }
0x73: {  	_ =	shalt  }
0x74: {  	_ =	shalt  }
0x75: {  	_ =	shalt  }
0x76: {  	_ =	shalt  }
0x77: {  	_ =	shalt  }
0x78: {  	_ =	shalt  }
0x79: {  	_ =	shalt  }
0x7a: {  	_ =	shalt  }
0x7b: {  	_ =	shalt  }
0x7c: {  	_ =	shalt  }
0x7d: {  	_ =	shalt  }
0x7e: {  	_ =	shalt  }
0x7f: {  	_ =	shalt  }
0x80: {  	_ =	shalt  }
0x81: {  	_ =	shalt  }
0x82: {  	_ =	shalt  }
0x83: {  	_ =	shalt  }
0x84: {  	_ =	shalt  }
0x85: {  	_ =	shalt  }
0x86: {  	_ =	shalt  }
0x87: {  	_ =	shalt  }
.Lfunc_end0:
.L_simem_size_0:
called_computation_lowered:
.L_overlay_start_0:
0x88: {  	s2 =	sld [smem:$0x3FD9]  }
0x89: {  	s3 =	sld [smem:$0x3FFE];
	_ =	sdelay $0x1  }
0x8a: {  	s1 =	srdreg.scid  }
0x8b: {  	s0 =	sand.u32 $0x1, s1  }
0x8c: {  	s16 =	sshll.u32 s0, $0xA;
	s2 =	sadd.s32 s3, s2  }
0x8d: {  	s2 =	sadd.s32 s2, s16  }
0x8e: {  	[smem:$0x3FBC] =	sst s2  }
0x8f: {  	_ = 	snop  }
0x90: {  	(tm) =	ssettm $0x1  }
0x91: {  	s17 =	sld [smem:$0x3FFB];
	_ =	sdelay $0x3  }
0x92: {  	_ =	strace s17  }
0x93: {  	s2 =	sld [smem:$0x3FFC];
	_ =	sdelay $0x3  }
0x94: {  	_ =	strace s2  }
0x95: {  	s2 =	sld [smem:$0x3FFD];
	_ =	sdelay $0x3  }
0x96: {  	_ =	strace s2  }
0x97: {  	_ =	strace $0x8FFFFFFF  }
0x98: {  	s18 =	sld [smem:$0x3FDB];
	_ =	sdelay $0x1  }
0x99: {  	s19 =	simm.s32 $_scs_section_size  }
0x9a: {  	s4 =	simm.s32 $_size__tile_overlayer_lowered;
	s5 =	simm.s32 $_tile_overlayer_lowered  }
0x9b: {  	s22 =	simm.s32 $0x1BFF;
	s21 =	sshll.u32 s5, $0x1;
	s2 =	sadd.s32 s19, s18  }
0x9c: {  	s6 =	simm.s32 $0x0;
	s20 =	sshll.u32 s4, $0x1;
	s4 =	sadd.s32 s21, s2  }
0x9d: {  	[timem:s6], [sflag:s22] =	dma.local [hbm:s4], s20  }
0x9e: {  	_ =	swait.ge [sflag:s22], s20  }
0x9f: {  	s3 =	ssub.s32 $0x0, s20;
	[sflag:s22] =	ssyncset.done $0x0  }
0xa0: {  	[sflag:s22] =	ssyncadd.s32 s3;
	_ =	sdelay $0x1  }
0xa1: {  	s23 =	simm.s32 $0x1B8B  }
0xa2: {  	_ =	swait.ge [sflag:s23], $0x1  }
0xa3: {  	[sflag:s23] =	ssyncset.done $0x0  }
0xa4: {  	s25 =	simm.s32 $0x1B8E;
	s24 =	sld [smem:$0x3FFE];
	[sflag:s23] =	ssyncadd.s32 $0xFFFFFFFF  }
0xa5: {  	s26 =	simm.s32 $execute0_lowered;
	[smem:$0x3FD2] =	sst s25  }
0xa6: {  	s4 =	sshll.u32 s26, $0x1;
	_ =	strace $0x80000046;
	[dreg:$0x1] =	wrdreg $0xFFFFFFFF  }
0xa7: {  	s28 =	simm.s32 $_size_execute0_lowered;
	s2 =	sadd.s32 s2, s4;
	[dreg:$0x0] =	wrdreg $0x0  }
0xa8: {  	s4 =	sshll.u32 s28, $0x1;
	[dreg:$0x2] =	wrdreg s2  }
0xa9: {  	[dreg:$0x3] =	wrdreg s4  }
0xaa: {  	[dreg:$0x4] =	wrdreg $0xC0  }
0xab: {  	_ =	task [dreg:s6], $0x5FFFF  }
0xac: {  	[dreg:$0x1] =	wrdreg $0xFFFFFFFF  }
0xad: {  	[dreg:$0x0] =	wrdreg $0x60  }
0xae: {  	[dreg:$0x2] =	wrdreg s24  }
0xaf: {  	[dreg:$0x3] =	wrdreg $0x68800  }
0xb0: {  	[dreg:$0x4] =	wrdreg $0x6BA00  }
0xb1: {  	[dreg:$0x5] =	wrdreg $0x9  }
0xb2: {  	_ =	task.clear_ibuf [dreg:s6], $0x6FFFF;
	_ =	strace $0x90000046  }
0xb3: {  	s29 =	simm.s32 $0x9;
	_ =	strace $0x80000048  }
0xb4: {  	_ =	swait.ge [sflag:s29], $0x1  }
0xb5: {  	[sflag:s29] =	ssyncadd.s32 $0xFFFFFFFF  }
0xb6: {  	_ =	strace $0x90000048  }
0xb7: {  	_ =	sfence  }
0xb8: {  	s30 =	sld [smem:$0x0];
	_ =	sdelay $0x2  }
0xb9: {  	s31 =	sshll.u32 s1, $0xD;
	s1 =	sshrl.u32 s1, $0x2  }
0xba: {  	s3 =	sand.u32 $0x4000, s31;
	s1 =	sadd.s32 s1, s30  }
0xbb: {  	s0 =	sor.u32 s3, s0;
	s1 =	sshll.u32 s1, $0x11  }
0xbc: {  	s0 =	sor.u32 s1, s0  }
0xbd: {  	s0 =	sadd.s32 $0x8F2B, s0  }
0xbe: {  	[sflag:s0] =	ssyncadd.remote.s32 $0x1  }
0xbf: {  	_ =	sfence.sel $0xFFFF  }
0xc0: {  	[dreg:$0x0] =	wrdreg $0xFFFFFFFF;
	(pc) =	sbr.abs _section_cstart, $3  }
0xc1: {  	[dreg:$0x1] =	wrdreg $0xFFFFFFFF  }
0xc2: {  	_ =	task.clear_ibuf [dreg:s6], $0x2FFFF;
	_ =	strace $0x9FFFFFFF  }
0xc3: {  	(tm) =	ssettm $0x7FFFFFFF  }
tec
execute0_lowered:
.L_overlay_start_1:
0x0: {  	(tag) =	ssettag $0x1  }
0x1: {  	s9 =	rddreg [dreg:$0x0]  }
0x2: {  	s0 =	rddreg [dreg:$0x1]  }
0x3: {  	s2 =	rddreg [dreg:$0x2]  }
0x4: {  	s1 =	stileid.u32;
	s4 =	simm.s32 $0x0;
	s6 =	srdreg.scid  }
0x5: {  	s15 =	simm.s32 $0x1;
	s17 =	simm.s32 $0x1400;
	s18 =	simm.s32 $0x1A80  }
0x6: {  	s19 =	simm.s32 $0x2100;
	s20 =	simm.s32 $0x6800;
	s21 =	simm.s32 $0x2780  }
0x7: {  	s23 =	simm.s32 $0x3580;
	s24 =	simm.s32 $0x0;
	s5 =	smul.u32 $0x13A, s1  }
0x8: {  	[smem:$0x7FF] =	sst s4;
	s11 =	sand.u32 $0x1, s6;
	s6 =	sadd.s32 $0x600, s9  }
0x9: {  	s7 =	sadd.s32 $0x800, s9;
	s8 =	sadd.s32 $0x200, s9;
	s31 =	smul.u32 $0x320, s1  }
0xa: {  	s3 =	smov.u32 s0;
	s16 =	smov.u32 s2;
	s12 =	smul.u32 $0x64, s11  }
0xb: {  	_ =	strace $0x80000047;
	s13 =	ssub.s32 $0x2, s11;
	s22 =	smul.u32 $0x320, s11  }
0xc: {  	s10 =	sadd.s32 s5, s9;
	s5 =	sadd.s32 $0x400, s9;
	s30 =	sshrl.u32 s13, $0x1  }
0xd: {  	s11 =	sadd.s32 s31, s0;
	s14 =	sadd.s32 s12, s9;
	s13 =	ssub.s32 s13, s30  }
0xe: {  	s9 =	sadd.s32 $0xA00, s10;
	s10 =	sadd.s32 $0x1E00, s10;
	s12 =	sadd.s32 s31, s2  }
0xf: {  	v1 =	vimm.f32 $0.0e+00;
	v0 =	vmov s22;
	s22 =	simm.s32 $0x2B00;
	s13 =	smax.u32 s13, $0x1;
	s14 =	sadd.s32 $0x3200, s14  }
.LBB2_1:
0x10: {  	[tilespmem:s4], [sflag:$0x1] =	stream.linear.gather [hbm4b:s9+s4], $0x9D0, $0x38;
	[tilespmem:$0x6EC0] =	vst v63  }
0x11: {  	_ =	swait.ge [sflag:s15], $0x9D0  }
0x12: {  	[sflag:s15] =	ssyncset.done $0x0  }
0x13: {  	s0 =	simm.s32 $0xA00;
	[sflag:s15] =	ssyncadd.s32 $0xFFFFF630  }
0x14: {  	[tilespmem:s0], [sflag:$0x1] =	stream.linear.gather [hbm4b:s10+s4], $0x9D0, $0x38;
	[tilespmem:$0x6EC0] =	vst v63  }
0x15: {  	_ =	swait.ge [sflag:s15], $0x9D0  }
0x16: {  	[sflag:s15] =	ssyncset.done $0x0  }
0x17: {  	[sflag:s15] =	ssyncadd.s32 $0xFFFFF630  }
0x18: {  	[tilespmem:s17], [sflag:$0x1] =	stream.linear.gather [hbm4b:s5+s4], $0x680, $0x38;
	[tilespmem:$0x6EC0] =	vst v63  }
0x19: {  	_ =	swait.ge [sflag:s15], $0x680  }
0x1a: {  	[sflag:s15] =	ssyncset.done $0x0  }
0x1b: {  	[sflag:s15] =	ssyncadd.s32 $0xFFFFF980  }
0x1c: {  	[tilespmem:s18], [sflag:$0x1] =	stream.linear.gather [hbm4b:s6+s4], $0x680, $0x38;
	[tilespmem:$0x6EC0] =	vst v63  }
0x1d: {  	_ =	swait.ge [sflag:s15], $0x680  }
0x1e: {  	[sflag:s15] =	ssyncset.done $0x0  }
0x1f: {  	[sflag:s15] =	ssyncadd.s32 $0xFFFFF980  }
0x20: {  	[tilespmem:s19], [sflag:$0x1] =	stream.linear.gather [hbm4b:s7+s4], $0x680, $0x38;
	[tilespmem:$0x6EC0] =	vst v63  }
0x21: {  	_ =	swait.ge [sflag:s15], $0x680  }
0x22: {  	[sflag:s15] =	ssyncset.done $0x0  }
0x23: {  	[sflag:s15] =	ssyncadd.s32 $0xFFFFF980  }
0x24: {  	[tilespmem:s20], [sflag:$0x1] =	stream.linear.gather [hbm4b:s8+s4], $0x80, $0x38;
	[tilespmem:$0x6EC0] =	vst v63  }
0x25: {  	_ =	swait.ge [sflag:s15], $0x80  }
0x26: {  	[sflag:s15] =	ssyncset.done $0x0  }
0x27: {  	[sflag:s15] =	ssyncadd.s32 $0xFFFFFF80  }
0x28: {  	[tilespmem:$0x2780] =	vst v1  }
0x29: {  	[tilespmem:$0x2B00] =	vst v1  }
0x2a: {  	[tilespmem:$0x2790] =	vst v1  }
0x2b: {  	[tilespmem:$0x2B10] =	vst v1  }
0x2c: {  	[tilespmem:$0x27A0] =	vst v1  }
0x2d: {  	[tilespmem:$0x2B20] =	vst v1  }
0x2e: {  	[tilespmem:$0x27B0] =	vst v1  }
0x2f: {  	[tilespmem:$0x2B30] =	vst v1  }
0x30: {  	[tilespmem:$0x27C0] =	vst v1  }
0x31: {  	[tilespmem:$0x2B40] =	vst v1  }
0x32: {  	[tilespmem:$0x27D0] =	vst v1  }
0x33: {  	[tilespmem:$0x2B50] =	vst v1  }
0x34: {  	[tilespmem:$0x27E0] =	vst v1  }
0x35: {  	[tilespmem:$0x2B60] =	vst v1  }
0x36: {  	[tilespmem:$0x27F0] =	vst v1  }
0x37: {  	[tilespmem:$0x2B70] =	vst v1  }
0x38: {  	[tilespmem:$0x2800] =	vst v1  }
0x39: {  	[tilespmem:$0x2B80] =	vst v1  }
0x3a: {  	[tilespmem:$0x2810] =	vst v1  }
0x3b: {  	[tilespmem:$0x2B90] =	vst v1  }
0x3c: {  	[tilespmem:$0x2820] =	vst v1  }
0x3d: {  	[tilespmem:$0x2BA0] =	vst v1  }
0x3e: {  	[tilespmem:$0x2830] =	vst v1  }
0x3f: {  	[tilespmem:$0x2BB0] =	vst v1  }
0x40: {  	[tilespmem:$0x2840] =	vst v1  }
0x41: {  	[tilespmem:$0x2BC0] =	vst v1  }
0x42: {  	[tilespmem:$0x2850] =	vst v1  }
0x43: {  	[tilespmem:$0x2BD0] =	vst v1  }
0x44: {  	[tilespmem:$0x2860] =	vst v1  }
0x45: {  	[tilespmem:$0x2BE0] =	vst v1  }
0x46: {  	[tilespmem:$0x2870] =	vst v1  }
0x47: {  	[tilespmem:$0x2BF0] =	vst v1  }
0x48: {  	[tilespmem:$0x2880] =	vst v1  }
0x49: {  	[tilespmem:$0x2C00] =	vst v1  }
0x4a: {  	[tilespmem:$0x2890] =	vst v1  }
0x4b: {  	[tilespmem:$0x2C10] =	vst v1  }
0x4c: {  	[tilespmem:$0x28A0] =	vst v1  }
0x4d: {  	[tilespmem:$0x2C20] =	vst v1  }
0x4e: {  	[tilespmem:$0x28B0] =	vst v1  }
0x4f: {  	[tilespmem:$0x2C30] =	vst v1  }
0x50: {  	[tilespmem:$0x28C0] =	vst v1  }
0x51: {  	[tilespmem:$0x2C40] =	vst v1  }
0x52: {  	[tilespmem:$0x28D0] =	vst v1  }
0x53: {  	[tilespmem:$0x2C50] =	vst v1  }
0x54: {  	[tilespmem:$0x28E0] =	vst v1  }
0x55: {  	[tilespmem:$0x2C60] =	vst v1  }
0x56: {  	[tilespmem:$0x28F0] =	vst v1  }
0x57: {  	[tilespmem:$0x2C70] =	vst v1  }
0x58: {  	[tilespmem:$0x2900] =	vst v1  }
0x59: {  	[tilespmem:$0x2C80] =	vst v1  }
0x5a: {  	[tilespmem:$0x2910] =	vst v1  }
0x5b: {  	[tilespmem:$0x2C90] =	vst v1  }
0x5c: {  	[tilespmem:$0x2920] =	vst v1  }
0x5d: {  	[tilespmem:$0x2CA0] =	vst v1  }
0x5e: {  	[tilespmem:$0x2930] =	vst v1  }
0x5f: {  	[tilespmem:$0x2CB0] =	vst v1  }
0x60: {  	[tilespmem:$0x2940] =	vst v1  }
0x61: {  	[tilespmem:$0x2CC0] =	vst v1  }
0x62: {  	[tilespmem:$0x2950] =	vst v1  }
0x63: {  	[tilespmem:$0x2CD0] =	vst v1  }
0x64: {  	[tilespmem:$0x2960] =	vst v1  }
0x65: {  	[tilespmem:$0x2CE0] =	vst v1  }
0x66: {  	[tilespmem:$0x2970] =	vst v1  }
0x67: {  	[tilespmem:$0x2CF0] =	vst v1  }
0x68: {  	[tilespmem:$0x2980] =	vst v1  }
0x69: {  	[tilespmem:$0x2D00] =	vst v1  }
0x6a: {  	[tilespmem:$0x2990] =	vst v1  }
0x6b: {  	[tilespmem:$0x2D10] =	vst v1  }
0x6c: {  	[tilespmem:$0x29A0] =	vst v1  }
0x6d: {  	[tilespmem:$0x2D20] =	vst v1  }
0x6e: {  	[tilespmem:$0x29B0] =	vst v1  }
0x6f: {  	[tilespmem:$0x2D30] =	vst v1  }
0x70: {  	[tilespmem:$0x29C0] =	vst v1  }
0x71: {  	[tilespmem:$0x2D40] =	vst v1  }
0x72: {  	[tilespmem:$0x29D0] =	vst v1  }
0x73: {  	[tilespmem:$0x2D50] =	vst v1  }
0x74: {  	[tilespmem:$0x29E0] =	vst v1  }
0x75: {  	[tilespmem:$0x2D60] =	vst v1  }
0x76: {  	[tilespmem:$0x29F0] =	vst v1  }
0x77: {  	[tilespmem:$0x2D70] =	vst v1  }
0x78: {  	[tilespmem:$0x2A00] =	vst v1  }
0x79: {  	[tilespmem:$0x2D80] =	vst v1  }
0x7a: {  	[tilespmem:$0x2A10] =	vst v1  }
0x7b: {  	[tilespmem:$0x2D90] =	vst v1  }
0x7c: {  	[tilespmem:$0x2A20] =	vst v1  }
0x7d: {  	[tilespmem:$0x2DA0] =	vst v1  }
0x7e: {  	[tilespmem:$0x2A30] =	vst v1  }
0x7f: {  	[tilespmem:$0x2DB0] =	vst v1  }
0x80: {  	[tilespmem:$0x2A40] =	vst v1  }
0x81: {  	[tilespmem:$0x2DC0] =	vst v1  }
0x82: {  	[tilespmem:$0x2A50] =	vst v1  }
0x83: {  	[tilespmem:$0x2DD0] =	vst v1  }
0x84: {  	[tilespmem:$0x2A60] =	vst v1  }
0x85: {  	[tilespmem:$0x2DE0] =	vst v1  }
0x86: {  	[tilespmem:$0x2A70] =	vst v1  }
0x87: {  	[tilespmem:$0x2DF0] =	vst v1  }
0x88: {  	[tilespmem:$0x2A80] =	vst v1  }
0x89: {  	[tilespmem:$0x2E00] =	vst v1  }
0x8a: {  	[tilespmem:$0x2A90] =	vst v1  }
0x8b: {  	s26 =	simm.s32 $0x10;
	[tilespmem:$0x2E10] =	vst v1;
	v2 =	vld [tilespmem:$0x1400]  }
0x8c: {  	s25 =	simm.s32 $0x80;
	v3 =	vld [tilespmem:s26+$0x1400]  }
.LBB2_2:
0x8d: {  	p0 =	sne.s32 s25, $0x18C0  }
.Ltmp0:
0x8e: {  	_ = 	snop;
	(pc) =	sbr.rel @p0 .LBB2_2-.Ltmp0, $3  }
0x8f: {  	_ =	sdelay $0x1  }
0x90: {  	s26 =	sshra.s32 s25, $0x2;
	s25 =	sadd.s32 $0x40, s25;
	v2 =	vmax.f32 v2, v3  }
0x91: {  	v3 =	vld [tilespmem:s26+$0x1400]  }
0x92: {  	s25 =	simm.s32 $0x0  }
0x93: {  	v4 =	vld [tilespmem:s25+$0xA00];
	_ =	sdelay $0x1  }
0x94: {  	v5 =	vld [tilespmem:s25+$0x0];
	_ =	sdelay $0x2  }
0x95: {  	vm0 =	vlt.s32 v4, $0x63F  }
0x96: {  	v2 =	vmax.f32 v2, v3;
	v3 =	vnsel vm0, $0x63F, v4  }
0x97: {  	(xrf0) =	vmax.scan.msk.f32 $0xffff, v2;
	_ =	sdelay $0x2  }
0x98: {  	v6 =	vld.idx.msk [tilespmem:v5+s17+$0x0], $0xffff  }
0x99: {  	v3 =	vld.idx.msk [tilespmem:v3+s18+$0x0], $0xffff;
	_ =	sdelay $0x1  }
0x9a: {  	v2, _, _ =	vpop (xrf0)  }
0x9b: {  	v2 =	vbroadcast v2, $0xF;
	_ =	sdelay $0x1  }
0x9c: {  	v6 =	vadd.f32 v3, v6;
	v3 =	vadd.f32 v3, v2;
	_ =	sdelay $0x1  }
0x9d: {  	v7 =	vmul.f32 $2.000000030e-01, v6;
	v8 =	vmul.f32 $2.000000030e-01, v3;
	_ =	sdelay $0x1  }
0x9e: {  	v6 =	vmax.f32 v6, v7;
	v3 =	vmax.f32 v3, v8  }
0x9f: {  	v3 =	vsub.f32 v6, v3;
	_ =	sdelay $0x1  }
0xa0: {  	v3 =	vmul.f32 $1.442695020e+00, v3;
	_ =	sdelay $0x1  }
0xa1: {  	(erf) = vpow2.f32 v3;
	_ =	sdelay $0x2  }
0xa2: {  	v3 =	vsub.s32 v4, v0  }
0xa3: {  	vm0 =	vlt.u32 v3, $0x320  }
0xa4: {  	v4 =	vld.idx.msk [tilespmem:v5+s19+$0x0], $0xffff;
	v3 =	vnsel vm0, $0x0, v3;
	_ =	sdelay $0x3  }
0xa5: {  	v5 =	vpop (erf)  }
0xa6: {  	s26 =	simm.s32 $0x80;
	s25 =	simm.s32 $0x40;
	[tilespmem:v3+s21+$0x0] =	vst.idx.add.f32.msk vm0, v5;
	v4 =	vmul.f32 v5, v4  }
.LBB2_4:
0xa7: {  	p0 =	sne.s32 s26, $0x2700  }
0xa8: {  	s28 =	sshra.s32 s25, $0x2;
	s25 =	smov.u32 s26;
	s26 =	sadd.s32 $0x40, s26  }
0xa9: {  	[tilespmem:v3+s22+$0x0] =	vst.idx.add.f32.msk vm0, v4  }
0xaa: {  	v3 =	vld [tilespmem:s28+$0xA00];
	_ =	sdelay $0x1  }
0xab: {  	v4 =	vld [tilespmem:s28+$0x0];
	_ =	sdelay $0x2  }
0xac: {  	vm0 =	vlt.s32 v3, $0x63F;
	v5 =	vsub.s32 v3, v0  }
0xad: {  	v3 =	vnsel vm0, $0x63F, v3;
	_ =	sdelay $0x3  }
0xae: {  	v6 =	vld.idx.msk [tilespmem:v4+s17+$0x0], $0xffff  }
0xaf: {  	v3 =	vld.idx.msk [tilespmem:v3+s18+$0x0], $0xffff;
	_ =	sdelay $0x5  }
0xb0: {  	v6 =	vadd.f32 v3, v6;
	v3 =	vadd.f32 v3, v2;
	_ =	sdelay $0x1  }
0xb1: {  	v7 =	vmul.f32 $2.000000030e-01, v6;
	v8 =	vmul.f32 $2.000000030e-01, v3;
	_ =	sdelay $0x1  }
0xb2: {  	v6 =	vmax.f32 v6, v7;
	v3 =	vmax.f32 v3, v8  }
0xb3: {  	v3 =	vsub.f32 v6, v3;
	_ =	sdelay $0x1  }
0xb4: {  	v3 =	vmul.f32 $1.442695020e+00, v3;
	_ =	sdelay $0x1  }
0xb5: {  	(erf) = vpow2.f32 v3;
	_ =	sdelay $0x2  }
0xb6: {  	v4 =	vld.idx.msk [tilespmem:v4+s19+$0x0], $0xffff  }
0xb7: {  	vm0 =	vlt.u32 v5, $0x320  }
0xb8: {  	v3 =	vnsel vm0, $0x0, v5  }
.Ltmp1:
0xb9: {  	(pc) =	sbr.rel @p0 .LBB2_4-.Ltmp1, $3  }
0xba: {  	_ =	sdelay $0x1  }
0xbb: {  	v5 =	vpop (erf)  }
0xbc: {  	[tilespmem:v3+s21+$0x0] =	vst.idx.add.f32.msk vm0, v5;
	v4 =	vmul.f32 v5, v4  }
0xbd: {  	_ =	sdelay $0x4  }
0xbe: {  	s25 =	sshra.s32 s25, $0x2;
	[tilespmem:v3+s22+$0x0] =	vst.idx.add.f32.msk vm0, v4  }
0xbf: {  	v3 =	vld [tilespmem:s25+$0xA00];
	_ =	sdelay $0x1  }
0xc0: {  	v4 =	vld [tilespmem:s25+$0x0];
	_ =	sdelay $0x2  }
0xc1: {  	vm14 =	vlt.s32 v3, $0x63F  }
0xc2: {  	v5 =	vnsel vm14, $0x63F, v3;
	_ =	sdelay $0x3  }
0xc3: {  	v6 =	vld.idx.msk [tilespmem:v4+s17+$0x0], $0xffff  }
0xc4: {  	v5 =	vld.idx.msk [tilespmem:v5+s18+$0x0], $0xffff;
	_ =	sdelay $0x4  }
0xc5: {  	v6 =	vadd.f32 v5, v6;
	v2 =	vadd.f32 v5, v2;
	_ =	sdelay $0x1  }
0xc6: {  	v5 =	vmul.f32 $2.000000030e-01, v6;
	v7 =	vmul.f32 $2.000000030e-01, v2;
	_ =	sdelay $0x1  }
0xc7: {  	v5 =	vmax.f32 v6, v5;
	v2 =	vmax.f32 v2, v7  }
0xc8: {  	v2 =	vsub.f32 v5, v2;
	_ =	sdelay $0x1  }
0xc9: {  	v2 =	vmul.f32 $1.442695020e+00, v2;
	_ =	sdelay $0x1  }
0xca: {  	(erf) = vpow2.f32 v2;
	_ =	sdelay $0x3  }
0xcb: {  	v2 =	vsub.s32 v3, v0  }
0xcc: {  	v3 =	vld.idx.msk [tilespmem:v4+s19+$0x0], $0xffff;
	vm15 =	vlt.u32 v2, $0x320  }
0xcd: {  	v2 =	vnsel vm15, $0x0, v2;
	_ =	sdelay $0x2  }
0xce: {  	v4 =	vpop (erf)  }
0xcf: {  	v3 =	vmul.f32 v4, v3  }
0xd0: {  	[tilespmem:v2+s21+$0x0] =	vst.idx.add.f32.msk vm15, v4  }
0xd1: {  	[tilespmem:v2+s22+$0x0] =	vst.idx.add.f32.msk vm15, v3  }
0xd2: {  	[spmem:s11] =	stream.linear.scatter [tilespmem:s21], [sflag:$0x1], $0x320, $0x38;
	[tilespmem:$0x6EC0] =	vst v63  }
0xd3: {  	_ =	swait.ge [sflag:s15], $0x320  }
0xd4: {  	[sflag:s15] =	ssyncset.done $0x0  }
0xd5: {  	[sflag:s15] =	ssyncadd.s32 $0xFFFFFCE0  }
0xd6: {  	[spmem:s12] =	stream.linear.scatter [tilespmem:s22], [sflag:$0x1], $0x320, $0x38;
	[tilespmem:$0x6EC0] =	vst v63  }
0xd7: {  	_ =	swait.ge [sflag:s15], $0x320  }
0xd8: {  	[sflag:s15] =	ssyncset.done $0x0  }
0xd9: {  	[sflag:s15] =	ssyncadd.s32 $0xFFFFFCE0  }
0xda: {  	[bflag:$0x0] =	sbarrier.arrive $0xFFFF  }
0xdb: {  	[tilespmem:s23], [sflag:$0x1] =	stream.linear.gather [spmem:s3], $0x3200, $0x38;
	[tilespmem:$0x6EC0] =	vst v63  }
0xdc: {  	_ =	swait.ge [sflag:s15], $0x3200  }
0xdd: {  	[sflag:s15] =	ssyncset.done $0x0  }
0xde: {  	s31 =	simm.s32 $0x51A0;
	[sflag:s15] =	ssyncadd.s32 $0xFFFFCE00  }
0xdf: {  	v2 =	vld [tilespmem:s31+$0xFFFFE700]  }
0xe0: {  	v3 =	vld [tilespmem:s31+$0xFFFFE3E0];
	_ =	sdelay $0x1  }
0xe1: {  	v4 =	vld [tilespmem:s31+$0xFFFFEA20];
	_ =	sdelay $0x1  }
0xe2: {  	s26 =	simm.s32 $0x0;
	v5 =	vld [tilespmem:s31+$0xFFFFED40]  }
0xe3: {  	s26 =	sand.u32 $0x3F0, s26;
	v2 =	vadd.f32 v2, v3  }
0xe4: {  	v3 =	vld [tilespmem:s26+$0x4200]  }
0xe5: {  	v2 =	vadd.f32 v4, v2  }
0xe6: {  	v4 =	vld [tilespmem:s31+$0xFFFFF380]  }
0xe7: {  	v2 =	vadd.f32 v5, v2  }
0xe8: {  	v5 =	vld [tilespmem:s31+$0xFFFFF6A0]  }
0xe9: {  	v2 =	vadd.f32 v3, v2  }
0xea: {  	v3 =	vld [tilespmem:s31+$0xFFFFF9C0]  }
0xeb: {  	v2 =	vadd.f32 v4, v2  }
0xec: {  	v4 =	vld [tilespmem:s26+$0x4E80]  }
0xed: {  	v2 =	vadd.f32 v5, v2  }
0xee: {  	v5 =	vld [tilespmem:s31+$0x0]  }
0xef: {  	v2 =	vadd.f32 v3, v2  }
0xf0: {  	v3 =	vld [tilespmem:s31+$0x320]  }
0xf1: {  	v2 =	vadd.f32 v4, v2  }
0xf2: {  	v4 =	vld [tilespmem:s31+$0x640]  }
0xf3: {  	v2 =	vadd.f32 v5, v2  }
0xf4: {  	v5 =	vld [tilespmem:s26+$0x5B00]  }
0xf5: {  	v2 =	vadd.f32 v3, v2  }
0xf6: {  	v3 =	vld [tilespmem:s31+$0xC80]  }
0xf7: {  	v2 =	vadd.f32 v4, v2  }
0xf8: {  	v4 =	vld [tilespmem:s31+$0xFA0]  }
0xf9: {  	v2 =	vadd.f32 v5, v2  }
0xfa: {  	v5 =	vld [tilespmem:s31+$0x12C0]  }
0xfb: {  	v2 =	vadd.f32 v3, v2;
	_ =	sdelay $0x1  }
0xfc: {  	v2 =	vadd.f32 v4, v2;
	_ =	sdelay $0x1  }
0xfd: {  	v2 =	vadd.f32 v5, v2  }
0xfe: {  	s25 =	simm.s32 $0x2E80  }
0xff: {  	s26 =	simm.s32 $0x51B0;
	[tilespmem:s25+$0x0] =	vst v2  }
0x100: {  	v2 =	vld [tilespmem:s26+$0xFFFFE700]  }
0x101: {  	s28 =	simm.s32 $0x10;
	s29 =	simm.s32 $0x20;
	v3 =	vld [tilespmem:s26+$0xFFFFE3E0]  }
.LBB2_6:
0x102: {  	p0 =	sne.s32 s29, $0x310  }
0x103: {  	v4 =	vld [tilespmem:s26+$0xFFFFEA20];
	_ =	sdelay $0x1  }
0x104: {  	v5 =	vld [tilespmem:s26+$0xFFFFED40]  }
0x105: {  	s30 =	sand.u32 $0x3F0, s28;
	s28 =	smov.u32 s29;
	v2 =	vadd.f32 v2, v3  }
0x106: {  	v3 =	vld [tilespmem:s30+$0x4200]  }
0x107: {  	v2 =	vadd.f32 v4, v2  }
0x108: {  	v4 =	vld [tilespmem:s26+$0xFFFFF380]  }
0x109: {  	v2 =	vadd.f32 v5, v2  }
0x10a: {  	v5 =	vld [tilespmem:s26+$0xFFFFF6A0]  }
0x10b: {  	v2 =	vadd.f32 v3, v2  }
0x10c: {  	v3 =	vld [tilespmem:s26+$0xFFFFF9C0]  }
0x10d: {  	v2 =	vadd.f32 v4, v2  }
0x10e: {  	v4 =	vld [tilespmem:s30+$0x4E80]  }
0x10f: {  	v2 =	vadd.f32 v5, v2  }
0x110: {  	v5 =	vld [tilespmem:s26+$0x0]  }
0x111: {  	v2 =	vadd.f32 v3, v2  }
0x112: {  	v3 =	vld [tilespmem:s26+$0x320]  }
0x113: {  	v2 =	vadd.f32 v4, v2  }
0x114: {  	v4 =	vld [tilespmem:s26+$0x640]  }
0x115: {  	v2 =	vadd.f32 v5, v2  }
0x116: {  	v5 =	vld [tilespmem:s30+$0x5B00]  }
0x117: {  	v2 =	vadd.f32 v3, v2  }
0x118: {  	v3 =	vld [tilespmem:s26+$0xC80]  }
0x119: {  	v2 =	vadd.f32 v4, v2  }
0x11a: {  	v4 =	vld [tilespmem:s26+$0xFA0]  }
0x11b: {  	v2 =	vadd.f32 v5, v2  }
0x11c: {  	v5 =	vld [tilespmem:s26+$0x12C0]  }
0x11d: {  	v2 =	vadd.f32 v3, v2;
	_ =	sdelay $0x1  }
0x11e: {  	v2 =	vadd.f32 v4, v2;
	_ =	sdelay $0x1  }
.Ltmp2:
0x11f: {  	v2 =	vadd.f32 v5, v2;
	(pc) =	sbr.rel @p0 .LBB2_6-.Ltmp2, $4  }
0x120: {  	s25 =	sadd.s32 $0x10, s25  }
0x121: {  	s26 =	sadd.s32 $0x10, s26;
	[tilespmem:s25+$0x0] =	vst v2  }
0x122: {  	v2 =	vld [tilespmem:s26+$0xFFFFE700]  }
0x123: {  	s29 =	sadd.s32 $0x10, s29;
	v3 =	vld [tilespmem:s26+$0xFFFFE3E0]  }
0x124: {  	_ = 	snop  }
0x125: {  	v4 =	vld [tilespmem:s26+$0xFFFFEA20];
	_ =	sdelay $0x1  }
0x126: {  	v5 =	vld [tilespmem:s26+$0xFFFFED40]  }
0x127: {  	s28 =	sand.u32 $0x3F0, s28;
	v2 =	vadd.f32 v2, v3  }
0x128: {  	v3 =	vld [tilespmem:s28+$0x4200]  }
0x129: {  	v2 =	vadd.f32 v4, v2  }
0x12a: {  	v4 =	vld [tilespmem:s26+$0xFFFFF380]  }
0x12b: {  	v2 =	vadd.f32 v5, v2  }
0x12c: {  	v5 =	vld [tilespmem:s26+$0xFFFFF6A0]  }
0x12d: {  	v2 =	vadd.f32 v3, v2  }
0x12e: {  	v3 =	vld [tilespmem:s26+$0xFFFFF9C0]  }
0x12f: {  	v2 =	vadd.f32 v4, v2  }
0x130: {  	v4 =	vld [tilespmem:s28+$0x4E80]  }
0x131: {  	v2 =	vadd.f32 v5, v2  }
0x132: {  	v5 =	vld [tilespmem:s26+$0x0]  }
0x133: {  	v2 =	vadd.f32 v3, v2  }
0x134: {  	v3 =	vld [tilespmem:s26+$0x320]  }
0x135: {  	v2 =	vadd.f32 v4, v2  }
0x136: {  	v4 =	vld [tilespmem:s26+$0x640]  }
0x137: {  	v2 =	vadd.f32 v5, v2  }
0x138: {  	v5 =	vld [tilespmem:s28+$0x5B00]  }
0x139: {  	v2 =	vadd.f32 v3, v2  }
0x13a: {  	v3 =	vld [tilespmem:s26+$0xC80]  }
0x13b: {  	v2 =	vadd.f32 v4, v2  }
0x13c: {  	v4 =	vld [tilespmem:s26+$0xFA0]  }
0x13d: {  	v2 =	vadd.f32 v5, v2  }
0x13e: {  	v5 =	vld [tilespmem:s26+$0x12C0]  }
0x13f: {  	v2 =	vadd.f32 v3, v2;
	_ =	sdelay $0x1  }
0x140: {  	v2 =	vadd.f32 v4, v2;
	_ =	sdelay $0x1  }
0x141: {  	v2 =	vadd.f32 v5, v2  }
0x142: {  	s25 =	sadd.s32 $0x10, s25  }
0x143: {  	[tilespmem:s25+$0x0] =	vst v2  }
0x144: {  	[tilespmem:s23], [sflag:$0x1] =	stream.linear.gather [spmem:s16], $0x3200, $0x38;
	[tilespmem:$0x6EC0] =	vst v63  }
0x145: {  	_ =	swait.ge [sflag:s15], $0x3200  }
0x146: {  	[sflag:s15] =	ssyncset.done $0x0  }
0x147: {  	s2 =	simm.s32 $0x51A0;
	[sflag:s15] =	ssyncadd.s32 $0xFFFFCE00  }
0x148: {  	v2 =	vld [tilespmem:s2+$0xFFFFE700]  }
0x149: {  	v3 =	vld [tilespmem:s2+$0xFFFFE3E0];
	_ =	sdelay $0x1  }
0x14a: {  	v4 =	vld [tilespmem:s2+$0xFFFFEA20];
	_ =	sdelay $0x1  }
0x14b: {  	s25 =	simm.s32 $0x0;
	v5 =	vld [tilespmem:s2+$0xFFFFED40]  }
0x14c: {  	s28 =	sand.u32 $0x3F0, s25;
	v2 =	vadd.f32 v2, v3  }
0x14d: {  	v3 =	vld [tilespmem:s28+$0x4200]  }
0x14e: {  	v2 =	vadd.f32 v4, v2  }
0x14f: {  	v4 =	vld [tilespmem:s2+$0xFFFFF380]  }
0x150: {  	v2 =	vadd.f32 v5, v2  }
0x151: {  	v5 =	vld [tilespmem:s2+$0xFFFFF6A0]  }
0x152: {  	v2 =	vadd.f32 v3, v2  }
0x153: {  	v3 =	vld [tilespmem:s2+$0xFFFFF9C0]  }
0x154: {  	v2 =	vadd.f32 v4, v2  }
0x155: {  	v4 =	vld [tilespmem:s28+$0x4E80]  }
0x156: {  	v2 =	vadd.f32 v5, v2  }
0x157: {  	v5 =	vld [tilespmem:s2+$0x0]  }
0x158: {  	v2 =	vadd.f32 v3, v2  }
0x159: {  	v3 =	vld [tilespmem:s2+$0x320]  }
0x15a: {  	v2 =	vadd.f32 v4, v2  }
0x15b: {  	v4 =	vld [tilespmem:s2+$0x640]  }
0x15c: {  	v2 =	vadd.f32 v5, v2  }
0x15d: {  	v5 =	vld [tilespmem:s28+$0x5B00]  }
0x15e: {  	v2 =	vadd.f32 v3, v2  }
0x15f: {  	v3 =	vld [tilespmem:s2+$0xC80]  }
0x160: {  	v2 =	vadd.f32 v4, v2  }
0x161: {  	v4 =	vld [tilespmem:s2+$0xFA0]  }
0x162: {  	v2 =	vadd.f32 v5, v2  }
0x163: {  	v5 =	vld [tilespmem:s2+$0x12C0]  }
0x164: {  	v2 =	vadd.f32 v3, v2;
	_ =	sdelay $0x1  }
0x165: {  	v2 =	vadd.f32 v4, v2;
	_ =	sdelay $0x1  }
0x166: {  	v2 =	vadd.f32 v5, v2  }
0x167: {  	s26 =	simm.s32 $0x3200  }
0x168: {  	s28 =	simm.s32 $0x51B0;
	[tilespmem:s26+$0x0] =	vst v2  }
0x169: {  	v2 =	vld [tilespmem:s28+$0xFFFFE700]  }
0x16a: {  	s30 =	simm.s32 $0x10;
	s31 =	simm.s32 $0x20;
	s29 =	simm.s32 $0x3200;
	v3 =	vld [tilespmem:s28+$0xFFFFE3E0]  }
.LBB2_8:
0x16b: {  	p0 =	sne.s32 s31, $0x310  }
0x16c: {  	v4 =	vld [tilespmem:s28+$0xFFFFEA20];
	_ =	sdelay $0x1  }
0x16d: {  	v5 =	vld [tilespmem:s28+$0xFFFFED40]  }
0x16e: {  	s0 =	sand.u32 $0x3F0, s30;
	s30 =	smov.u32 s31;
	v2 =	vadd.f32 v2, v3  }
0x16f: {  	v3 =	vld [tilespmem:s0+$0x4200]  }
0x170: {  	v2 =	vadd.f32 v4, v2  }
0x171: {  	v4 =	vld [tilespmem:s28+$0xFFFFF380]  }
0x172: {  	v2 =	vadd.f32 v5, v2  }
0x173: {  	v5 =	vld [tilespmem:s28+$0xFFFFF6A0]  }
0x174: {  	v2 =	vadd.f32 v3, v2  }
0x175: {  	v3 =	vld [tilespmem:s28+$0xFFFFF9C0]  }
0x176: {  	v2 =	vadd.f32 v4, v2  }
0x177: {  	v4 =	vld [tilespmem:s0+$0x4E80]  }
0x178: {  	v2 =	vadd.f32 v5, v2  }
0x179: {  	v5 =	vld [tilespmem:s28+$0x0]  }
0x17a: {  	v2 =	vadd.f32 v3, v2  }
0x17b: {  	v3 =	vld [tilespmem:s28+$0x320]  }
0x17c: {  	v2 =	vadd.f32 v4, v2  }
0x17d: {  	v4 =	vld [tilespmem:s28+$0x640]  }
0x17e: {  	v2 =	vadd.f32 v5, v2  }
0x17f: {  	v5 =	vld [tilespmem:s0+$0x5B00]  }
0x180: {  	v2 =	vadd.f32 v3, v2  }
0x181: {  	v3 =	vld [tilespmem:s28+$0xC80]  }
0x182: {  	v2 =	vadd.f32 v4, v2  }
0x183: {  	v4 =	vld [tilespmem:s28+$0xFA0]  }
0x184: {  	v2 =	vadd.f32 v5, v2  }
0x185: {  	v5 =	vld [tilespmem:s28+$0x12C0]  }
0x186: {  	v2 =	vadd.f32 v3, v2;
	_ =	sdelay $0x1  }
0x187: {  	v2 =	vadd.f32 v4, v2;
	_ =	sdelay $0x1  }
.Ltmp3:
0x188: {  	v2 =	vadd.f32 v5, v2;
	(pc) =	sbr.rel @p0 .LBB2_8-.Ltmp3, $4  }
0x189: {  	s29 =	sadd.s32 $0x10, s29  }
0x18a: {  	s28 =	sadd.s32 $0x10, s28;
	[tilespmem:s29+$0x0] =	vst v2  }
0x18b: {  	v2 =	vld [tilespmem:s28+$0xFFFFE700]  }
0x18c: {  	s31 =	sadd.s32 $0x10, s31;
	v3 =	vld [tilespmem:s28+$0xFFFFE3E0]  }
0x18d: {  	_ = 	snop  }
0x18e: {  	v4 =	vld [tilespmem:s28+$0xFFFFEA20];
	_ =	sdelay $0x1  }
0x18f: {  	v5 =	vld [tilespmem:s28+$0xFFFFED40]  }
0x190: {  	s0 =	sand.u32 $0x3F0, s30;
	v2 =	vadd.f32 v2, v3  }
0x191: {  	v3 =	vld [tilespmem:s0+$0x4200]  }
0x192: {  	v2 =	vadd.f32 v4, v2  }
0x193: {  	v56 =	vld [tilespmem:s28+$0xFFFFF380]  }
0x194: {  	v2 =	vadd.f32 v5, v2  }
0x195: {  	v57 =	vld [tilespmem:s28+$0xFFFFF6A0]  }
0x196: {  	v2 =	vadd.f32 v3, v2  }
0x197: {  	v3 =	vld [tilespmem:s28+$0xFFFFF9C0]  }
0x198: {  	v2 =	vadd.f32 v56, v2  }
0x199: {  	v58 =	vld [tilespmem:s0+$0x4E80]  }
0x19a: {  	v2 =	vadd.f32 v57, v2  }
0x19b: {  	v59 =	vld [tilespmem:s28+$0x0]  }
0x19c: {  	v2 =	vadd.f32 v3, v2  }
0x19d: {  	v3 =	vld [tilespmem:s28+$0x320]  }
0x19e: {  	v2 =	vadd.f32 v58, v2  }
0x19f: {  	v60 =	vld [tilespmem:s28+$0x640]  }
0x1a0: {  	v2 =	vadd.f32 v59, v2  }
0x1a1: {  	v61 =	vld [tilespmem:s0+$0x5B00]  }
0x1a2: {  	v2 =	vadd.f32 v3, v2  }
0x1a3: {  	v3 =	vld [tilespmem:s28+$0xC80]  }
0x1a4: {  	v2 =	vadd.f32 v60, v2  }
0x1a5: {  	v62 =	vld [tilespmem:s28+$0xFA0]  }
0x1a6: {  	v2 =	vadd.f32 v61, v2  }
0x1a7: {  	v63 =	vld [tilespmem:s28+$0x12C0]  }
0x1a8: {  	v2 =	vadd.f32 v3, v2;
	_ =	sdelay $0x1  }
0x1a9: {  	v2 =	vadd.f32 v62, v2;
	_ =	sdelay $0x1  }
0x1aa: {  	v2 =	vadd.f32 v63, v2  }
0x1ab: {  	s2 =	sadd.s32 $0x10, s29;
	s25 =	sand.u32 $0xF, s25  }
0x1ac: {  	p0 =	sne.s32 s25, s1;
	s0 =	simm.s32 $0x2E80;
	[tilespmem:s2+$0x0] =	vst v2  }
0x1ad: {  	v2 =	vld @!p0 [tilespmem:s0+$0x0];
	_ =	sdelay $0x4  }
0x1ae: {  	v2 =	vadd.f32 @!p0 $1.000000020e-16, v2;
	_ =	sdelay $0x1  }
0x1af: {  	(erf) = vrcp.f32 @!p0 v2;
	_ =	sdelay $0x4  }
0x1b0: {  	v2 =	vld @!p0 [tilespmem:s26+$0x0];
	_ =	sdelay $0x1  }
0x1b1: {  	v3 =	vld @!p0 [tilespmem:$0x6800];
	_ =	sdelay $0x1  }
0x1b2: {  	v4 =	vpop @!p0 (erf)  }
0x1b3: {  	v2 =	vmul.f32 @!p0 v4, v2;
	_ =	sdelay $0x1  }
0x1b4: {  	v2 =	vadd.f32 @!p0 v2, v3;
	_ =	sdelay $0x1  }
0x1b5: {  	v2 =	vadd.f32 @!p0 v2, v2;
	_ =	sdelay $0x1  }
0x1b6: {  	v2 =	vmul.f32 @!p0 $1.442695020e+00, v2;
	_ =	sdelay $0x1  }
0x1b7: {  	(erf) = vpow2.f32 @!p0 v2;
	_ =	sdelay $0x8  }
0x1b8: {  	v2 =	vpop @!p0 (erf)  }
0x1b9: {  	v2 =	vadd.f32 @!p0 $1.000000000e+00, v2;
	_ =	sdelay $0x1  }
0x1ba: {  	(erf) = vrcp.f32 @!p0 v2;
	_ =	sdelay $0x8  }
0x1bb: {  	v2 =	vpop @!p0 (erf)  }
0x1bc: {  	v2 =	vadd.f32 @!p0 v2, v2;
	_ =	sdelay $0x1  }
0x1bd: {  	v2 =	vsub.f32 @!p0 $1.000000000e+00, v2  }
0x1be: {  	s29 =	simm.s32 $0x2E90;
	s25 =	simm.s32 @!p0 $0x0  }
0x1bf: {  	s31 =	simm.s32 @!p0 $0x1;
	s28 =	simm.s32 @!p0 $0x6780;
	s2 =	simm.s32 $0x1;
	[tilespmem:$0x6780] =	vst @!p0 v2  }
0x1c0: {  	[hbm4b:s14+s25] =	stream.linear.scatter @!p0 [tilespmem:s28], [sflag:$0x1], $0x10, $0x38;
	[tilespmem:$0x6EC0] =	vst v63  }
0x1c1: {  	s30 =	sand.u32 $0xF, s2;
	s26 =	simm.s32 $0x2;
	_ =	swait.ge @!p0 [sflag:s31], $0x10  }
0x1c2: {  	s28 =	simm.s32 $0x3210;
	s25 =	sadd.s32 $0x2, s14;
	[sflag:s31] =	ssyncset.done @!p0 $0x0  }
.LBB2_10:
0x1c3: {  	[sflag:s31] =	ssyncadd.s32 @!p0 $0xFFFFFFF0  }
0x1c4: {  	p0 =	sne.s32 s30, s1;
	s30 =	smov.u32 s26;
	s26 =	sadd.s32 $0x1, s26  }
0x1c5: {  	p1 =	sne.s32 s26, $0x32;
	v2 =	vld @!p0 [tilespmem:s29+$0x0];
	_ =	sdelay $0x4  }
0x1c6: {  	v2 =	vadd.f32 @!p0 $1.000000020e-16, v2;
	_ =	sdelay $0x1  }
0x1c7: {  	(erf) = vrcp.f32 @!p0 v2;
	_ =	sdelay $0x4  }
0x1c8: {  	v2 =	vld @!p0 [tilespmem:s28+$0x0];
	_ =	sdelay $0x1  }
0x1c9: {  	v3 =	vld @!p0 [tilespmem:$0x6800];
	_ =	sdelay $0x1  }
0x1ca: {  	v4 =	vpop @!p0 (erf)  }
0x1cb: {  	v2 =	vmul.f32 @!p0 v4, v2;
	_ =	sdelay $0x1  }
0x1cc: {  	v2 =	vadd.f32 @!p0 v2, v3;
	_ =	sdelay $0x1  }
0x1cd: {  	v2 =	vadd.f32 @!p0 v2, v2;
	_ =	sdelay $0x1  }
0x1ce: {  	v2 =	vmul.f32 @!p0 $1.442695020e+00, v2;
	_ =	sdelay $0x1  }
0x1cf: {  	(erf) = vpow2.f32 @!p0 v2;
	_ =	sdelay $0x8  }
0x1d0: {  	v2 =	vpop @!p0 (erf)  }
0x1d1: {  	v2 =	vadd.f32 @!p0 $1.000000000e+00, v2;
	_ =	sdelay $0x1  }
0x1d2: {  	(erf) = vrcp.f32 @!p0 v2;
	_ =	sdelay $0x8  }
0x1d3: {  	v2 =	vpop @!p0 (erf)  }
0x1d4: {  	v2 =	vadd.f32 @!p0 v2, v2;
	_ =	sdelay $0x1  }
0x1d5: {  	v2 =	vsub.f32 @!p0 $1.000000000e+00, v2  }
.Ltmp4:
0x1d6: {  	(pc) =	sbr.rel @p1 .LBB2_10-.Ltmp4, $4  }
0x1d7: {  	s0 =	simm.s32 @!p0 $0x0;
	s2 =	simm.s32 @!p0 $0x6780;
	s31 =	simm.s32 @!p0 $0x1;
	[tilespmem:$0x6780] =	vst @!p0 v2  }
0x1d8: {  	[hbm4b:s25+s0] =	stream.linear.scatter @!p0 [tilespmem:s2], [sflag:$0x1], $0x10, $0x38;
	[tilespmem:$0x6EC0] =	vst v63  }
0x1d9: {  	s28 =	sadd.s32 $0x10, s28;
	s25 =	sadd.s32 $0x2, s25;
	_ =	swait.ge @!p0 [sflag:s31], $0x10  }
0x1da: {  	s30 =	sand.u32 $0xF, s30;
	s29 =	sadd.s32 $0x10, s29;
	[sflag:s31] =	ssyncset.done @!p0 $0x0  }
0x1db: {  	p1 =	sne.s32 s30, s1;
	[sflag:s31] =	ssyncadd.s32 @!p0 $0xFFFFFFF0  }
0x1dc: {  	v2 =	vld @!p1 [tilespmem:s29+$0x0];
	_ =	sdelay $0x4  }
0x1dd: {  	v2 =	vadd.f32 @!p1 $1.000000020e-16, v2;
	_ =	sdelay $0x1  }
0x1de: {  	(erf) = vrcp.f32 @!p1 v2;
	_ =	sdelay $0x4  }
0x1df: {  	v2 =	vld @!p1 [tilespmem:s28+$0x0];
	_ =	sdelay $0x1  }
0x1e0: {  	v3 =	vld @!p1 [tilespmem:$0x6800];
	_ =	sdelay $0x1  }
0x1e1: {  	v4 =	vpop @!p1 (erf)  }
0x1e2: {  	v2 =	vmul.f32 @!p1 v4, v2;
	_ =	sdelay $0x1  }
0x1e3: {  	v2 =	vadd.f32 @!p1 v2, v3;
	_ =	sdelay $0x1  }
0x1e4: {  	v2 =	vadd.f32 @!p1 v2, v2;
	_ =	sdelay $0x1  }
0x1e5: {  	v2 =	vmul.f32 @!p1 $1.442695020e+00, v2;
	_ =	sdelay $0x1  }
0x1e6: {  	(erf) = vpow2.f32 @!p1 v2;
	_ =	sdelay $0x8  }
0x1e7: {  	v2 =	vpop @!p1 (erf)  }
0x1e8: {  	v2 =	vadd.f32 @!p1 $1.000000000e+00, v2;
	_ =	sdelay $0x1  }
0x1e9: {  	(erf) = vrcp.f32 @!p1 v2;
	_ =	sdelay $0x8  }
0x1ea: {  	v2 =	vpop @!p1 (erf)  }
0x1eb: {  	v2 =	vadd.f32 @!p1 v2, v2;
	_ =	sdelay $0x1  }
0x1ec: {  	s24 =	sadd.s32 $0x1, s24;
	v2 =	vsub.f32 @!p1 $1.000000000e+00, v2  }
0x1ed: {  	s0 =	simm.s32 @!p1 $0x0;
	p0 =	sne.s32 s24, s13  }
.Ltmp5:
0x1ee: {  	s2 =	simm.s32 @!p1 $0x6780;
	s26 =	simm.s32 @!p1 $0x1;
	[tilespmem:$0x6780] =	vst @!p1 v2;
	(pc) =	sbr.rel @p0 .LBB2_1-.Ltmp5, $4  }
0x1ef: {  	[hbm4b:s25+s0] =	stream.linear.scatter @!p1 [tilespmem:s2], [sflag:$0x1], $0x10, $0x38;
	[tilespmem:$0x6EC0] =	vst v63  }
0x1f0: {  	_ =	swait.ge @!p1 [sflag:s26], $0x10  }
0x1f1: {  	[sflag:s26] =	ssyncset.done @!p1 $0x0  }
0x1f2: {  	[sflag:s26] =	ssyncadd.s32 @!p1 $0xFFFFFFF0  }
0x1f3: {  	_ =	sfence.sel $0x180000  }
0x1f4: {  	[bflag:$0x0] =	sbarrier.arrive $0xFFFF  }
0x1f5: {  	_ =	strace $0x90000047  }
0x1f6: {  	[bflag:$0x2] =	sbarrier.arrive $0xFFFF  }
0x1f7: {  	p0 =	sne.s32 s1, $0x0;
	s0 =	rddreg [dreg:$0x3]  }
0x1f8: {  	s0 =	sadd.s32 @!p0 $0x100000, s0  }
0x1f9: {  	[sflag:s0] =	ssyncadd.tile.s32 @!p0 $0x1;
	_ =	shalt  }
.Lfunc_end2:
_tile_overlayer_lowered:
.L_overlay_start_2:
0x1fa: {  	(tag) =	ssettag $0x2  }
0x1fb: {  	s0 =	rddreg [dreg:$0x0];
	s2 =	stileid.u32  }
0x1fc: {  	s1 =	rddreg [dreg:$0x1];
	p0 =	sne.s32 s2, $0x0  }
0x1fd: {  	s3 =	rddreg [dreg:$0x2];
	[bflag:$0x3] =	sbarrier.arrive $0xFFFF;
	s2 =	simm.s32 @!p0 $0x1C01  }
0x1fe: {  	[timem:s3], [sflag:s2] =	dma.local @!p0 [hbm:s0], s1  }
0x1ff: {  	s0 =	simm.s32 @!p0 $0x1  }
0x200: {  	_ =	swait.ge @!p0 [sflag:s0], s1  }
0x201: {  	s1 =	ssub.s32 @!p0 $0x0, s1;
	[sflag:s0] =	ssyncset.done @!p0 $0x0  }
0x202: {  	[sflag:s0] =	ssyncadd.s32 @!p0 s1  }
0x203: {  	[bflag:$0x3] =	sbarrier.arrive $0xFFFF  }
0x204: {  	_ =	shalt  }

</sc_bundles>
